<compile_context>
chip_gen: v7x
topology: tpu7x:2x2x1
jax: 0.10.2.dev20260603
libtpu: 0.0.44.dev20260713+nightly
codegen_flags: <defaults>
</compile_context>

<pallas_src>
import jax
import jax.numpy as jnp
from jax import lax
from jax.experimental import pallas as pl
from jax.experimental.pallas import tpu as pltpu
from jax.experimental.pallas import tpu_sc as plsc

N = 10000
F = 128
FH = F // 2
C = 40

NC = 2
NS = 16
NW = NC * NS
CH = 128
NBUF = 3
NCH = -(-162 // NBUF) * NBUF
TOT_E = NS * NCH * CH
NCH_DEG = TOT_E // (NW * CH)
ACC_ROWS = 10240
STRIPE = ACC_ROWS // NS
DUMMY = 10200

_mesh = plsc.VectorSubcoreMesh(core_axis_name="c", subcore_axis_name="s")


def _fill(buf, width, value):
    v = jnp.full((16,), value, jnp.float32)

    def row(i, _):
        for j in range(width // 16):
            buf[i, pl.ds(j * 16, 16)] = v
        return 0

    lax.fori_loop(0, 128, row, 0)


OUTER = NCH // NBUF


def _ring(yh, src_l, dst_l, rows, acc, gsems, ssems):

    def prime(b, _):
        pltpu.async_copy(yh.at[src_l.at[b]], rows.at[b], gsems.at[b])
        return 0

    lax.fori_loop(0, NBUF, prime, 0)

    def outer(o, _):
        base = o * NBUF

        def fire_scatter(b, _):
            j = base + b
            pltpu.make_async_copy(yh.at[src_l.at[j]], rows.at[b],
                                  gsems.at[b]).wait()
            pltpu.async_copy(rows.at[b], acc.at[dst_l.at[j]], ssems.at[b],
                             add=True)
            return 0

        def refill(b, _):
            j = base + b
            pltpu.make_async_copy(rows.at[b], acc.at[dst_l.at[j]],
                                  ssems.at[b]).wait()
            nxt = j + NBUF

            @pl.when(nxt < NCH)
            def _():
                pltpu.async_copy(yh.at[src_l.at[nxt]], rows.at[b], gsems.at[b])

            return 0

        lax.fori_loop(0, NBUF, fire_scatter, 0)
        lax.fori_loop(0, NBUF, refill, 0)
        return 0

    lax.fori_loop(0, OUTER, outer, 0)


def _agg_body(y_hbm, src_hbm, dst_hbm, out_hbm, src_l, dst_l, rows, zbuf, acc,
              gsems, ssems):
    c = lax.axis_index("c")
    s = lax.axis_index("s")

    pltpu.sync_copy(src_hbm.at[s], src_l)
    pltpu.sync_copy(dst_hbm.at[s], dst_l)

    _fill(zbuf, FH, 0.0)
    for b in range(STRIPE // 128):
        pltpu.sync_copy(zbuf, acc.at[pl.ds(s * STRIPE + b * 128, 128)])
    plsc.subcore_barrier()

    _ring(y_hbm.at[c], src_l, dst_l, rows, acc, gsems, ssems)
    plsc.subcore_barrier()

    pltpu.sync_copy(acc.at[pl.ds(s * STRIPE, STRIPE)],
                    out_hbm.at[c, pl.ds(s * STRIPE, STRIPE)])


_agg = pl.kernel(
    _agg_body,
    out_type=jax.ShapeDtypeStruct((NC, ACC_ROWS, FH), jnp.float32),
    mesh=_mesh,
    scratch_types=[
        pltpu.VMEM((NCH, CH), jnp.int32),
        pltpu.VMEM((NCH, CH), jnp.int32),
        pltpu.VMEM((NBUF, CH, FH), jnp.float32),
        pltpu.VMEM((128, FH), jnp.float32),
        pltpu.VMEM_SHARED((ACC_ROWS, FH), jnp.float32),
        pltpu.SemaphoreType.DMA((NBUF,)),
        pltpu.SemaphoreType.DMA((NBUF,)),
    ],
    compiler_params=pltpu.CompilerParams(use_tc_tiling_on_sc=False),
)


def _deg_body(dst_hbm, out_hbm, dst_l, acc1):
    c = lax.axis_index("c")
    s = lax.axis_index("s")
    wid = s * NC + c

    pltpu.sync_copy(dst_hbm.at[wid], dst_l)

    zv = jnp.zeros((16,), jnp.float32)

    def zrow(i, _):
        acc1[pl.ds(i * 16, 16)] = zv
        return 0

    lax.fori_loop(0, ACC_ROWS // 16, zrow, 0)

    ones = jnp.full((16,), 1.0, jnp.float32)

    def chunk(j, _):
        for k in range(CH // 16):
            idx = dst_l[j, pl.ds(k * 16, 16)]
            plsc.addupdate_scatter(acc1, [idx], ones)
        return 0

    lax.fori_loop(0, NCH_DEG, chunk, 0)

    pltpu.sync_copy(acc1, out_hbm.at[wid])


_deg = pl.kernel(
    _deg_body,
    out_type=jax.ShapeDtypeStruct((NW, ACC_ROWS), jnp.float32),
    mesh=_mesh,
    scratch_types=[
        pltpu.VMEM((NCH_DEG, CH), jnp.int32),
        pltpu.VMEM((ACC_ROWS,), jnp.float32),
    ],
    compiler_params=pltpu.CompilerParams(use_tc_tiling_on_sc=False,
                                         needs_layout_passes=False),
)




def _prep_body(deg_ref, x_ref, dinv_ref, y_ref):
    deg = jnp.sum(deg_ref[...], axis=0)[:N, None]
    dinv = lax.rsqrt(deg)
    dinv_ref[...] = dinv
    y = x_ref[...] * dinv
    y_ref[0] = y[:, :FH]
    y_ref[1] = y[:, FH:]


def _tc_prep(deg_parts, x):
    return pl.pallas_call(
        _prep_body,
        out_shape=[
            jax.ShapeDtypeStruct((N, 1), jnp.float32),
            jax.ShapeDtypeStruct((NC, N, FH), jnp.float32),
        ],
    )(deg_parts, x)


def _layer_body(s_ref, dinv_ref, w_ref, b_ref, y_ref):
    dinv = dinv_ref[...]
    t = jnp.concatenate([s_ref[0, :N], s_ref[1, :N]], axis=1) * dinv
    h = jnp.dot(t, w_ref[...], preferred_element_type=jnp.float32)
    y = jnp.maximum(h + b_ref[...], 0.0) * dinv
    y_ref[0] = y[:, :FH]
    y_ref[1] = y[:, FH:]


def _tc_layer(s_parts, dinv, w, b):
    return pl.pallas_call(
        _layer_body,
        out_shape=jax.ShapeDtypeStruct((NC, N, FH), jnp.float32),
    )(s_parts, dinv, w, b)


def _final_body(s_ref, dinv_ref, w_ref, b_ref, o_ref):
    t = jnp.concatenate([s_ref[0, :N], s_ref[1, :N]], axis=1) * dinv_ref[...]
    z = jnp.dot(t, w_ref[...], preferred_element_type=jnp.float32) + b_ref[...]
    col = lax.broadcasted_iota(jnp.int32, (N, F), 1)
    zm = jnp.where(col < C, z, -jnp.inf)
    m = jnp.max(zm, axis=1, keepdims=True)
    lse = m + jnp.log(jnp.sum(jnp.exp(zm - m), axis=1, keepdims=True))
    o_ref[...] = (z - lse)[:, :C]


def _tc_final(s_parts, dinv, w, b):
    return pl.pallas_call(
        _final_body,
        out_shape=jax.ShapeDtypeStruct((N, C), jnp.float32),
    )(s_parts, dinv, w, b)


def kernel(x, edge_index, W1, b1, W2, b2, W3, b3, W4, b4, W5, b5):
    src = edge_index[0]
    dst = edge_index[1]
    loop = jnp.arange(N, dtype=src.dtype)
    pad = TOT_E - (src.shape[0] + N)
    src2 = jnp.concatenate([src, loop, jnp.zeros((pad,), src.dtype)])
    dst2 = jnp.concatenate([dst, loop, jnp.full((pad,), DUMMY, dst.dtype)])
    src_r = src2.reshape(NS, NCH, CH)
    dst_r = dst2.reshape(NS, NCH, CH)

    dst_r32 = dst2.reshape(NW, NCH_DEG, CH)
    deg_parts = _deg(dst_r32)
    dinv, y = _tc_prep(deg_parts, x)
    s_parts = _agg(y, src_r, dst_r)

    for w, b in ((W1, b1), (W2, b2), (W3, b3), (W4, b4)):
        y = _tc_layer(s_parts, dinv, w, b.reshape(1, F))
        s_parts = _agg(y, src_r, dst_r)

    w5p = jnp.pad(W5, ((0, 0), (0, F - C)))
    b5p = jnp.pad(b5, (0, F - C)).reshape(1, F)
    return _tc_final(s_parts, dinv, w5p, b5p)

# --- scband reference (transcript-rebuilt; emitter-appended) ---
"""Pipeline reference for scband-net-5layers-57767310131231 (READ-ONLY COPY).

The authoritative reference and input builder live on the scoring server;
editing this copy changes nothing except your own understanding.
"""

import jax, jax.numpy as jnp
import numpy as np

N = 10000
E = 320000
F_IN = 128
HID = 128
C = 40


def glorot(key, shape):
    lim = float(np.sqrt(6.0 / (shape[0] + shape[1])))
    return jax.random.uniform(key, shape, dtype=jnp.float32, minval=-lim, maxval=lim)


def setup_inputs(seed: int = 0) -> dict:
    key = jax.random.key(seed)
    ks = jax.random.split(key, 12)
    x = jax.random.normal(ks[0], (N, F_IN), dtype=jnp.float32)
    edge_index = jax.random.randint(ks[1], (2, E), 0, N, dtype=jnp.int32)
    W1 = glorot(ks[2], (F_IN, HID)); b1 = jnp.zeros((HID,), jnp.float32)
    W2 = glorot(ks[3], (HID, HID)); b2 = jnp.zeros((HID,), jnp.float32)
    W3 = glorot(ks[4], (HID, HID)); b3 = jnp.zeros((HID,), jnp.float32)
    W4 = glorot(ks[5], (HID, HID)); b4 = jnp.zeros((HID,), jnp.float32)
    W5 = glorot(ks[6], (HID, C)); b5 = jnp.zeros((C,), jnp.float32)
    return {"x": x, "edge_index": edge_index,
            "W1": W1, "b1": b1, "W2": W2, "b2": b2,
            "W3": W3, "b3": b3, "W4": W4, "b4": b4,
            "W5": W5, "b5": b5}


def _gcn_conv(x, W, b, src, dst):
    # GCNConv: X' = D^{-1/2} (A + I) D^{-1/2} X W + b  (normalization done via spmm_dict in original)
    n = x.shape[0]
    h = x @ W
    loop = jnp.arange(n, dtype=src.dtype)
    src2 = jnp.concatenate([src, loop])
    dst2 = jnp.concatenate([dst, loop])
    deg = jax.ops.segment_sum(jnp.ones(src2.shape[0], dtype=h.dtype), dst2, num_segments=n)
    dinv = jnp.where(deg > 0, jax.lax.rsqrt(deg), 0.0)
    norm = dinv[src2] * dinv[dst2]
    msg = h[src2] * norm[:, None]
    out = jax.ops.segment_sum(msg, dst2, num_segments=n)
    return out + b


def reference(x, edge_index, W1, b1, W2, b2, W3, b3, W4, b4, W5, b5):
    src = edge_index[0]
    dst = edge_index[1]
    x = jax.nn.relu(_gcn_conv(x, W1, b1, src, dst))
    x = jax.nn.relu(_gcn_conv(x, W2, b2, src, dst))
    x = jax.nn.relu(_gcn_conv(x, W3, b3, src, dst))
    x = jax.nn.relu(_gcn_conv(x, W4, b4, src, dst))
    x = _gcn_conv(x, W5, b5, src, dst)
    return jax.nn.log_softmax(x, axis=1)

if __name__ == "__main__":
    import jax
    _d = setup_inputs()
    print(jax.jit(kernel)(*tuple(_d.values())))

</pallas_src>

<mosaic_0001>
#map = affine_map<(d0, d1) -> (0, 0, 0)>
#map1 = affine_map<(d0, d1) -> (0, 0)>
module attributes {stable_mosaic.version = 14 : i64} {
  func.func @_deg_body(%arg0: i32, %arg1: i32, %arg2: memref<32x81x128xi32, #tpu.memory_space<hbm>>, %arg3: memref<32x10240xf32, #tpu.memory_space<hbm>>, %arg4: memref<81x128xi32, #tpu.memory_space<vmem>>, %arg5: memref<10240xf32, #tpu.memory_space<vmem>>) attributes {dimension_semantics = [#tpu.dimension_semantics<core_parallel>, #tpu.dimension_semantics<subcore_parallel>], iteration_bounds = array<i64: 2, 16>, scalar_prefetch = 0 : i64, scratch_operands = 2 : i64, tpu.core_type = #tpu.core_type<sc_vector_subcore>, window_params = [{transform_indices = #map}, {transform_indices = #map1}]} {
    %mul3A = arith.constant 2 : i32
    %mul3A_0 = arith.muli %arg1, %mul3A : i32
    %add3A = arith.addi %mul3A_0, %arg0 : i32
    "tpu.region"() ({
      %run_scoped3A = tpu.sem_alloc : memref<!tpu.dma_semaphore, #tpu.memory_space<semaphore_mem>>
      %dma_start3A = arith.constant 0 : i32
      %dma_start3A_17 = arith.constant 0 : i32
      %dma_start3A_18 = tpu.memref_slice %arg2[%add3A, %dma_start3A, %dma_start3A_17] : memref<32x81x128xi32, #tpu.memory_space<hbm>> -> memref<1x81x128xi32, #tpu.memory_space<hbm>>
      %dma_start3A_19 = tpu.memref_squeeze %dma_start3A_18 : memref<1x81x128xi32, #tpu.memory_space<hbm>> -> memref<81x128xi32, #tpu.memory_space<hbm>>
      %dma_start3A_20 = arith.constant 0 : i32
      %dma_start3A_21 = arith.constant 0 : i32
      %dma_start3A_22 = tpu.memref_slice %arg2[%add3A, %dma_start3A_20, %dma_start3A_21] : memref<32x81x128xi32, #tpu.memory_space<hbm>> -> memref<1x81x128xi32, #tpu.memory_space<hbm>>
      %dma_start3A_23 = tpu.memref_squeeze %dma_start3A_22 : memref<1x81x128xi32, #tpu.memory_space<hbm>> -> memref<81x128xi32, #tpu.memory_space<hbm>>
      tpu.enqueue_dma source(%dma_start3A_23 : memref<81x128xi32, #tpu.memory_space<hbm>>) target(%arg4 : memref<81x128xi32, #tpu.memory_space<vmem>>) target_semaphore(%run_scoped3A : memref<!tpu.dma_semaphore, #tpu.memory_space<semaphore_mem>>)
      %dma_wait3A = arith.constant 0 : i32
      %dma_wait3A_24 = arith.constant 0 : i32
      %dma_wait3A_25 = tpu.memref_slice %arg2[%add3A, %dma_wait3A, %dma_wait3A_24] : memref<32x81x128xi32, #tpu.memory_space<hbm>> -> memref<1x81x128xi32, #tpu.memory_space<hbm>>
      %dma_wait3A_26 = tpu.memref_squeeze %dma_wait3A_25 : memref<1x81x128xi32, #tpu.memory_space<hbm>> -> memref<81x128xi32, #tpu.memory_space<hbm>>
      %dma_wait3A_27 = arith.constant 0 : i32
      %dma_wait3A_28 = arith.constant 0 : i32
      %dma_wait3A_29 = tpu.memref_slice %arg2[%add3A, %dma_wait3A_27, %dma_wait3A_28] : memref<32x81x128xi32, #tpu.memory_space<hbm>> -> memref<1x81x128xi32, #tpu.memory_space<hbm>>
      %dma_wait3A_30 = tpu.memref_squeeze %dma_wait3A_29 : memref<1x81x128xi32, #tpu.memory_space<hbm>> -> memref<81x128xi32, #tpu.memory_space<hbm>>
      tpu.wait_dma2 semaphore(%run_scoped3A : memref<!tpu.dma_semaphore, #tpu.memory_space<semaphore_mem>>) src(%dma_wait3A_30 : memref<81x128xi32, #tpu.memory_space<hbm>>) dst(%arg4 : memref<81x128xi32, #tpu.memory_space<vmem>>)
      tpu.yield
    }) : () -> ()
    %broadcast_in_dim3A = arith.constant 0.000000e+00 : f32
    %broadcast_in_dim3A_1 = vector.broadcast %broadcast_in_dim3A : f32 to vector<16xf32>
    %scan3A = arith.constant 0 : i32
    %scan3A_2 = arith.constant 0 : i32
    %scan3A_3 = arith.constant 640 : i32
    %scan3A_4 = arith.addi %scan3A_2, %scan3A_3 : i32
    %scan3A_5 = arith.constant 1 : i32
    %scan3A_6 = scf.for %scan3A_17 = %scan3A_2 to %scan3A_4 step %scan3A_5 iter_args(%scan3A_18 = %scan3A) -> (i32)  : i32 {
      %mul3A_19 = arith.constant 16 : i32
      %mul3A_20 = arith.muli %scan3A_17, %mul3A_19 : i32
      %swap3A = arith.index_cast %mul3A_20 : i32 to index
      %swap3A_21 = tpu.vector_load %arg5[%swap3A] {strides = array<i32>} : memref<10240xf32, #tpu.memory_space<vmem>>, vector<16xf32>,
      tpu.vector_store %arg5[%swap3A], %broadcast_in_dim3A_1 {strides = array<i32>} : memref<10240xf32, #tpu.memory_space<vmem>>, vector<16xf32>,
      %scan3A_22 = arith.constant 0 : i32
      scf.yield %scan3A_22 : i32
    }
    %scan3A_7 = arith.constant 640 : i32
    %broadcast_in_dim3A_8 = arith.constant 1.000000e+00 : f32
    %broadcast_in_dim3A_9 = vector.broadcast %broadcast_in_dim3A_8 : f32 to vector<16xf32>
    %scan3A_10 = arith.constant 0 : i32
    %scan3A_11 = arith.constant 0 : i32
    %scan3A_12 = arith.constant 81 : i32
    %scan3A_13 = arith.addi %scan3A_11, %scan3A_12 : i32
    %scan3A_14 = arith.constant 1 : i32
    %scan3A_15 = scf.for %scan3A_17 = %scan3A_11 to %scan3A_13 step %scan3A_14 iter_args(%scan3A_18 = %scan3A_10) -> (i32)  : i32 {
      %get3A = arith.index_cast %scan3A_17 : i32 to index
      %get3A_19 = arith.constant 0 : index
      %get3A_20 = tpu.vector_load %arg4[%get3A, %get3A_19] {strides = array<i32>} : memref<81x128xi32, #tpu.memory_space<vmem>>, vector<16xi32>,
      tpu.vector_store_idx %arg5[%get3A_20], %broadcast_in_dim3A_9 {add = true} : memref<10240xf32, #tpu.memory_space<vmem>>[vector<16xi32>], vector<16xf32>,
      %get3A_21 = arith.index_cast %scan3A_17 : i32 to index
      %get3A_22 = arith.constant 16 : index
      %get3A_23 = tpu.vector_load %arg4[%get3A_21, %get3A_22] {strides = array<i32>} : memref<81x128xi32, #tpu.memory_space<vmem>>, vector<16xi32>,
      tpu.vector_store_idx %arg5[%get3A_23], %broadcast_in_dim3A_9 {add = true} : memref<10240xf32, #tpu.memory_space<vmem>>[vector<16xi32>], vector<16xf32>,
      %get3A_24 = arith.index_cast %scan3A_17 : i32 to index
      %get3A_25 = arith.constant 32 : index
      %get3A_26 = tpu.vector_load %arg4[%get3A_24, %get3A_25] {strides = array<i32>} : memref<81x128xi32, #tpu.memory_space<vmem>>, vector<16xi32>,
      tpu.vector_store_idx %arg5[%get3A_26], %broadcast_in_dim3A_9 {add = true} : memref<10240xf32, #tpu.memory_space<vmem>>[vector<16xi32>], vector<16xf32>,
      %get3A_27 = arith.index_cast %scan3A_17 : i32 to index
      %get3A_28 = arith.constant 48 : index
      %get3A_29 = tpu.vector_load %arg4[%get3A_27, %get3A_28] {strides = array<i32>} : memref<81x128xi32, #tpu.memory_space<vmem>>, vector<16xi32>,
      tpu.vector_store_idx %arg5[%get3A_29], %broadcast_in_dim3A_9 {add = true} : memref<10240xf32, #tpu.memory_space<vmem>>[vector<16xi32>], vector<16xf32>,
      %get3A_30 = arith.index_cast %scan3A_17 : i32 to index
      %get3A_31 = arith.constant 64 : index
      %get3A_32 = tpu.vector_load %arg4[%get3A_30, %get3A_31] {strides = array<i32>} : memref<81x128xi32, #tpu.memory_space<vmem>>, vector<16xi32>,
      tpu.vector_store_idx %arg5[%get3A_32], %broadcast_in_dim3A_9 {add = true} : memref<10240xf32, #tpu.memory_space<vmem>>[vector<16xi32>], vector<16xf32>,
      %get3A_33 = arith.index_cast %scan3A_17 : i32 to index
      %get3A_34 = arith.constant 80 : index
      %get3A_35 = tpu.vector_load %arg4[%get3A_33, %get3A_34] {strides = array<i32>} : memref<81x128xi32, #tpu.memory_space<vmem>>, vector<16xi32>,
      tpu.vector_store_idx %arg5[%get3A_35], %broadcast_in_dim3A_9 {add = true} : memref<10240xf32, #tpu.memory_space<vmem>>[vector<16xi32>], vector<16xf32>,
      %get3A_36 = arith.index_cast %scan3A_17 : i32 to index
      %get3A_37 = arith.constant 96 : index
      %get3A_38 = tpu.vector_load %arg4[%get3A_36, %get3A_37] {strides = array<i32>} : memref<81x128xi32, #tpu.memory_space<vmem>>, vector<16xi32>,
      tpu.vector_store_idx %arg5[%get3A_38], %broadcast_in_dim3A_9 {add = true} : memref<10240xf32, #tpu.memory_space<vmem>>[vector<16xi32>], vector<16xf32>,
      %get3A_39 = arith.index_cast %scan3A_17 : i32 to index
      %get3A_40 = arith.constant 112 : index
      %get3A_41 = tpu.vector_load %arg4[%get3A_39, %get3A_40] {strides = array<i32>} : memref<81x128xi32, #tpu.memory_space<vmem>>, vector<16xi32>,
      tpu.vector_store_idx %arg5[%get3A_41], %broadcast_in_dim3A_9 {add = true} : memref<10240xf32, #tpu.memory_space<vmem>>[vector<16xi32>], vector<16xf32>,
      %scan3A_42 = arith.constant 0 : i32
      scf.yield %scan3A_42 : i32
    }
    %scan3A_16 = arith.constant 81 : i32
    "tpu.region"() ({
      %run_scoped3A = tpu.sem_alloc : memref<!tpu.dma_semaphore, #tpu.memory_space<semaphore_mem>>
      %dma_start3A = arith.constant 0 : i32
      %dma_start3A_17 = tpu.memref_slice %arg3[%add3A, %dma_start3A] : memref<32x10240xf32, #tpu.memory_space<hbm>> -> memref<1x10240xf32, #tpu.memory_space<hbm>>
      %dma_start3A_18 = tpu.memref_squeeze %dma_start3A_17 : memref<1x10240xf32, #tpu.memory_space<hbm>> -> memref<10240xf32, #tpu.memory_space<hbm>>
      %dma_start3A_19 = arith.constant 0 : i32
      %dma_start3A_20 = tpu.memref_slice %arg3[%add3A, %dma_start3A_19] : memref<32x10240xf32, #tpu.memory_space<hbm>> -> memref<1x10240xf32, #tpu.memory_space<hbm>>
      %dma_start3A_21 = tpu.memref_squeeze %dma_start3A_20 : memref<1x10240xf32, #tpu.memory_space<hbm>> -> memref<10240xf32, #tpu.memory_space<hbm>>
      tpu.enqueue_dma source(%arg5 : memref<10240xf32, #tpu.memory_space<vmem>>) target(%dma_start3A_21 : memref<10240xf32, #tpu.memory_space<hbm>>) target_semaphore(%run_scoped3A : memref<!tpu.dma_semaphore, #tpu.memory_space<semaphore_mem>>)
      %dma_wait3A = arith.constant 0 : i32
      %dma_wait3A_22 = tpu.memref_slice %arg3[%add3A, %dma_wait3A] : memref<32x10240xf32, #tpu.memory_space<hbm>> -> memref<1x10240xf32, #tpu.memory_space<hbm>>
      %dma_wait3A_23 = tpu.memref_squeeze %dma_wait3A_22 : memref<1x10240xf32, #tpu.memory_space<hbm>> -> memref<10240xf32, #tpu.memory_space<hbm>>
      %dma_wait3A_24 = arith.constant 0 : i32
      %dma_wait3A_25 = tpu.memref_slice %arg3[%add3A, %dma_wait3A_24] : memref<32x10240xf32, #tpu.memory_space<hbm>> -> memref<1x10240xf32, #tpu.memory_space<hbm>>
      %dma_wait3A_26 = tpu.memref_squeeze %dma_wait3A_25 : memref<1x10240xf32, #tpu.memory_space<hbm>> -> memref<10240xf32, #tpu.memory_space<hbm>>
      tpu.wait_dma2 semaphore(%run_scoped3A : memref<!tpu.dma_semaphore, #tpu.memory_space<semaphore_mem>>) src(%arg5 : memref<10240xf32, #tpu.memory_space<vmem>>) dst(%dma_wait3A_26 : memref<10240xf32, #tpu.memory_space<hbm>>)
      tpu.yield
    }) : () -> ()
    return
  }
}

#map = affine_map<(d0, d1) -> (0, 0, 0)>
module attributes {stable_mosaic.version = 14 : i64} {
  func.func @_agg_body(%arg0: i32, %arg1: i32, %arg2: memref<2x10000x64xf32, #tpu.memory_space<hbm>>, %arg3: memref<16x162x128xi32, #tpu.memory_space<hbm>>, %arg4: memref<16x162x128xi32, #tpu.memory_space<hbm>>, %arg5: memref<2x10240x64xf32, #tpu.memory_space<hbm>>, %arg6: memref<162x128xi32, #tpu.memory_space<vmem>>, %arg7: memref<162x128xi32, #tpu.memory_space<vmem>>, %arg8: memref<3x128x64xf32, #tpu.memory_space<vmem>>, %arg9: memref<128x64xf32, #tpu.memory_space<vmem>>, %arg10: memref<10240x64xf32, #tpu.memory_space<vmem_shared>>, %arg11: memref<3x!tpu.dma_semaphore, #tpu.memory_space<semaphore_mem>>, %arg12: memref<3x!tpu.dma_semaphore, #tpu.memory_space<semaphore_mem>>) attributes {dimension_semantics = [#tpu.dimension_semantics<core_parallel>, #tpu.dimension_semantics<subcore_parallel>], iteration_bounds = array<i64: 2, 16>, scalar_prefetch = 0 : i64, scratch_operands = 7 : i64, tpu.core_type = #tpu.core_type<sc_vector_subcore>, window_params = [{transform_indices = #map}, {transform_indices = #map}, {transform_indices = #map}, {transform_indices = #map}]} {
    "tpu.region"() ({
      %run_scoped3A = tpu.sem_alloc : memref<!tpu.dma_semaphore, #tpu.memory_space<semaphore_mem>>
      %dma_start3A = arith.constant 0 : i32
      %dma_start3A_44 = arith.constant 0 : i32
      %dma_start3A_45 = tpu.memref_slice %arg3[%arg1, %dma_start3A, %dma_start3A_44] : memref<16x162x128xi32, #tpu.memory_space<hbm>> -> memref<1x162x128xi32, #tpu.memory_space<hbm>>
      %dma_start3A_46 = tpu.memref_squeeze %dma_start3A_45 : memref<1x162x128xi32, #tpu.memory_space<hbm>> -> memref<162x128xi32, #tpu.memory_space<hbm>>
      %dma_start3A_47 = arith.constant 0 : i32
      %dma_start3A_48 = arith.constant 0 : i32
      %dma_start3A_49 = tpu.memref_slice %arg3[%arg1, %dma_start3A_47, %dma_start3A_48] : memref<16x162x128xi32, #tpu.memory_space<hbm>> -> memref<1x162x128xi32, #tpu.memory_space<hbm>>
      %dma_start3A_50 = tpu.memref_squeeze %dma_start3A_49 : memref<1x162x128xi32, #tpu.memory_space<hbm>> -> memref<162x128xi32, #tpu.memory_space<hbm>>
      tpu.enqueue_dma source(%dma_start3A_50 : memref<162x128xi32, #tpu.memory_space<hbm>>) target(%arg6 : memref<162x128xi32, #tpu.memory_space<vmem>>) target_semaphore(%run_scoped3A : memref<!tpu.dma_semaphore, #tpu.memory_space<semaphore_mem>>)
      %dma_wait3A = arith.constant 0 : i32
      %dma_wait3A_51 = arith.constant 0 : i32
      %dma_wait3A_52 = tpu.memref_slice %arg3[%arg1, %dma_wait3A, %dma_wait3A_51] : memref<16x162x128xi32, #tpu.memory_space<hbm>> -> memref<1x162x128xi32, #tpu.memory_space<hbm>>
      %dma_wait3A_53 = tpu.memref_squeeze %dma_wait3A_52 : memref<1x162x128xi32, #tpu.memory_space<hbm>> -> memref<162x128xi32, #tpu.memory_space<hbm>>
      %dma_wait3A_54 = arith.constant 0 : i32
      %dma_wait3A_55 = arith.constant 0 : i32
      %dma_wait3A_56 = tpu.memref_slice %arg3[%arg1, %dma_wait3A_54, %dma_wait3A_55] : memref<16x162x128xi32, #tpu.memory_space<hbm>> -> memref<1x162x128xi32, #tpu.memory_space<hbm>>
      %dma_wait3A_57 = tpu.memref_squeeze %dma_wait3A_56 : memref<1x162x128xi32, #tpu.memory_space<hbm>> -> memref<162x128xi32, #tpu.memory_space<hbm>>
      tpu.wait_dma2 semaphore(%run_scoped3A : memref<!tpu.dma_semaphore, #tpu.memory_space<semaphore_mem>>) src(%dma_wait3A_57 : memref<162x128xi32, #tpu.memory_space<hbm>>) dst(%arg6 : memref<162x128xi32, #tpu.memory_space<vmem>>)
      tpu.yield
    }) : () -> ()
    "tpu.region"() ({
      %run_scoped3A = tpu.sem_alloc : memref<!tpu.dma_semaphore, #tpu.memory_space<semaphore_mem>>
      %dma_start3A = arith.constant 0 : i32
      %dma_start3A_44 = arith.constant 0 : i32
      %dma_start3A_45 = tpu.memref_slice %arg4[%arg1, %dma_start3A, %dma_start3A_44] : memref<16x162x128xi32, #tpu.memory_space<hbm>> -> memref<1x162x128xi32, #tpu.memory_space<hbm>>
      %dma_start3A_46 = tpu.memref_squeeze %dma_start3A_45 : memref<1x162x128xi32, #tpu.memory_space<hbm>> -> memref<162x128xi32, #tpu.memory_space<hbm>>
      %dma_start3A_47 = arith.constant 0 : i32
      %dma_start3A_48 = arith.constant 0 : i32
      %dma_start3A_49 = tpu.memref_slice %arg4[%arg1, %dma_start3A_47, %dma_start3A_48] : memref<16x162x128xi32, #tpu.memory_space<hbm>> -> memref<1x162x128xi32, #tpu.memory_space<hbm>>
      %dma_start3A_50 = tpu.memref_squeeze %dma_start3A_49 : memref<1x162x128xi32, #tpu.memory_space<hbm>> -> memref<162x128xi32, #tpu.memory_space<hbm>>
      tpu.enqueue_dma source(%dma_start3A_50 : memref<162x128xi32, #tpu.memory_space<hbm>>) target(%arg7 : memref<162x128xi32, #tpu.memory_space<vmem>>) target_semaphore(%run_scoped3A : memref<!tpu.dma_semaphore, #tpu.memory_space<semaphore_mem>>)
      %dma_wait3A = arith.constant 0 : i32
      %dma_wait3A_51 = arith.constant 0 : i32
      %dma_wait3A_52 = tpu.memref_slice %arg4[%arg1, %dma_wait3A, %dma_wait3A_51] : memref<16x162x128xi32, #tpu.memory_space<hbm>> -> memref<1x162x128xi32, #tpu.memory_space<hbm>>
      %dma_wait3A_53 = tpu.memref_squeeze %dma_wait3A_52 : memref<1x162x128xi32, #tpu.memory_space<hbm>> -> memref<162x128xi32, #tpu.memory_space<hbm>>
      %dma_wait3A_54 = arith.constant 0 : i32
      %dma_wait3A_55 = arith.constant 0 : i32
      %dma_wait3A_56 = tpu.memref_slice %arg4[%arg1, %dma_wait3A_54, %dma_wait3A_55] : memref<16x162x128xi32, #tpu.memory_space<hbm>> -> memref<1x162x128xi32, #tpu.memory_space<hbm>>
      %dma_wait3A_57 = tpu.memref_squeeze %dma_wait3A_56 : memref<1x162x128xi32, #tpu.memory_space<hbm>> -> memref<162x128xi32, #tpu.memory_space<hbm>>
      tpu.wait_dma2 semaphore(%run_scoped3A : memref<!tpu.dma_semaphore, #tpu.memory_space<semaphore_mem>>) src(%dma_wait3A_57 : memref<162x128xi32, #tpu.memory_space<hbm>>) dst(%arg7 : memref<162x128xi32, #tpu.memory_space<vmem>>)
      tpu.yield
    }) : () -> ()
    %broadcast_in_dim3A = arith.constant 0.000000e+00 : f32
    %broadcast_in_dim3A_0 = vector.broadcast %broadcast_in_dim3A : f32 to vector<16xf32>
    %scan3A = arith.constant 0 : i32
    %scan3A_1 = arith.constant 0 : i32
    %scan3A_2 = arith.constant 128 : i32
    %scan3A_3 = arith.addi %scan3A_1, %scan3A_2 : i32
    %scan3A_4 = arith.constant 1 : i32
    %scan3A_5 = scf.for %scan3A_44 = %scan3A_1 to %scan3A_3 step %scan3A_4 iter_args(%scan3A_45 = %scan3A) -> (i32)  : i32 {
      %swap3A = arith.index_cast %scan3A_44 : i32 to index
      %swap3A_46 = arith.constant 0 : index
      %swap3A_47 = tpu.vector_load %arg9[%swap3A, %swap3A_46] {strides = array<i32>} : memref<128x64xf32, #tpu.memory_space<vmem>>, vector<1x16xf32>,
      %swap3A_48 = vector.shape_cast %swap3A_47 : vector<1x16xf32> to vector<16xf32>
      %swap3A_49 = vector.shape_cast %broadcast_in_dim3A_0 : vector<16xf32> to vector<1x16xf32>
      tpu.vector_store %arg9[%swap3A, %swap3A_46], %swap3A_49 {strides = array<i32>} : memref<128x64xf32, #tpu.memory_space<vmem>>, vector<1x16xf32>,
      %swap3A_50 = arith.index_cast %scan3A_44 : i32 to index
      %swap3A_51 = arith.constant 16 : index
      %swap3A_52 = tpu.vector_load %arg9[%swap3A_50, %swap3A_51] {strides = array<i32>} : memref<128x64xf32, #tpu.memory_space<vmem>>, vector<1x16xf32>,
      %swap3A_53 = vector.shape_cast %swap3A_52 : vector<1x16xf32> to vector<16xf32>
      %swap3A_54 = vector.shape_cast %broadcast_in_dim3A_0 : vector<16xf32> to vector<1x16xf32>
      tpu.vector_store %arg9[%swap3A_50, %swap3A_51], %swap3A_54 {strides = array<i32>} : memref<128x64xf32, #tpu.memory_space<vmem>>, vector<1x16xf32>,
      %swap3A_55 = arith.index_cast %scan3A_44 : i32 to index
      %swap3A_56 = arith.constant 32 : index
      %swap3A_57 = tpu.vector_load %arg9[%swap3A_55, %swap3A_56] {strides = array<i32>} : memref<128x64xf32, #tpu.memory_space<vmem>>, vector<1x16xf32>,
      %swap3A_58 = vector.shape_cast %swap3A_57 : vector<1x16xf32> to vector<16xf32>
      %swap3A_59 = vector.shape_cast %broadcast_in_dim3A_0 : vector<16xf32> to vector<1x16xf32>
      tpu.vector_store %arg9[%swap3A_55, %swap3A_56], %swap3A_59 {strides = array<i32>} : memref<128x64xf32, #tpu.memory_space<vmem>>, vector<1x16xf32>,
      %swap3A_60 = arith.index_cast %scan3A_44 : i32 to index
      %swap3A_61 = arith.constant 48 : index
      %swap3A_62 = tpu.vector_load %arg9[%swap3A_60, %swap3A_61] {strides = array<i32>} : memref<128x64xf32, #tpu.memory_space<vmem>>, vector<1x16xf32>,
      %swap3A_63 = vector.shape_cast %swap3A_62 : vector<1x16xf32> to vector<16xf32>
      %swap3A_64 = vector.shape_cast %broadcast_in_dim3A_0 : vector<16xf32> to vector<1x16xf32>
      tpu.vector_store %arg9[%swap3A_60, %swap3A_61], %swap3A_64 {strides = array<i32>} : memref<128x64xf32, #tpu.memory_space<vmem>>, vector<1x16xf32>,
      %scan3A_65 = arith.constant 0 : i32
      scf.yield %scan3A_65 : i32
    }
    %scan3A_6 = arith.constant 128 : i32
    %mul3A = arith.constant 640 : i32
    %mul3A_7 = arith.muli %arg1, %mul3A : i32
    %add3A = arith.constant 0 : i32
    %add3A_8 = arith.addi %mul3A_7, %add3A : i32
    "tpu.region"() ({
      %run_scoped3A = tpu.sem_alloc : memref<!tpu.dma_semaphore, #tpu.memory_space<semaphore_mem>>
      %dma_start3A = arith.constant 0 : i32
      %dma_start3A_44 = tpu.memref_slice %arg10[%add3A_8, %dma_start3A] : memref<10240x64xf32, #tpu.memory_space<vmem_shared>> -> memref<128x64xf32, #tpu.memory_space<vmem_shared>>
      %dma_start3A_45 = arith.constant 0 : i32
      %dma_start3A_46 = tpu.memref_slice %arg10[%add3A_8, %dma_start3A_45] : memref<10240x64xf32, #tpu.memory_space<vmem_shared>> -> memref<128x64xf32, #tpu.memory_space<vmem_shared>>
      tpu.enqueue_dma source(%arg9 : memref<128x64xf32, #tpu.memory_space<vmem>>) target(%dma_start3A_46 : memref<128x64xf32, #tpu.memory_space<vmem_shared>>) target_semaphore(%run_scoped3A : memref<!tpu.dma_semaphore, #tpu.memory_space<semaphore_mem>>)
      %dma_wait3A = arith.constant 0 : i32
      %dma_wait3A_47 = tpu.memref_slice %arg10[%add3A_8, %dma_wait3A] : memref<10240x64xf32, #tpu.memory_space<vmem_shared>> -> memref<128x64xf32, #tpu.memory_space<vmem_shared>>
      %dma_wait3A_48 = arith.constant 0 : i32
      %dma_wait3A_49 = tpu.memref_slice %arg10[%add3A_8, %dma_wait3A_48] : memref<10240x64xf32, #tpu.memory_space<vmem_shared>> -> memref<128x64xf32, #tpu.memory_space<vmem_shared>>
      tpu.wait_dma2 semaphore(%run_scoped3A : memref<!tpu.dma_semaphore, #tpu.memory_space<semaphore_mem>>) src(%arg9 : memref<128x64xf32, #tpu.memory_space<vmem>>) dst(%dma_wait3A_49 : memref<128x64xf32, #tpu.memory_space<vmem_shared>>)
      tpu.yield
    }) : () -> ()
    %mul3A_9 = arith.constant 640 : i32
    %mul3A_10 = arith.muli %arg1, %mul3A_9 : i32
    %add3A_11 = arith.constant 128 : i32
    %add3A_12 = arith.addi %mul3A_10, %add3A_11 : i32
    "tpu.region"() ({
      %run_scoped3A = tpu.sem_alloc : memref<!tpu.dma_semaphore, #tpu.memory_space<semaphore_mem>>
      %dma_start3A = arith.constant 0 : i32
      %dma_start3A_44 = tpu.memref_slice %arg10[%add3A_12, %dma_start3A] : memref<10240x64xf32, #tpu.memory_space<vmem_shared>> -> memref<128x64xf32, #tpu.memory_space<vmem_shared>>
      %dma_start3A_45 = arith.constant 0 : i32
      %dma_start3A_46 = tpu.memref_slice %arg10[%add3A_12, %dma_start3A_45] : memref<10240x64xf32, #tpu.memory_space<vmem_shared>> -> memref<128x64xf32, #tpu.memory_space<vmem_shared>>
      tpu.enqueue_dma source(%arg9 : memref<128x64xf32, #tpu.memory_space<vmem>>) target(%dma_start3A_46 : memref<128x64xf32, #tpu.memory_space<vmem_shared>>) target_semaphore(%run_scoped3A : memref<!tpu.dma_semaphore, #tpu.memory_space<semaphore_mem>>)
      %dma_wait3A = arith.constant 0 : i32
      %dma_wait3A_47 = tpu.memref_slice %arg10[%add3A_12, %dma_wait3A] : memref<10240x64xf32, #tpu.memory_space<vmem_shared>> -> memref<128x64xf32, #tpu.memory_space<vmem_shared>>
      %dma_wait3A_48 = arith.constant 0 : i32
      %dma_wait3A_49 = tpu.memref_slice %arg10[%add3A_12, %dma_wait3A_48] : memref<10240x64xf32, #tpu.memory_space<vmem_shared>> -> memref<128x64xf32, #tpu.memory_space<vmem_shared>>
      tpu.wait_dma2 semaphore(%run_scoped3A : memref<!tpu.dma_semaphore, #tpu.memory_space<semaphore_mem>>) src(%arg9 : memref<128x64xf32, #tpu.memory_space<vmem>>) dst(%dma_wait3A_49 : memref<128x64xf32, #tpu.memory_space<vmem_shared>>)
      tpu.yield
    }) : () -> ()
    %mul3A_13 = arith.constant 640 : i32
    %mul3A_14 = arith.muli %arg1, %mul3A_13 : i32
    %add3A_15 = arith.constant 256 : i32
    %add3A_16 = arith.addi %mul3A_14, %add3A_15 : i32
    "tpu.region"() ({
      %run_scoped3A = tpu.sem_alloc : memref<!tpu.dma_semaphore, #tpu.memory_space<semaphore_mem>>
      %dma_start3A = arith.constant 0 : i32
      %dma_start3A_44 = tpu.memref_slice %arg10[%add3A_16, %dma_start3A] : memref<10240x64xf32, #tpu.memory_space<vmem_shared>> -> memref<128x64xf32, #tpu.memory_space<vmem_shared>>
      %dma_start3A_45 = arith.constant 0 : i32
      %dma_start3A_46 = tpu.memref_slice %arg10[%add3A_16, %dma_start3A_45] : memref<10240x64xf32, #tpu.memory_space<vmem_shared>> -> memref<128x64xf32, #tpu.memory_space<vmem_shared>>
      tpu.enqueue_dma source(%arg9 : memref<128x64xf32, #tpu.memory_space<vmem>>) target(%dma_start3A_46 : memref<128x64xf32, #tpu.memory_space<vmem_shared>>) target_semaphore(%run_scoped3A : memref<!tpu.dma_semaphore, #tpu.memory_space<semaphore_mem>>)
      %dma_wait3A = arith.constant 0 : i32
      %dma_wait3A_47 = tpu.memref_slice %arg10[%add3A_16, %dma_wait3A] : memref<10240x64xf32, #tpu.memory_space<vmem_shared>> -> memref<128x64xf32, #tpu.memory_space<vmem_shared>>
      %dma_wait3A_48 = arith.constant 0 : i32
      %dma_wait3A_49 = tpu.memref_slice %arg10[%add3A_16, %dma_wait3A_48] : memref<10240x64xf32, #tpu.memory_space<vmem_shared>> -> memref<128x64xf32, #tpu.memory_space<vmem_shared>>
      tpu.wait_dma2 semaphore(%run_scoped3A : memref<!tpu.dma_semaphore, #tpu.memory_space<semaphore_mem>>) src(%arg9 : memref<128x64xf32, #tpu.memory_space<vmem>>) dst(%dma_wait3A_49 : memref<128x64xf32, #tpu.memory_space<vmem_shared>>)
      tpu.yield
    }) : () -> ()
    %mul3A_17 = arith.constant 640 : i32
    %mul3A_18 = arith.muli %arg1, %mul3A_17 : i32
    %add3A_19 = arith.constant 384 : i32
    %add3A_20 = arith.addi %mul3A_18, %add3A_19 : i32
    "tpu.region"() ({
      %run_scoped3A = tpu.sem_alloc : memref<!tpu.dma_semaphore, #tpu.memory_space<semaphore_mem>>
      %dma_start3A = arith.constant 0 : i32
      %dma_start3A_44 = tpu.memref_slice %arg10[%add3A_20, %dma_start3A] : memref<10240x64xf32, #tpu.memory_space<vmem_shared>> -> memref<128x64xf32, #tpu.memory_space<vmem_shared>>
      %dma_start3A_45 = arith.constant 0 : i32
      %dma_start3A_46 = tpu.memref_slice %arg10[%add3A_20, %dma_start3A_45] : memref<10240x64xf32, #tpu.memory_space<vmem_shared>> -> memref<128x64xf32, #tpu.memory_space<vmem_shared>>
      tpu.enqueue_dma source(%arg9 : memref<128x64xf32, #tpu.memory_space<vmem>>) target(%dma_start3A_46 : memref<128x64xf32, #tpu.memory_space<vmem_shared>>) target_semaphore(%run_scoped3A : memref<!tpu.dma_semaphore, #tpu.memory_space<semaphore_mem>>)
      %dma_wait3A = arith.constant 0 : i32
      %dma_wait3A_47 = tpu.memref_slice %arg10[%add3A_20, %dma_wait3A] : memref<10240x64xf32, #tpu.memory_space<vmem_shared>> -> memref<128x64xf32, #tpu.memory_space<vmem_shared>>
      %dma_wait3A_48 = arith.constant 0 : i32
      %dma_wait3A_49 = tpu.memref_slice %arg10[%add3A_20, %dma_wait3A_48] : memref<10240x64xf32, #tpu.memory_space<vmem_shared>> -> memref<128x64xf32, #tpu.memory_space<vmem_shared>>
      tpu.wait_dma2 semaphore(%run_scoped3A : memref<!tpu.dma_semaphore, #tpu.memory_space<semaphore_mem>>) src(%arg9 : memref<128x64xf32, #tpu.memory_space<vmem>>) dst(%dma_wait3A_49 : memref<128x64xf32, #tpu.memory_space<vmem_shared>>)
      tpu.yield
    }) : () -> ()
    %mul3A_21 = arith.constant 640 : i32
    %mul3A_22 = arith.muli %arg1, %mul3A_21 : i32
    %add3A_23 = arith.constant 512 : i32
    %add3A_24 = arith.addi %mul3A_22, %add3A_23 : i32
    "tpu.region"() ({
      %run_scoped3A = tpu.sem_alloc : memref<!tpu.dma_semaphore, #tpu.memory_space<semaphore_mem>>
      %dma_start3A = arith.constant 0 : i32
      %dma_start3A_44 = tpu.memref_slice %arg10[%add3A_24, %dma_start3A] : memref<10240x64xf32, #tpu.memory_space<vmem_shared>> -> memref<128x64xf32, #tpu.memory_space<vmem_shared>>
      %dma_start3A_45 = arith.constant 0 : i32
      %dma_start3A_46 = tpu.memref_slice %arg10[%add3A_24, %dma_start3A_45] : memref<10240x64xf32, #tpu.memory_space<vmem_shared>> -> memref<128x64xf32, #tpu.memory_space<vmem_shared>>
      tpu.enqueue_dma source(%arg9 : memref<128x64xf32, #tpu.memory_space<vmem>>) target(%dma_start3A_46 : memref<128x64xf32, #tpu.memory_space<vmem_shared>>) target_semaphore(%run_scoped3A : memref<!tpu.dma_semaphore, #tpu.memory_space<semaphore_mem>>)
      %dma_wait3A = arith.constant 0 : i32
      %dma_wait3A_47 = tpu.memref_slice %arg10[%add3A_24, %dma_wait3A] : memref<10240x64xf32, #tpu.memory_space<vmem_shared>> -> memref<128x64xf32, #tpu.memory_space<vmem_shared>>
      %dma_wait3A_48 = arith.constant 0 : i32
      %dma_wait3A_49 = tpu.memref_slice %arg10[%add3A_24, %dma_wait3A_48] : memref<10240x64xf32, #tpu.memory_space<vmem_shared>> -> memref<128x64xf32, #tpu.memory_space<vmem_shared>>
      tpu.wait_dma2 semaphore(%run_scoped3A : memref<!tpu.dma_semaphore, #tpu.memory_space<semaphore_mem>>) src(%arg9 : memref<128x64xf32, #tpu.memory_space<vmem>>) dst(%dma_wait3A_49 : memref<128x64xf32, #tpu.memory_space<vmem_shared>>)
      tpu.yield
    }) : () -> ()
    %barrier3A = arith.constant 0 : index
    tpu.barrier barrier_id(%barrier3A)
    %scan3A_25 = arith.constant 0 : i32
    %scan3A_26 = arith.constant 0 : i32
    %scan3A_27 = arith.constant 3 : i32
    %scan3A_28 = arith.addi %scan3A_26, %scan3A_27 : i32
    %scan3A_29 = arith.constant 1 : i32
    %scan3A_30 = scf.for %scan3A_44 = %scan3A_26 to %scan3A_28 step %scan3A_29 iter_args(%scan3A_45 = %scan3A_25) -> (i32)  : i32 {
      %dma_start3A = arith.constant 0 : i32
      %dma_start3A_46 = arith.constant 0 : i32
      %dma_start3A_47 = tpu.memref_slice %arg8[%scan3A_44, %dma_start3A, %dma_start3A_46] : memref<3x128x64xf32, #tpu.memory_space<vmem>> -> memref<1x128x64xf32, #tpu.memory_space<vmem>>
      %dma_start3A_48 = tpu.memref_squeeze %dma_start3A_47 : memref<1x128x64xf32, #tpu.memory_space<vmem>> -> memref<128x64xf32, #tpu.memory_space<vmem>>
      %dma_start3A_49 = arith.constant 0 : i32
      %dma_start3A_50 = tpu.memref_slice %arg6[%scan3A_44, %dma_start3A_49] : memref<162x128xi32, #tpu.memory_space<vmem>> -> memref<1x128xi32, #tpu.memory_space<vmem>>
      %dma_start3A_51 = tpu.memref_squeeze %dma_start3A_50 : memref<1x128xi32, #tpu.memory_space<vmem>> -> memref<128xi32, #tpu.memory_space<vmem>>
      %dma_start3A_52 = arith.constant 0 : i32
      %dma_start3A_53 = arith.constant 0 : i32
      %dma_start3A_54 = tpu.memref_slice %arg2[%arg0, %dma_start3A_52, %dma_start3A_53] : memref<2x10000x64xf32, #tpu.memory_space<hbm>> -> memref<1x10000x64xf32, #tpu.memory_space<hbm>>
      %dma_start3A_55 = tpu.memref_squeeze %dma_start3A_54 : memref<1x10000x64xf32, #tpu.memory_space<hbm>> -> memref<10000x64xf32, #tpu.memory_space<hbm>>
      %dma_start3A_56 = arith.constant 0 : i32
      %dma_start3A_57 = arith.constant 0 : i32
      %dma_start3A_58 = tpu.memref_slice %dma_start3A_55[%dma_start3A_56, %dma_start3A_57] : memref<10000x64xf32, #tpu.memory_space<hbm>> -> memref<10000x64xf32, #tpu.memory_space<hbm>>
      %dma_start3A_59 = tpu.memref_slice %arg11[%scan3A_44] : memref<3x!tpu.dma_semaphore, #tpu.memory_space<semaphore_mem>> -> memref<1x!tpu.dma_semaphore, #tpu.memory_space<semaphore_mem>>
      %dma_start3A_60 = tpu.memref_squeeze %dma_start3A_59 : memref<1x!tpu.dma_semaphore, #tpu.memory_space<semaphore_mem>> -> memref<!tpu.dma_semaphore, #tpu.memory_space<semaphore_mem>>
      tpu.enqueue_indirect_dma source(%dma_start3A_58 : memref<10000x64xf32, #tpu.memory_space<hbm>>) target(%dma_start3A_48 : memref<128x64xf32, #tpu.memory_space<vmem>>) offsets(%dma_start3A_51 : memref<128xi32, #tpu.memory_space<vmem>>) semaphore(%dma_start3A_60 : memref<!tpu.dma_semaphore, #tpu.memory_space<semaphore_mem>>)
      %scan3A_61 = arith.constant 0 : i32
      scf.yield %scan3A_61 : i32
    }
    %scan3A_31 = arith.constant 3 : i32
    %scan3A_32 = arith.constant 0 : i32
    %scan3A_33 = arith.constant 0 : i32
    %scan3A_34 = arith.constant 54 : i32
    %scan3A_35 = arith.addi %scan3A_33, %scan3A_34 : i32
    %scan3A_36 = arith.constant 1 : i32
    %scan3A_37 = scf.for %scan3A_44 = %scan3A_33 to %scan3A_35 step %scan3A_36 iter_args(%scan3A_45 = %scan3A_32) -> (i32)  : i32 {
      %mul3A_46 = arith.constant 3 : i32
      %mul3A_47 = arith.muli %scan3A_44, %mul3A_46 : i32
      %scan3A_48 = arith.constant 0 : i32
      %scan3A_49 = arith.constant 0 : i32
      %scan3A_50 = arith.constant 3 : i32
      %scan3A_51 = arith.addi %scan3A_49, %scan3A_50 : i32
      %scan3A_52 = arith.constant 1 : i32
      %scan3A_53 = scf.for %scan3A_63 = %scan3A_49 to %scan3A_51 step %scan3A_52 iter_args(%scan3A_64 = %scan3A_48) -> (i32)  : i32 {
        %add3A_65 = arith.addi %mul3A_47, %scan3A_63 : i32
        %dma_wait3A = arith.constant 0 : i32
        %dma_wait3A_66 = arith.constant 0 : i32
        %dma_wait3A_67 = tpu.memref_slice %arg8[%scan3A_63, %dma_wait3A, %dma_wait3A_66] : memref<3x128x64xf32, #tpu.memory_space<vmem>> -> memref<1x128x64xf32, #tpu.memory_space<vmem>>
        %dma_wait3A_68 = tpu.memref_squeeze %dma_wait3A_67 : memref<1x128x64xf32, #tpu.memory_space<vmem>> -> memref<128x64xf32, #tpu.memory_space<vmem>>
        %dma_wait3A_69 = arith.constant 0 : i32
        %dma_wait3A_70 = tpu.memref_slice %arg6[%add3A_65, %dma_wait3A_69] : memref<162x128xi32, #tpu.memory_space<vmem>> -> memref<1x128xi32, #tpu.memory_space<vmem>>
        %dma_wait3A_71 = tpu.memref_squeeze %dma_wait3A_70 : memref<1x128xi32, #tpu.memory_space<vmem>> -> memref<128xi32, #tpu.memory_space<vmem>>
        %dma_wait3A_72 = arith.constant 0 : i32
        %dma_wait3A_73 = arith.constant 0 : i32
        %dma_wait3A_74 = tpu.memref_slice %arg2[%arg0, %dma_wait3A_72, %dma_wait3A_73] : memref<2x10000x64xf32, #tpu.memory_space<hbm>> -> memref<1x10000x64xf32, #tpu.memory_space<hbm>>
        %dma_wait3A_75 = tpu.memref_squeeze %dma_wait3A_74 : memref<1x10000x64xf32, #tpu.memory_space<hbm>> -> memref<10000x64xf32, #tpu.memory_space<hbm>>
        %dma_wait3A_76 = arith.constant 0 : i32
        %dma_wait3A_77 = arith.constant 0 : i32
        %dma_wait3A_78 = tpu.memref_slice %dma_wait3A_75[%dma_wait3A_76, %dma_wait3A_77] : memref<10000x64xf32, #tpu.memory_space<hbm>> -> memref<10000x64xf32, #tpu.memory_space<hbm>>
        %dma_wait3A_79 = tpu.memref_slice %arg11[%scan3A_63] : memref<3x!tpu.dma_semaphore, #tpu.memory_space<semaphore_mem>> -> memref<1x!tpu.dma_semaphore, #tpu.memory_space<semaphore_mem>>
        %dma_wait3A_80 = tpu.memref_squeeze %dma_wait3A_79 : memref<1x!tpu.dma_semaphore, #tpu.memory_space<semaphore_mem>> -> memref<!tpu.dma_semaphore, #tpu.memory_space<semaphore_mem>>
        tpu.wait_indirect_dma semaphore(%dma_wait3A_80 : memref<!tpu.dma_semaphore, #tpu.memory_space<semaphore_mem>>) src(%dma_wait3A_78 : memref<10000x64xf32, #tpu.memory_space<hbm>>) dst(%dma_wait3A_68 : memref<128x64xf32, #tpu.memory_space<vmem>>)
        %dma_start3A = arith.constant 0 : i32
        %dma_start3A_81 = arith.constant 0 : i32
        %dma_start3A_82 = tpu.memref_slice %arg8[%scan3A_63, %dma_start3A, %dma_start3A_81] : memref<3x128x64xf32, #tpu.memory_space<vmem>> -> memref<1x128x64xf32, #tpu.memory_space<vmem>>
        %dma_start3A_83 = tpu.memref_squeeze %dma_start3A_82 : memref<1x128x64xf32, #tpu.memory_space<vmem>> -> memref<128x64xf32, #tpu.memory_space<vmem>>
        %dma_start3A_84 = arith.constant 0 : i32
        %dma_start3A_85 = tpu.memref_slice %arg7[%add3A_65, %dma_start3A_84] : memref<162x128xi32, #tpu.memory_space<vmem>> -> memref<1x128xi32, #tpu.memory_space<vmem>>
        %dma_start3A_86 = tpu.memref_squeeze %dma_start3A_85 : memref<1x128xi32, #tpu.memory_space<vmem>> -> memref<128xi32, #tpu.memory_space<vmem>>
        %dma_start3A_87 = arith.constant 0 : i32
        %dma_start3A_88 = arith.constant 0 : i32
        %dma_start3A_89 = tpu.memref_slice %arg10[%dma_start3A_87, %dma_start3A_88] : memref<10240x64xf32, #tpu.memory_space<vmem_shared>> -> memref<10240x64xf32, #tpu.memory_space<vmem_shared>>
        %dma_start3A_90 = tpu.memref_slice %arg12[%scan3A_63] : memref<3x!tpu.dma_semaphore, #tpu.memory_space<semaphore_mem>> -> memref<1x!tpu.dma_semaphore, #tpu.memory_space<semaphore_mem>>
        %dma_start3A_91 = tpu.memref_squeeze %dma_start3A_90 : memref<1x!tpu.dma_semaphore, #tpu.memory_space<semaphore_mem>> -> memref<!tpu.dma_semaphore, #tpu.memory_space<semaphore_mem>>
        tpu.enqueue_indirect_dma source(%dma_start3A_83 : memref<128x64xf32, #tpu.memory_space<vmem>>) target(%dma_start3A_89 : memref<10240x64xf32, #tpu.memory_space<vmem_shared>>) offsets(%dma_start3A_86 : memref<128xi32, #tpu.memory_space<vmem>>) semaphore(%dma_start3A_91 : memref<!tpu.dma_semaphore, #tpu.memory_space<semaphore_mem>>) {add = true}
        %scan3A_92 = arith.constant 0 : i32
        scf.yield %scan3A_92 : i32
      }
      %scan3A_54 = arith.constant 3 : i32
      %scan3A_55 = arith.constant 0 : i32
      %scan3A_56 = arith.constant 0 : i32
      %scan3A_57 = arith.constant 3 : i32
      %scan3A_58 = arith.addi %scan3A_56, %scan3A_57 : i32
      %scan3A_59 = arith.constant 1 : i32
      %scan3A_60 = scf.for %scan3A_63 = %scan3A_56 to %scan3A_58 step %scan3A_59 iter_args(%scan3A_64 = %scan3A_55) -> (i32)  : i32 {
        %add3A_65 = arith.addi %mul3A_47, %scan3A_63 : i32
        %dma_wait3A = arith.constant 0 : i32
        %dma_wait3A_66 = arith.constant 0 : i32
        %dma_wait3A_67 = tpu.memref_slice %arg8[%scan3A_63, %dma_wait3A, %dma_wait3A_66] : memref<3x128x64xf32, #tpu.memory_space<vmem>> -> memref<1x128x64xf32, #tpu.memory_space<vmem>>
        %dma_wait3A_68 = tpu.memref_squeeze %dma_wait3A_67 : memref<1x128x64xf32, #tpu.memory_space<vmem>> -> memref<128x64xf32, #tpu.memory_space<vmem>>
        %dma_wait3A_69 = arith.constant 0 : i32
        %dma_wait3A_70 = tpu.memref_slice %arg7[%add3A_65, %dma_wait3A_69] : memref<162x128xi32, #tpu.memory_space<vmem>> -> memref<1x128xi32, #tpu.memory_space<vmem>>
        %dma_wait3A_71 = tpu.memref_squeeze %dma_wait3A_70 : memref<1x128xi32, #tpu.memory_space<vmem>> -> memref<128xi32, #tpu.memory_space<vmem>>
        %dma_wait3A_72 = arith.constant 0 : i32
        %dma_wait3A_73 = arith.constant 0 : i32
        %dma_wait3A_74 = tpu.memref_slice %arg10[%dma_wait3A_72, %dma_wait3A_73] : memref<10240x64xf32, #tpu.memory_space<vmem_shared>> -> memref<10240x64xf32, #tpu.memory_space<vmem_shared>>
        %dma_wait3A_75 = tpu.memref_slice %arg12[%scan3A_63] : memref<3x!tpu.dma_semaphore, #tpu.memory_space<semaphore_mem>> -> memref<1x!tpu.dma_semaphore, #tpu.memory_space<semaphore_mem>>
        %dma_wait3A_76 = tpu.memref_squeeze %dma_wait3A_75 : memref<1x!tpu.dma_semaphore, #tpu.memory_space<semaphore_mem>> -> memref<!tpu.dma_semaphore, #tpu.memory_space<semaphore_mem>>
        tpu.wait_indirect_dma semaphore(%dma_wait3A_76 : memref<!tpu.dma_semaphore, #tpu.memory_space<semaphore_mem>>) src(%dma_wait3A_68 : memref<128x64xf32, #tpu.memory_space<vmem>>) dst(%dma_wait3A_74 : memref<10240x64xf32, #tpu.memory_space<vmem_shared>>)
        %add3A_77 = arith.constant 3 : i32
        %add3A_78 = arith.addi %add3A_65, %add3A_77 : i32
        %lt3A = arith.constant 162 : i32
        %lt3A_79 = arith.cmpi slt, %add3A_78, %lt3A : i32
        %convert_element_type3A = arith.extui %lt3A_79 : i1 to i32
        %cond3A = arith.constant 0 : i32
        %cond3A_80 = arith.cmpi ne, %convert_element_type3A, %cond3A : i32
        scf.if %cond3A_80 {
          %dma_start3A = arith.constant 0 : i32
          %dma_start3A_82 = arith.constant 0 : i32
          %dma_start3A_83 = tpu.memref_slice %arg8[%scan3A_63, %dma_start3A, %dma_start3A_82] : memref<3x128x64xf32, #tpu.memory_space<vmem>> -> memref<1x128x64xf32, #tpu.memory_space<vmem>>
          %dma_start3A_84 = tpu.memref_squeeze %dma_start3A_83 : memref<1x128x64xf32, #tpu.memory_space<vmem>> -> memref<128x64xf32, #tpu.memory_space<vmem>>
          %dma_start3A_85 = arith.constant 0 : i32
          %dma_start3A_86 = tpu.memref_slice %arg6[%add3A_78, %dma_start3A_85] : memref<162x128xi32, #tpu.memory_space<vmem>> -> memref<1x128xi32, #tpu.memory_space<vmem>>
          %dma_start3A_87 = tpu.memref_squeeze %dma_start3A_86 : memref<1x128xi32, #tpu.memory_space<vmem>> -> memref<128xi32, #tpu.memory_space<vmem>>
          %dma_start3A_88 = arith.constant 0 : i32
          %dma_start3A_89 = arith.constant 0 : i32
          %dma_start3A_90 = tpu.memref_slice %arg2[%arg0, %dma_start3A_88, %dma_start3A_89] : memref<2x10000x64xf32, #tpu.memory_space<hbm>> -> memref<1x10000x64xf32, #tpu.memory_space<hbm>>
          %dma_start3A_91 = tpu.memref_squeeze %dma_start3A_90 : memref<1x10000x64xf32, #tpu.memory_space<hbm>> -> memref<10000x64xf32, #tpu.memory_space<hbm>>
          %dma_start3A_92 = arith.constant 0 : i32
          %dma_start3A_93 = arith.constant 0 : i32
          %dma_start3A_94 = tpu.memref_slice %dma_start3A_91[%dma_start3A_92, %dma_start3A_93] : memref<10000x64xf32, #tpu.memory_space<hbm>> -> memref<10000x64xf32, #tpu.memory_space<hbm>>
          %dma_start3A_95 = tpu.memref_slice %arg11[%scan3A_63] : memref<3x!tpu.dma_semaphore, #tpu.memory_space<semaphore_mem>> -> memref<1x!tpu.dma_semaphore, #tpu.memory_space<semaphore_mem>>
          %dma_start3A_96 = tpu.memref_squeeze %dma_start3A_95 : memref<1x!tpu.dma_semaphore, #tpu.memory_space<semaphore_mem>> -> memref<!tpu.dma_semaphore, #tpu.memory_space<semaphore_mem>>
          tpu.enqueue_indirect_dma source(%dma_start3A_94 : memref<10000x64xf32, #tpu.memory_space<hbm>>) target(%dma_start3A_84 : memref<128x64xf32, #tpu.memory_space<vmem>>) offsets(%dma_start3A_87 : memref<128xi32, #tpu.memory_space<vmem>>) semaphore(%dma_start3A_96 : memref<!tpu.dma_semaphore, #tpu.memory_space<semaphore_mem>>)
        } else {
        }
        %scan3A_81 = arith.constant 0 : i32
        scf.yield %scan3A_81 : i32
      }
      %scan3A_61 = arith.constant 3 : i32
      %scan3A_62 = arith.constant 0 : i32
      scf.yield %scan3A_62 : i32
    }
    %scan3A_38 = arith.constant 54 : i32
    %barrier3A_39 = arith.constant 0 : index
    tpu.barrier barrier_id(%barrier3A_39)
    %mul3A_40 = arith.constant 640 : i32
    %mul3A_41 = arith.muli %arg1, %mul3A_40 : i32
    %mul3A_42 = arith.constant 640 : i32
    %mul3A_43 = arith.muli %arg1, %mul3A_42 : i32
    "tpu.region"() ({
      %run_scoped3A = tpu.sem_alloc : memref<!tpu.dma_semaphore, #tpu.memory_space<semaphore_mem>>
      %dma_start3A = arith.constant 0 : i32
      %dma_start3A_44 = tpu.memref_slice %arg5[%arg0, %mul3A_43, %dma_start3A] : memref<2x10240x64xf32, #tpu.memory_space<hbm>> -> memref<1x640x64xf32, #tpu.memory_space<hbm>>
      %dma_start3A_45 = tpu.memref_squeeze %dma_start3A_44 : memref<1x640x64xf32, #tpu.memory_space<hbm>> -> memref<640x64xf32, #tpu.memory_space<hbm>>
      %dma_start3A_46 = arith.constant 0 : i32
      %dma_start3A_47 = tpu.memref_slice %arg10[%mul3A_41, %dma_start3A_46] : memref<10240x64xf32, #tpu.memory_space<vmem_shared>> -> memref<640x64xf32, #tpu.memory_space<vmem_shared>>
      tpu.enqueue_dma source(%dma_start3A_47 : memref<640x64xf32, #tpu.memory_space<vmem_shared>>) target(%dma_start3A_45 : memref<640x64xf32, #tpu.memory_space<hbm>>) target_semaphore(%run_scoped3A : memref<!tpu.dma_semaphore, #tpu.memory_space<semaphore_mem>>)
      %dma_wait3A = arith.constant 0 : i32
      %dma_wait3A_48 = tpu.memref_slice %arg5[%arg0, %mul3A_43, %dma_wait3A] : memref<2x10240x64xf32, #tpu.memory_space<hbm>> -> memref<1x640x64xf32, #tpu.memory_space<hbm>>
      %dma_wait3A_49 = tpu.memref_squeeze %dma_wait3A_48 : memref<1x640x64xf32, #tpu.memory_space<hbm>> -> memref<640x64xf32, #tpu.memory_space<hbm>>
      %dma_wait3A_50 = arith.constant 0 : i32
      %dma_wait3A_51 = tpu.memref_slice %arg10[%mul3A_41, %dma_wait3A_50] : memref<10240x64xf32, #tpu.memory_space<vmem_shared>> -> memref<640x64xf32, #tpu.memory_space<vmem_shared>>
      tpu.wait_dma2 semaphore(%run_scoped3A : memref<!tpu.dma_semaphore, #tpu.memory_space<semaphore_mem>>) src(%dma_wait3A_51 : memref<640x64xf32, #tpu.memory_space<vmem_shared>>) dst(%dma_wait3A_49 : memref<640x64xf32, #tpu.memory_space<hbm>>)
      tpu.yield
    }) : () -> ()
    return
  }
}

#map = affine_map<(d0, d1) -> (0, 0, 0)>
module attributes {stable_mosaic.version = 14 : i64} {
  func.func @_agg_body(%arg0: i32, %arg1: i32, %arg2: memref<2x10000x64xf32, #tpu.memory_space<hbm>>, %arg3: memref<16x162x128xi32, #tpu.memory_space<hbm>>, %arg4: memref<16x162x128xi32, #tpu.memory_space<hbm>>, %arg5: memref<2x10240x64xf32, #tpu.memory_space<hbm>>, %arg6: memref<162x128xi32, #tpu.memory_space<vmem>>, %arg7: memref<162x128xi32, #tpu.memory_space<vmem>>, %arg8: memref<3x128x64xf32, #tpu.memory_space<vmem>>, %arg9: memref<128x64xf32, #tpu.memory_space<vmem>>, %arg10: memref<10240x64xf32, #tpu.memory_space<vmem_shared>>, %arg11: memref<3x!tpu.dma_semaphore, #tpu.memory_space<semaphore_mem>>, %arg12: memref<3x!tpu.dma_semaphore, #tpu.memory_space<semaphore_mem>>) attributes {dimension_semantics = [#tpu.dimension_semantics<core_parallel>, #tpu.dimension_semantics<subcore_parallel>], iteration_bounds = array<i64: 2, 16>, scalar_prefetch = 0 : i64, scratch_operands = 7 : i64, tpu.core_type = #tpu.core_type<sc_vector_subcore>, window_params = [{transform_indices = #map}, {transform_indices = #map}, {transform_indices = #map}, {transform_indices = #map}]} {
    "tpu.region"() ({
      %run_scoped3A = tpu.sem_alloc : memref<!tpu.dma_semaphore, #tpu.memory_space<semaphore_mem>>
      %dma_start3A = arith.constant 0 : i32
      %dma_start3A_44 = arith.constant 0 : i32
      %dma_start3A_45 = tpu.memref_slice %arg3[%arg1, %dma_start3A, %dma_start3A_44] : memref<16x162x128xi32, #tpu.memory_space<hbm>> -> memref<1x162x128xi32, #tpu.memory_space<hbm>>
      %dma_start3A_46 = tpu.memref_squeeze %dma_start3A_45 : memref<1x162x128xi32, #tpu.memory_space<hbm>> -> memref<162x128xi32, #tpu.memory_space<hbm>>
      %dma_start3A_47 = arith.constant 0 : i32
      %dma_start3A_48 = arith.constant 0 : i32
      %dma_start3A_49 = tpu.memref_slice %arg3[%arg1, %dma_start3A_47, %dma_start3A_48] : memref<16x162x128xi32, #tpu.memory_space<hbm>> -> memref<1x162x128xi32, #tpu.memory_space<hbm>>
      %dma_start3A_50 = tpu.memref_squeeze %dma_start3A_49 : memref<1x162x128xi32, #tpu.memory_space<hbm>> -> memref<162x128xi32, #tpu.memory_space<hbm>>
      tpu.enqueue_dma source(%dma_start3A_50 : memref<162x128xi32, #tpu.memory_space<hbm>>) target(%arg6 : memref<162x128xi32, #tpu.memory_space<vmem>>) target_semaphore(%run_scoped3A : memref<!tpu.dma_semaphore, #tpu.memory_space<semaphore_mem>>)
      %dma_wait3A = arith.constant 0 : i32
      %dma_wait3A_51 = arith.constant 0 : i32
      %dma_wait3A_52 = tpu.memref_slice %arg3[%arg1, %dma_wait3A, %dma_wait3A_51] : memref<16x162x128xi32, #tpu.memory_space<hbm>> -> memref<1x162x128xi32, #tpu.memory_space<hbm>>
      %dma_wait3A_53 = tpu.memref_squeeze %dma_wait3A_52 : memref<1x162x128xi32, #tpu.memory_space<hbm>> -> memref<162x128xi32, #tpu.memory_space<hbm>>
      %dma_wait3A_54 = arith.constant 0 : i32
      %dma_wait3A_55 = arith.constant 0 : i32
      %dma_wait3A_56 = tpu.memref_slice %arg3[%arg1, %dma_wait3A_54, %dma_wait3A_55] : memref<16x162x128xi32, #tpu.memory_space<hbm>> -> memref<1x162x128xi32, #tpu.memory_space<hbm>>
      %dma_wait3A_57 = tpu.memref_squeeze %dma_wait3A_56 : memref<1x162x128xi32, #tpu.memory_space<hbm>> -> memref<162x128xi32, #tpu.memory_space<hbm>>
      tpu.wait_dma2 semaphore(%run_scoped3A : memref<!tpu.dma_semaphore, #tpu.memory_space<semaphore_mem>>) src(%dma_wait3A_57 : memref<162x128xi32, #tpu.memory_space<hbm>>) dst(%arg6 : memref<162x128xi32, #tpu.memory_space<vmem>>)
      tpu.yield
    }) : () -> ()
    "tpu.region"() ({
      %run_scoped3A = tpu.sem_alloc : memref<!tpu.dma_semaphore, #tpu.memory_space<semaphore_mem>>
      %dma_start3A = arith.constant 0 : i32
      %dma_start3A_44 = arith.constant 0 : i32
      %dma_start3A_45 = tpu.memref_slice %arg4[%arg1, %dma_start3A, %dma_start3A_44] : memref<16x162x128xi32, #tpu.memory_space<hbm>> -> memref<1x162x128xi32, #tpu.memory_space<hbm>>
      %dma_start3A_46 = tpu.memref_squeeze %dma_start3A_45 : memref<1x162x128xi32, #tpu.memory_space<hbm>> -> memref<162x128xi32, #tpu.memory_space<hbm>>
      %dma_start3A_47 = arith.constant 0 : i32
      %dma_start3A_48 = arith.constant 0 : i32
      %dma_start3A_49 = tpu.memref_slice %arg4[%arg1, %dma_start3A_47, %dma_start3A_48] : memref<16x162x128xi32, #tpu.memory_space<hbm>> -> memref<1x162x128xi32, #tpu.memory_space<hbm>>
      %dma_start3A_50 = tpu.memref_squeeze %dma_start3A_49 : memref<1x162x128xi32, #tpu.memory_space<hbm>> -> memref<162x128xi32, #tpu.memory_space<hbm>>
      tpu.enqueue_dma source(%dma_start3A_50 : memref<162x128xi32, #tpu.memory_space<hbm>>) target(%arg7 : memref<162x128xi32, #tpu.memory_space<vmem>>) target_semaphore(%run_scoped3A : memref<!tpu.dma_semaphore, #tpu.memory_space<semaphore_mem>>)
      %dma_wait3A = arith.constant 0 : i32
      %dma_wait3A_51 = arith.constant 0 : i32
      %dma_wait3A_52 = tpu.memref_slice %arg4[%arg1, %dma_wait3A, %dma_wait3A_51] : memref<16x162x128xi32, #tpu.memory_space<hbm>> -> memref<1x162x128xi32, #tpu.memory_space<hbm>>
      %dma_wait3A_53 = tpu.memref_squeeze %dma_wait3A_52 : memref<1x162x128xi32, #tpu.memory_space<hbm>> -> memref<162x128xi32, #tpu.memory_space<hbm>>
      %dma_wait3A_54 = arith.constant 0 : i32
      %dma_wait3A_55 = arith.constant 0 : i32
      %dma_wait3A_56 = tpu.memref_slice %arg4[%arg1, %dma_wait3A_54, %dma_wait3A_55] : memref<16x162x128xi32, #tpu.memory_space<hbm>> -> memref<1x162x128xi32, #tpu.memory_space<hbm>>
      %dma_wait3A_57 = tpu.memref_squeeze %dma_wait3A_56 : memref<1x162x128xi32, #tpu.memory_space<hbm>> -> memref<162x128xi32, #tpu.memory_space<hbm>>
      tpu.wait_dma2 semaphore(%run_scoped3A : memref<!tpu.dma_semaphore, #tpu.memory_space<semaphore_mem>>) src(%dma_wait3A_57 : memref<162x128xi32, #tpu.memory_space<hbm>>) dst(%arg7 : memref<162x128xi32, #tpu.memory_space<vmem>>)
      tpu.yield
    }) : () -> ()
    %broadcast_in_dim3A = arith.constant 0.000000e+00 : f32
    %broadcast_in_dim3A_0 = vector.broadcast %broadcast_in_dim3A : f32 to vector<16xf32>
    %scan3A = arith.constant 0 : i32
    %scan3A_1 = arith.constant 0 : i32
    %scan3A_2 = arith.constant 128 : i32
    %scan3A_3 = arith.addi %scan3A_1, %scan3A_2 : i32
    %scan3A_4 = arith.constant 1 : i32
    %scan3A_5 = scf.for %scan3A_44 = %scan3A_1 to %scan3A_3 step %scan3A_4 iter_args(%scan3A_45 = %scan3A) -> (i32)  : i32 {
      %swap3A = arith.index_cast %scan3A_44 : i32 to index
      %swap3A_46 = arith.constant 0 : index
      %swap3A_47 = tpu.vector_load %arg9[%swap3A, %swap3A_46] {strides = array<i32>} : memref<128x64xf32, #tpu.memory_space<vmem>>, vector<1x16xf32>,
      %swap3A_48 = vector.shape_cast %swap3A_47 : vector<1x16xf32> to vector<16xf32>
      %swap3A_49 = vector.shape_cast %broadcast_in_dim3A_0 : vector<16xf32> to vector<1x16xf32>
      tpu.vector_store %arg9[%swap3A, %swap3A_46], %swap3A_49 {strides = array<i32>} : memref<128x64xf32, #tpu.memory_space<vmem>>, vector<1x16xf32>,
      %swap3A_50 = arith.index_cast %scan3A_44 : i32 to index
      %swap3A_51 = arith.constant 16 : index
      %swap3A_52 = tpu.vector_load %arg9[%swap3A_50, %swap3A_51] {strides = array<i32>} : memref<128x64xf32, #tpu.memory_space<vmem>>, vector<1x16xf32>,
      %swap3A_53 = vector.shape_cast %swap3A_52 : vector<1x16xf32> to vector<16xf32>
      %swap3A_54 = vector.shape_cast %broadcast_in_dim3A_0 : vector<16xf32> to vector<1x16xf32>
      tpu.vector_store %arg9[%swap3A_50, %swap3A_51], %swap3A_54 {strides = array<i32>} : memref<128x64xf32, #tpu.memory_space<vmem>>, vector<1x16xf32>,
      %swap3A_55 = arith.index_cast %scan3A_44 : i32 to index
      %swap3A_56 = arith.constant 32 : index
      %swap3A_57 = tpu.vector_load %arg9[%swap3A_55, %swap3A_56] {strides = array<i32>} : memref<128x64xf32, #tpu.memory_space<vmem>>, vector<1x16xf32>,
      %swap3A_58 = vector.shape_cast %swap3A_57 : vector<1x16xf32> to vector<16xf32>
      %swap3A_59 = vector.shape_cast %broadcast_in_dim3A_0 : vector<16xf32> to vector<1x16xf32>
      tpu.vector_store %arg9[%swap3A_55, %swap3A_56], %swap3A_59 {strides = array<i32>} : memref<128x64xf32, #tpu.memory_space<vmem>>, vector<1x16xf32>,
      %swap3A_60 = arith.index_cast %scan3A_44 : i32 to index
      %swap3A_61 = arith.constant 48 : index
      %swap3A_62 = tpu.vector_load %arg9[%swap3A_60, %swap3A_61] {strides = array<i32>} : memref<128x64xf32, #tpu.memory_space<vmem>>, vector<1x16xf32>,
      %swap3A_63 = vector.shape_cast %swap3A_62 : vector<1x16xf32> to vector<16xf32>
      %swap3A_64 = vector.shape_cast %broadcast_in_dim3A_0 : vector<16xf32> to vector<1x16xf32>
      tpu.vector_store %arg9[%swap3A_60, %swap3A_61], %swap3A_64 {strides = array<i32>} : memref<128x64xf32, #tpu.memory_space<vmem>>, vector<1x16xf32>,
      %scan3A_65 = arith.constant 0 : i32
      scf.yield %scan3A_65 : i32
    }
    %scan3A_6 = arith.constant 128 : i32
    %mul3A = arith.constant 640 : i32
    %mul3A_7 = arith.muli %arg1, %mul3A : i32
    %add3A = arith.constant 0 : i32
    %add3A_8 = arith.addi %mul3A_7, %add3A : i32
    "tpu.region"() ({
      %run_scoped3A = tpu.sem_alloc : memref<!tpu.dma_semaphore, #tpu.memory_space<semaphore_mem>>
      %dma_start3A = arith.constant 0 : i32
      %dma_start3A_44 = tpu.memref_slice %arg10[%add3A_8, %dma_start3A] : memref<10240x64xf32, #tpu.memory_space<vmem_shared>> -> memref<128x64xf32, #tpu.memory_space<vmem_shared>>
      %dma_start3A_45 = arith.constant 0 : i32
      %dma_start3A_46 = tpu.memref_slice %arg10[%add3A_8, %dma_start3A_45] : memref<10240x64xf32, #tpu.memory_space<vmem_shared>> -> memref<128x64xf32, #tpu.memory_space<vmem_shared>>
      tpu.enqueue_dma source(%arg9 : memref<128x64xf32, #tpu.memory_space<vmem>>) target(%dma_start3A_46 : memref<128x64xf32, #tpu.memory_space<vmem_shared>>) target_semaphore(%run_scoped3A : memref<!tpu.dma_semaphore, #tpu.memory_space<semaphore_mem>>)
      %dma_wait3A = arith.constant 0 : i32
      %dma_wait3A_47 = tpu.memref_slice %arg10[%add3A_8, %dma_wait3A] : memref<10240x64xf32, #tpu.memory_space<vmem_shared>> -> memref<128x64xf32, #tpu.memory_space<vmem_shared>>
      %dma_wait3A_48 = arith.constant 0 : i32
      %dma_wait3A_49 = tpu.memref_slice %arg10[%add3A_8, %dma_wait3A_48] : memref<10240x64xf32, #tpu.memory_space<vmem_shared>> -> memref<128x64xf32, #tpu.memory_space<vmem_shared>>
      tpu.wait_dma2 semaphore(%run_scoped3A : memref<!tpu.dma_semaphore, #tpu.memory_space<semaphore_mem>>) src(%arg9 : memref<128x64xf32, #tpu.memory_space<vmem>>) dst(%dma_wait3A_49 : memref<128x64xf32, #tpu.memory_space<vmem_shared>>)
      tpu.yield
    }) : () -> ()
    %mul3A_9 = arith.constant 640 : i32
    %mul3A_10 = arith.muli %arg1, %mul3A_9 : i32
    %add3A_11 = arith.constant 128 : i32
    %add3A_12 = arith.addi %mul3A_10, %add3A_11 : i32
    "tpu.region"() ({
      %run_scoped3A = tpu.sem_alloc : memref<!tpu.dma_semaphore, #tpu.memory_space<semaphore_mem>>
      %dma_start3A = arith.constant 0 : i32
      %dma_start3A_44 = tpu.memref_slice %arg10[%add3A_12, %dma_start3A] : memref<10240x64xf32, #tpu.memory_space<vmem_shared>> -> memref<128x64xf32, #tpu.memory_space<vmem_shared>>
      %dma_start3A_45 = arith.constant 0 : i32
      %dma_start3A_46 = tpu.memref_slice %arg10[%add3A_12, %dma_start3A_45] : memref<10240x64xf32, #tpu.memory_space<vmem_shared>> -> memref<128x64xf32, #tpu.memory_space<vmem_shared>>
      tpu.enqueue_dma source(%arg9 : memref<128x64xf32, #tpu.memory_space<vmem>>) target(%dma_start3A_46 : memref<128x64xf32, #tpu.memory_space<vmem_shared>>) target_semaphore(%run_scoped3A : memref<!tpu.dma_semaphore, #tpu.memory_space<semaphore_mem>>)
      %dma_wait3A = arith.constant 0 : i32
      %dma_wait3A_47 = tpu.memref_slice %arg10[%add3A_12, %dma_wait3A] : memref<10240x64xf32, #tpu.memory_space<vmem_shared>> -> memref<128x64xf32, #tpu.memory_space<vmem_shared>>
      %dma_wait3A_48 = arith.constant 0 : i32
      %dma_wait3A_49 = tpu.memref_slice %arg10[%add3A_12, %dma_wait3A_48] : memref<10240x64xf32, #tpu.memory_space<vmem_shared>> -> memref<128x64xf32, #tpu.memory_space<vmem_shared>>
      tpu.wait_dma2 semaphore(%run_scoped3A : memref<!tpu.dma_semaphore, #tpu.memory_space<semaphore_mem>>) src(%arg9 : memref<128x64xf32, #tpu.memory_space<vmem>>) dst(%dma_wait3A_49 : memref<128x64xf32, #tpu.memory_space<vmem_shared>>)
      tpu.yield
    }) : () -> ()
    %mul3A_13 = arith.constant 640 : i32
    %mul3A_14 = arith.muli %arg1, %mul3A_13 : i32
    %add3A_15 = arith.constant 256 : i32
    %add3A_16 = arith.addi %mul3A_14, %add3A_15 : i32
    "tpu.region"() ({
      %run_scoped3A = tpu.sem_alloc : memref<!tpu.dma_semaphore, #tpu.memory_space<semaphore_mem>>
      %dma_start3A = arith.constant 0 : i32
      %dma_start3A_44 = tpu.memref_slice %arg10[%add3A_16, %dma_start3A] : memref<10240x64xf32, #tpu.memory_space<vmem_shared>> -> memref<128x64xf32, #tpu.memory_space<vmem_shared>>
      %dma_start3A_45 = arith.constant 0 : i32
      %dma_start3A_46 = tpu.memref_slice %arg10[%add3A_16, %dma_start3A_45] : memref<10240x64xf32, #tpu.memory_space<vmem_shared>> -> memref<128x64xf32, #tpu.memory_space<vmem_shared>>
      tpu.enqueue_dma source(%arg9 : memref<128x64xf32, #tpu.memory_space<vmem>>) target(%dma_start3A_46 : memref<128x64xf32, #tpu.memory_space<vmem_shared>>) target_semaphore(%run_scoped3A : memref<!tpu.dma_semaphore, #tpu.memory_space<semaphore_mem>>)
      %dma_wait3A = arith.constant 0 : i32
      %dma_wait3A_47 = tpu.memref_slice %arg10[%add3A_16, %dma_wait3A] : memref<10240x64xf32, #tpu.memory_space<vmem_shared>> -> memref<128x64xf32, #tpu.memory_space<vmem_shared>>
      %dma_wait3A_48 = arith.constant 0 : i32
      %dma_wait3A_49 = tpu.memref_slice %arg10[%add3A_16, %dma_wait3A_48] : memref<10240x64xf32, #tpu.memory_space<vmem_shared>> -> memref<128x64xf32, #tpu.memory_space<vmem_shared>>
      tpu.wait_dma2 semaphore(%run_scoped3A : memref<!tpu.dma_semaphore, #tpu.memory_space<semaphore_mem>>) src(%arg9 : memref<128x64xf32, #tpu.memory_space<vmem>>) dst(%dma_wait3A_49 : memref<128x64xf32, #tpu.memory_space<vmem_shared>>)
      tpu.yield
    }) : () -> ()
    %mul3A_17 = arith.constant 640 : i32
    %mul3A_18 = arith.muli %arg1, %mul3A_17 : i32
    %add3A_19 = arith.constant 384 : i32
    %add3A_20 = arith.addi %mul3A_18, %add3A_19 : i32
    "tpu.region"() ({
      %run_scoped3A = tpu.sem_alloc : memref<!tpu.dma_semaphore, #tpu.memory_space<semaphore_mem>>
      %dma_start3A = arith.constant 0 : i32
      %dma_start3A_44 = tpu.memref_slice %arg10[%add3A_20, %dma_start3A] : memref<10240x64xf32, #tpu.memory_space<vmem_shared>> -> memref<128x64xf32, #tpu.memory_space<vmem_shared>>
      %dma_start3A_45 = arith.constant 0 : i32
      %dma_start3A_46 = tpu.memref_slice %arg10[%add3A_20, %dma_start3A_45] : memref<10240x64xf32, #tpu.memory_space<vmem_shared>> -> memref<128x64xf32, #tpu.memory_space<vmem_shared>>
      tpu.enqueue_dma source(%arg9 : memref<128x64xf32, #tpu.memory_space<vmem>>) target(%dma_start3A_46 : memref<128x64xf32, #tpu.memory_space<vmem_shared>>) target_semaphore(%run_scoped3A : memref<!tpu.dma_semaphore, #tpu.memory_space<semaphore_mem>>)
      %dma_wait3A = arith.constant 0 : i32
      %dma_wait3A_47 = tpu.memref_slice %arg10[%add3A_20, %dma_wait3A] : memref<10240x64xf32, #tpu.memory_space<vmem_shared>> -> memref<128x64xf32, #tpu.memory_space<vmem_shared>>
      %dma_wait3A_48 = arith.constant 0 : i32
      %dma_wait3A_49 = tpu.memref_slice %arg10[%add3A_20, %dma_wait3A_48] : memref<10240x64xf32, #tpu.memory_space<vmem_shared>> -> memref<128x64xf32, #tpu.memory_space<vmem_shared>>
      tpu.wait_dma2 semaphore(%run_scoped3A : memref<!tpu.dma_semaphore, #tpu.memory_space<semaphore_mem>>) src(%arg9 : memref<128x64xf32, #tpu.memory_space<vmem>>) dst(%dma_wait3A_49 : memref<128x64xf32, #tpu.memory_space<vmem_shared>>)
      tpu.yield
    }) : () -> ()
    %mul3A_21 = arith.constant 640 : i32
    %mul3A_22 = arith.muli %arg1, %mul3A_21 : i32
    %add3A_23 = arith.constant 512 : i32
    %add3A_24 = arith.addi %mul3A_22, %add3A_23 : i32
    "tpu.region"() ({
      %run_scoped3A = tpu.sem_alloc : memref<!tpu.dma_semaphore, #tpu.memory_space<semaphore_mem>>
      %dma_start3A = arith.constant 0 : i32
      %dma_start3A_44 = tpu.memref_slice %arg10[%add3A_24, %dma_start3A] : memref<10240x64xf32, #tpu.memory_space<vmem_shared>> -> memref<128x64xf32, #tpu.memory_space<vmem_shared>>
      %dma_start3A_45 = arith.constant 0 : i32
      %dma_start3A_46 = tpu.memref_slice %arg10[%add3A_24, %dma_start3A_45] : memref<10240x64xf32, #tpu.memory_space<vmem_shared>> -> memref<128x64xf32, #tpu.memory_space<vmem_shared>>
      tpu.enqueue_dma source(%arg9 : memref<128x64xf32, #tpu.memory_space<vmem>>) target(%dma_start3A_46 : memref<128x64xf32, #tpu.memory_space<vmem_shared>>) target_semaphore(%run_scoped3A : memref<!tpu.dma_semaphore, #tpu.memory_space<semaphore_mem>>)
      %dma_wait3A = arith.constant 0 : i32
      %dma_wait3A_47 = tpu.memref_slice %arg10[%add3A_24, %dma_wait3A] : memref<10240x64xf32, #tpu.memory_space<vmem_shared>> -> memref<128x64xf32, #tpu.memory_space<vmem_shared>>
      %dma_wait3A_48 = arith.constant 0 : i32
      %dma_wait3A_49 = tpu.memref_slice %arg10[%add3A_24, %dma_wait3A_48] : memref<10240x64xf32, #tpu.memory_space<vmem_shared>> -> memref<128x64xf32, #tpu.memory_space<vmem_shared>>
      tpu.wait_dma2 semaphore(%run_scoped3A : memref<!tpu.dma_semaphore, #tpu.memory_space<semaphore_mem>>) src(%arg9 : memref<128x64xf32, #tpu.memory_space<vmem>>) dst(%dma_wait3A_49 : memref<128x64xf32, #tpu.memory_space<vmem_shared>>)
      tpu.yield
    }) : () -> ()
    %barrier3A = arith.constant 0 : index
    tpu.barrier barrier_id(%barrier3A)
    %scan3A_25 = arith.constant 0 : i32
    %scan3A_26 = arith.constant 0 : i32
    %scan3A_27 = arith.constant 3 : i32
    %scan3A_28 = arith.addi %scan3A_26, %scan3A_27 : i32
    %scan3A_29 = arith.constant 1 : i32
    %scan3A_30 = scf.for %scan3A_44 = %scan3A_26 to %scan3A_28 step %scan3A_29 iter_args(%scan3A_45 = %scan3A_25) -> (i32)  : i32 {
      %dma_start3A = arith.constant 0 : i32
      %dma_start3A_46 = arith.constant 0 : i32
      %dma_start3A_47 = tpu.memref_slice %arg8[%scan3A_44, %dma_start3A, %dma_start3A_46] : memref<3x128x64xf32, #tpu.memory_space<vmem>> -> memref<1x128x64xf32, #tpu.memory_space<vmem>>
      %dma_start3A_48 = tpu.memref_squeeze %dma_start3A_47 : memref<1x128x64xf32, #tpu.memory_space<vmem>> -> memref<128x64xf32, #tpu.memory_space<vmem>>
      %dma_start3A_49 = arith.constant 0 : i32
      %dma_start3A_50 = tpu.memref_slice %arg6[%scan3A_44, %dma_start3A_49] : memref<162x128xi32, #tpu.memory_space<vmem>> -> memref<1x128xi32, #tpu.memory_space<vmem>>
      %dma_start3A_51 = tpu.memref_squeeze %dma_start3A_50 : memref<1x128xi32, #tpu.memory_space<vmem>> -> memref<128xi32, #tpu.memory_space<vmem>>
      %dma_start3A_52 = arith.constant 0 : i32
      %dma_start3A_53 = arith.constant 0 : i32
      %dma_start3A_54 = tpu.memref_slice %arg2[%arg0, %dma_start3A_52, %dma_start3A_53] : memref<2x10000x64xf32, #tpu.memory_space<hbm>> -> memref<1x10000x64xf32, #tpu.memory_space<hbm>>
      %dma_start3A_55 = tpu.memref_squeeze %dma_start3A_54 : memref<1x10000x64xf32, #tpu.memory_space<hbm>> -> memref<10000x64xf32, #tpu.memory_space<hbm>>
      %dma_start3A_56 = arith.constant 0 : i32
      %dma_start3A_57 = arith.constant 0 : i32
      %dma_start3A_58 = tpu.memref_slice %dma_start3A_55[%dma_start3A_56, %dma_start3A_57] : memref<10000x64xf32, #tpu.memory_space<hbm>> -> memref<10000x64xf32, #tpu.memory_space<hbm>>
      %dma_start3A_59 = tpu.memref_slice %arg11[%scan3A_44] : memref<3x!tpu.dma_semaphore, #tpu.memory_space<semaphore_mem>> -> memref<1x!tpu.dma_semaphore, #tpu.memory_space<semaphore_mem>>
      %dma_start3A_60 = tpu.memref_squeeze %dma_start3A_59 : memref<1x!tpu.dma_semaphore, #tpu.memory_space<semaphore_mem>> -> memref<!tpu.dma_semaphore, #tpu.memory_space<semaphore_mem>>
      tpu.enqueue_indirect_dma source(%dma_start3A_58 : memref<10000x64xf32, #tpu.memory_space<hbm>>) target(%dma_start3A_48 : memref<128x64xf32, #tpu.memory_space<vmem>>) offsets(%dma_start3A_51 : memref<128xi32, #tpu.memory_space<vmem>>) semaphore(%dma_start3A_60 : memref<!tpu.dma_semaphore, #tpu.memory_space<semaphore_mem>>)
      %scan3A_61 = arith.constant 0 : i32
      scf.yield %scan3A_61 : i32
    }
    %scan3A_31 = arith.constant 3 : i32
    %scan3A_32 = arith.constant 0 : i32
    %scan3A_33 = arith.constant 0 : i32
    %scan3A_34 = arith.constant 54 : i32
    %scan3A_35 = arith.addi %scan3A_33, %scan3A_34 : i32
    %scan3A_36 = arith.constant 1 : i32
    %scan3A_37 = scf.for %scan3A_44 = %scan3A_33 to %scan3A_35 step %scan3A_36 iter_args(%scan3A_45 = %scan3A_32) -> (i32)  : i32 {
      %mul3A_46 = arith.constant 3 : i32
      %mul3A_47 = arith.muli %scan3A_44, %mul3A_46 : i32
      %scan3A_48 = arith.constant 0 : i32
      %scan3A_49 = arith.constant 0 : i32
      %scan3A_50 = arith.constant 3 : i32
      %scan3A_51 = arith.addi %scan3A_49, %scan3A_50 : i32
      %scan3A_52 = arith.constant 1 : i32
      %scan3A_53 = scf.for %scan3A_63 = %scan3A_49 to %scan3A_51 step %scan3A_52 iter_args(%scan3A_64 = %scan3A_48) -> (i32)  : i32 {
        %add3A_65 = arith.addi %mul3A_47, %scan3A_63 : i32
        %dma_wait3A = arith.constant 0 : i32
        %dma_wait3A_66 = arith.constant 0 : i32
        %dma_wait3A_67 = tpu.memref_slice %arg8[%scan3A_63, %dma_wait3A, %dma_wait3A_66] : memref<3x128x64xf32, #tpu.memory_space<vmem>> -> memref<1x128x64xf32, #tpu.memory_space<vmem>>
        %dma_wait3A_68 = tpu.memref_squeeze %dma_wait3A_67 : memref<1x128x64xf32, #tpu.memory_space<vmem>> -> memref<128x64xf32, #tpu.memory_space<vmem>>
        %dma_wait3A_69 = arith.constant 0 : i32
        %dma_wait3A_70 = tpu.memref_slice %arg6[%add3A_65, %dma_wait3A_69] : memref<162x128xi32, #tpu.memory_space<vmem>> -> memref<1x128xi32, #tpu.memory_space<vmem>>
        %dma_wait3A_71 = tpu.memref_squeeze %dma_wait3A_70 : memref<1x128xi32, #tpu.memory_space<vmem>> -> memref<128xi32, #tpu.memory_space<vmem>>
        %dma_wait3A_72 = arith.constant 0 : i32
        %dma_wait3A_73 = arith.constant 0 : i32
        %dma_wait3A_74 = tpu.memref_slice %arg2[%arg0, %dma_wait3A_72, %dma_wait3A_73] : memref<2x10000x64xf32, #tpu.memory_space<hbm>> -> memref<1x10000x64xf32, #tpu.memory_space<hbm>>
        %dma_wait3A_75 = tpu.memref_squeeze %dma_wait3A_74 : memref<1x10000x64xf32, #tpu.memory_space<hbm>> -> memref<10000x64xf32, #tpu.memory_space<hbm>>
        %dma_wait3A_76 = arith.constant 0 : i32
        %dma_wait3A_77 = arith.constant 0 : i32
        %dma_wait3A_78 = tpu.memref_slice %dma_wait3A_75[%dma_wait3A_76, %dma_wait3A_77] : memref<10000x64xf32, #tpu.memory_space<hbm>> -> memref<10000x64xf32, #tpu.memory_space<hbm>>
        %dma_wait3A_79 = tpu.memref_slice %arg11[%scan3A_63] : memref<3x!tpu.dma_semaphore, #tpu.memory_space<semaphore_mem>> -> memref<1x!tpu.dma_semaphore, #tpu.memory_space<semaphore_mem>>
        %dma_wait3A_80 = tpu.memref_squeeze %dma_wait3A_79 : memref<1x!tpu.dma_semaphore, #tpu.memory_space<semaphore_mem>> -> memref<!tpu.dma_semaphore, #tpu.memory_space<semaphore_mem>>
        tpu.wait_indirect_dma semaphore(%dma_wait3A_80 : memref<!tpu.dma_semaphore, #tpu.memory_space<semaphore_mem>>) src(%dma_wait3A_78 : memref<10000x64xf32, #tpu.memory_space<hbm>>) dst(%dma_wait3A_68 : memref<128x64xf32, #tpu.memory_space<vmem>>)
        %dma_start3A = arith.constant 0 : i32
        %dma_start3A_81 = arith.constant 0 : i32
        %dma_start3A_82 = tpu.memref_slice %arg8[%scan3A_63, %dma_start3A, %dma_start3A_81] : memref<3x128x64xf32, #tpu.memory_space<vmem>> -> memref<1x128x64xf32, #tpu.memory_space<vmem>>
        %dma_start3A_83 = tpu.memref_squeeze %dma_start3A_82 : memref<1x128x64xf32, #tpu.memory_space<vmem>> -> memref<128x64xf32, #tpu.memory_space<vmem>>
        %dma_start3A_84 = arith.constant 0 : i32
        %dma_start3A_85 = tpu.memref_slice %arg7[%add3A_65, %dma_start3A_84] : memref<162x128xi32, #tpu.memory_space<vmem>> -> memref<1x128xi32, #tpu.memory_space<vmem>>
        %dma_start3A_86 = tpu.memref_squeeze %dma_start3A_85 : memref<1x128xi32, #tpu.memory_space<vmem>> -> memref<128xi32, #tpu.memory_space<vmem>>
        %dma_start3A_87 = arith.constant 0 : i32
        %dma_start3A_88 = arith.constant 0 : i32
        %dma_start3A_89 = tpu.memref_slice %arg10[%dma_start3A_87, %dma_start3A_88] : memref<10240x64xf32, #tpu.memory_space<vmem_shared>> -> memref<10240x64xf32, #tpu.memory_space<vmem_shared>>
        %dma_start3A_90 = tpu.memref_slice %arg12[%scan3A_63] : memref<3x!tpu.dma_semaphore, #tpu.memory_space<semaphore_mem>> -> memref<1x!tpu.dma_semaphore, #tpu.memory_space<semaphore_mem>>
        %dma_start3A_91 = tpu.memref_squeeze %dma_start3A_90 : memref<1x!tpu.dma_semaphore, #tpu.memory_space<semaphore_mem>> -> memref<!tpu.dma_semaphore, #tpu.memory_space<semaphore_mem>>
        tpu.enqueue_indirect_dma source(%dma_start3A_83 : memref<128x64xf32, #tpu.memory_space<vmem>>) target(%dma_start3A_89 : memref<10240x64xf32, #tpu.memory_space<vmem_shared>>) offsets(%dma_start3A_86 : memref<128xi32, #tpu.memory_space<vmem>>) semaphore(%dma_start3A_91 : memref<!tpu.dma_semaphore, #tpu.memory_space<semaphore_mem>>) {add = true}
        %scan3A_92 = arith.constant 0 : i32
        scf.yield %scan3A_92 : i32
      }
      %scan3A_54 = arith.constant 3 : i32
      %scan3A_55 = arith.constant 0 : i32
      %scan3A_56 = arith.constant 0 : i32
      %scan3A_57 = arith.constant 3 : i32
      %scan3A_58 = arith.addi %scan3A_56, %scan3A_57 : i32
      %scan3A_59 = arith.constant 1 : i32
      %scan3A_60 = scf.for %scan3A_63 = %scan3A_56 to %scan3A_58 step %scan3A_59 iter_args(%scan3A_64 = %scan3A_55) -> (i32)  : i32 {
        %add3A_65 = arith.addi %mul3A_47, %scan3A_63 : i32
        %dma_wait3A = arith.constant 0 : i32
        %dma_wait3A_66 = arith.constant 0 : i32
        %dma_wait3A_67 = tpu.memref_slice %arg8[%scan3A_63, %dma_wait3A, %dma_wait3A_66] : memref<3x128x64xf32, #tpu.memory_space<vmem>> -> memref<1x128x64xf32, #tpu.memory_space<vmem>>
        %dma_wait3A_68 = tpu.memref_squeeze %dma_wait3A_67 : memref<1x128x64xf32, #tpu.memory_space<vmem>> -> memref<128x64xf32, #tpu.memory_space<vmem>>
        %dma_wait3A_69 = arith.constant 0 : i32
        %dma_wait3A_70 = tpu.memref_slice %arg7[%add3A_65, %dma_wait3A_69] : memref<162x128xi32, #tpu.memory_space<vmem>> -> memref<1x128xi32, #tpu.memory_space<vmem>>
        %dma_wait3A_71 = tpu.memref_squeeze %dma_wait3A_70 : memref<1x128xi32, #tpu.memory_space<vmem>> -> memref<128xi32, #tpu.memory_space<vmem>>
        %dma_wait3A_72 = arith.constant 0 : i32
        %dma_wait3A_73 = arith.constant 0 : i32
        %dma_wait3A_74 = tpu.memref_slice %arg10[%dma_wait3A_72, %dma_wait3A_73] : memref<10240x64xf32, #tpu.memory_space<vmem_shared>> -> memref<10240x64xf32, #tpu.memory_space<vmem_shared>>
        %dma_wait3A_75 = tpu.memref_slice %arg12[%scan3A_63] : memref<3x!tpu.dma_semaphore, #tpu.memory_space<semaphore_mem>> -> memref<1x!tpu.dma_semaphore, #tpu.memory_space<semaphore_mem>>
        %dma_wait3A_76 = tpu.memref_squeeze %dma_wait3A_75 : memref<1x!tpu.dma_semaphore, #tpu.memory_space<semaphore_mem>> -> memref<!tpu.dma_semaphore, #tpu.memory_space<semaphore_mem>>
        tpu.wait_indirect_dma semaphore(%dma_wait3A_76 : memref<!tpu.dma_semaphore, #tpu.memory_space<semaphore_mem>>) src(%dma_wait3A_68 : memref<128x64xf32, #tpu.memory_space<vmem>>) dst(%dma_wait3A_74 : memref<10240x64xf32, #tpu.memory_space<vmem_shared>>)
        %add3A_77 = arith.constant 3 : i32
        %add3A_78 = arith.addi %add3A_65, %add3A_77 : i32
        %lt3A = arith.constant 162 : i32
        %lt3A_79 = arith.cmpi slt, %add3A_78, %lt3A : i32
        %convert_element_type3A = arith.extui %lt3A_79 : i1 to i32
        %cond3A = arith.constant 0 : i32
        %cond3A_80 = arith.cmpi ne, %convert_element_type3A, %cond3A : i32
        scf.if %cond3A_80 {
          %dma_start3A = arith.constant 0 : i32
          %dma_start3A_82 = arith.constant 0 : i32
          %dma_start3A_83 = tpu.memref_slice %arg8[%scan3A_63, %dma_start3A, %dma_start3A_82] : memref<3x128x64xf32, #tpu.memory_space<vmem>> -> memref<1x128x64xf32, #tpu.memory_space<vmem>>
          %dma_start3A_84 = tpu.memref_squeeze %dma_start3A_83 : memref<1x128x64xf32, #tpu.memory_space<vmem>> -> memref<128x64xf32, #tpu.memory_space<vmem>>
          %dma_start3A_85 = arith.constant 0 : i32
          %dma_start3A_86 = tpu.memref_slice %arg6[%add3A_78, %dma_start3A_85] : memref<162x128xi32, #tpu.memory_space<vmem>> -> memref<1x128xi32, #tpu.memory_space<vmem>>
          %dma_start3A_87 = tpu.memref_squeeze %dma_start3A_86 : memref<1x128xi32, #tpu.memory_space<vmem>> -> memref<128xi32, #tpu.memory_space<vmem>>
          %dma_start3A_88 = arith.constant 0 : i32
          %dma_start3A_89 = arith.constant 0 : i32
          %dma_start3A_90 = tpu.memref_slice %arg2[%arg0, %dma_start3A_88, %dma_start3A_89] : memref<2x10000x64xf32, #tpu.memory_space<hbm>> -> memref<1x10000x64xf32, #tpu.memory_space<hbm>>
          %dma_start3A_91 = tpu.memref_squeeze %dma_start3A_90 : memref<1x10000x64xf32, #tpu.memory_space<hbm>> -> memref<10000x64xf32, #tpu.memory_space<hbm>>
          %dma_start3A_92 = arith.constant 0 : i32
          %dma_start3A_93 = arith.constant 0 : i32
          %dma_start3A_94 = tpu.memref_slice %dma_start3A_91[%dma_start3A_92, %dma_start3A_93] : memref<10000x64xf32, #tpu.memory_space<hbm>> -> memref<10000x64xf32, #tpu.memory_space<hbm>>
          %dma_start3A_95 = tpu.memref_slice %arg11[%scan3A_63] : memref<3x!tpu.dma_semaphore, #tpu.memory_space<semaphore_mem>> -> memref<1x!tpu.dma_semaphore, #tpu.memory_space<semaphore_mem>>
          %dma_start3A_96 = tpu.memref_squeeze %dma_start3A_95 : memref<1x!tpu.dma_semaphore, #tpu.memory_space<semaphore_mem>> -> memref<!tpu.dma_semaphore, #tpu.memory_space<semaphore_mem>>
          tpu.enqueue_indirect_dma source(%dma_start3A_94 : memref<10000x64xf32, #tpu.memory_space<hbm>>) target(%dma_start3A_84 : memref<128x64xf32, #tpu.memory_space<vmem>>) offsets(%dma_start3A_87 : memref<128xi32, #tpu.memory_space<vmem>>) semaphore(%dma_start3A_96 : memref<!tpu.dma_semaphore, #tpu.memory_space<semaphore_mem>>)
        } else {
        }
        %scan3A_81 = arith.constant 0 : i32
        scf.yield %scan3A_81 : i32
      }
      %scan3A_61 = arith.constant 3 : i32
      %scan3A_62 = arith.constant 0 : i32
      scf.yield %scan3A_62 : i32
    }
    %scan3A_38 = arith.constant 54 : i32
    %barrier3A_39 = arith.constant 0 : index
    tpu.barrier barrier_id(%barrier3A_39)
    %mul3A_40 = arith.constant 640 : i32
    %mul3A_41 = arith.muli %arg1, %mul3A_40 : i32
    %mul3A_42 = arith.constant 640 : i32
    %mul3A_43 = arith.muli %arg1, %mul3A_42 : i32
    "tpu.region"() ({
      %run_scoped3A = tpu.sem_alloc : memref<!tpu.dma_semaphore, #tpu.memory_space<semaphore_mem>>
      %dma_start3A = arith.constant 0 : i32
      %dma_start3A_44 = tpu.memref_slice %arg5[%arg0, %mul3A_43, %dma_start3A] : memref<2x10240x64xf32, #tpu.memory_space<hbm>> -> memref<1x640x64xf32, #tpu.memory_space<hbm>>
      %dma_start3A_45 = tpu.memref_squeeze %dma_start3A_44 : memref<1x640x64xf32, #tpu.memory_space<hbm>> -> memref<640x64xf32, #tpu.memory_space<hbm>>
      %dma_start3A_46 = arith.constant 0 : i32
      %dma_start3A_47 = tpu.memref_slice %arg10[%mul3A_41, %dma_start3A_46] : memref<10240x64xf32, #tpu.memory_space<vmem_shared>> -> memref<640x64xf32, #tpu.memory_space<vmem_shared>>
      tpu.enqueue_dma source(%dma_start3A_47 : memref<640x64xf32, #tpu.memory_space<vmem_shared>>) target(%dma_start3A_45 : memref<640x64xf32, #tpu.memory_space<hbm>>) target_semaphore(%run_scoped3A : memref<!tpu.dma_semaphore, #tpu.memory_space<semaphore_mem>>)
      %dma_wait3A = arith.constant 0 : i32
      %dma_wait3A_48 = tpu.memref_slice %arg5[%arg0, %mul3A_43, %dma_wait3A] : memref<2x10240x64xf32, #tpu.memory_space<hbm>> -> memref<1x640x64xf32, #tpu.memory_space<hbm>>
      %dma_wait3A_49 = tpu.memref_squeeze %dma_wait3A_48 : memref<1x640x64xf32, #tpu.memory_space<hbm>> -> memref<640x64xf32, #tpu.memory_space<hbm>>
      %dma_wait3A_50 = arith.constant 0 : i32
      %dma_wait3A_51 = tpu.memref_slice %arg10[%mul3A_41, %dma_wait3A_50] : memref<10240x64xf32, #tpu.memory_space<vmem_shared>> -> memref<640x64xf32, #tpu.memory_space<vmem_shared>>
      tpu.wait_dma2 semaphore(%run_scoped3A : memref<!tpu.dma_semaphore, #tpu.memory_space<semaphore_mem>>) src(%dma_wait3A_51 : memref<640x64xf32, #tpu.memory_space<vmem_shared>>) dst(%dma_wait3A_49 : memref<640x64xf32, #tpu.memory_space<hbm>>)
      tpu.yield
    }) : () -> ()
    return
  }
}

#map = affine_map<(d0, d1) -> (0, 0, 0)>
module attributes {stable_mosaic.version = 14 : i64} {
  func.func @_agg_body(%arg0: i32, %arg1: i32, %arg2: memref<2x10000x64xf32, #tpu.memory_space<hbm>>, %arg3: memref<16x162x128xi32, #tpu.memory_space<hbm>>, %arg4: memref<16x162x128xi32, #tpu.memory_space<hbm>>, %arg5: memref<2x10240x64xf32, #tpu.memory_space<hbm>>, %arg6: memref<162x128xi32, #tpu.memory_space<vmem>>, %arg7: memref<162x128xi32, #tpu.memory_space<vmem>>, %arg8: memref<3x128x64xf32, #tpu.memory_space<vmem>>, %arg9: memref<128x64xf32, #tpu.memory_space<vmem>>, %arg10: memref<10240x64xf32, #tpu.memory_space<vmem_shared>>, %arg11: memref<3x!tpu.dma_semaphore, #tpu.memory_space<semaphore_mem>>, %arg12: memref<3x!tpu.dma_semaphore, #tpu.memory_space<semaphore_mem>>) attributes {dimension_semantics = [#tpu.dimension_semantics<core_parallel>, #tpu.dimension_semantics<subcore_parallel>], iteration_bounds = array<i64: 2, 16>, scalar_prefetch = 0 : i64, scratch_operands = 7 : i64, tpu.core_type = #tpu.core_type<sc_vector_subcore>, window_params = [{transform_indices = #map}, {transform_indices = #map}, {transform_indices = #map}, {transform_indices = #map}]} {
    "tpu.region"() ({
      %run_scoped3A = tpu.sem_alloc : memref<!tpu.dma_semaphore, #tpu.memory_space<semaphore_mem>>
      %dma_start3A = arith.constant 0 : i32
      %dma_start3A_44 = arith.constant 0 : i32
      %dma_start3A_45 = tpu.memref_slice %arg3[%arg1, %dma_start3A, %dma_start3A_44] : memref<16x162x128xi32, #tpu.memory_space<hbm>> -> memref<1x162x128xi32, #tpu.memory_space<hbm>>
      %dma_start3A_46 = tpu.memref_squeeze %dma_start3A_45 : memref<1x162x128xi32, #tpu.memory_space<hbm>> -> memref<162x128xi32, #tpu.memory_space<hbm>>
      %dma_start3A_47 = arith.constant 0 : i32
      %dma_start3A_48 = arith.constant 0 : i32
      %dma_start3A_49 = tpu.memref_slice %arg3[%arg1, %dma_start3A_47, %dma_start3A_48] : memref<16x162x128xi32, #tpu.memory_space<hbm>> -> memref<1x162x128xi32, #tpu.memory_space<hbm>>
      %dma_start3A_50 = tpu.memref_squeeze %dma_start3A_49 : memref<1x162x128xi32, #tpu.memory_space<hbm>> -> memref<162x128xi32, #tpu.memory_space<hbm>>
      tpu.enqueue_dma source(%dma_start3A_50 : memref<162x128xi32, #tpu.memory_space<hbm>>) target(%arg6 : memref<162x128xi32, #tpu.memory_space<vmem>>) target_semaphore(%run_scoped3A : memref<!tpu.dma_semaphore, #tpu.memory_space<semaphore_mem>>)
      %dma_wait3A = arith.constant 0 : i32
      %dma_wait3A_51 = arith.constant 0 : i32
      %dma_wait3A_52 = tpu.memref_slice %arg3[%arg1, %dma_wait3A, %dma_wait3A_51] : memref<16x162x128xi32, #tpu.memory_space<hbm>> -> memref<1x162x128xi32, #tpu.memory_space<hbm>>
      %dma_wait3A_53 = tpu.memref_squeeze %dma_wait3A_52 : memref<1x162x128xi32, #tpu.memory_space<hbm>> -> memref<162x128xi32, #tpu.memory_space<hbm>>
      %dma_wait3A_54 = arith.constant 0 : i32
      %dma_wait3A_55 = arith.constant 0 : i32
      %dma_wait3A_56 = tpu.memref_slice %arg3[%arg1, %dma_wait3A_54, %dma_wait3A_55] : memref<16x162x128xi32, #tpu.memory_space<hbm>> -> memref<1x162x128xi32, #tpu.memory_space<hbm>>
      %dma_wait3A_57 = tpu.memref_squeeze %dma_wait3A_56 : memref<1x162x128xi32, #tpu.memory_space<hbm>> -> memref<162x128xi32, #tpu.memory_space<hbm>>
      tpu.wait_dma2 semaphore(%run_scoped3A : memref<!tpu.dma_semaphore, #tpu.memory_space<semaphore_mem>>) src(%dma_wait3A_57 : memref<162x128xi32, #tpu.memory_space<hbm>>) dst(%arg6 : memref<162x128xi32, #tpu.memory_space<vmem>>)
      tpu.yield
    }) : () -> ()
    "tpu.region"() ({
      %run_scoped3A = tpu.sem_alloc : memref<!tpu.dma_semaphore, #tpu.memory_space<semaphore_mem>>
      %dma_start3A = arith.constant 0 : i32
      %dma_start3A_44 = arith.constant 0 : i32
      %dma_start3A_45 = tpu.memref_slice %arg4[%arg1, %dma_start3A, %dma_start3A_44] : memref<16x162x128xi32, #tpu.memory_space<hbm>> -> memref<1x162x128xi32, #tpu.memory_space<hbm>>
      %dma_start3A_46 = tpu.memref_squeeze %dma_start3A_45 : memref<1x162x128xi32, #tpu.memory_space<hbm>> -> memref<162x128xi32, #tpu.memory_space<hbm>>
      %dma_start3A_47 = arith.constant 0 : i32
      %dma_start3A_48 = arith.constant 0 : i32
      %dma_start3A_49 = tpu.memref_slice %arg4[%arg1, %dma_start3A_47, %dma_start3A_48] : memref<16x162x128xi32, #tpu.memory_space<hbm>> -> memref<1x162x128xi32, #tpu.memory_space<hbm>>
      %dma_start3A_50 = tpu.memref_squeeze %dma_start3A_49 : memref<1x162x128xi32, #tpu.memory_space<hbm>> -> memref<162x128xi32, #tpu.memory_space<hbm>>
      tpu.enqueue_dma source(%dma_start3A_50 : memref<162x128xi32, #tpu.memory_space<hbm>>) target(%arg7 : memref<162x128xi32, #tpu.memory_space<vmem>>) target_semaphore(%run_scoped3A : memref<!tpu.dma_semaphore, #tpu.memory_space<semaphore_mem>>)
      %dma_wait3A = arith.constant 0 : i32
      %dma_wait3A_51 = arith.constant 0 : i32
      %dma_wait3A_52 = tpu.memref_slice %arg4[%arg1, %dma_wait3A, %dma_wait3A_51] : memref<16x162x128xi32, #tpu.memory_space<hbm>> -> memref<1x162x128xi32, #tpu.memory_space<hbm>>
      %dma_wait3A_53 = tpu.memref_squeeze %dma_wait3A_52 : memref<1x162x128xi32, #tpu.memory_space<hbm>> -> memref<162x128xi32, #tpu.memory_space<hbm>>
      %dma_wait3A_54 = arith.constant 0 : i32
      %dma_wait3A_55 = arith.constant 0 : i32
      %dma_wait3A_56 = tpu.memref_slice %arg4[%arg1, %dma_wait3A_54, %dma_wait3A_55] : memref<16x162x128xi32, #tpu.memory_space<hbm>> -> memref<1x162x128xi32, #tpu.memory_space<hbm>>
      %dma_wait3A_57 = tpu.memref_squeeze %dma_wait3A_56 : memref<1x162x128xi32, #tpu.memory_space<hbm>> -> memref<162x128xi32, #tpu.memory_space<hbm>>
      tpu.wait_dma2 semaphore(%run_scoped3A : memref<!tpu.dma_semaphore, #tpu.memory_space<semaphore_mem>>) src(%dma_wait3A_57 : memref<162x128xi32, #tpu.memory_space<hbm>>) dst(%arg7 : memref<162x128xi32, #tpu.memory_space<vmem>>)
      tpu.yield
    }) : () -> ()
    %broadcast_in_dim3A = arith.constant 0.000000e+00 : f32
    %broadcast_in_dim3A_0 = vector.broadcast %broadcast_in_dim3A : f32 to vector<16xf32>
    %scan3A = arith.constant 0 : i32
    %scan3A_1 = arith.constant 0 : i32
    %scan3A_2 = arith.constant 128 : i32
    %scan3A_3 = arith.addi %scan3A_1, %scan3A_2 : i32
    %scan3A_4 = arith.constant 1 : i32
    %scan3A_5 = scf.for %scan3A_44 = %scan3A_1 to %scan3A_3 step %scan3A_4 iter_args(%scan3A_45 = %scan3A) -> (i32)  : i32 {
      %swap3A = arith.index_cast %scan3A_44 : i32 to index
      %swap3A_46 = arith.constant 0 : index
      %swap3A_47 = tpu.vector_load %arg9[%swap3A, %swap3A_46] {strides = array<i32>} : memref<128x64xf32, #tpu.memory_space<vmem>>, vector<1x16xf32>,
      %swap3A_48 = vector.shape_cast %swap3A_47 : vector<1x16xf32> to vector<16xf32>
      %swap3A_49 = vector.shape_cast %broadcast_in_dim3A_0 : vector<16xf32> to vector<1x16xf32>
      tpu.vector_store %arg9[%swap3A, %swap3A_46], %swap3A_49 {strides = array<i32>} : memref<128x64xf32, #tpu.memory_space<vmem>>, vector<1x16xf32>,
      %swap3A_50 = arith.index_cast %scan3A_44 : i32 to index
      %swap3A_51 = arith.constant 16 : index
      %swap3A_52 = tpu.vector_load %arg9[%swap3A_50, %swap3A_51] {strides = array<i32>} : memref<128x64xf32, #tpu.memory_space<vmem>>, vector<1x16xf32>,
      %swap3A_53 = vector.shape_cast %swap3A_52 : vector<1x16xf32> to vector<16xf32>
      %swap3A_54 = vector.shape_cast %broadcast_in_dim3A_0 : vector<16xf32> to vector<1x16xf32>
      tpu.vector_store %arg9[%swap3A_50, %swap3A_51], %swap3A_54 {strides = array<i32>} : memref<128x64xf32, #tpu.memory_space<vmem>>, vector<1x16xf32>,
      %swap3A_55 = arith.index_cast %scan3A_44 : i32 to index
      %swap3A_56 = arith.constant 32 : index
      %swap3A_57 = tpu.vector_load %arg9[%swap3A_55, %swap3A_56] {strides = array<i32>} : memref<128x64xf32, #tpu.memory_space<vmem>>, vector<1x16xf32>,
      %swap3A_58 = vector.shape_cast %swap3A_57 : vector<1x16xf32> to vector<16xf32>
      %swap3A_59 = vector.shape_cast %broadcast_in_dim3A_0 : vector<16xf32> to vector<1x16xf32>
      tpu.vector_store %arg9[%swap3A_55, %swap3A_56], %swap3A_59 {strides = array<i32>} : memref<128x64xf32, #tpu.memory_space<vmem>>, vector<1x16xf32>,
      %swap3A_60 = arith.index_cast %scan3A_44 : i32 to index
      %swap3A_61 = arith.constant 48 : index
      %swap3A_62 = tpu.vector_load %arg9[%swap3A_60, %swap3A_61] {strides = array<i32>} : memref<128x64xf32, #tpu.memory_space<vmem>>, vector<1x16xf32>,
      %swap3A_63 = vector.shape_cast %swap3A_62 : vector<1x16xf32> to vector<16xf32>
      %swap3A_64 = vector.shape_cast %broadcast_in_dim3A_0 : vector<16xf32> to vector<1x16xf32>
      tpu.vector_store %arg9[%swap3A_60, %swap3A_61], %swap3A_64 {strides = array<i32>} : memref<128x64xf32, #tpu.memory_space<vmem>>, vector<1x16xf32>,
      %scan3A_65 = arith.constant 0 : i32
      scf.yield %scan3A_65 : i32
    }
    %scan3A_6 = arith.constant 128 : i32
    %mul3A = arith.constant 640 : i32
    %mul3A_7 = arith.muli %arg1, %mul3A : i32
    %add3A = arith.constant 0 : i32
    %add3A_8 = arith.addi %mul3A_7, %add3A : i32
    "tpu.region"() ({
      %run_scoped3A = tpu.sem_alloc : memref<!tpu.dma_semaphore, #tpu.memory_space<semaphore_mem>>
      %dma_start3A = arith.constant 0 : i32
      %dma_start3A_44 = tpu.memref_slice %arg10[%add3A_8, %dma_start3A] : memref<10240x64xf32, #tpu.memory_space<vmem_shared>> -> memref<128x64xf32, #tpu.memory_space<vmem_shared>>
      %dma_start3A_45 = arith.constant 0 : i32
      %dma_start3A_46 = tpu.memref_slice %arg10[%add3A_8, %dma_start3A_45] : memref<10240x64xf32, #tpu.memory_space<vmem_shared>> -> memref<128x64xf32, #tpu.memory_space<vmem_shared>>
      tpu.enqueue_dma source(%arg9 : memref<128x64xf32, #tpu.memory_space<vmem>>) target(%dma_start3A_46 : memref<128x64xf32, #tpu.memory_space<vmem_shared>>) target_semaphore(%run_scoped3A : memref<!tpu.dma_semaphore, #tpu.memory_space<semaphore_mem>>)
      %dma_wait3A = arith.constant 0 : i32
      %dma_wait3A_47 = tpu.memref_slice %arg10[%add3A_8, %dma_wait3A] : memref<10240x64xf32, #tpu.memory_space<vmem_shared>> -> memref<128x64xf32, #tpu.memory_space<vmem_shared>>
      %dma_wait3A_48 = arith.constant 0 : i32
      %dma_wait3A_49 = tpu.memref_slice %arg10[%add3A_8, %dma_wait3A_48] : memref<10240x64xf32, #tpu.memory_space<vmem_shared>> -> memref<128x64xf32, #tpu.memory_space<vmem_shared>>
      tpu.wait_dma2 semaphore(%run_scoped3A : memref<!tpu.dma_semaphore, #tpu.memory_space<semaphore_mem>>) src(%arg9 : memref<128x64xf32, #tpu.memory_space<vmem>>) dst(%dma_wait3A_49 : memref<128x64xf32, #tpu.memory_space<vmem_shared>>)
      tpu.yield
    }) : () -> ()
    %mul3A_9 = arith.constant 640 : i32
    %mul3A_10 = arith.muli %arg1, %mul3A_9 : i32
    %add3A_11 = arith.constant 128 : i32
    %add3A_12 = arith.addi %mul3A_10, %add3A_11 : i32
    "tpu.region"() ({
      %run_scoped3A = tpu.sem_alloc : memref<!tpu.dma_semaphore, #tpu.memory_space<semaphore_mem>>
      %dma_start3A = arith.constant 0 : i32
      %dma_start3A_44 = tpu.memref_slice %arg10[%add3A_12, %dma_start3A] : memref<10240x64xf32, #tpu.memory_space<vmem_shared>> -> memref<128x64xf32, #tpu.memory_space<vmem_shared>>
      %dma_start3A_45 = arith.constant 0 : i32
      %dma_start3A_46 = tpu.memref_slice %arg10[%add3A_12, %dma_start3A_45] : memref<10240x64xf32, #tpu.memory_space<vmem_shared>> -> memref<128x64xf32, #tpu.memory_space<vmem_shared>>
      tpu.enqueue_dma source(%arg9 : memref<128x64xf32, #tpu.memory_space<vmem>>) target(%dma_start3A_46 : memref<128x64xf32, #tpu.memory_space<vmem_shared>>) target_semaphore(%run_scoped3A : memref<!tpu.dma_semaphore, #tpu.memory_space<semaphore_mem>>)
      %dma_wait3A = arith.constant 0 : i32
      %dma_wait3A_47 = tpu.memref_slice %arg10[%add3A_12, %dma_wait3A] : memref<10240x64xf32, #tpu.memory_space<vmem_shared>> -> memref<128x64xf32, #tpu.memory_space<vmem_shared>>
      %dma_wait3A_48 = arith.constant 0 : i32
      %dma_wait3A_49 = tpu.memref_slice %arg10[%add3A_12, %dma_wait3A_48] : memref<10240x64xf32, #tpu.memory_space<vmem_shared>> -> memref<128x64xf32, #tpu.memory_space<vmem_shared>>
      tpu.wait_dma2 semaphore(%run_scoped3A : memref<!tpu.dma_semaphore, #tpu.memory_space<semaphore_mem>>) src(%arg9 : memref<128x64xf32, #tpu.memory_space<vmem>>) dst(%dma_wait3A_49 : memref<128x64xf32, #tpu.memory_space<vmem_shared>>)
      tpu.yield
    }) : () -> ()
    %mul3A_13 = arith.constant 640 : i32
    %mul3A_14 = arith.muli %arg1, %mul3A_13 : i32
    %add3A_15 = arith.constant 256 : i32
    %add3A_16 = arith.addi %mul3A_14, %add3A_15 : i32
    "tpu.region"() ({
      %run_scoped3A = tpu.sem_alloc : memref<!tpu.dma_semaphore, #tpu.memory_space<semaphore_mem>>
      %dma_start3A = arith.constant 0 : i32
      %dma_start3A_44 = tpu.memref_slice %arg10[%add3A_16, %dma_start3A] : memref<10240x64xf32, #tpu.memory_space<vmem_shared>> -> memref<128x64xf32, #tpu.memory_space<vmem_shared>>
      %dma_start3A_45 = arith.constant 0 : i32
      %dma_start3A_46 = tpu.memref_slice %arg10[%add3A_16, %dma_start3A_45] : memref<10240x64xf32, #tpu.memory_space<vmem_shared>> -> memref<128x64xf32, #tpu.memory_space<vmem_shared>>
      tpu.enqueue_dma source(%arg9 : memref<128x64xf32, #tpu.memory_space<vmem>>) target(%dma_start3A_46 : memref<128x64xf32, #tpu.memory_space<vmem_shared>>) target_semaphore(%run_scoped3A : memref<!tpu.dma_semaphore, #tpu.memory_space<semaphore_mem>>)
      %dma_wait3A = arith.constant 0 : i32
      %dma_wait3A_47 = tpu.memref_slice %arg10[%add3A_16, %dma_wait3A] : memref<10240x64xf32, #tpu.memory_space<vmem_shared>> -> memref<128x64xf32, #tpu.memory_space<vmem_shared>>
      %dma_wait3A_48 = arith.constant 0 : i32
      %dma_wait3A_49 = tpu.memref_slice %arg10[%add3A_16, %dma_wait3A_48] : memref<10240x64xf32, #tpu.memory_space<vmem_shared>> -> memref<128x64xf32, #tpu.memory_space<vmem_shared>>
      tpu.wait_dma2 semaphore(%run_scoped3A : memref<!tpu.dma_semaphore, #tpu.memory_space<semaphore_mem>>) src(%arg9 : memref<128x64xf32, #tpu.memory_space<vmem>>) dst(%dma_wait3A_49 : memref<128x64xf32, #tpu.memory_space<vmem_shared>>)
      tpu.yield
    }) : () -> ()
    %mul3A_17 = arith.constant 640 : i32
    %mul3A_18 = arith.muli %arg1, %mul3A_17 : i32
    %add3A_19 = arith.constant 384 : i32
    %add3A_20 = arith.addi %mul3A_18, %add3A_19 : i32
    "tpu.region"() ({
      %run_scoped3A = tpu.sem_alloc : memref<!tpu.dma_semaphore, #tpu.memory_space<semaphore_mem>>
      %dma_start3A = arith.constant 0 : i32
      %dma_start3A_44 = tpu.memref_slice %arg10[%add3A_20, %dma_start3A] : memref<10240x64xf32, #tpu.memory_space<vmem_shared>> -> memref<128x64xf32, #tpu.memory_space<vmem_shared>>
      %dma_start3A_45 = arith.constant 0 : i32
      %dma_start3A_46 = tpu.memref_slice %arg10[%add3A_20, %dma_start3A_45] : memref<10240x64xf32, #tpu.memory_space<vmem_shared>> -> memref<128x64xf32, #tpu.memory_space<vmem_shared>>
      tpu.enqueue_dma source(%arg9 : memref<128x64xf32, #tpu.memory_space<vmem>>) target(%dma_start3A_46 : memref<128x64xf32, #tpu.memory_space<vmem_shared>>) target_semaphore(%run_scoped3A : memref<!tpu.dma_semaphore, #tpu.memory_space<semaphore_mem>>)
      %dma_wait3A = arith.constant 0 : i32
      %dma_wait3A_47 = tpu.memref_slice %arg10[%add3A_20, %dma_wait3A] : memref<10240x64xf32, #tpu.memory_space<vmem_shared>> -> memref<128x64xf32, #tpu.memory_space<vmem_shared>>
      %dma_wait3A_48 = arith.constant 0 : i32
      %dma_wait3A_49 = tpu.memref_slice %arg10[%add3A_20, %dma_wait3A_48] : memref<10240x64xf32, #tpu.memory_space<vmem_shared>> -> memref<128x64xf32, #tpu.memory_space<vmem_shared>>
      tpu.wait_dma2 semaphore(%run_scoped3A : memref<!tpu.dma_semaphore, #tpu.memory_space<semaphore_mem>>) src(%arg9 : memref<128x64xf32, #tpu.memory_space<vmem>>) dst(%dma_wait3A_49 : memref<128x64xf32, #tpu.memory_space<vmem_shared>>)
      tpu.yield
    }) : () -> ()
    %mul3A_21 = arith.constant 640 : i32
    %mul3A_22 = arith.muli %arg1, %mul3A_21 : i32
    %add3A_23 = arith.constant 512 : i32
    %add3A_24 = arith.addi %mul3A_22, %add3A_23 : i32
    "tpu.region"() ({
      %run_scoped3A = tpu.sem_alloc : memref<!tpu.dma_semaphore, #tpu.memory_space<semaphore_mem>>
      %dma_start3A = arith.constant 0 : i32
      %dma_start3A_44 = tpu.memref_slice %arg10[%add3A_24, %dma_start3A] : memref<10240x64xf32, #tpu.memory_space<vmem_shared>> -> memref<128x64xf32, #tpu.memory_space<vmem_shared>>
      %dma_start3A_45 = arith.constant 0 : i32
      %dma_start3A_46 = tpu.memref_slice %arg10[%add3A_24, %dma_start3A_45] : memref<10240x64xf32, #tpu.memory_space<vmem_shared>> -> memref<128x64xf32, #tpu.memory_space<vmem_shared>>
      tpu.enqueue_dma source(%arg9 : memref<128x64xf32, #tpu.memory_space<vmem>>) target(%dma_start3A_46 : memref<128x64xf32, #tpu.memory_space<vmem_shared>>) target_semaphore(%run_scoped3A : memref<!tpu.dma_semaphore, #tpu.memory_space<semaphore_mem>>)
      %dma_wait3A = arith.constant 0 : i32
      %dma_wait3A_47 = tpu.memref_slice %arg10[%add3A_24, %dma_wait3A] : memref<10240x64xf32, #tpu.memory_space<vmem_shared>> -> memref<128x64xf32, #tpu.memory_space<vmem_shared>>
      %dma_wait3A_48 = arith.constant 0 : i32
      %dma_wait3A_49 = tpu.memref_slice %arg10[%add3A_24, %dma_wait3A_48] : memref<10240x64xf32, #tpu.memory_space<vmem_shared>> -> memref<128x64xf32, #tpu.memory_space<vmem_shared>>
      tpu.wait_dma2 semaphore(%run_scoped3A : memref<!tpu.dma_semaphore, #tpu.memory_space<semaphore_mem>>) src(%arg9 : memref<128x64xf32, #tpu.memory_space<vmem>>) dst(%dma_wait3A_49 : memref<128x64xf32, #tpu.memory_space<vmem_shared>>)
      tpu.yield
    }) : () -> ()
    %barrier3A = arith.constant 0 : index
    tpu.barrier barrier_id(%barrier3A)
    %scan3A_25 = arith.constant 0 : i32
    %scan3A_26 = arith.constant 0 : i32
    %scan3A_27 = arith.constant 3 : i32
    %scan3A_28 = arith.addi %scan3A_26, %scan3A_27 : i32
    %scan3A_29 = arith.constant 1 : i32
    %scan3A_30 = scf.for %scan3A_44 = %scan3A_26 to %scan3A_28 step %scan3A_29 iter_args(%scan3A_45 = %scan3A_25) -> (i32)  : i32 {
      %dma_start3A = arith.constant 0 : i32
      %dma_start3A_46 = arith.constant 0 : i32
      %dma_start3A_47 = tpu.memref_slice %arg8[%scan3A_44, %dma_start3A, %dma_start3A_46] : memref<3x128x64xf32, #tpu.memory_space<vmem>> -> memref<1x128x64xf32, #tpu.memory_space<vmem>>
      %dma_start3A_48 = tpu.memref_squeeze %dma_start3A_47 : memref<1x128x64xf32, #tpu.memory_space<vmem>> -> memref<128x64xf32, #tpu.memory_space<vmem>>
      %dma_start3A_49 = arith.constant 0 : i32
      %dma_start3A_50 = tpu.memref_slice %arg6[%scan3A_44, %dma_start3A_49] : memref<162x128xi32, #tpu.memory_space<vmem>> -> memref<1x128xi32, #tpu.memory_space<vmem>>
      %dma_start3A_51 = tpu.memref_squeeze %dma_start3A_50 : memref<1x128xi32, #tpu.memory_space<vmem>> -> memref<128xi32, #tpu.memory_space<vmem>>
      %dma_start3A_52 = arith.constant 0 : i32
      %dma_start3A_53 = arith.constant 0 : i32
      %dma_start3A_54 = tpu.memref_slice %arg2[%arg0, %dma_start3A_52, %dma_start3A_53] : memref<2x10000x64xf32, #tpu.memory_space<hbm>> -> memref<1x10000x64xf32, #tpu.memory_space<hbm>>
      %dma_start3A_55 = tpu.memref_squeeze %dma_start3A_54 : memref<1x10000x64xf32, #tpu.memory_space<hbm>> -> memref<10000x64xf32, #tpu.memory_space<hbm>>
      %dma_start3A_56 = arith.constant 0 : i32
      %dma_start3A_57 = arith.constant 0 : i32
      %dma_start3A_58 = tpu.memref_slice %dma_start3A_55[%dma_start3A_56, %dma_start3A_57] : memref<10000x64xf32, #tpu.memory_space<hbm>> -> memref<10000x64xf32, #tpu.memory_space<hbm>>
      %dma_start3A_59 = tpu.memref_slice %arg11[%scan3A_44] : memref<3x!tpu.dma_semaphore, #tpu.memory_space<semaphore_mem>> -> memref<1x!tpu.dma_semaphore, #tpu.memory_space<semaphore_mem>>
      %dma_start3A_60 = tpu.memref_squeeze %dma_start3A_59 : memref<1x!tpu.dma_semaphore, #tpu.memory_space<semaphore_mem>> -> memref<!tpu.dma_semaphore, #tpu.memory_space<semaphore_mem>>
      tpu.enqueue_indirect_dma source(%dma_start3A_58 : memref<10000x64xf32, #tpu.memory_space<hbm>>) target(%dma_start3A_48 : memref<128x64xf32, #tpu.memory_space<vmem>>) offsets(%dma_start3A_51 : memref<128xi32, #tpu.memory_space<vmem>>) semaphore(%dma_start3A_60 : memref<!tpu.dma_semaphore, #tpu.memory_space<semaphore_mem>>)
      %scan3A_61 = arith.constant 0 : i32
      scf.yield %scan3A_61 : i32
    }
    %scan3A_31 = arith.constant 3 : i32
    %scan3A_32 = arith.constant 0 : i32
    %scan3A_33 = arith.constant 0 : i32
    %scan3A_34 = arith.constant 54 : i32
    %scan3A_35 = arith.addi %scan3A_33, %scan3A_34 : i32
    %scan3A_36 = arith.constant 1 : i32
    %scan3A_37 = scf.for %scan3A_44 = %scan3A_33 to %scan3A_35 step %scan3A_36 iter_args(%scan3A_45 = %scan3A_32) -> (i32)  : i32 {
      %mul3A_46 = arith.constant 3 : i32
      %mul3A_47 = arith.muli %scan3A_44, %mul3A_46 : i32
      %scan3A_48 = arith.constant 0 : i32
      %scan3A_49 = arith.constant 0 : i32
      %scan3A_50 = arith.constant 3 : i32
      %scan3A_51 = arith.addi %scan3A_49, %scan3A_50 : i32
      %scan3A_52 = arith.constant 1 : i32
      %scan3A_53 = scf.for %scan3A_63 = %scan3A_49 to %scan3A_51 step %scan3A_52 iter_args(%scan3A_64 = %scan3A_48) -> (i32)  : i32 {
        %add3A_65 = arith.addi %mul3A_47, %scan3A_63 : i32
        %dma_wait3A = arith.constant 0 : i32
        %dma_wait3A_66 = arith.constant 0 : i32
        %dma_wait3A_67 = tpu.memref_slice %arg8[%scan3A_63, %dma_wait3A, %dma_wait3A_66] : memref<3x128x64xf32, #tpu.memory_space<vmem>> -> memref<1x128x64xf32, #tpu.memory_space<vmem>>
        %dma_wait3A_68 = tpu.memref_squeeze %dma_wait3A_67 : memref<1x128x64xf32, #tpu.memory_space<vmem>> -> memref<128x64xf32, #tpu.memory_space<vmem>>
        %dma_wait3A_69 = arith.constant 0 : i32
        %dma_wait3A_70 = tpu.memref_slice %arg6[%add3A_65, %dma_wait3A_69] : memref<162x128xi32, #tpu.memory_space<vmem>> -> memref<1x128xi32, #tpu.memory_space<vmem>>
        %dma_wait3A_71 = tpu.memref_squeeze %dma_wait3A_70 : memref<1x128xi32, #tpu.memory_space<vmem>> -> memref<128xi32, #tpu.memory_space<vmem>>
        %dma_wait3A_72 = arith.constant 0 : i32
        %dma_wait3A_73 = arith.constant 0 : i32
        %dma_wait3A_74 = tpu.memref_slice %arg2[%arg0, %dma_wait3A_72, %dma_wait3A_73] : memref<2x10000x64xf32, #tpu.memory_space<hbm>> -> memref<1x10000x64xf32, #tpu.memory_space<hbm>>
        %dma_wait3A_75 = tpu.memref_squeeze %dma_wait3A_74 : memref<1x10000x64xf32, #tpu.memory_space<hbm>> -> memref<10000x64xf32, #tpu.memory_space<hbm>>
        %dma_wait3A_76 = arith.constant 0 : i32
        %dma_wait3A_77 = arith.constant 0 : i32
        %dma_wait3A_78 = tpu.memref_slice %dma_wait3A_75[%dma_wait3A_76, %dma_wait3A_77] : memref<10000x64xf32, #tpu.memory_space<hbm>> -> memref<10000x64xf32, #tpu.memory_space<hbm>>
        %dma_wait3A_79 = tpu.memref_slice %arg11[%scan3A_63] : memref<3x!tpu.dma_semaphore, #tpu.memory_space<semaphore_mem>> -> memref<1x!tpu.dma_semaphore, #tpu.memory_space<semaphore_mem>>
        %dma_wait3A_80 = tpu.memref_squeeze %dma_wait3A_79 : memref<1x!tpu.dma_semaphore, #tpu.memory_space<semaphore_mem>> -> memref<!tpu.dma_semaphore, #tpu.memory_space<semaphore_mem>>
        tpu.wait_indirect_dma semaphore(%dma_wait3A_80 : memref<!tpu.dma_semaphore, #tpu.memory_space<semaphore_mem>>) src(%dma_wait3A_78 : memref<10000x64xf32, #tpu.memory_space<hbm>>) dst(%dma_wait3A_68 : memref<128x64xf32, #tpu.memory_space<vmem>>)
        %dma_start3A = arith.constant 0 : i32
        %dma_start3A_81 = arith.constant 0 : i32
        %dma_start3A_82 = tpu.memref_slice %arg8[%scan3A_63, %dma_start3A, %dma_start3A_81] : memref<3x128x64xf32, #tpu.memory_space<vmem>> -> memref<1x128x64xf32, #tpu.memory_space<vmem>>
        %dma_start3A_83 = tpu.memref_squeeze %dma_start3A_82 : memref<1x128x64xf32, #tpu.memory_space<vmem>> -> memref<128x64xf32, #tpu.memory_space<vmem>>
        %dma_start3A_84 = arith.constant 0 : i32
        %dma_start3A_85 = tpu.memref_slice %arg7[%add3A_65, %dma_start3A_84] : memref<162x128xi32, #tpu.memory_space<vmem>> -> memref<1x128xi32, #tpu.memory_space<vmem>>
        %dma_start3A_86 = tpu.memref_squeeze %dma_start3A_85 : memref<1x128xi32, #tpu.memory_space<vmem>> -> memref<128xi32, #tpu.memory_space<vmem>>
        %dma_start3A_87 = arith.constant 0 : i32
        %dma_start3A_88 = arith.constant 0 : i32
        %dma_start3A_89 = tpu.memref_slice %arg10[%dma_start3A_87, %dma_start3A_88] : memref<10240x64xf32, #tpu.memory_space<vmem_shared>> -> memref<10240x64xf32, #tpu.memory_space<vmem_shared>>
        %dma_start3A_90 = tpu.memref_slice %arg12[%scan3A_63] : memref<3x!tpu.dma_semaphore, #tpu.memory_space<semaphore_mem>> -> memref<1x!tpu.dma_semaphore, #tpu.memory_space<semaphore_mem>>
        %dma_start3A_91 = tpu.memref_squeeze %dma_start3A_90 : memref<1x!tpu.dma_semaphore, #tpu.memory_space<semaphore_mem>> -> memref<!tpu.dma_semaphore, #tpu.memory_space<semaphore_mem>>
        tpu.enqueue_indirect_dma source(%dma_start3A_83 : memref<128x64xf32, #tpu.memory_space<vmem>>) target(%dma_start3A_89 : memref<10240x64xf32, #tpu.memory_space<vmem_shared>>) offsets(%dma_start3A_86 : memref<128xi32, #tpu.memory_space<vmem>>) semaphore(%dma_start3A_91 : memref<!tpu.dma_semaphore, #tpu.memory_space<semaphore_mem>>) {add = true}
        %scan3A_92 = arith.constant 0 : i32
        scf.yield %scan3A_92 : i32
      }
      %scan3A_54 = arith.constant 3 : i32
      %scan3A_55 = arith.constant 0 : i32
      %scan3A_56 = arith.constant 0 : i32
      %scan3A_57 = arith.constant 3 : i32
      %scan3A_58 = arith.addi %scan3A_56, %scan3A_57 : i32
      %scan3A_59 = arith.constant 1 : i32
      %scan3A_60 = scf.for %scan3A_63 = %scan3A_56 to %scan3A_58 step %scan3A_59 iter_args(%scan3A_64 = %scan3A_55) -> (i32)  : i32 {
        %add3A_65 = arith.addi %mul3A_47, %scan3A_63 : i32
        %dma_wait3A = arith.constant 0 : i32
        %dma_wait3A_66 = arith.constant 0 : i32
        %dma_wait3A_67 = tpu.memref_slice %arg8[%scan3A_63, %dma_wait3A, %dma_wait3A_66] : memref<3x128x64xf32, #tpu.memory_space<vmem>> -> memref<1x128x64xf32, #tpu.memory_space<vmem>>
        %dma_wait3A_68 = tpu.memref_squeeze %dma_wait3A_67 : memref<1x128x64xf32, #tpu.memory_space<vmem>> -> memref<128x64xf32, #tpu.memory_space<vmem>>
        %dma_wait3A_69 = arith.constant 0 : i32
        %dma_wait3A_70 = tpu.memref_slice %arg7[%add3A_65, %dma_wait3A_69] : memref<162x128xi32, #tpu.memory_space<vmem>> -> memref<1x128xi32, #tpu.memory_space<vmem>>
        %dma_wait3A_71 = tpu.memref_squeeze %dma_wait3A_70 : memref<1x128xi32, #tpu.memory_space<vmem>> -> memref<128xi32, #tpu.memory_space<vmem>>
        %dma_wait3A_72 = arith.constant 0 : i32
        %dma_wait3A_73 = arith.constant 0 : i32
        %dma_wait3A_74 = tpu.memref_slice %arg10[%dma_wait3A_72, %dma_wait3A_73] : memref<10240x64xf32, #tpu.memory_space<vmem_shared>> -> memref<10240x64xf32, #tpu.memory_space<vmem_shared>>
        %dma_wait3A_75 = tpu.memref_slice %arg12[%scan3A_63] : memref<3x!tpu.dma_semaphore, #tpu.memory_space<semaphore_mem>> -> memref<1x!tpu.dma_semaphore, #tpu.memory_space<semaphore_mem>>
        %dma_wait3A_76 = tpu.memref_squeeze %dma_wait3A_75 : memref<1x!tpu.dma_semaphore, #tpu.memory_space<semaphore_mem>> -> memref<!tpu.dma_semaphore, #tpu.memory_space<semaphore_mem>>
        tpu.wait_indirect_dma semaphore(%dma_wait3A_76 : memref<!tpu.dma_semaphore, #tpu.memory_space<semaphore_mem>>) src(%dma_wait3A_68 : memref<128x64xf32, #tpu.memory_space<vmem>>) dst(%dma_wait3A_74 : memref<10240x64xf32, #tpu.memory_space<vmem_shared>>)
        %add3A_77 = arith.constant 3 : i32
        %add3A_78 = arith.addi %add3A_65, %add3A_77 : i32
        %lt3A = arith.constant 162 : i32
        %lt3A_79 = arith.cmpi slt, %add3A_78, %lt3A : i32
        %convert_element_type3A = arith.extui %lt3A_79 : i1 to i32
        %cond3A = arith.constant 0 : i32
        %cond3A_80 = arith.cmpi ne, %convert_element_type3A, %cond3A : i32
        scf.if %cond3A_80 {
          %dma_start3A = arith.constant 0 : i32
          %dma_start3A_82 = arith.constant 0 : i32
          %dma_start3A_83 = tpu.memref_slice %arg8[%scan3A_63, %dma_start3A, %dma_start3A_82] : memref<3x128x64xf32, #tpu.memory_space<vmem>> -> memref<1x128x64xf32, #tpu.memory_space<vmem>>
          %dma_start3A_84 = tpu.memref_squeeze %dma_start3A_83 : memref<1x128x64xf32, #tpu.memory_space<vmem>> -> memref<128x64xf32, #tpu.memory_space<vmem>>
          %dma_start3A_85 = arith.constant 0 : i32
          %dma_start3A_86 = tpu.memref_slice %arg6[%add3A_78, %dma_start3A_85] : memref<162x128xi32, #tpu.memory_space<vmem>> -> memref<1x128xi32, #tpu.memory_space<vmem>>
          %dma_start3A_87 = tpu.memref_squeeze %dma_start3A_86 : memref<1x128xi32, #tpu.memory_space<vmem>> -> memref<128xi32, #tpu.memory_space<vmem>>
          %dma_start3A_88 = arith.constant 0 : i32
          %dma_start3A_89 = arith.constant 0 : i32
          %dma_start3A_90 = tpu.memref_slice %arg2[%arg0, %dma_start3A_88, %dma_start3A_89] : memref<2x10000x64xf32, #tpu.memory_space<hbm>> -> memref<1x10000x64xf32, #tpu.memory_space<hbm>>
          %dma_start3A_91 = tpu.memref_squeeze %dma_start3A_90 : memref<1x10000x64xf32, #tpu.memory_space<hbm>> -> memref<10000x64xf32, #tpu.memory_space<hbm>>
          %dma_start3A_92 = arith.constant 0 : i32
          %dma_start3A_93 = arith.constant 0 : i32
          %dma_start3A_94 = tpu.memref_slice %dma_start3A_91[%dma_start3A_92, %dma_start3A_93] : memref<10000x64xf32, #tpu.memory_space<hbm>> -> memref<10000x64xf32, #tpu.memory_space<hbm>>
          %dma_start3A_95 = tpu.memref_slice %arg11[%scan3A_63] : memref<3x!tpu.dma_semaphore, #tpu.memory_space<semaphore_mem>> -> memref<1x!tpu.dma_semaphore, #tpu.memory_space<semaphore_mem>>
          %dma_start3A_96 = tpu.memref_squeeze %dma_start3A_95 : memref<1x!tpu.dma_semaphore, #tpu.memory_space<semaphore_mem>> -> memref<!tpu.dma_semaphore, #tpu.memory_space<semaphore_mem>>
          tpu.enqueue_indirect_dma source(%dma_start3A_94 : memref<10000x64xf32, #tpu.memory_space<hbm>>) target(%dma_start3A_84 : memref<128x64xf32, #tpu.memory_space<vmem>>) offsets(%dma_start3A_87 : memref<128xi32, #tpu.memory_space<vmem>>) semaphore(%dma_start3A_96 : memref<!tpu.dma_semaphore, #tpu.memory_space<semaphore_mem>>)
        } else {
        }
        %scan3A_81 = arith.constant 0 : i32
        scf.yield %scan3A_81 : i32
      }
      %scan3A_61 = arith.constant 3 : i32
      %scan3A_62 = arith.constant 0 : i32
      scf.yield %scan3A_62 : i32
    }
    %scan3A_38 = arith.constant 54 : i32
    %barrier3A_39 = arith.constant 0 : index
    tpu.barrier barrier_id(%barrier3A_39)
    %mul3A_40 = arith.constant 640 : i32
    %mul3A_41 = arith.muli %arg1, %mul3A_40 : i32
    %mul3A_42 = arith.constant 640 : i32
    %mul3A_43 = arith.muli %arg1, %mul3A_42 : i32
    "tpu.region"() ({
      %run_scoped3A = tpu.sem_alloc : memref<!tpu.dma_semaphore, #tpu.memory_space<semaphore_mem>>
      %dma_start3A = arith.constant 0 : i32
      %dma_start3A_44 = tpu.memref_slice %arg5[%arg0, %mul3A_43, %dma_start3A] : memref<2x10240x64xf32, #tpu.memory_space<hbm>> -> memref<1x640x64xf32, #tpu.memory_space<hbm>>
      %dma_start3A_45 = tpu.memref_squeeze %dma_start3A_44 : memref<1x640x64xf32, #tpu.memory_space<hbm>> -> memref<640x64xf32, #tpu.memory_space<hbm>>
      %dma_start3A_46 = arith.constant 0 : i32
      %dma_start3A_47 = tpu.memref_slice %arg10[%mul3A_41, %dma_start3A_46] : memref<10240x64xf32, #tpu.memory_space<vmem_shared>> -> memref<640x64xf32, #tpu.memory_space<vmem_shared>>
      tpu.enqueue_dma source(%dma_start3A_47 : memref<640x64xf32, #tpu.memory_space<vmem_shared>>) target(%dma_start3A_45 : memref<640x64xf32, #tpu.memory_space<hbm>>) target_semaphore(%run_scoped3A : memref<!tpu.dma_semaphore, #tpu.memory_space<semaphore_mem>>)
      %dma_wait3A = arith.constant 0 : i32
      %dma_wait3A_48 = tpu.memref_slice %arg5[%arg0, %mul3A_43, %dma_wait3A] : memref<2x10240x64xf32, #tpu.memory_space<hbm>> -> memref<1x640x64xf32, #tpu.memory_space<hbm>>
      %dma_wait3A_49 = tpu.memref_squeeze %dma_wait3A_48 : memref<1x640x64xf32, #tpu.memory_space<hbm>> -> memref<640x64xf32, #tpu.memory_space<hbm>>
      %dma_wait3A_50 = arith.constant 0 : i32
      %dma_wait3A_51 = tpu.memref_slice %arg10[%mul3A_41, %dma_wait3A_50] : memref<10240x64xf32, #tpu.memory_space<vmem_shared>> -> memref<640x64xf32, #tpu.memory_space<vmem_shared>>
      tpu.wait_dma2 semaphore(%run_scoped3A : memref<!tpu.dma_semaphore, #tpu.memory_space<semaphore_mem>>) src(%dma_wait3A_51 : memref<640x64xf32, #tpu.memory_space<vmem_shared>>) dst(%dma_wait3A_49 : memref<640x64xf32, #tpu.memory_space<hbm>>)
      tpu.yield
    }) : () -> ()
    return
  }
}

#map = affine_map<(d0, d1) -> (0, 0, 0)>
module attributes {stable_mosaic.version = 14 : i64} {
  func.func @_agg_body(%arg0: i32, %arg1: i32, %arg2: memref<2x10000x64xf32, #tpu.memory_space<hbm>>, %arg3: memref<16x162x128xi32, #tpu.memory_space<hbm>>, %arg4: memref<16x162x128xi32, #tpu.memory_space<hbm>>, %arg5: memref<2x10240x64xf32, #tpu.memory_space<hbm>>, %arg6: memref<162x128xi32, #tpu.memory_space<vmem>>, %arg7: memref<162x128xi32, #tpu.memory_space<vmem>>, %arg8: memref<3x128x64xf32, #tpu.memory_space<vmem>>, %arg9: memref<128x64xf32, #tpu.memory_space<vmem>>, %arg10: memref<10240x64xf32, #tpu.memory_space<vmem_shared>>, %arg11: memref<3x!tpu.dma_semaphore, #tpu.memory_space<semaphore_mem>>, %arg12: memref<3x!tpu.dma_semaphore, #tpu.memory_space<semaphore_mem>>) attributes {dimension_semantics = [#tpu.dimension_semantics<core_parallel>, #tpu.dimension_semantics<subcore_parallel>], iteration_bounds = array<i64: 2, 16>, scalar_prefetch = 0 : i64, scratch_operands = 7 : i64, tpu.core_type = #tpu.core_type<sc_vector_subcore>, window_params = [{transform_indices = #map}, {transform_indices = #map}, {transform_indices = #map}, {transform_indices = #map}]} {
    "tpu.region"() ({
      %run_scoped3A = tpu.sem_alloc : memref<!tpu.dma_semaphore, #tpu.memory_space<semaphore_mem>>
      %dma_start3A = arith.constant 0 : i32
      %dma_start3A_44 = arith.constant 0 : i32
      %dma_start3A_45 = tpu.memref_slice %arg3[%arg1, %dma_start3A, %dma_start3A_44] : memref<16x162x128xi32, #tpu.memory_space<hbm>> -> memref<1x162x128xi32, #tpu.memory_space<hbm>>
      %dma_start3A_46 = tpu.memref_squeeze %dma_start3A_45 : memref<1x162x128xi32, #tpu.memory_space<hbm>> -> memref<162x128xi32, #tpu.memory_space<hbm>>
      %dma_start3A_47 = arith.constant 0 : i32
      %dma_start3A_48 = arith.constant 0 : i32
      %dma_start3A_49 = tpu.memref_slice %arg3[%arg1, %dma_start3A_47, %dma_start3A_48] : memref<16x162x128xi32, #tpu.memory_space<hbm>> -> memref<1x162x128xi32, #tpu.memory_space<hbm>>
      %dma_start3A_50 = tpu.memref_squeeze %dma_start3A_49 : memref<1x162x128xi32, #tpu.memory_space<hbm>> -> memref<162x128xi32, #tpu.memory_space<hbm>>
      tpu.enqueue_dma source(%dma_start3A_50 : memref<162x128xi32, #tpu.memory_space<hbm>>) target(%arg6 : memref<162x128xi32, #tpu.memory_space<vmem>>) target_semaphore(%run_scoped3A : memref<!tpu.dma_semaphore, #tpu.memory_space<semaphore_mem>>)
      %dma_wait3A = arith.constant 0 : i32
      %dma_wait3A_51 = arith.constant 0 : i32
      %dma_wait3A_52 = tpu.memref_slice %arg3[%arg1, %dma_wait3A, %dma_wait3A_51] : memref<16x162x128xi32, #tpu.memory_space<hbm>> -> memref<1x162x128xi32, #tpu.memory_space<hbm>>
      %dma_wait3A_53 = tpu.memref_squeeze %dma_wait3A_52 : memref<1x162x128xi32, #tpu.memory_space<hbm>> -> memref<162x128xi32, #tpu.memory_space<hbm>>
      %dma_wait3A_54 = arith.constant 0 : i32
      %dma_wait3A_55 = arith.constant 0 : i32
      %dma_wait3A_56 = tpu.memref_slice %arg3[%arg1, %dma_wait3A_54, %dma_wait3A_55] : memref<16x162x128xi32, #tpu.memory_space<hbm>> -> memref<1x162x128xi32, #tpu.memory_space<hbm>>
      %dma_wait3A_57 = tpu.memref_squeeze %dma_wait3A_56 : memref<1x162x128xi32, #tpu.memory_space<hbm>> -> memref<162x128xi32, #tpu.memory_space<hbm>>
      tpu.wait_dma2 semaphore(%run_scoped3A : memref<!tpu.dma_semaphore, #tpu.memory_space<semaphore_mem>>) src(%dma_wait3A_57 : memref<162x128xi32, #tpu.memory_space<hbm>>) dst(%arg6 : memref<162x128xi32, #tpu.memory_space<vmem>>)
      tpu.yield
    }) : () -> ()
    "tpu.region"() ({
      %run_scoped3A = tpu.sem_alloc : memref<!tpu.dma_semaphore, #tpu.memory_space<semaphore_mem>>
      %dma_start3A = arith.constant 0 : i32
      %dma_start3A_44 = arith.constant 0 : i32
      %dma_start3A_45 = tpu.memref_slice %arg4[%arg1, %dma_start3A, %dma_start3A_44] : memref<16x162x128xi32, #tpu.memory_space<hbm>> -> memref<1x162x128xi32, #tpu.memory_space<hbm>>
      %dma_start3A_46 = tpu.memref_squeeze %dma_start3A_45 : memref<1x162x128xi32, #tpu.memory_space<hbm>> -> memref<162x128xi32, #tpu.memory_space<hbm>>
      %dma_start3A_47 = arith.constant 0 : i32
      %dma_start3A_48 = arith.constant 0 : i32
      %dma_start3A_49 = tpu.memref_slice %arg4[%arg1, %dma_start3A_47, %dma_start3A_48] : memref<16x162x128xi32, #tpu.memory_space<hbm>> -> memref<1x162x128xi32, #tpu.memory_space<hbm>>
      %dma_start3A_50 = tpu.memref_squeeze %dma_start3A_49 : memref<1x162x128xi32, #tpu.memory_space<hbm>> -> memref<162x128xi32, #tpu.memory_space<hbm>>
      tpu.enqueue_dma source(%dma_start3A_50 : memref<162x128xi32, #tpu.memory_space<hbm>>) target(%arg7 : memref<162x128xi32, #tpu.memory_space<vmem>>) target_semaphore(%run_scoped3A : memref<!tpu.dma_semaphore, #tpu.memory_space<semaphore_mem>>)
      %dma_wait3A = arith.constant 0 : i32
      %dma_wait3A_51 = arith.constant 0 : i32
      %dma_wait3A_52 = tpu.memref_slice %arg4[%arg1, %dma_wait3A, %dma_wait3A_51] : memref<16x162x128xi32, #tpu.memory_space<hbm>> -> memref<1x162x128xi32, #tpu.memory_space<hbm>>
      %dma_wait3A_53 = tpu.memref_squeeze %dma_wait3A_52 : memref<1x162x128xi32, #tpu.memory_space<hbm>> -> memref<162x128xi32, #tpu.memory_space<hbm>>
      %dma_wait3A_54 = arith.constant 0 : i32
      %dma_wait3A_55 = arith.constant 0 : i32
      %dma_wait3A_56 = tpu.memref_slice %arg4[%arg1, %dma_wait3A_54, %dma_wait3A_55] : memref<16x162x128xi32, #tpu.memory_space<hbm>> -> memref<1x162x128xi32, #tpu.memory_space<hbm>>
      %dma_wait3A_57 = tpu.memref_squeeze %dma_wait3A_56 : memref<1x162x128xi32, #tpu.memory_space<hbm>> -> memref<162x128xi32, #tpu.memory_space<hbm>>
      tpu.wait_dma2 semaphore(%run_scoped3A : memref<!tpu.dma_semaphore, #tpu.memory_space<semaphore_mem>>) src(%dma_wait3A_57 : memref<162x128xi32, #tpu.memory_space<hbm>>) dst(%arg7 : memref<162x128xi32, #tpu.memory_space<vmem>>)
      tpu.yield
    }) : () -> ()
    %broadcast_in_dim3A = arith.constant 0.000000e+00 : f32
    %broadcast_in_dim3A_0 = vector.broadcast %broadcast_in_dim3A : f32 to vector<16xf32>
    %scan3A = arith.constant 0 : i32
    %scan3A_1 = arith.constant 0 : i32
    %scan3A_2 = arith.constant 128 : i32
    %scan3A_3 = arith.addi %scan3A_1, %scan3A_2 : i32
    %scan3A_4 = arith.constant 1 : i32
    %scan3A_5 = scf.for %scan3A_44 = %scan3A_1 to %scan3A_3 step %scan3A_4 iter_args(%scan3A_45 = %scan3A) -> (i32)  : i32 {
      %swap3A = arith.index_cast %scan3A_44 : i32 to index
      %swap3A_46 = arith.constant 0 : index
      %swap3A_47 = tpu.vector_load %arg9[%swap3A, %swap3A_46] {strides = array<i32>} : memref<128x64xf32, #tpu.memory_space<vmem>>, vector<1x16xf32>,
      %swap3A_48 = vector.shape_cast %swap3A_47 : vector<1x16xf32> to vector<16xf32>
      %swap3A_49 = vector.shape_cast %broadcast_in_dim3A_0 : vector<16xf32> to vector<1x16xf32>
      tpu.vector_store %arg9[%swap3A, %swap3A_46], %swap3A_49 {strides = array<i32>} : memref<128x64xf32, #tpu.memory_space<vmem>>, vector<1x16xf32>,
      %swap3A_50 = arith.index_cast %scan3A_44 : i32 to index
      %swap3A_51 = arith.constant 16 : index
      %swap3A_52 = tpu.vector_load %arg9[%swap3A_50, %swap3A_51] {strides = array<i32>} : memref<128x64xf32, #tpu.memory_space<vmem>>, vector<1x16xf32>,
      %swap3A_53 = vector.shape_cast %swap3A_52 : vector<1x16xf32> to vector<16xf32>
      %swap3A_54 = vector.shape_cast %broadcast_in_dim3A_0 : vector<16xf32> to vector<1x16xf32>
      tpu.vector_store %arg9[%swap3A_50, %swap3A_51], %swap3A_54 {strides = array<i32>} : memref<128x64xf32, #tpu.memory_space<vmem>>, vector<1x16xf32>,
      %swap3A_55 = arith.index_cast %scan3A_44 : i32 to index
      %swap3A_56 = arith.constant 32 : index
      %swap3A_57 = tpu.vector_load %arg9[%swap3A_55, %swap3A_56] {strides = array<i32>} : memref<128x64xf32, #tpu.memory_space<vmem>>, vector<1x16xf32>,
      %swap3A_58 = vector.shape_cast %swap3A_57 : vector<1x16xf32> to vector<16xf32>
      %swap3A_59 = vector.shape_cast %broadcast_in_dim3A_0 : vector<16xf32> to vector<1x16xf32>
      tpu.vector_store %arg9[%swap3A_55, %swap3A_56], %swap3A_59 {strides = array<i32>} : memref<128x64xf32, #tpu.memory_space<vmem>>, vector<1x16xf32>,
      %swap3A_60 = arith.index_cast %scan3A_44 : i32 to index
      %swap3A_61 = arith.constant 48 : index
      %swap3A_62 = tpu.vector_load %arg9[%swap3A_60, %swap3A_61] {strides = array<i32>} : memref<128x64xf32, #tpu.memory_space<vmem>>, vector<1x16xf32>,
      %swap3A_63 = vector.shape_cast %swap3A_62 : vector<1x16xf32> to vector<16xf32>
      %swap3A_64 = vector.shape_cast %broadcast_in_dim3A_0 : vector<16xf32> to vector<1x16xf32>
      tpu.vector_store %arg9[%swap3A_60, %swap3A_61], %swap3A_64 {strides = array<i32>} : memref<128x64xf32, #tpu.memory_space<vmem>>, vector<1x16xf32>,
      %scan3A_65 = arith.constant 0 : i32
      scf.yield %scan3A_65 : i32
    }
    %scan3A_6 = arith.constant 128 : i32
    %mul3A = arith.constant 640 : i32
    %mul3A_7 = arith.muli %arg1, %mul3A : i32
    %add3A = arith.constant 0 : i32
    %add3A_8 = arith.addi %mul3A_7, %add3A : i32
    "tpu.region"() ({
      %run_scoped3A = tpu.sem_alloc : memref<!tpu.dma_semaphore, #tpu.memory_space<semaphore_mem>>
      %dma_start3A = arith.constant 0 : i32
      %dma_start3A_44 = tpu.memref_slice %arg10[%add3A_8, %dma_start3A] : memref<10240x64xf32, #tpu.memory_space<vmem_shared>> -> memref<128x64xf32, #tpu.memory_space<vmem_shared>>
      %dma_start3A_45 = arith.constant 0 : i32
      %dma_start3A_46 = tpu.memref_slice %arg10[%add3A_8, %dma_start3A_45] : memref<10240x64xf32, #tpu.memory_space<vmem_shared>> -> memref<128x64xf32, #tpu.memory_space<vmem_shared>>
      tpu.enqueue_dma source(%arg9 : memref<128x64xf32, #tpu.memory_space<vmem>>) target(%dma_start3A_46 : memref<128x64xf32, #tpu.memory_space<vmem_shared>>) target_semaphore(%run_scoped3A : memref<!tpu.dma_semaphore, #tpu.memory_space<semaphore_mem>>)
      %dma_wait3A = arith.constant 0 : i32
      %dma_wait3A_47 = tpu.memref_slice %arg10[%add3A_8, %dma_wait3A] : memref<10240x64xf32, #tpu.memory_space<vmem_shared>> -> memref<128x64xf32, #tpu.memory_space<vmem_shared>>
      %dma_wait3A_48 = arith.constant 0 : i32
      %dma_wait3A_49 = tpu.memref_slice %arg10[%add3A_8, %dma_wait3A_48] : memref<10240x64xf32, #tpu.memory_space<vmem_shared>> -> memref<128x64xf32, #tpu.memory_space<vmem_shared>>
      tpu.wait_dma2 semaphore(%run_scoped3A : memref<!tpu.dma_semaphore, #tpu.memory_space<semaphore_mem>>) src(%arg9 : memref<128x64xf32, #tpu.memory_space<vmem>>) dst(%dma_wait3A_49 : memref<128x64xf32, #tpu.memory_space<vmem_shared>>)
      tpu.yield
    }) : () -> ()
    %mul3A_9 = arith.constant 640 : i32
    %mul3A_10 = arith.muli %arg1, %mul3A_9 : i32
    %add3A_11 = arith.constant 128 : i32
    %add3A_12 = arith.addi %mul3A_10, %add3A_11 : i32
    "tpu.region"() ({
      %run_scoped3A = tpu.sem_alloc : memref<!tpu.dma_semaphore, #tpu.memory_space<semaphore_mem>>
      %dma_start3A = arith.constant 0 : i32
      %dma_start3A_44 = tpu.memref_slice %arg10[%add3A_12, %dma_start3A] : memref<10240x64xf32, #tpu.memory_space<vmem_shared>> -> memref<128x64xf32, #tpu.memory_space<vmem_shared>>
      %dma_start3A_45 = arith.constant 0 : i32
      %dma_start3A_46 = tpu.memref_slice %arg10[%add3A_12, %dma_start3A_45] : memref<10240x64xf32, #tpu.memory_space<vmem_shared>> -> memref<128x64xf32, #tpu.memory_space<vmem_shared>>
      tpu.enqueue_dma source(%arg9 : memref<128x64xf32, #tpu.memory_space<vmem>>) target(%dma_start3A_46 : memref<128x64xf32, #tpu.memory_space<vmem_shared>>) target_semaphore(%run_scoped3A : memref<!tpu.dma_semaphore, #tpu.memory_space<semaphore_mem>>)
      %dma_wait3A = arith.constant 0 : i32
      %dma_wait3A_47 = tpu.memref_slice %arg10[%add3A_12, %dma_wait3A] : memref<10240x64xf32, #tpu.memory_space<vmem_shared>> -> memref<128x64xf32, #tpu.memory_space<vmem_shared>>
      %dma_wait3A_48 = arith.constant 0 : i32
      %dma_wait3A_49 = tpu.memref_slice %arg10[%add3A_12, %dma_wait3A_48] : memref<10240x64xf32, #tpu.memory_space<vmem_shared>> -> memref<128x64xf32, #tpu.memory_space<vmem_shared>>
      tpu.wait_dma2 semaphore(%run_scoped3A : memref<!tpu.dma_semaphore, #tpu.memory_space<semaphore_mem>>) src(%arg9 : memref<128x64xf32, #tpu.memory_space<vmem>>) dst(%dma_wait3A_49 : memref<128x64xf32, #tpu.memory_space<vmem_shared>>)
      tpu.yield
    }) : () -> ()
    %mul3A_13 = arith.constant 640 : i32
    %mul3A_14 = arith.muli %arg1, %mul3A_13 : i32
    %add3A_15 = arith.constant 256 : i32
    %add3A_16 = arith.addi %mul3A_14, %add3A_15 : i32
    "tpu.region"() ({
      %run_scoped3A = tpu.sem_alloc : memref<!tpu.dma_semaphore, #tpu.memory_space<semaphore_mem>>
      %dma_start3A = arith.constant 0 : i32
      %dma_start3A_44 = tpu.memref_slice %arg10[%add3A_16, %dma_start3A] : memref<10240x64xf32, #tpu.memory_space<vmem_shared>> -> memref<128x64xf32, #tpu.memory_space<vmem_shared>>
      %dma_start3A_45 = arith.constant 0 : i32
      %dma_start3A_46 = tpu.memref_slice %arg10[%add3A_16, %dma_start3A_45] : memref<10240x64xf32, #tpu.memory_space<vmem_shared>> -> memref<128x64xf32, #tpu.memory_space<vmem_shared>>
      tpu.enqueue_dma source(%arg9 : memref<128x64xf32, #tpu.memory_space<vmem>>) target(%dma_start3A_46 : memref<128x64xf32, #tpu.memory_space<vmem_shared>>) target_semaphore(%run_scoped3A : memref<!tpu.dma_semaphore, #tpu.memory_space<semaphore_mem>>)
      %dma_wait3A = arith.constant 0 : i32
      %dma_wait3A_47 = tpu.memref_slice %arg10[%add3A_16, %dma_wait3A] : memref<10240x64xf32, #tpu.memory_space<vmem_shared>> -> memref<128x64xf32, #tpu.memory_space<vmem_shared>>
      %dma_wait3A_48 = arith.constant 0 : i32
      %dma_wait3A_49 = tpu.memref_slice %arg10[%add3A_16, %dma_wait3A_48] : memref<10240x64xf32, #tpu.memory_space<vmem_shared>> -> memref<128x64xf32, #tpu.memory_space<vmem_shared>>
      tpu.wait_dma2 semaphore(%run_scoped3A : memref<!tpu.dma_semaphore, #tpu.memory_space<semaphore_mem>>) src(%arg9 : memref<128x64xf32, #tpu.memory_space<vmem>>) dst(%dma_wait3A_49 : memref<128x64xf32, #tpu.memory_space<vmem_shared>>)
      tpu.yield
    }) : () -> ()
    %mul3A_17 = arith.constant 640 : i32
    %mul3A_18 = arith.muli %arg1, %mul3A_17 : i32
    %add3A_19 = arith.constant 384 : i32
    %add3A_20 = arith.addi %mul3A_18, %add3A_19 : i32
    "tpu.region"() ({
      %run_scoped3A = tpu.sem_alloc : memref<!tpu.dma_semaphore, #tpu.memory_space<semaphore_mem>>
      %dma_start3A = arith.constant 0 : i32
      %dma_start3A_44 = tpu.memref_slice %arg10[%add3A_20, %dma_start3A] : memref<10240x64xf32, #tpu.memory_space<vmem_shared>> -> memref<128x64xf32, #tpu.memory_space<vmem_shared>>
      %dma_start3A_45 = arith.constant 0 : i32
      %dma_start3A_46 = tpu.memref_slice %arg10[%add3A_20, %dma_start3A_45] : memref<10240x64xf32, #tpu.memory_space<vmem_shared>> -> memref<128x64xf32, #tpu.memory_space<vmem_shared>>
      tpu.enqueue_dma source(%arg9 : memref<128x64xf32, #tpu.memory_space<vmem>>) target(%dma_start3A_46 : memref<128x64xf32, #tpu.memory_space<vmem_shared>>) target_semaphore(%run_scoped3A : memref<!tpu.dma_semaphore, #tpu.memory_space<semaphore_mem>>)
      %dma_wait3A = arith.constant 0 : i32
      %dma_wait3A_47 = tpu.memref_slice %arg10[%add3A_20, %dma_wait3A] : memref<10240x64xf32, #tpu.memory_space<vmem_shared>> -> memref<128x64xf32, #tpu.memory_space<vmem_shared>>
      %dma_wait3A_48 = arith.constant 0 : i32
      %dma_wait3A_49 = tpu.memref_slice %arg10[%add3A_20, %dma_wait3A_48] : memref<10240x64xf32, #tpu.memory_space<vmem_shared>> -> memref<128x64xf32, #tpu.memory_space<vmem_shared>>
      tpu.wait_dma2 semaphore(%run_scoped3A : memref<!tpu.dma_semaphore, #tpu.memory_space<semaphore_mem>>) src(%arg9 : memref<128x64xf32, #tpu.memory_space<vmem>>) dst(%dma_wait3A_49 : memref<128x64xf32, #tpu.memory_space<vmem_shared>>)
      tpu.yield
    }) : () -> ()
    %mul3A_21 = arith.constant 640 : i32
    %mul3A_22 = arith.muli %arg1, %mul3A_21 : i32
    %add3A_23 = arith.constant 512 : i32
    %add3A_24 = arith.addi %mul3A_22, %add3A_23 : i32
    "tpu.region"() ({
      %run_scoped3A = tpu.sem_alloc : memref<!tpu.dma_semaphore, #tpu.memory_space<semaphore_mem>>
      %dma_start3A = arith.constant 0 : i32
      %dma_start3A_44 = tpu.memref_slice %arg10[%add3A_24, %dma_start3A] : memref<10240x64xf32, #tpu.memory_space<vmem_shared>> -> memref<128x64xf32, #tpu.memory_space<vmem_shared>>
      %dma_start3A_45 = arith.constant 0 : i32
      %dma_start3A_46 = tpu.memref_slice %arg10[%add3A_24, %dma_start3A_45] : memref<10240x64xf32, #tpu.memory_space<vmem_shared>> -> memref<128x64xf32, #tpu.memory_space<vmem_shared>>
      tpu.enqueue_dma source(%arg9 : memref<128x64xf32, #tpu.memory_space<vmem>>) target(%dma_start3A_46 : memref<128x64xf32, #tpu.memory_space<vmem_shared>>) target_semaphore(%run_scoped3A : memref<!tpu.dma_semaphore, #tpu.memory_space<semaphore_mem>>)
      %dma_wait3A = arith.constant 0 : i32
      %dma_wait3A_47 = tpu.memref_slice %arg10[%add3A_24, %dma_wait3A] : memref<10240x64xf32, #tpu.memory_space<vmem_shared>> -> memref<128x64xf32, #tpu.memory_space<vmem_shared>>
      %dma_wait3A_48 = arith.constant 0 : i32
      %dma_wait3A_49 = tpu.memref_slice %arg10[%add3A_24, %dma_wait3A_48] : memref<10240x64xf32, #tpu.memory_space<vmem_shared>> -> memref<128x64xf32, #tpu.memory_space<vmem_shared>>
      tpu.wait_dma2 semaphore(%run_scoped3A : memref<!tpu.dma_semaphore, #tpu.memory_space<semaphore_mem>>) src(%arg9 : memref<128x64xf32, #tpu.memory_space<vmem>>) dst(%dma_wait3A_49 : memref<128x64xf32, #tpu.memory_space<vmem_shared>>)
      tpu.yield
    }) : () -> ()
    %barrier3A = arith.constant 0 : index
    tpu.barrier barrier_id(%barrier3A)
    %scan3A_25 = arith.constant 0 : i32
    %scan3A_26 = arith.constant 0 : i32
    %scan3A_27 = arith.constant 3 : i32
    %scan3A_28 = arith.addi %scan3A_26, %scan3A_27 : i32
    %scan3A_29 = arith.constant 1 : i32
    %scan3A_30 = scf.for %scan3A_44 = %scan3A_26 to %scan3A_28 step %scan3A_29 iter_args(%scan3A_45 = %scan3A_25) -> (i32)  : i32 {
      %dma_start3A = arith.constant 0 : i32
      %dma_start3A_46 = arith.constant 0 : i32
      %dma_start3A_47 = tpu.memref_slice %arg8[%scan3A_44, %dma_start3A, %dma_start3A_46] : memref<3x128x64xf32, #tpu.memory_space<vmem>> -> memref<1x128x64xf32, #tpu.memory_space<vmem>>
      %dma_start3A_48 = tpu.memref_squeeze %dma_start3A_47 : memref<1x128x64xf32, #tpu.memory_space<vmem>> -> memref<128x64xf32, #tpu.memory_space<vmem>>
      %dma_start3A_49 = arith.constant 0 : i32
      %dma_start3A_50 = tpu.memref_slice %arg6[%scan3A_44, %dma_start3A_49] : memref<162x128xi32, #tpu.memory_space<vmem>> -> memref<1x128xi32, #tpu.memory_space<vmem>>
      %dma_start3A_51 = tpu.memref_squeeze %dma_start3A_50 : memref<1x128xi32, #tpu.memory_space<vmem>> -> memref<128xi32, #tpu.memory_space<vmem>>
      %dma_start3A_52 = arith.constant 0 : i32
      %dma_start3A_53 = arith.constant 0 : i32
      %dma_start3A_54 = tpu.memref_slice %arg2[%arg0, %dma_start3A_52, %dma_start3A_53] : memref<2x10000x64xf32, #tpu.memory_space<hbm>> -> memref<1x10000x64xf32, #tpu.memory_space<hbm>>
      %dma_start3A_55 = tpu.memref_squeeze %dma_start3A_54 : memref<1x10000x64xf32, #tpu.memory_space<hbm>> -> memref<10000x64xf32, #tpu.memory_space<hbm>>
      %dma_start3A_56 = arith.constant 0 : i32
      %dma_start3A_57 = arith.constant 0 : i32
      %dma_start3A_58 = tpu.memref_slice %dma_start3A_55[%dma_start3A_56, %dma_start3A_57] : memref<10000x64xf32, #tpu.memory_space<hbm>> -> memref<10000x64xf32, #tpu.memory_space<hbm>>
      %dma_start3A_59 = tpu.memref_slice %arg11[%scan3A_44] : memref<3x!tpu.dma_semaphore, #tpu.memory_space<semaphore_mem>> -> memref<1x!tpu.dma_semaphore, #tpu.memory_space<semaphore_mem>>
      %dma_start3A_60 = tpu.memref_squeeze %dma_start3A_59 : memref<1x!tpu.dma_semaphore, #tpu.memory_space<semaphore_mem>> -> memref<!tpu.dma_semaphore, #tpu.memory_space<semaphore_mem>>
      tpu.enqueue_indirect_dma source(%dma_start3A_58 : memref<10000x64xf32, #tpu.memory_space<hbm>>) target(%dma_start3A_48 : memref<128x64xf32, #tpu.memory_space<vmem>>) offsets(%dma_start3A_51 : memref<128xi32, #tpu.memory_space<vmem>>) semaphore(%dma_start3A_60 : memref<!tpu.dma_semaphore, #tpu.memory_space<semaphore_mem>>)
      %scan3A_61 = arith.constant 0 : i32
      scf.yield %scan3A_61 : i32
    }
    %scan3A_31 = arith.constant 3 : i32
    %scan3A_32 = arith.constant 0 : i32
    %scan3A_33 = arith.constant 0 : i32
    %scan3A_34 = arith.constant 54 : i32
    %scan3A_35 = arith.addi %scan3A_33, %scan3A_34 : i32
    %scan3A_36 = arith.constant 1 : i32
    %scan3A_37 = scf.for %scan3A_44 = %scan3A_33 to %scan3A_35 step %scan3A_36 iter_args(%scan3A_45 = %scan3A_32) -> (i32)  : i32 {
      %mul3A_46 = arith.constant 3 : i32
      %mul3A_47 = arith.muli %scan3A_44, %mul3A_46 : i32
      %scan3A_48 = arith.constant 0 : i32
      %scan3A_49 = arith.constant 0 : i32
      %scan3A_50 = arith.constant 3 : i32
      %scan3A_51 = arith.addi %scan3A_49, %scan3A_50 : i32
      %scan3A_52 = arith.constant 1 : i32
      %scan3A_53 = scf.for %scan3A_63 = %scan3A_49 to %scan3A_51 step %scan3A_52 iter_args(%scan3A_64 = %scan3A_48) -> (i32)  : i32 {
        %add3A_65 = arith.addi %mul3A_47, %scan3A_63 : i32
        %dma_wait3A = arith.constant 0 : i32
        %dma_wait3A_66 = arith.constant 0 : i32
        %dma_wait3A_67 = tpu.memref_slice %arg8[%scan3A_63, %dma_wait3A, %dma_wait3A_66] : memref<3x128x64xf32, #tpu.memory_space<vmem>> -> memref<1x128x64xf32, #tpu.memory_space<vmem>>
        %dma_wait3A_68 = tpu.memref_squeeze %dma_wait3A_67 : memref<1x128x64xf32, #tpu.memory_space<vmem>> -> memref<128x64xf32, #tpu.memory_space<vmem>>
        %dma_wait3A_69 = arith.constant 0 : i32
        %dma_wait3A_70 = tpu.memref_slice %arg6[%add3A_65, %dma_wait3A_69] : memref<162x128xi32, #tpu.memory_space<vmem>> -> memref<1x128xi32, #tpu.memory_space<vmem>>
        %dma_wait3A_71 = tpu.memref_squeeze %dma_wait3A_70 : memref<1x128xi32, #tpu.memory_space<vmem>> -> memref<128xi32, #tpu.memory_space<vmem>>
        %dma_wait3A_72 = arith.constant 0 : i32
        %dma_wait3A_73 = arith.constant 0 : i32
        %dma_wait3A_74 = tpu.memref_slice %arg2[%arg0, %dma_wait3A_72, %dma_wait3A_73] : memref<2x10000x64xf32, #tpu.memory_space<hbm>> -> memref<1x10000x64xf32, #tpu.memory_space<hbm>>
        %dma_wait3A_75 = tpu.memref_squeeze %dma_wait3A_74 : memref<1x10000x64xf32, #tpu.memory_space<hbm>> -> memref<10000x64xf32, #tpu.memory_space<hbm>>
        %dma_wait3A_76 = arith.constant 0 : i32
        %dma_wait3A_77 = arith.constant 0 : i32
        %dma_wait3A_78 = tpu.memref_slice %dma_wait3A_75[%dma_wait3A_76, %dma_wait3A_77] : memref<10000x64xf32, #tpu.memory_space<hbm>> -> memref<10000x64xf32, #tpu.memory_space<hbm>>
        %dma_wait3A_79 = tpu.memref_slice %arg11[%scan3A_63] : memref<3x!tpu.dma_semaphore, #tpu.memory_space<semaphore_mem>> -> memref<1x!tpu.dma_semaphore, #tpu.memory_space<semaphore_mem>>
        %dma_wait3A_80 = tpu.memref_squeeze %dma_wait3A_79 : memref<1x!tpu.dma_semaphore, #tpu.memory_space<semaphore_mem>> -> memref<!tpu.dma_semaphore, #tpu.memory_space<semaphore_mem>>
        tpu.wait_indirect_dma semaphore(%dma_wait3A_80 : memref<!tpu.dma_semaphore, #tpu.memory_space<semaphore_mem>>) src(%dma_wait3A_78 : memref<10000x64xf32, #tpu.memory_space<hbm>>) dst(%dma_wait3A_68 : memref<128x64xf32, #tpu.memory_space<vmem>>)
        %dma_start3A = arith.constant 0 : i32
        %dma_start3A_81 = arith.constant 0 : i32
        %dma_start3A_82 = tpu.memref_slice %arg8[%scan3A_63, %dma_start3A, %dma_start3A_81] : memref<3x128x64xf32, #tpu.memory_space<vmem>> -> memref<1x128x64xf32, #tpu.memory_space<vmem>>
        %dma_start3A_83 = tpu.memref_squeeze %dma_start3A_82 : memref<1x128x64xf32, #tpu.memory_space<vmem>> -> memref<128x64xf32, #tpu.memory_space<vmem>>
        %dma_start3A_84 = arith.constant 0 : i32
        %dma_start3A_85 = tpu.memref_slice %arg7[%add3A_65, %dma_start3A_84] : memref<162x128xi32, #tpu.memory_space<vmem>> -> memref<1x128xi32, #tpu.memory_space<vmem>>
        %dma_start3A_86 = tpu.memref_squeeze %dma_start3A_85 : memref<1x128xi32, #tpu.memory_space<vmem>> -> memref<128xi32, #tpu.memory_space<vmem>>
        %dma_start3A_87 = arith.constant 0 : i32
        %dma_start3A_88 = arith.constant 0 : i32
        %dma_start3A_89 = tpu.memref_slice %arg10[%dma_start3A_87, %dma_start3A_88] : memref<10240x64xf32, #tpu.memory_space<vmem_shared>> -> memref<10240x64xf32, #tpu.memory_space<vmem_shared>>
        %dma_start3A_90 = tpu.memref_slice %arg12[%scan3A_63] : memref<3x!tpu.dma_semaphore, #tpu.memory_space<semaphore_mem>> -> memref<1x!tpu.dma_semaphore, #tpu.memory_space<semaphore_mem>>
        %dma_start3A_91 = tpu.memref_squeeze %dma_start3A_90 : memref<1x!tpu.dma_semaphore, #tpu.memory_space<semaphore_mem>> -> memref<!tpu.dma_semaphore, #tpu.memory_space<semaphore_mem>>
        tpu.enqueue_indirect_dma source(%dma_start3A_83 : memref<128x64xf32, #tpu.memory_space<vmem>>) target(%dma_start3A_89 : memref<10240x64xf32, #tpu.memory_space<vmem_shared>>) offsets(%dma_start3A_86 : memref<128xi32, #tpu.memory_space<vmem>>) semaphore(%dma_start3A_91 : memref<!tpu.dma_semaphore, #tpu.memory_space<semaphore_mem>>) {add = true}
        %scan3A_92 = arith.constant 0 : i32
        scf.yield %scan3A_92 : i32
      }
      %scan3A_54 = arith.constant 3 : i32
      %scan3A_55 = arith.constant 0 : i32
      %scan3A_56 = arith.constant 0 : i32
      %scan3A_57 = arith.constant 3 : i32
      %scan3A_58 = arith.addi %scan3A_56, %scan3A_57 : i32
      %scan3A_59 = arith.constant 1 : i32
      %scan3A_60 = scf.for %scan3A_63 = %scan3A_56 to %scan3A_58 step %scan3A_59 iter_args(%scan3A_64 = %scan3A_55) -> (i32)  : i32 {
        %add3A_65 = arith.addi %mul3A_47, %scan3A_63 : i32
        %dma_wait3A = arith.constant 0 : i32
        %dma_wait3A_66 = arith.constant 0 : i32
        %dma_wait3A_67 = tpu.memref_slice %arg8[%scan3A_63, %dma_wait3A, %dma_wait3A_66] : memref<3x128x64xf32, #tpu.memory_space<vmem>> -> memref<1x128x64xf32, #tpu.memory_space<vmem>>
        %dma_wait3A_68 = tpu.memref_squeeze %dma_wait3A_67 : memref<1x128x64xf32, #tpu.memory_space<vmem>> -> memref<128x64xf32, #tpu.memory_space<vmem>>
        %dma_wait3A_69 = arith.constant 0 : i32
        %dma_wait3A_70 = tpu.memref_slice %arg7[%add3A_65, %dma_wait3A_69] : memref<162x128xi32, #tpu.memory_space<vmem>> -> memref<1x128xi32, #tpu.memory_space<vmem>>
        %dma_wait3A_71 = tpu.memref_squeeze %dma_wait3A_70 : memref<1x128xi32, #tpu.memory_space<vmem>> -> memref<128xi32, #tpu.memory_space<vmem>>
        %dma_wait3A_72 = arith.constant 0 : i32
        %dma_wait3A_73 = arith.constant 0 : i32
        %dma_wait3A_74 = tpu.memref_slice %arg10[%dma_wait3A_72, %dma_wait3A_73] : memref<10240x64xf32, #tpu.memory_space<vmem_shared>> -> memref<10240x64xf32, #tpu.memory_space<vmem_shared>>
        %dma_wait3A_75 = tpu.memref_slice %arg12[%scan3A_63] : memref<3x!tpu.dma_semaphore, #tpu.memory_space<semaphore_mem>> -> memref<1x!tpu.dma_semaphore, #tpu.memory_space<semaphore_mem>>
        %dma_wait3A_76 = tpu.memref_squeeze %dma_wait3A_75 : memref<1x!tpu.dma_semaphore, #tpu.memory_space<semaphore_mem>> -> memref<!tpu.dma_semaphore, #tpu.memory_space<semaphore_mem>>
        tpu.wait_indirect_dma semaphore(%dma_wait3A_76 : memref<!tpu.dma_semaphore, #tpu.memory_space<semaphore_mem>>) src(%dma_wait3A_68 : memref<128x64xf32, #tpu.memory_space<vmem>>) dst(%dma_wait3A_74 : memref<10240x64xf32, #tpu.memory_space<vmem_shared>>)
        %add3A_77 = arith.constant 3 : i32
        %add3A_78 = arith.addi %add3A_65, %add3A_77 : i32
        %lt3A = arith.constant 162 : i32
        %lt3A_79 = arith.cmpi slt, %add3A_78, %lt3A : i32
        %convert_element_type3A = arith.extui %lt3A_79 : i1 to i32
        %cond3A = arith.constant 0 : i32
        %cond3A_80 = arith.cmpi ne, %convert_element_type3A, %cond3A : i32
        scf.if %cond3A_80 {
          %dma_start3A = arith.constant 0 : i32
          %dma_start3A_82 = arith.constant 0 : i32
          %dma_start3A_83 = tpu.memref_slice %arg8[%scan3A_63, %dma_start3A, %dma_start3A_82] : memref<3x128x64xf32, #tpu.memory_space<vmem>> -> memref<1x128x64xf32, #tpu.memory_space<vmem>>
          %dma_start3A_84 = tpu.memref_squeeze %dma_start3A_83 : memref<1x128x64xf32, #tpu.memory_space<vmem>> -> memref<128x64xf32, #tpu.memory_space<vmem>>
          %dma_start3A_85 = arith.constant 0 : i32
          %dma_start3A_86 = tpu.memref_slice %arg6[%add3A_78, %dma_start3A_85] : memref<162x128xi32, #tpu.memory_space<vmem>> -> memref<1x128xi32, #tpu.memory_space<vmem>>
          %dma_start3A_87 = tpu.memref_squeeze %dma_start3A_86 : memref<1x128xi32, #tpu.memory_space<vmem>> -> memref<128xi32, #tpu.memory_space<vmem>>
          %dma_start3A_88 = arith.constant 0 : i32
          %dma_start3A_89 = arith.constant 0 : i32
          %dma_start3A_90 = tpu.memref_slice %arg2[%arg0, %dma_start3A_88, %dma_start3A_89] : memref<2x10000x64xf32, #tpu.memory_space<hbm>> -> memref<1x10000x64xf32, #tpu.memory_space<hbm>>
          %dma_start3A_91 = tpu.memref_squeeze %dma_start3A_90 : memref<1x10000x64xf32, #tpu.memory_space<hbm>> -> memref<10000x64xf32, #tpu.memory_space<hbm>>
          %dma_start3A_92 = arith.constant 0 : i32
          %dma_start3A_93 = arith.constant 0 : i32
          %dma_start3A_94 = tpu.memref_slice %dma_start3A_91[%dma_start3A_92, %dma_start3A_93] : memref<10000x64xf32, #tpu.memory_space<hbm>> -> memref<10000x64xf32, #tpu.memory_space<hbm>>
          %dma_start3A_95 = tpu.memref_slice %arg11[%scan3A_63] : memref<3x!tpu.dma_semaphore, #tpu.memory_space<semaphore_mem>> -> memref<1x!tpu.dma_semaphore, #tpu.memory_space<semaphore_mem>>
          %dma_start3A_96 = tpu.memref_squeeze %dma_start3A_95 : memref<1x!tpu.dma_semaphore, #tpu.memory_space<semaphore_mem>> -> memref<!tpu.dma_semaphore, #tpu.memory_space<semaphore_mem>>
          tpu.enqueue_indirect_dma source(%dma_start3A_94 : memref<10000x64xf32, #tpu.memory_space<hbm>>) target(%dma_start3A_84 : memref<128x64xf32, #tpu.memory_space<vmem>>) offsets(%dma_start3A_87 : memref<128xi32, #tpu.memory_space<vmem>>) semaphore(%dma_start3A_96 : memref<!tpu.dma_semaphore, #tpu.memory_space<semaphore_mem>>)
        } else {
        }
        %scan3A_81 = arith.constant 0 : i32
        scf.yield %scan3A_81 : i32
      }
      %scan3A_61 = arith.constant 3 : i32
      %scan3A_62 = arith.constant 0 : i32
      scf.yield %scan3A_62 : i32
    }
    %scan3A_38 = arith.constant 54 : i32
    %barrier3A_39 = arith.constant 0 : index
    tpu.barrier barrier_id(%barrier3A_39)
    %mul3A_40 = arith.constant 640 : i32
    %mul3A_41 = arith.muli %arg1, %mul3A_40 : i32
    %mul3A_42 = arith.constant 640 : i32
    %mul3A_43 = arith.muli %arg1, %mul3A_42 : i32
    "tpu.region"() ({
      %run_scoped3A = tpu.sem_alloc : memref<!tpu.dma_semaphore, #tpu.memory_space<semaphore_mem>>
      %dma_start3A = arith.constant 0 : i32
      %dma_start3A_44 = tpu.memref_slice %arg5[%arg0, %mul3A_43, %dma_start3A] : memref<2x10240x64xf32, #tpu.memory_space<hbm>> -> memref<1x640x64xf32, #tpu.memory_space<hbm>>
      %dma_start3A_45 = tpu.memref_squeeze %dma_start3A_44 : memref<1x640x64xf32, #tpu.memory_space<hbm>> -> memref<640x64xf32, #tpu.memory_space<hbm>>
      %dma_start3A_46 = arith.constant 0 : i32
      %dma_start3A_47 = tpu.memref_slice %arg10[%mul3A_41, %dma_start3A_46] : memref<10240x64xf32, #tpu.memory_space<vmem_shared>> -> memref<640x64xf32, #tpu.memory_space<vmem_shared>>
      tpu.enqueue_dma source(%dma_start3A_47 : memref<640x64xf32, #tpu.memory_space<vmem_shared>>) target(%dma_start3A_45 : memref<640x64xf32, #tpu.memory_space<hbm>>) target_semaphore(%run_scoped3A : memref<!tpu.dma_semaphore, #tpu.memory_space<semaphore_mem>>)
      %dma_wait3A = arith.constant 0 : i32
      %dma_wait3A_48 = tpu.memref_slice %arg5[%arg0, %mul3A_43, %dma_wait3A] : memref<2x10240x64xf32, #tpu.memory_space<hbm>> -> memref<1x640x64xf32, #tpu.memory_space<hbm>>
      %dma_wait3A_49 = tpu.memref_squeeze %dma_wait3A_48 : memref<1x640x64xf32, #tpu.memory_space<hbm>> -> memref<640x64xf32, #tpu.memory_space<hbm>>
      %dma_wait3A_50 = arith.constant 0 : i32
      %dma_wait3A_51 = tpu.memref_slice %arg10[%mul3A_41, %dma_wait3A_50] : memref<10240x64xf32, #tpu.memory_space<vmem_shared>> -> memref<640x64xf32, #tpu.memory_space<vmem_shared>>
      tpu.wait_dma2 semaphore(%run_scoped3A : memref<!tpu.dma_semaphore, #tpu.memory_space<semaphore_mem>>) src(%dma_wait3A_51 : memref<640x64xf32, #tpu.memory_space<vmem_shared>>) dst(%dma_wait3A_49 : memref<640x64xf32, #tpu.memory_space<hbm>>)
      tpu.yield
    }) : () -> ()
    return
  }
}

#map = affine_map<(d0, d1) -> (0, 0, 0)>
module attributes {stable_mosaic.version = 14 : i64} {
  func.func @_agg_body(%arg0: i32, %arg1: i32, %arg2: memref<2x10000x64xf32, #tpu.memory_space<hbm>>, %arg3: memref<16x162x128xi32, #tpu.memory_space<hbm>>, %arg4: memref<16x162x128xi32, #tpu.memory_space<hbm>>, %arg5: memref<2x10240x64xf32, #tpu.memory_space<hbm>>, %arg6: memref<162x128xi32, #tpu.memory_space<vmem>>, %arg7: memref<162x128xi32, #tpu.memory_space<vmem>>, %arg8: memref<3x128x64xf32, #tpu.memory_space<vmem>>, %arg9: memref<128x64xf32, #tpu.memory_space<vmem>>, %arg10: memref<10240x64xf32, #tpu.memory_space<vmem_shared>>, %arg11: memref<3x!tpu.dma_semaphore, #tpu.memory_space<semaphore_mem>>, %arg12: memref<3x!tpu.dma_semaphore, #tpu.memory_space<semaphore_mem>>) attributes {dimension_semantics = [#tpu.dimension_semantics<core_parallel>, #tpu.dimension_semantics<subcore_parallel>], iteration_bounds = array<i64: 2, 16>, scalar_prefetch = 0 : i64, scratch_operands = 7 : i64, tpu.core_type = #tpu.core_type<sc_vector_subcore>, window_params = [{transform_indices = #map}, {transform_indices = #map}, {transform_indices = #map}, {transform_indices = #map}]} {
    "tpu.region"() ({
      %run_scoped3A = tpu.sem_alloc : memref<!tpu.dma_semaphore, #tpu.memory_space<semaphore_mem>>
      %dma_start3A = arith.constant 0 : i32
      %dma_start3A_44 = arith.constant 0 : i32
      %dma_start3A_45 = tpu.memref_slice %arg3[%arg1, %dma_start3A, %dma_start3A_44] : memref<16x162x128xi32, #tpu.memory_space<hbm>> -> memref<1x162x128xi32, #tpu.memory_space<hbm>>
      %dma_start3A_46 = tpu.memref_squeeze %dma_start3A_45 : memref<1x162x128xi32, #tpu.memory_space<hbm>> -> memref<162x128xi32, #tpu.memory_space<hbm>>
      %dma_start3A_47 = arith.constant 0 : i32
      %dma_start3A_48 = arith.constant 0 : i32
      %dma_start3A_49 = tpu.memref_slice %arg3[%arg1, %dma_start3A_47, %dma_start3A_48] : memref<16x162x128xi32, #tpu.memory_space<hbm>> -> memref<1x162x128xi32, #tpu.memory_space<hbm>>
      %dma_start3A_50 = tpu.memref_squeeze %dma_start3A_49 : memref<1x162x128xi32, #tpu.memory_space<hbm>> -> memref<162x128xi32, #tpu.memory_space<hbm>>
      tpu.enqueue_dma source(%dma_start3A_50 : memref<162x128xi32, #tpu.memory_space<hbm>>) target(%arg6 : memref<162x128xi32, #tpu.memory_space<vmem>>) target_semaphore(%run_scoped3A : memref<!tpu.dma_semaphore, #tpu.memory_space<semaphore_mem>>)
      %dma_wait3A = arith.constant 0 : i32
      %dma_wait3A_51 = arith.constant 0 : i32
      %dma_wait3A_52 = tpu.memref_slice %arg3[%arg1, %dma_wait3A, %dma_wait3A_51] : memref<16x162x128xi32, #tpu.memory_space<hbm>> -> memref<1x162x128xi32, #tpu.memory_space<hbm>>
      %dma_wait3A_53 = tpu.memref_squeeze %dma_wait3A_52 : memref<1x162x128xi32, #tpu.memory_space<hbm>> -> memref<162x128xi32, #tpu.memory_space<hbm>>
      %dma_wait3A_54 = arith.constant 0 : i32
      %dma_wait3A_55 = arith.constant 0 : i32
      %dma_wait3A_56 = tpu.memref_slice %arg3[%arg1, %dma_wait3A_54, %dma_wait3A_55] : memref<16x162x128xi32, #tpu.memory_space<hbm>> -> memref<1x162x128xi32, #tpu.memory_space<hbm>>
      %dma_wait3A_57 = tpu.memref_squeeze %dma_wait3A_56 : memref<1x162x128xi32, #tpu.memory_space<hbm>> -> memref<162x128xi32, #tpu.memory_space<hbm>>
      tpu.wait_dma2 semaphore(%run_scoped3A : memref<!tpu.dma_semaphore, #tpu.memory_space<semaphore_mem>>) src(%dma_wait3A_57 : memref<162x128xi32, #tpu.memory_space<hbm>>) dst(%arg6 : memref<162x128xi32, #tpu.memory_space<vmem>>)
      tpu.yield
    }) : () -> ()
    "tpu.region"() ({
      %run_scoped3A = tpu.sem_alloc : memref<!tpu.dma_semaphore, #tpu.memory_space<semaphore_mem>>
      %dma_start3A = arith.constant 0 : i32
      %dma_start3A_44 = arith.constant 0 : i32
      %dma_start3A_45 = tpu.memref_slice %arg4[%arg1, %dma_start3A, %dma_start3A_44] : memref<16x162x128xi32, #tpu.memory_space<hbm>> -> memref<1x162x128xi32, #tpu.memory_space<hbm>>
      %dma_start3A_46 = tpu.memref_squeeze %dma_start3A_45 : memref<1x162x128xi32, #tpu.memory_space<hbm>> -> memref<162x128xi32, #tpu.memory_space<hbm>>
      %dma_start3A_47 = arith.constant 0 : i32
      %dma_start3A_48 = arith.constant 0 : i32
      %dma_start3A_49 = tpu.memref_slice %arg4[%arg1, %dma_start3A_47, %dma_start3A_48] : memref<16x162x128xi32, #tpu.memory_space<hbm>> -> memref<1x162x128xi32, #tpu.memory_space<hbm>>
      %dma_start3A_50 = tpu.memref_squeeze %dma_start3A_49 : memref<1x162x128xi32, #tpu.memory_space<hbm>> -> memref<162x128xi32, #tpu.memory_space<hbm>>
      tpu.enqueue_dma source(%dma_start3A_50 : memref<162x128xi32, #tpu.memory_space<hbm>>) target(%arg7 : memref<162x128xi32, #tpu.memory_space<vmem>>) target_semaphore(%run_scoped3A : memref<!tpu.dma_semaphore, #tpu.memory_space<semaphore_mem>>)
      %dma_wait3A = arith.constant 0 : i32
      %dma_wait3A_51 = arith.constant 0 : i32
      %dma_wait3A_52 = tpu.memref_slice %arg4[%arg1, %dma_wait3A, %dma_wait3A_51] : memref<16x162x128xi32, #tpu.memory_space<hbm>> -> memref<1x162x128xi32, #tpu.memory_space<hbm>>
      %dma_wait3A_53 = tpu.memref_squeeze %dma_wait3A_52 : memref<1x162x128xi32, #tpu.memory_space<hbm>> -> memref<162x128xi32, #tpu.memory_space<hbm>>
      %dma_wait3A_54 = arith.constant 0 : i32
      %dma_wait3A_55 = arith.constant 0 : i32
      %dma_wait3A_56 = tpu.memref_slice %arg4[%arg1, %dma_wait3A_54, %dma_wait3A_55] : memref<16x162x128xi32, #tpu.memory_space<hbm>> -> memref<1x162x128xi32, #tpu.memory_space<hbm>>
      %dma_wait3A_57 = tpu.memref_squeeze %dma_wait3A_56 : memref<1x162x128xi32, #tpu.memory_space<hbm>> -> memref<162x128xi32, #tpu.memory_space<hbm>>
      tpu.wait_dma2 semaphore(%run_scoped3A : memref<!tpu.dma_semaphore, #tpu.memory_space<semaphore_mem>>) src(%dma_wait3A_57 : memref<162x128xi32, #tpu.memory_space<hbm>>) dst(%arg7 : memref<162x128xi32, #tpu.memory_space<vmem>>)
      tpu.yield
    }) : () -> ()
    %broadcast_in_dim3A = arith.constant 0.000000e+00 : f32
    %broadcast_in_dim3A_0 = vector.broadcast %broadcast_in_dim3A : f32 to vector<16xf32>
    %scan3A = arith.constant 0 : i32
    %scan3A_1 = arith.constant 0 : i32
    %scan3A_2 = arith.constant 128 : i32
    %scan3A_3 = arith.addi %scan3A_1, %scan3A_2 : i32
    %scan3A_4 = arith.constant 1 : i32
    %scan3A_5 = scf.for %scan3A_44 = %scan3A_1 to %scan3A_3 step %scan3A_4 iter_args(%scan3A_45 = %scan3A) -> (i32)  : i32 {
      %swap3A = arith.index_cast %scan3A_44 : i32 to index
      %swap3A_46 = arith.constant 0 : index
      %swap3A_47 = tpu.vector_load %arg9[%swap3A, %swap3A_46] {strides = array<i32>} : memref<128x64xf32, #tpu.memory_space<vmem>>, vector<1x16xf32>,
      %swap3A_48 = vector.shape_cast %swap3A_47 : vector<1x16xf32> to vector<16xf32>
      %swap3A_49 = vector.shape_cast %broadcast_in_dim3A_0 : vector<16xf32> to vector<1x16xf32>
      tpu.vector_store %arg9[%swap3A, %swap3A_46], %swap3A_49 {strides = array<i32>} : memref<128x64xf32, #tpu.memory_space<vmem>>, vector<1x16xf32>,
      %swap3A_50 = arith.index_cast %scan3A_44 : i32 to index
      %swap3A_51 = arith.constant 16 : index
      %swap3A_52 = tpu.vector_load %arg9[%swap3A_50, %swap3A_51] {strides = array<i32>} : memref<128x64xf32, #tpu.memory_space<vmem>>, vector<1x16xf32>,
      %swap3A_53 = vector.shape_cast %swap3A_52 : vector<1x16xf32> to vector<16xf32>
      %swap3A_54 = vector.shape_cast %broadcast_in_dim3A_0 : vector<16xf32> to vector<1x16xf32>
      tpu.vector_store %arg9[%swap3A_50, %swap3A_51], %swap3A_54 {strides = array<i32>} : memref<128x64xf32, #tpu.memory_space<vmem>>, vector<1x16xf32>,
      %swap3A_55 = arith.index_cast %scan3A_44 : i32 to index
      %swap3A_56 = arith.constant 32 : index
      %swap3A_57 = tpu.vector_load %arg9[%swap3A_55, %swap3A_56] {strides = array<i32>} : memref<128x64xf32, #tpu.memory_space<vmem>>, vector<1x16xf32>,
      %swap3A_58 = vector.shape_cast %swap3A_57 : vector<1x16xf32> to vector<16xf32>
      %swap3A_59 = vector.shape_cast %broadcast_in_dim3A_0 : vector<16xf32> to vector<1x16xf32>
      tpu.vector_store %arg9[%swap3A_55, %swap3A_56], %swap3A_59 {strides = array<i32>} : memref<128x64xf32, #tpu.memory_space<vmem>>, vector<1x16xf32>,
      %swap3A_60 = arith.index_cast %scan3A_44 : i32 to index
      %swap3A_61 = arith.constant 48 : index
      %swap3A_62 = tpu.vector_load %arg9[%swap3A_60, %swap3A_61] {strides = array<i32>} : memref<128x64xf32, #tpu.memory_space<vmem>>, vector<1x16xf32>,
      %swap3A_63 = vector.shape_cast %swap3A_62 : vector<1x16xf32> to vector<16xf32>
      %swap3A_64 = vector.shape_cast %broadcast_in_dim3A_0 : vector<16xf32> to vector<1x16xf32>
      tpu.vector_store %arg9[%swap3A_60, %swap3A_61], %swap3A_64 {strides = array<i32>} : memref<128x64xf32, #tpu.memory_space<vmem>>, vector<1x16xf32>,
      %scan3A_65 = arith.constant 0 : i32
      scf.yield %scan3A_65 : i32
    }
    %scan3A_6 = arith.constant 128 : i32
    %mul3A = arith.constant 640 : i32
    %mul3A_7 = arith.muli %arg1, %mul3A : i32
    %add3A = arith.constant 0 : i32
    %add3A_8 = arith.addi %mul3A_7, %add3A : i32
    "tpu.region"() ({
      %run_scoped3A = tpu.sem_alloc : memref<!tpu.dma_semaphore, #tpu.memory_space<semaphore_mem>>
      %dma_start3A = arith.constant 0 : i32
      %dma_start3A_44 = tpu.memref_slice %arg10[%add3A_8, %dma_start3A] : memref<10240x64xf32, #tpu.memory_space<vmem_shared>> -> memref<128x64xf32, #tpu.memory_space<vmem_shared>>
      %dma_start3A_45 = arith.constant 0 : i32
      %dma_start3A_46 = tpu.memref_slice %arg10[%add3A_8, %dma_start3A_45] : memref<10240x64xf32, #tpu.memory_space<vmem_shared>> -> memref<128x64xf32, #tpu.memory_space<vmem_shared>>
      tpu.enqueue_dma source(%arg9 : memref<128x64xf32, #tpu.memory_space<vmem>>) target(%dma_start3A_46 : memref<128x64xf32, #tpu.memory_space<vmem_shared>>) target_semaphore(%run_scoped3A : memref<!tpu.dma_semaphore, #tpu.memory_space<semaphore_mem>>)
      %dma_wait3A = arith.constant 0 : i32
      %dma_wait3A_47 = tpu.memref_slice %arg10[%add3A_8, %dma_wait3A] : memref<10240x64xf32, #tpu.memory_space<vmem_shared>> -> memref<128x64xf32, #tpu.memory_space<vmem_shared>>
      %dma_wait3A_48 = arith.constant 0 : i32
      %dma_wait3A_49 = tpu.memref_slice %arg10[%add3A_8, %dma_wait3A_48] : memref<10240x64xf32, #tpu.memory_space<vmem_shared>> -> memref<128x64xf32, #tpu.memory_space<vmem_shared>>
      tpu.wait_dma2 semaphore(%run_scoped3A : memref<!tpu.dma_semaphore, #tpu.memory_space<semaphore_mem>>) src(%arg9 : memref<128x64xf32, #tpu.memory_space<vmem>>) dst(%dma_wait3A_49 : memref<128x64xf32, #tpu.memory_space<vmem_shared>>)
      tpu.yield
    }) : () -> ()
    %mul3A_9 = arith.constant 640 : i32
    %mul3A_10 = arith.muli %arg1, %mul3A_9 : i32
    %add3A_11 = arith.constant 128 : i32
    %add3A_12 = arith.addi %mul3A_10, %add3A_11 : i32
    "tpu.region"() ({
      %run_scoped3A = tpu.sem_alloc : memref<!tpu.dma_semaphore, #tpu.memory_space<semaphore_mem>>
      %dma_start3A = arith.constant 0 : i32
      %dma_start3A_44 = tpu.memref_slice %arg10[%add3A_12, %dma_start3A] : memref<10240x64xf32, #tpu.memory_space<vmem_shared>> -> memref<128x64xf32, #tpu.memory_space<vmem_shared>>
      %dma_start3A_45 = arith.constant 0 : i32
      %dma_start3A_46 = tpu.memref_slice %arg10[%add3A_12, %dma_start3A_45] : memref<10240x64xf32, #tpu.memory_space<vmem_shared>> -> memref<128x64xf32, #tpu.memory_space<vmem_shared>>
      tpu.enqueue_dma source(%arg9 : memref<128x64xf32, #tpu.memory_space<vmem>>) target(%dma_start3A_46 : memref<128x64xf32, #tpu.memory_space<vmem_shared>>) target_semaphore(%run_scoped3A : memref<!tpu.dma_semaphore, #tpu.memory_space<semaphore_mem>>)
      %dma_wait3A = arith.constant 0 : i32
      %dma_wait3A_47 = tpu.memref_slice %arg10[%add3A_12, %dma_wait3A] : memref<10240x64xf32, #tpu.memory_space<vmem_shared>> -> memref<128x64xf32, #tpu.memory_space<vmem_shared>>
      %dma_wait3A_48 = arith.constant 0 : i32
      %dma_wait3A_49 = tpu.memref_slice %arg10[%add3A_12, %dma_wait3A_48] : memref<10240x64xf32, #tpu.memory_space<vmem_shared>> -> memref<128x64xf32, #tpu.memory_space<vmem_shared>>
      tpu.wait_dma2 semaphore(%run_scoped3A : memref<!tpu.dma_semaphore, #tpu.memory_space<semaphore_mem>>) src(%arg9 : memref<128x64xf32, #tpu.memory_space<vmem>>) dst(%dma_wait3A_49 : memref<128x64xf32, #tpu.memory_space<vmem_shared>>)
      tpu.yield
    }) : () -> ()
    %mul3A_13 = arith.constant 640 : i32
    %mul3A_14 = arith.muli %arg1, %mul3A_13 : i32
    %add3A_15 = arith.constant 256 : i32
    %add3A_16 = arith.addi %mul3A_14, %add3A_15 : i32
    "tpu.region"() ({
      %run_scoped3A = tpu.sem_alloc : memref<!tpu.dma_semaphore, #tpu.memory_space<semaphore_mem>>
      %dma_start3A = arith.constant 0 : i32
      %dma_start3A_44 = tpu.memref_slice %arg10[%add3A_16, %dma_start3A] : memref<10240x64xf32, #tpu.memory_space<vmem_shared>> -> memref<128x64xf32, #tpu.memory_space<vmem_shared>>
      %dma_start3A_45 = arith.constant 0 : i32
      %dma_start3A_46 = tpu.memref_slice %arg10[%add3A_16, %dma_start3A_45] : memref<10240x64xf32, #tpu.memory_space<vmem_shared>> -> memref<128x64xf32, #tpu.memory_space<vmem_shared>>
      tpu.enqueue_dma source(%arg9 : memref<128x64xf32, #tpu.memory_space<vmem>>) target(%dma_start3A_46 : memref<128x64xf32, #tpu.memory_space<vmem_shared>>) target_semaphore(%run_scoped3A : memref<!tpu.dma_semaphore, #tpu.memory_space<semaphore_mem>>)
      %dma_wait3A = arith.constant 0 : i32
      %dma_wait3A_47 = tpu.memref_slice %arg10[%add3A_16, %dma_wait3A] : memref<10240x64xf32, #tpu.memory_space<vmem_shared>> -> memref<128x64xf32, #tpu.memory_space<vmem_shared>>
      %dma_wait3A_48 = arith.constant 0 : i32
      %dma_wait3A_49 = tpu.memref_slice %arg10[%add3A_16, %dma_wait3A_48] : memref<10240x64xf32, #tpu.memory_space<vmem_shared>> -> memref<128x64xf32, #tpu.memory_space<vmem_shared>>
      tpu.wait_dma2 semaphore(%run_scoped3A : memref<!tpu.dma_semaphore, #tpu.memory_space<semaphore_mem>>) src(%arg9 : memref<128x64xf32, #tpu.memory_space<vmem>>) dst(%dma_wait3A_49 : memref<128x64xf32, #tpu.memory_space<vmem_shared>>)
      tpu.yield
    }) : () -> ()
    %mul3A_17 = arith.constant 640 : i32
    %mul3A_18 = arith.muli %arg1, %mul3A_17 : i32
    %add3A_19 = arith.constant 384 : i32
    %add3A_20 = arith.addi %mul3A_18, %add3A_19 : i32
    "tpu.region"() ({
      %run_scoped3A = tpu.sem_alloc : memref<!tpu.dma_semaphore, #tpu.memory_space<semaphore_mem>>
      %dma_start3A = arith.constant 0 : i32
      %dma_start3A_44 = tpu.memref_slice %arg10[%add3A_20, %dma_start3A] : memref<10240x64xf32, #tpu.memory_space<vmem_shared>> -> memref<128x64xf32, #tpu.memory_space<vmem_shared>>
      %dma_start3A_45 = arith.constant 0 : i32
      %dma_start3A_46 = tpu.memref_slice %arg10[%add3A_20, %dma_start3A_45] : memref<10240x64xf32, #tpu.memory_space<vmem_shared>> -> memref<128x64xf32, #tpu.memory_space<vmem_shared>>
      tpu.enqueue_dma source(%arg9 : memref<128x64xf32, #tpu.memory_space<vmem>>) target(%dma_start3A_46 : memref<128x64xf32, #tpu.memory_space<vmem_shared>>) target_semaphore(%run_scoped3A : memref<!tpu.dma_semaphore, #tpu.memory_space<semaphore_mem>>)
      %dma_wait3A = arith.constant 0 : i32
      %dma_wait3A_47 = tpu.memref_slice %arg10[%add3A_20, %dma_wait3A] : memref<10240x64xf32, #tpu.memory_space<vmem_shared>> -> memref<128x64xf32, #tpu.memory_space<vmem_shared>>
      %dma_wait3A_48 = arith.constant 0 : i32
      %dma_wait3A_49 = tpu.memref_slice %arg10[%add3A_20, %dma_wait3A_48] : memref<10240x64xf32, #tpu.memory_space<vmem_shared>> -> memref<128x64xf32, #tpu.memory_space<vmem_shared>>
      tpu.wait_dma2 semaphore(%run_scoped3A : memref<!tpu.dma_semaphore, #tpu.memory_space<semaphore_mem>>) src(%arg9 : memref<128x64xf32, #tpu.memory_space<vmem>>) dst(%dma_wait3A_49 : memref<128x64xf32, #tpu.memory_space<vmem_shared>>)
      tpu.yield
    }) : () -> ()
    %mul3A_21 = arith.constant 640 : i32
    %mul3A_22 = arith.muli %arg1, %mul3A_21 : i32
    %add3A_23 = arith.constant 512 : i32
    %add3A_24 = arith.addi %mul3A_22, %add3A_23 : i32
    "tpu.region"() ({
      %run_scoped3A = tpu.sem_alloc : memref<!tpu.dma_semaphore, #tpu.memory_space<semaphore_mem>>
      %dma_start3A = arith.constant 0 : i32
      %dma_start3A_44 = tpu.memref_slice %arg10[%add3A_24, %dma_start3A] : memref<10240x64xf32, #tpu.memory_space<vmem_shared>> -> memref<128x64xf32, #tpu.memory_space<vmem_shared>>
      %dma_start3A_45 = arith.constant 0 : i32
      %dma_start3A_46 = tpu.memref_slice %arg10[%add3A_24, %dma_start3A_45] : memref<10240x64xf32, #tpu.memory_space<vmem_shared>> -> memref<128x64xf32, #tpu.memory_space<vmem_shared>>
      tpu.enqueue_dma source(%arg9 : memref<128x64xf32, #tpu.memory_space<vmem>>) target(%dma_start3A_46 : memref<128x64xf32, #tpu.memory_space<vmem_shared>>) target_semaphore(%run_scoped3A : memref<!tpu.dma_semaphore, #tpu.memory_space<semaphore_mem>>)
      %dma_wait3A = arith.constant 0 : i32
      %dma_wait3A_47 = tpu.memref_slice %arg10[%add3A_24, %dma_wait3A] : memref<10240x64xf32, #tpu.memory_space<vmem_shared>> -> memref<128x64xf32, #tpu.memory_space<vmem_shared>>
      %dma_wait3A_48 = arith.constant 0 : i32
      %dma_wait3A_49 = tpu.memref_slice %arg10[%add3A_24, %dma_wait3A_48] : memref<10240x64xf32, #tpu.memory_space<vmem_shared>> -> memref<128x64xf32, #tpu.memory_space<vmem_shared>>
      tpu.wait_dma2 semaphore(%run_scoped3A : memref<!tpu.dma_semaphore, #tpu.memory_space<semaphore_mem>>) src(%arg9 : memref<128x64xf32, #tpu.memory_space<vmem>>) dst(%dma_wait3A_49 : memref<128x64xf32, #tpu.memory_space<vmem_shared>>)
      tpu.yield
    }) : () -> ()
    %barrier3A = arith.constant 0 : index
    tpu.barrier barrier_id(%barrier3A)
    %scan3A_25 = arith.constant 0 : i32
    %scan3A_26 = arith.constant 0 : i32
    %scan3A_27 = arith.constant 3 : i32
    %scan3A_28 = arith.addi %scan3A_26, %scan3A_27 : i32
    %scan3A_29 = arith.constant 1 : i32
    %scan3A_30 = scf.for %scan3A_44 = %scan3A_26 to %scan3A_28 step %scan3A_29 iter_args(%scan3A_45 = %scan3A_25) -> (i32)  : i32 {
      %dma_start3A = arith.constant 0 : i32
      %dma_start3A_46 = arith.constant 0 : i32
      %dma_start3A_47 = tpu.memref_slice %arg8[%scan3A_44, %dma_start3A, %dma_start3A_46] : memref<3x128x64xf32, #tpu.memory_space<vmem>> -> memref<1x128x64xf32, #tpu.memory_space<vmem>>
      %dma_start3A_48 = tpu.memref_squeeze %dma_start3A_47 : memref<1x128x64xf32, #tpu.memory_space<vmem>> -> memref<128x64xf32, #tpu.memory_space<vmem>>
      %dma_start3A_49 = arith.constant 0 : i32
      %dma_start3A_50 = tpu.memref_slice %arg6[%scan3A_44, %dma_start3A_49] : memref<162x128xi32, #tpu.memory_space<vmem>> -> memref<1x128xi32, #tpu.memory_space<vmem>>
      %dma_start3A_51 = tpu.memref_squeeze %dma_start3A_50 : memref<1x128xi32, #tpu.memory_space<vmem>> -> memref<128xi32, #tpu.memory_space<vmem>>
      %dma_start3A_52 = arith.constant 0 : i32
      %dma_start3A_53 = arith.constant 0 : i32
      %dma_start3A_54 = tpu.memref_slice %arg2[%arg0, %dma_start3A_52, %dma_start3A_53] : memref<2x10000x64xf32, #tpu.memory_space<hbm>> -> memref<1x10000x64xf32, #tpu.memory_space<hbm>>
      %dma_start3A_55 = tpu.memref_squeeze %dma_start3A_54 : memref<1x10000x64xf32, #tpu.memory_space<hbm>> -> memref<10000x64xf32, #tpu.memory_space<hbm>>
      %dma_start3A_56 = arith.constant 0 : i32
      %dma_start3A_57 = arith.constant 0 : i32
      %dma_start3A_58 = tpu.memref_slice %dma_start3A_55[%dma_start3A_56, %dma_start3A_57] : memref<10000x64xf32, #tpu.memory_space<hbm>> -> memref<10000x64xf32, #tpu.memory_space<hbm>>
      %dma_start3A_59 = tpu.memref_slice %arg11[%scan3A_44] : memref<3x!tpu.dma_semaphore, #tpu.memory_space<semaphore_mem>> -> memref<1x!tpu.dma_semaphore, #tpu.memory_space<semaphore_mem>>
      %dma_start3A_60 = tpu.memref_squeeze %dma_start3A_59 : memref<1x!tpu.dma_semaphore, #tpu.memory_space<semaphore_mem>> -> memref<!tpu.dma_semaphore, #tpu.memory_space<semaphore_mem>>
      tpu.enqueue_indirect_dma source(%dma_start3A_58 : memref<10000x64xf32, #tpu.memory_space<hbm>>) target(%dma_start3A_48 : memref<128x64xf32, #tpu.memory_space<vmem>>) offsets(%dma_start3A_51 : memref<128xi32, #tpu.memory_space<vmem>>) semaphore(%dma_start3A_60 : memref<!tpu.dma_semaphore, #tpu.memory_space<semaphore_mem>>)
      %scan3A_61 = arith.constant 0 : i32
      scf.yield %scan3A_61 : i32
    }
    %scan3A_31 = arith.constant 3 : i32
    %scan3A_32 = arith.constant 0 : i32
    %scan3A_33 = arith.constant 0 : i32
    %scan3A_34 = arith.constant 54 : i32
    %scan3A_35 = arith.addi %scan3A_33, %scan3A_34 : i32
    %scan3A_36 = arith.constant 1 : i32
    %scan3A_37 = scf.for %scan3A_44 = %scan3A_33 to %scan3A_35 step %scan3A_36 iter_args(%scan3A_45 = %scan3A_32) -> (i32)  : i32 {
      %mul3A_46 = arith.constant 3 : i32
      %mul3A_47 = arith.muli %scan3A_44, %mul3A_46 : i32
      %scan3A_48 = arith.constant 0 : i32
      %scan3A_49 = arith.constant 0 : i32
      %scan3A_50 = arith.constant 3 : i32
      %scan3A_51 = arith.addi %scan3A_49, %scan3A_50 : i32
      %scan3A_52 = arith.constant 1 : i32
      %scan3A_53 = scf.for %scan3A_63 = %scan3A_49 to %scan3A_51 step %scan3A_52 iter_args(%scan3A_64 = %scan3A_48) -> (i32)  : i32 {
        %add3A_65 = arith.addi %mul3A_47, %scan3A_63 : i32
        %dma_wait3A = arith.constant 0 : i32
        %dma_wait3A_66 = arith.constant 0 : i32
        %dma_wait3A_67 = tpu.memref_slice %arg8[%scan3A_63, %dma_wait3A, %dma_wait3A_66] : memref<3x128x64xf32, #tpu.memory_space<vmem>> -> memref<1x128x64xf32, #tpu.memory_space<vmem>>
        %dma_wait3A_68 = tpu.memref_squeeze %dma_wait3A_67 : memref<1x128x64xf32, #tpu.memory_space<vmem>> -> memref<128x64xf32, #tpu.memory_space<vmem>>
        %dma_wait3A_69 = arith.constant 0 : i32
        %dma_wait3A_70 = tpu.memref_slice %arg6[%add3A_65, %dma_wait3A_69] : memref<162x128xi32, #tpu.memory_space<vmem>> -> memref<1x128xi32, #tpu.memory_space<vmem>>
        %dma_wait3A_71 = tpu.memref_squeeze %dma_wait3A_70 : memref<1x128xi32, #tpu.memory_space<vmem>> -> memref<128xi32, #tpu.memory_space<vmem>>
        %dma_wait3A_72 = arith.constant 0 : i32
        %dma_wait3A_73 = arith.constant 0 : i32
        %dma_wait3A_74 = tpu.memref_slice %arg2[%arg0, %dma_wait3A_72, %dma_wait3A_73] : memref<2x10000x64xf32, #tpu.memory_space<hbm>> -> memref<1x10000x64xf32, #tpu.memory_space<hbm>>
        %dma_wait3A_75 = tpu.memref_squeeze %dma_wait3A_74 : memref<1x10000x64xf32, #tpu.memory_space<hbm>> -> memref<10000x64xf32, #tpu.memory_space<hbm>>
        %dma_wait3A_76 = arith.constant 0 : i32
        %dma_wait3A_77 = arith.constant 0 : i32
        %dma_wait3A_78 = tpu.memref_slice %dma_wait3A_75[%dma_wait3A_76, %dma_wait3A_77] : memref<10000x64xf32, #tpu.memory_space<hbm>> -> memref<10000x64xf32, #tpu.memory_space<hbm>>
        %dma_wait3A_79 = tpu.memref_slice %arg11[%scan3A_63] : memref<3x!tpu.dma_semaphore, #tpu.memory_space<semaphore_mem>> -> memref<1x!tpu.dma_semaphore, #tpu.memory_space<semaphore_mem>>
        %dma_wait3A_80 = tpu.memref_squeeze %dma_wait3A_79 : memref<1x!tpu.dma_semaphore, #tpu.memory_space<semaphore_mem>> -> memref<!tpu.dma_semaphore, #tpu.memory_space<semaphore_mem>>
        tpu.wait_indirect_dma semaphore(%dma_wait3A_80 : memref<!tpu.dma_semaphore, #tpu.memory_space<semaphore_mem>>) src(%dma_wait3A_78 : memref<10000x64xf32, #tpu.memory_space<hbm>>) dst(%dma_wait3A_68 : memref<128x64xf32, #tpu.memory_space<vmem>>)
        %dma_start3A = arith.constant 0 : i32
        %dma_start3A_81 = arith.constant 0 : i32
        %dma_start3A_82 = tpu.memref_slice %arg8[%scan3A_63, %dma_start3A, %dma_start3A_81] : memref<3x128x64xf32, #tpu.memory_space<vmem>> -> memref<1x128x64xf32, #tpu.memory_space<vmem>>
        %dma_start3A_83 = tpu.memref_squeeze %dma_start3A_82 : memref<1x128x64xf32, #tpu.memory_space<vmem>> -> memref<128x64xf32, #tpu.memory_space<vmem>>
        %dma_start3A_84 = arith.constant 0 : i32
        %dma_start3A_85 = tpu.memref_slice %arg7[%add3A_65, %dma_start3A_84] : memref<162x128xi32, #tpu.memory_space<vmem>> -> memref<1x128xi32, #tpu.memory_space<vmem>>
        %dma_start3A_86 = tpu.memref_squeeze %dma_start3A_85 : memref<1x128xi32, #tpu.memory_space<vmem>> -> memref<128xi32, #tpu.memory_space<vmem>>
        %dma_start3A_87 = arith.constant 0 : i32
        %dma_start3A_88 = arith.constant 0 : i32
        %dma_start3A_89 = tpu.memref_slice %arg10[%dma_start3A_87, %dma_start3A_88] : memref<10240x64xf32, #tpu.memory_space<vmem_shared>> -> memref<10240x64xf32, #tpu.memory_space<vmem_shared>>
        %dma_start3A_90 = tpu.memref_slice %arg12[%scan3A_63] : memref<3x!tpu.dma_semaphore, #tpu.memory_space<semaphore_mem>> -> memref<1x!tpu.dma_semaphore, #tpu.memory_space<semaphore_mem>>
        %dma_start3A_91 = tpu.memref_squeeze %dma_start3A_90 : memref<1x!tpu.dma_semaphore, #tpu.memory_space<semaphore_mem>> -> memref<!tpu.dma_semaphore, #tpu.memory_space<semaphore_mem>>
        tpu.enqueue_indirect_dma source(%dma_start3A_83 : memref<128x64xf32, #tpu.memory_space<vmem>>) target(%dma_start3A_89 : memref<10240x64xf32, #tpu.memory_space<vmem_shared>>) offsets(%dma_start3A_86 : memref<128xi32, #tpu.memory_space<vmem>>) semaphore(%dma_start3A_91 : memref<!tpu.dma_semaphore, #tpu.memory_space<semaphore_mem>>) {add = true}
        %scan3A_92 = arith.constant 0 : i32
        scf.yield %scan3A_92 : i32
      }
      %scan3A_54 = arith.constant 3 : i32
      %scan3A_55 = arith.constant 0 : i32
      %scan3A_56 = arith.constant 0 : i32
      %scan3A_57 = arith.constant 3 : i32
      %scan3A_58 = arith.addi %scan3A_56, %scan3A_57 : i32
      %scan3A_59 = arith.constant 1 : i32
      %scan3A_60 = scf.for %scan3A_63 = %scan3A_56 to %scan3A_58 step %scan3A_59 iter_args(%scan3A_64 = %scan3A_55) -> (i32)  : i32 {
        %add3A_65 = arith.addi %mul3A_47, %scan3A_63 : i32
        %dma_wait3A = arith.constant 0 : i32
        %dma_wait3A_66 = arith.constant 0 : i32
        %dma_wait3A_67 = tpu.memref_slice %arg8[%scan3A_63, %dma_wait3A, %dma_wait3A_66] : memref<3x128x64xf32, #tpu.memory_space<vmem>> -> memref<1x128x64xf32, #tpu.memory_space<vmem>>
        %dma_wait3A_68 = tpu.memref_squeeze %dma_wait3A_67 : memref<1x128x64xf32, #tpu.memory_space<vmem>> -> memref<128x64xf32, #tpu.memory_space<vmem>>
        %dma_wait3A_69 = arith.constant 0 : i32
        %dma_wait3A_70 = tpu.memref_slice %arg7[%add3A_65, %dma_wait3A_69] : memref<162x128xi32, #tpu.memory_space<vmem>> -> memref<1x128xi32, #tpu.memory_space<vmem>>
        %dma_wait3A_71 = tpu.memref_squeeze %dma_wait3A_70 : memref<1x128xi32, #tpu.memory_space<vmem>> -> memref<128xi32, #tpu.memory_space<vmem>>
        %dma_wait3A_72 = arith.constant 0 : i32
        %dma_wait3A_73 = arith.constant 0 : i32
        %dma_wait3A_74 = tpu.memref_slice %arg10[%dma_wait3A_72, %dma_wait3A_73] : memref<10240x64xf32, #tpu.memory_space<vmem_shared>> -> memref<10240x64xf32, #tpu.memory_space<vmem_shared>>
        %dma_wait3A_75 = tpu.memref_slice %arg12[%scan3A_63] : memref<3x!tpu.dma_semaphore, #tpu.memory_space<semaphore_mem>> -> memref<1x!tpu.dma_semaphore, #tpu.memory_space<semaphore_mem>>
        %dma_wait3A_76 = tpu.memref_squeeze %dma_wait3A_75 : memref<1x!tpu.dma_semaphore, #tpu.memory_space<semaphore_mem>> -> memref<!tpu.dma_semaphore, #tpu.memory_space<semaphore_mem>>
        tpu.wait_indirect_dma semaphore(%dma_wait3A_76 : memref<!tpu.dma_semaphore, #tpu.memory_space<semaphore_mem>>) src(%dma_wait3A_68 : memref<128x64xf32, #tpu.memory_space<vmem>>) dst(%dma_wait3A_74 : memref<10240x64xf32, #tpu.memory_space<vmem_shared>>)
        %add3A_77 = arith.constant 3 : i32
        %add3A_78 = arith.addi %add3A_65, %add3A_77 : i32
        %lt3A = arith.constant 162 : i32
        %lt3A_79 = arith.cmpi slt, %add3A_78, %lt3A : i32
        %convert_element_type3A = arith.extui %lt3A_79 : i1 to i32
        %cond3A = arith.constant 0 : i32
        %cond3A_80 = arith.cmpi ne, %convert_element_type3A, %cond3A : i32
        scf.if %cond3A_80 {
          %dma_start3A = arith.constant 0 : i32
          %dma_start3A_82 = arith.constant 0 : i32
          %dma_start3A_83 = tpu.memref_slice %arg8[%scan3A_63, %dma_start3A, %dma_start3A_82] : memref<3x128x64xf32, #tpu.memory_space<vmem>> -> memref<1x128x64xf32, #tpu.memory_space<vmem>>
          %dma_start3A_84 = tpu.memref_squeeze %dma_start3A_83 : memref<1x128x64xf32, #tpu.memory_space<vmem>> -> memref<128x64xf32, #tpu.memory_space<vmem>>
          %dma_start3A_85 = arith.constant 0 : i32
          %dma_start3A_86 = tpu.memref_slice %arg6[%add3A_78, %dma_start3A_85] : memref<162x128xi32, #tpu.memory_space<vmem>> -> memref<1x128xi32, #tpu.memory_space<vmem>>
          %dma_start3A_87 = tpu.memref_squeeze %dma_start3A_86 : memref<1x128xi32, #tpu.memory_space<vmem>> -> memref<128xi32, #tpu.memory_space<vmem>>
          %dma_start3A_88 = arith.constant 0 : i32
          %dma_start3A_89 = arith.constant 0 : i32
          %dma_start3A_90 = tpu.memref_slice %arg2[%arg0, %dma_start3A_88, %dma_start3A_89] : memref<2x10000x64xf32, #tpu.memory_space<hbm>> -> memref<1x10000x64xf32, #tpu.memory_space<hbm>>
          %dma_start3A_91 = tpu.memref_squeeze %dma_start3A_90 : memref<1x10000x64xf32, #tpu.memory_space<hbm>> -> memref<10000x64xf32, #tpu.memory_space<hbm>>
          %dma_start3A_92 = arith.constant 0 : i32
          %dma_start3A_93 = arith.constant 0 : i32
          %dma_start3A_94 = tpu.memref_slice %dma_start3A_91[%dma_start3A_92, %dma_start3A_93] : memref<10000x64xf32, #tpu.memory_space<hbm>> -> memref<10000x64xf32, #tpu.memory_space<hbm>>
          %dma_start3A_95 = tpu.memref_slice %arg11[%scan3A_63] : memref<3x!tpu.dma_semaphore, #tpu.memory_space<semaphore_mem>> -> memref<1x!tpu.dma_semaphore, #tpu.memory_space<semaphore_mem>>
          %dma_start3A_96 = tpu.memref_squeeze %dma_start3A_95 : memref<1x!tpu.dma_semaphore, #tpu.memory_space<semaphore_mem>> -> memref<!tpu.dma_semaphore, #tpu.memory_space<semaphore_mem>>
          tpu.enqueue_indirect_dma source(%dma_start3A_94 : memref<10000x64xf32, #tpu.memory_space<hbm>>) target(%dma_start3A_84 : memref<128x64xf32, #tpu.memory_space<vmem>>) offsets(%dma_start3A_87 : memref<128xi32, #tpu.memory_space<vmem>>) semaphore(%dma_start3A_96 : memref<!tpu.dma_semaphore, #tpu.memory_space<semaphore_mem>>)
        } else {
        }
        %scan3A_81 = arith.constant 0 : i32
        scf.yield %scan3A_81 : i32
      }
      %scan3A_61 = arith.constant 3 : i32
      %scan3A_62 = arith.constant 0 : i32
      scf.yield %scan3A_62 : i32
    }
    %scan3A_38 = arith.constant 54 : i32
    %barrier3A_39 = arith.constant 0 : index
    tpu.barrier barrier_id(%barrier3A_39)
    %mul3A_40 = arith.constant 640 : i32
    %mul3A_41 = arith.muli %arg1, %mul3A_40 : i32
    %mul3A_42 = arith.constant 640 : i32
    %mul3A_43 = arith.muli %arg1, %mul3A_42 : i32
    "tpu.region"() ({
      %run_scoped3A = tpu.sem_alloc : memref<!tpu.dma_semaphore, #tpu.memory_space<semaphore_mem>>
      %dma_start3A = arith.constant 0 : i32
      %dma_start3A_44 = tpu.memref_slice %arg5[%arg0, %mul3A_43, %dma_start3A] : memref<2x10240x64xf32, #tpu.memory_space<hbm>> -> memref<1x640x64xf32, #tpu.memory_space<hbm>>
      %dma_start3A_45 = tpu.memref_squeeze %dma_start3A_44 : memref<1x640x64xf32, #tpu.memory_space<hbm>> -> memref<640x64xf32, #tpu.memory_space<hbm>>
      %dma_start3A_46 = arith.constant 0 : i32
      %dma_start3A_47 = tpu.memref_slice %arg10[%mul3A_41, %dma_start3A_46] : memref<10240x64xf32, #tpu.memory_space<vmem_shared>> -> memref<640x64xf32, #tpu.memory_space<vmem_shared>>
      tpu.enqueue_dma source(%dma_start3A_47 : memref<640x64xf32, #tpu.memory_space<vmem_shared>>) target(%dma_start3A_45 : memref<640x64xf32, #tpu.memory_space<hbm>>) target_semaphore(%run_scoped3A : memref<!tpu.dma_semaphore, #tpu.memory_space<semaphore_mem>>)
      %dma_wait3A = arith.constant 0 : i32
      %dma_wait3A_48 = tpu.memref_slice %arg5[%arg0, %mul3A_43, %dma_wait3A] : memref<2x10240x64xf32, #tpu.memory_space<hbm>> -> memref<1x640x64xf32, #tpu.memory_space<hbm>>
      %dma_wait3A_49 = tpu.memref_squeeze %dma_wait3A_48 : memref<1x640x64xf32, #tpu.memory_space<hbm>> -> memref<640x64xf32, #tpu.memory_space<hbm>>
      %dma_wait3A_50 = arith.constant 0 : i32
      %dma_wait3A_51 = tpu.memref_slice %arg10[%mul3A_41, %dma_wait3A_50] : memref<10240x64xf32, #tpu.memory_space<vmem_shared>> -> memref<640x64xf32, #tpu.memory_space<vmem_shared>>
      tpu.wait_dma2 semaphore(%run_scoped3A : memref<!tpu.dma_semaphore, #tpu.memory_space<semaphore_mem>>) src(%dma_wait3A_51 : memref<640x64xf32, #tpu.memory_space<vmem_shared>>) dst(%dma_wait3A_49 : memref<640x64xf32, #tpu.memory_space<hbm>>)
      tpu.yield
    }) : () -> ()
    return
  }
}

module attributes {stable_mosaic.version = 14 : i64} {
  func.func @_prep_body(%arg0: memref<32x10240xf32, #tpu.memory_space<vmem>>, %arg1: memref<10000x128xf32, #tpu.memory_space<vmem>>, %arg2: memref<10000x1xf32, #tpu.memory_space<vmem>>, %arg3: memref<2x10000x64xf32, #tpu.memory_space<vmem>>) attributes {dimension_semantics = [], scalar_prefetch = 0 : i64, scratch_operands = 0 : i64, tpu.core_type = #tpu.core_type<tc>} {
    %get3A = arith.constant 0 : index
    %get3A_0 = arith.constant 0 : index
    %get3A_1 = vector.load %arg0[%get3A, %get3A_0] : memref<32x10240xf32, #tpu.memory_space<vmem>>, vector<32x10240xf32>
    %reduce_sum3A = arith.constant dense<0.000000e+00> : vector<10240xf32>
    %reduce_sum3A_2 = vector.multi_reduction <add>, %get3A_1, %reduce_sum3A [0] : vector<32x10240xf32> to vector<10240xf32>
    %slice3A = vector.extract_strided_slice %reduce_sum3A_2 {offsets = [0], sizes = [10000], strides = [1]} : vector<10240xf32> to vector<10000xf32>
    %broadcast_in_dim3A = vector.shape_cast %slice3A : vector<10000xf32> to vector<10000x1xf32>
    %rsqrt3A = math.rsqrt %broadcast_in_dim3A : vector<10000x1xf32>
    %swap3A = arith.constant 0 : index
    %swap3A_3 = arith.constant 0 : index
    %swap3A_4 = vector.load %arg2[%swap3A, %swap3A_3] : memref<10000x1xf32, #tpu.memory_space<vmem>>, vector<10000x1xf32>
    tpu.vector_store %arg2[%swap3A, %swap3A_3], %rsqrt3A {strides = array<i32>} : memref<10000x1xf32, #tpu.memory_space<vmem>>, vector<10000x1xf32>,
    %get3A_5 = arith.constant 0 : index
    %get3A_6 = arith.constant 0 : index
    %get3A_7 = vector.load %arg1[%get3A_5, %get3A_6] : memref<10000x128xf32, #tpu.memory_space<vmem>>, vector<10000x128xf32>
    %mul3A = vector.broadcast %rsqrt3A : vector<10000x1xf32> to vector<10000x128xf32>
    %mul3A_8 = arith.mulf %get3A_7, %mul3A : vector<10000x128xf32>
    %slice3A_9 = vector.extract_strided_slice %mul3A_8 {offsets = [0, 0], sizes = [10000, 64], strides = [1, 1]} : vector<10000x128xf32> to vector<10000x64xf32>
    %swap3A_10 = arith.constant 0 : index
    %swap3A_11 = arith.constant 0 : index
    %swap3A_12 = arith.constant 0 : index
    %swap3A_13 = vector.load %arg3[%swap3A_10, %swap3A_11, %swap3A_12] : memref<2x10000x64xf32, #tpu.memory_space<vmem>>, vector<1x10000x64xf32>
    %swap3A_14 = vector.shape_cast %swap3A_13 : vector<1x10000x64xf32> to vector<10000x64xf32>
    %swap3A_15 = vector.shape_cast %slice3A_9 : vector<10000x64xf32> to vector<1x10000x64xf32>
    tpu.vector_store %arg3[%swap3A_10, %swap3A_11, %swap3A_12], %swap3A_15 {strides = array<i32>} : memref<2x10000x64xf32, #tpu.memory_space<vmem>>, vector<1x10000x64xf32>,
    %slice3A_16 = vector.extract_strided_slice %mul3A_8 {offsets = [0, 64], sizes = [10000, 64], strides = [1, 1]} : vector<10000x128xf32> to vector<10000x64xf32>
    %swap3A_17 = arith.constant 1 : index
    %swap3A_18 = arith.constant 0 : index
    %swap3A_19 = arith.constant 0 : index
    %swap3A_20 = vector.load %arg3[%swap3A_17, %swap3A_18, %swap3A_19] : memref<2x10000x64xf32, #tpu.memory_space<vmem>>, vector<1x10000x64xf32>
    %swap3A_21 = vector.shape_cast %swap3A_20 : vector<1x10000x64xf32> to vector<10000x64xf32>
    %swap3A_22 = vector.shape_cast %slice3A_16 : vector<10000x64xf32> to vector<1x10000x64xf32>
    tpu.vector_store %arg3[%swap3A_17, %swap3A_18, %swap3A_19], %swap3A_22 {strides = array<i32>} : memref<2x10000x64xf32, #tpu.memory_space<vmem>>, vector<1x10000x64xf32>,
    return
  }
}

module attributes {stable_mosaic.version = 14 : i64} {
  func.func @_layer_body(%arg0: memref<2x10240x64xf32, #tpu.memory_space<vmem>>, %arg1: memref<10000x1xf32, #tpu.memory_space<vmem>>, %arg2: memref<128x128xf32, #tpu.memory_space<vmem>>, %arg3: memref<1x128xf32, #tpu.memory_space<vmem>>, %arg4: memref<2x10000x64xf32, #tpu.memory_space<vmem>>) attributes {dimension_semantics = [], scalar_prefetch = 0 : i64, scratch_operands = 0 : i64, tpu.core_type = #tpu.core_type<tc>} {
    %get3A = arith.constant 0 : index
    %get3A_0 = arith.constant 0 : index
    %get3A_1 = vector.load %arg1[%get3A, %get3A_0] : memref<10000x1xf32, #tpu.memory_space<vmem>>, vector<10000x1xf32>
    %get3A_2 = arith.constant 0 : index
    %get3A_3 = arith.constant 0 : index
    %get3A_4 = arith.constant 0 : index
    %get3A_5 = vector.load %arg0[%get3A_2, %get3A_3, %get3A_4] : memref<2x10240x64xf32, #tpu.memory_space<vmem>>, vector<1x10000x64xf32>
    %get3A_6 = vector.shape_cast %get3A_5 : vector<1x10000x64xf32> to vector<10000x64xf32>
    %get3A_7 = arith.constant 1 : index
    %get3A_8 = arith.constant 0 : index
    %get3A_9 = arith.constant 0 : index
    %get3A_10 = vector.load %arg0[%get3A_7, %get3A_8, %get3A_9] : memref<2x10240x64xf32, #tpu.memory_space<vmem>>, vector<1x10000x64xf32>
    %get3A_11 = vector.shape_cast %get3A_10 : vector<1x10000x64xf32> to vector<10000x64xf32>
    %concatenate3A = tpu.concatenate %get3A_6, %get3A_11 in 1 : vector<10000x64xf32>, vector<10000x64xf32> -> vector<10000x128xf32>
    %mul3A = vector.broadcast %get3A_1 : vector<10000x1xf32> to vector<10000x128xf32>
    %mul3A_12 = arith.mulf %concatenate3A, %mul3A : vector<10000x128xf32>
    %get3A_13 = arith.constant 0 : index
    %get3A_14 = arith.constant 0 : index
    %get3A_15 = vector.load %arg2[%get3A_13, %get3A_14] : memref<128x128xf32, #tpu.memory_space<vmem>>, vector<128x128xf32>
    %dot_general3A = arith.constant dense<0.000000e+00> : vector<10000x128xf32>
    %dot_general3A_16 = tpu.matmul %mul3A_12, %get3A_15, %dot_general3A {dimension_numbers = #tpu.dot_dimension_numbers<[1], [0], [0], [1], [0, 0, 1, 1], [], []>, transpose_lhs_hint = false} : vector<10000x128xf32>, vector<128x128xf32>, vector<10000x128xf32> -> vector<10000x128xf32>
    %get3A_17 = arith.constant 0 : index
    %get3A_18 = arith.constant 0 : index
    %get3A_19 = vector.load %arg3[%get3A_17, %get3A_18] : memref<1x128xf32, #tpu.memory_space<vmem>>, vector<1x128xf32>
    %add3A = vector.broadcast %get3A_19 : vector<1x128xf32> to vector<10000x128xf32>
    %add3A_20 = arith.addf %dot_general3A_16, %add3A : vector<10000x128xf32>
    %max3A = arith.constant 0.000000e+00 : f32
    %max3A_21 = vector.broadcast %max3A : f32 to vector<10000x128xf32>
    %max3A_22 = arith.maximumf %add3A_20, %max3A_21 : vector<10000x128xf32>
    %mul3A_23 = vector.broadcast %get3A_1 : vector<10000x1xf32> to vector<10000x128xf32>
    %mul3A_24 = arith.mulf %max3A_22, %mul3A_23 : vector<10000x128xf32>
    %slice3A = vector.extract_strided_slice %mul3A_24 {offsets = [0, 0], sizes = [10000, 64], strides = [1, 1]} : vector<10000x128xf32> to vector<10000x64xf32>
    %swap3A = arith.constant 0 : index
    %swap3A_25 = arith.constant 0 : index
    %swap3A_26 = arith.constant 0 : index
    %swap3A_27 = vector.load %arg4[%swap3A, %swap3A_25, %swap3A_26] : memref<2x10000x64xf32, #tpu.memory_space<vmem>>, vector<1x10000x64xf32>
    %swap3A_28 = vector.shape_cast %swap3A_27 : vector<1x10000x64xf32> to vector<10000x64xf32>
    %swap3A_29 = vector.shape_cast %slice3A : vector<10000x64xf32> to vector<1x10000x64xf32>
    tpu.vector_store %arg4[%swap3A, %swap3A_25, %swap3A_26], %swap3A_29 {strides = array<i32>} : memref<2x10000x64xf32, #tpu.memory_space<vmem>>, vector<1x10000x64xf32>,
    %slice3A_30 = vector.extract_strided_slice %mul3A_24 {offsets = [0, 64], sizes = [10000, 64], strides = [1, 1]} : vector<10000x128xf32> to vector<10000x64xf32>
    %swap3A_31 = arith.constant 1 : index
    %swap3A_32 = arith.constant 0 : index
    %swap3A_33 = arith.constant 0 : index
    %swap3A_34 = vector.load %arg4[%swap3A_31, %swap3A_32, %swap3A_33] : memref<2x10000x64xf32, #tpu.memory_space<vmem>>, vector<1x10000x64xf32>
    %swap3A_35 = vector.shape_cast %swap3A_34 : vector<1x10000x64xf32> to vector<10000x64xf32>
    %swap3A_36 = vector.shape_cast %slice3A_30 : vector<10000x64xf32> to vector<1x10000x64xf32>
    tpu.vector_store %arg4[%swap3A_31, %swap3A_32, %swap3A_33], %swap3A_36 {strides = array<i32>} : memref<2x10000x64xf32, #tpu.memory_space<vmem>>, vector<1x10000x64xf32>,
    return
  }
}

module attributes {stable_mosaic.version = 14 : i64} {
  func.func @_final_body(%arg0: memref<2x10240x64xf32, #tpu.memory_space<vmem>>, %arg1: memref<10000x1xf32, #tpu.memory_space<vmem>>, %arg2: memref<128x128xf32, #tpu.memory_space<vmem>>, %arg3: memref<1x128xf32, #tpu.memory_space<vmem>>, %arg4: memref<10000x40xf32, #tpu.memory_space<vmem>>) attributes {dimension_semantics = [], scalar_prefetch = 0 : i64, scratch_operands = 0 : i64, tpu.core_type = #tpu.core_type<tc>} {
    %get3A = arith.constant 0 : index
    %get3A_0 = arith.constant 0 : index
    %get3A_1 = arith.constant 0 : index
    %get3A_2 = vector.load %arg0[%get3A, %get3A_0, %get3A_1] : memref<2x10240x64xf32, #tpu.memory_space<vmem>>, vector<1x10000x64xf32>
    %get3A_3 = vector.shape_cast %get3A_2 : vector<1x10000x64xf32> to vector<10000x64xf32>
    %get3A_4 = arith.constant 1 : index
    %get3A_5 = arith.constant 0 : index
    %get3A_6 = arith.constant 0 : index
    %get3A_7 = vector.load %arg0[%get3A_4, %get3A_5, %get3A_6] : memref<2x10240x64xf32, #tpu.memory_space<vmem>>, vector<1x10000x64xf32>
    %get3A_8 = vector.shape_cast %get3A_7 : vector<1x10000x64xf32> to vector<10000x64xf32>
    %concatenate3A = tpu.concatenate %get3A_3, %get3A_8 in 1 : vector<10000x64xf32>, vector<10000x64xf32> -> vector<10000x128xf32>
    %get3A_9 = arith.constant 0 : index
    %get3A_10 = arith.constant 0 : index
    %get3A_11 = vector.load %arg1[%get3A_9, %get3A_10] : memref<10000x1xf32, #tpu.memory_space<vmem>>, vector<10000x1xf32>
    %mul3A = vector.broadcast %get3A_11 : vector<10000x1xf32> to vector<10000x128xf32>
    %mul3A_12 = arith.mulf %concatenate3A, %mul3A : vector<10000x128xf32>
    %get3A_13 = arith.constant 0 : index
    %get3A_14 = arith.constant 0 : index
    %get3A_15 = vector.load %arg2[%get3A_13, %get3A_14] : memref<128x128xf32, #tpu.memory_space<vmem>>, vector<128x128xf32>
    %dot_general3A = arith.constant dense<0.000000e+00> : vector<10000x128xf32>
    %dot_general3A_16 = tpu.matmul %mul3A_12, %get3A_15, %dot_general3A {dimension_numbers = #tpu.dot_dimension_numbers<[1], [0], [0], [1], [0, 0, 1, 1], [], []>, transpose_lhs_hint = false} : vector<10000x128xf32>, vector<128x128xf32>, vector<10000x128xf32> -> vector<10000x128xf32>
    %get3A_17 = arith.constant 0 : index
    %get3A_18 = arith.constant 0 : index
    %get3A_19 = vector.load %arg3[%get3A_17, %get3A_18] : memref<1x128xf32, #tpu.memory_space<vmem>>, vector<1x128xf32>
    %add3A = vector.broadcast %get3A_19 : vector<1x128xf32> to vector<10000x128xf32>
    %add3A_20 = arith.addf %dot_general3A_16, %add3A : vector<10000x128xf32>
    %iota3A = tpu.iota {dimensions = array<i32: 1>} : vector<10000x128xi32>
    %lt3A = arith.constant 40 : i32
    %lt3A_21 = vector.broadcast %lt3A : i32 to vector<10000x128xi32>
    %lt3A_22 = arith.cmpi slt, %iota3A, %lt3A_21 : vector<10000x128xi32>
    %jit3A = arith.constant 0xFF800000 : f32
    %broadcast_in_dim3A = vector.broadcast %jit3A : f32 to vector<10000x128xf32>
    %select_n3A = arith.select %lt3A_22, %add3A_20, %broadcast_in_dim3A : vector<10000x128xi1>, vector<10000x128xf32>
    %reduce_max3A = arith.constant dense<0xFF800000> : vector<10000xf32>
    %reduce_max3A_23 = vector.multi_reduction <maximumf>, %select_n3A, %reduce_max3A [1] : vector<10000x128xf32> to vector<10000xf32>
    %broadcast_in_dim3A_24 = vector.shape_cast %reduce_max3A_23 : vector<10000xf32> to vector<10000x1xf32>
    %sub3A = vector.broadcast %broadcast_in_dim3A_24 : vector<10000x1xf32> to vector<10000x128xf32>
    %sub3A_25 = arith.subf %select_n3A, %sub3A : vector<10000x128xf32>
    %exp3A = math.exp %sub3A_25 : vector<10000x128xf32>
    %reduce_sum3A = arith.constant dense<0.000000e+00> : vector<10000xf32>
    %reduce_sum3A_26 = vector.multi_reduction <add>, %exp3A, %reduce_sum3A [1] : vector<10000x128xf32> to vector<10000xf32>
    %broadcast_in_dim3A_27 = vector.shape_cast %reduce_sum3A_26 : vector<10000xf32> to vector<10000x1xf32>
    %log3A = math.log %broadcast_in_dim3A_27 : vector<10000x1xf32>
    %add3A_28 = arith.addf %broadcast_in_dim3A_24, %log3A : vector<10000x1xf32>
    %sub3A_29 = vector.broadcast %add3A_28 : vector<10000x1xf32> to vector<10000x128xf32>
    %sub3A_30 = arith.subf %add3A_20, %sub3A_29 : vector<10000x128xf32>
    %slice3A = vector.extract_strided_slice %sub3A_30 {offsets = [0, 0], sizes = [10000, 40], strides = [1, 1]} : vector<10000x128xf32> to vector<10000x40xf32>
    %swap3A = arith.constant 0 : index
    %swap3A_31 = arith.constant 0 : index
    %swap3A_32 = vector.load %arg4[%swap3A, %swap3A_31] : memref<10000x40xf32, #tpu.memory_space<vmem>>, vector<10000x40xf32>
    tpu.vector_store %arg4[%swap3A, %swap3A_31], %slice3A {strides = array<i32>} : memref<10000x40xf32, #tpu.memory_space<vmem>>, vector<10000x40xf32>,
    return
  }
}

</mosaic_0001>

<sc_bundles>
// kernel: kernel.14.cloned.1.call-start
scs
__scs_entry_jumppad:
0x0: {  	(pc) =	sbr.rel $0x88, $3  }
0x1: {  	(tag) =	ssettag $0x0;
	lr =	simm.s32 $0x1  }
0x2: {  	[smem:$0x3F95] =	sst lr;
	_ =	strace $0xD0000000  }
0x3: {  	_ = 	snop  }
0x4: {  	_ = 	snop  }
0x5: {  	_ = 	snop  }
0x6: {  	_ = 	snop  }
0x7: {  	_ = 	snop  }
__scs_overlays_trampoline_lowered:
0x8: {  	[smem:$0x3FA4] =	sst s0  }
0x9: {  	[smem:$0x3FA5] =	sst s1  }
0xa: {  	[smem:$0x3FA6] =	sst s2  }
0xb: {  	[smem:$0x3FA7] =	sst s3  }
0xc: {  	[smem:$0x3FA8] =	sst s4  }
0xd: {  	[smem:$0x3FA9] =	sst s5  }
0xe: {  	[smem:$0x3FAA] =	sst s6  }
0xf: {  	[smem:$0x3FAB] =	sst s7  }
0x10: {  	[smem:$0x3FAC] =	sst s8  }
0x11: {  	[smem:$0x3FAD] =	sst s9;
	s0 =	simm.s32 @!p0 $0x0  }
0x12: {  	s1 =	sld [smem:$0x3F93];
	s0 =	simm.s32 @p0 $0x1  }
0x13: {  	[smem:$0x3FAE] =	sst s0;
	s0 =	simm.s32 @!p1 $0x0  }
0x14: {  	s2 =	sld [smem:$0x3F92];
	s0 =	simm.s32 @p1 $0x1  }
0x15: {  	[smem:$0x3FAF] =	sst s0;
	s0 =	simm.s32 @!p2 $0x0  }
0x16: {  	s3 =	sld [smem:$0x3FDB];
	s0 =	simm.s32 @p2 $0x1  }
0x17: {  	s4 =	simm.s32 $0x1BF5;
	[smem:$0x3FB1] =	sst s0  }
0x18: {  	s0 =	sld [smem:$0x3F94];
	_ =	swait.ge [sflag:s4], $0x0  }
0x19: {  	s7 =	sld [smem:$0x3F95]  }
0x1a: {  	s8 =	sadd.s32 $0xFFFFE003, lr  }
0x1b: {  	s9 =	sadd.s32 $0xFFFFFEF7, lr;
	s5 =	simm.s32 $0xFFFFFFFF;
	p2 =	slt.u32 s8, $0xFFFFF086  }
0x1c: {  	p1 =	slt.u32 s9, $0xF7A;
	s5 =	simm.s32 @!p2 $0x0  }
0x1d: {  	s5 =	simm.s32 @p1 $0x1;
	p0 =	seq.s32 s7, s2  }
0x1e: {  	s7 =	smul.u32 @!p0 $0xF7A, s2;
	p2 =	seq.s32 @!p0 s5, $0x0  }
0x1f: {  	s9 =	smul.u32 $0xF7A, s1;
	s8 =	simm.s32 @!p0 $0x1BF5;
	p2 =	por !p2, p0  }
0x20: {  	[sflag:s8] =	ssyncset.s32 @!p0 $0xFFFFF086;
	s6 =	sadd.s32 @!p0 s3, s7;
	s7 =	simm.s32 @!p0 $0x108  }
0x21: {  	s3 =	sadd.s32 s3, s9;
	s6 =	sadd.s32 @!p0 $0x88, s6;
	s7 =	simm.s32 @p2 $0x1082  }
0x22: {  	[simem:s7], [sflag:s8] =	dma.local @!p0 [hbm:s6], $0xF7A  }
0x23: {  	s9 =	sor.u32 $0xD0000000, s2;
	s6 =	simm.s32 $0x108;
	_ =	swait.ge @!p0 [sflag:s8], $0x0  }
0x24: {  	s3 =	sadd.s32 $0x88, s3;
	s6 =	simm.s32 @!p1 $0x1082;
	[sflag:s4] =	ssyncset.s32 $0xFFFFF086  }
0x25: {  	[simem:s6], [sflag:s4] =	dma.local [hbm:s3], $0xF7A  }
0x26: {  	[smem:$0x3F95] =	sst s1;
	(tag) =	ssettag s2;
	_ =	strace s9  }
0x27: {  	s1 =	sld [smem:$0x3FA5]  }
0x28: {  	s2 =	sld [smem:$0x3FA6]  }
0x29: {  	s4 =	sld [smem:$0x3FA8]  }
0x2a: {  	p0 =	seq.s32 s5, $0x0;
	s5 =	sld [smem:$0x3FA9]  }
0x2b: {  	s6 =	sld [smem:$0x3FAA]  }
0x2c: {  	s7 =	sld [smem:$0x3FAB]  }
0x2d: {  	s3 =	simm.s32 $0x108;
	s8 =	sld [smem:$0x3FAC]  }
0x2e: {  	s3 =	simm.s32 @!p0 $0x1082;
	s9 =	sld [smem:$0x3FAD]  }
0x2f: {  	lr =	sadd.s32 s0, s3;
	s0 =	sld [smem:$0x3FA4]  }
0x30: {  	s3 =	sld [smem:$0x3FA7]  }
0x31: {  	[smem:$0x3FB0] =	sst s10  }
0x32: {  	s10 =	sld [smem:$0x3FAE];
	_ =	sdelay $0x3  }
0x33: {  	p0 =	seq.s32 s10, $0x1;
	s10 =	sld [smem:$0x3FB0];
	_ =	sdelay $0x3  }
0x34: {  	[smem:$0x3FB0] =	sst s10  }
0x35: {  	s10 =	sld [smem:$0x3FAF];
	_ =	sdelay $0x3  }
0x36: {  	p1 =	seq.s32 s10, $0x1;
	s10 =	sld [smem:$0x3FB0];
	_ =	sdelay $0x3  }
0x37: {  	[smem:$0x3FB0] =	sst s10  }
0x38: {  	s10 =	sld [smem:$0x3FB1]  }
0x39: {  	_ = 	snop;
	(pc) =	sbr.ind lr, $3  }
0x3a: {  	_ = 	snop  }
0x3b: {  	_ = 	snop  }
0x3c: {  	p2 =	seq.s32 s10, $0x1;
	s10 =	sld [smem:$0x3FB0]  }
0x3d: {  	_ =	shalt  }
0x3e: {  	_ =	shalt  }
0x3f: {  	_ =	shalt  }
0x40: {  	_ =	shalt  }
0x41: {  	_ =	shalt  }
0x42: {  	_ =	shalt  }
0x43: {  	_ =	shalt  }
0x44: {  	_ =	shalt  }
0x45: {  	_ =	shalt  }
0x46: {  	_ =	shalt  }
0x47: {  	_ =	shalt  }
0x48: {  	_ =	shalt  }
0x49: {  	_ =	shalt  }
0x4a: {  	_ =	shalt  }
0x4b: {  	_ =	shalt  }
0x4c: {  	_ =	shalt  }
0x4d: {  	_ =	shalt  }
0x4e: {  	_ =	shalt  }
0x4f: {  	_ =	shalt  }
0x50: {  	_ =	shalt  }
0x51: {  	_ =	shalt  }
0x52: {  	_ =	shalt  }
0x53: {  	_ =	shalt  }
0x54: {  	_ =	shalt  }
0x55: {  	_ =	shalt  }
0x56: {  	_ =	shalt  }
0x57: {  	_ =	shalt  }
0x58: {  	_ =	shalt  }
0x59: {  	_ =	shalt  }
0x5a: {  	_ =	shalt  }
0x5b: {  	_ =	shalt  }
0x5c: {  	_ =	shalt  }
0x5d: {  	_ =	shalt  }
0x5e: {  	_ =	shalt  }
0x5f: {  	_ =	shalt  }
0x60: {  	_ =	shalt  }
0x61: {  	_ =	shalt  }
0x62: {  	_ =	shalt  }
0x63: {  	_ =	shalt  }
0x64: {  	_ =	shalt  }
0x65: {  	_ =	shalt  }
0x66: {  	_ =	shalt  }
0x67: {  	_ =	shalt  }
0x68: {  	_ =	shalt  }
0x69: {  	_ =	shalt  }
0x6a: {  	_ =	shalt  }
0x6b: {  	_ =	shalt  }
0x6c: {  	_ =	shalt  }
0x6d: {  	_ =	shalt  }
0x6e: {  	_ =	shalt  }
0x6f: {  	_ =	shalt  }
0x70: {  	_ =	shalt  }
0x71: {  	_ =	shalt  }
0x72: {  	_ =	shalt  }
0x73: {  	_ =	shalt  }
0x74: {  	_ =	shalt  }
0x75: {  	_ =	shalt  }
0x76: {  	_ =	shalt  }
0x77: {  	_ =	shalt  }
0x78: {  	_ =	shalt  }
0x79: {  	_ =	shalt  }
0x7a: {  	_ =	shalt  }
0x7b: {  	_ =	shalt  }
0x7c: {  	_ =	shalt  }
0x7d: {  	_ =	shalt  }
0x7e: {  	_ =	shalt  }
0x7f: {  	_ =	shalt  }
0x80: {  	_ =	shalt  }
0x81: {  	_ =	shalt  }
0x82: {  	_ =	shalt  }
0x83: {  	_ =	shalt  }
0x84: {  	_ =	shalt  }
0x85: {  	_ =	shalt  }
0x86: {  	_ =	shalt  }
0x87: {  	_ =	shalt  }
.Lfunc_end0:
.L_simem_size_0:
called_computation_lowered:
.L_overlay_start_0:
0x88: {  	s2 =	sld [smem:$0x3FD9]  }
0x89: {  	s3 =	sld [smem:$0x3FFE];
	_ =	sdelay $0x1  }
0x8a: {  	s1 =	srdreg.scid  }
0x8b: {  	s0 =	sand.u32 $0x1, s1  }
0x8c: {  	s17 =	sshll.u32 s0, $0xA;
	s2 =	sadd.s32 s3, s2  }
0x8d: {  	s2 =	sadd.s32 s2, s17  }
0x8e: {  	[smem:$0x3FBC] =	sst s2  }
0x8f: {  	_ = 	snop  }
0x90: {  	s2 =	sld [smem:$0x3FD0];
	(tm) =	ssettm $0x1  }
0x91: {  	s18 =	sld [smem:$0x3FFB];
	_ =	sdelay $0x3  }
0x92: {  	_ =	strace s18  }
0x93: {  	s3 =	sld [smem:$0x3FFC];
	_ =	sdelay $0x3  }
0x94: {  	_ =	strace s3  }
0x95: {  	s3 =	sld [smem:$0x3FFD];
	_ =	sdelay $0x3  }
0x96: {  	_ =	strace s3  }
0x97: {  	_ =	strace $0x8FFFFFFF  }
0x98: {  	s19 =	sld [smem:$0x3FDB];
	_ =	sdelay $0x1  }
0x99: {  	s4 =	simm.s32 $_scs_section_size  }
0x9a: {  	s5 =	simm.s32 $_size__tile_overlayer_lowered;
	s6 =	simm.s32 $_tile_overlayer_lowered  }
0x9b: {  	s22 =	simm.s32 $0x1BFF;
	s21 =	sshll.u32 s6, $0x1;
	s3 =	sadd.s32 s4, s19  }
0x9c: {  	s7 =	simm.s32 $0x0;
	s20 =	sshll.u32 s5, $0x1;
	s5 =	sadd.s32 s21, s3  }
0x9d: {  	[timem:s7], [sflag:s22] =	dma.local [hbm:s5], s20  }
0x9e: {  	_ =	swait.ge [sflag:s22], s20  }
0x9f: {  	s4 =	ssub.s32 $0x0, s20;
	[sflag:s22] =	ssyncset.done $0x0  }
0xa0: {  	[sflag:s22] =	ssyncadd.s32 s4;
	_ =	sdelay $0x1  }
0xa1: {  	s23 =	simm.s32 $0x1B8B  }
0xa2: {  	_ =	swait.ge [sflag:s23], $0x1  }
0xa3: {  	[sflag:s23] =	ssyncset.done $0x0  }
0xa4: {  	s25 =	simm.s32 $0x1B8E;
	s24 =	sld [smem:$0x3FFE];
	[sflag:s23] =	ssyncadd.s32 $0xFFFFFFFF  }
0xa5: {  	s26 =	simm.s32 $execute0_lowered;
	[smem:$0x3FD2] =	sst s25  }
0xa6: {  	s5 =	sshll.u32 s26, $0x1;
	_ =	strace $0x80000046;
	[dreg:$0x1] =	wrdreg $0xFFFFFFFF  }
0xa7: {  	s28 =	simm.s32 $_size_execute0_lowered;
	s3 =	sadd.s32 s3, s5;
	[dreg:$0x0] =	wrdreg $0x0  }
0xa8: {  	s5 =	sshll.u32 s28, $0x1;
	[dreg:$0x2] =	wrdreg s3  }
0xa9: {  	[dreg:$0x3] =	wrdreg s5  }
0xaa: {  	[dreg:$0x4] =	wrdreg $0xC0  }
0xab: {  	_ =	task [dreg:s7], $0x5FFFF  }
0xac: {  	[dreg:$0x1] =	wrdreg $0xFFFFFFFF  }
0xad: {  	[dreg:$0x0] =	wrdreg $0x60  }
0xae: {  	[dreg:$0x2] =	wrdreg s2  }
0xaf: {  	[dreg:$0x3] =	wrdreg s24  }
0xb0: {  	[dreg:$0x4] =	wrdreg $0x9  }
0xb1: {  	_ =	task.clear_ibuf [dreg:s7], $0x5FFFF;
	_ =	strace $0x90000046  }
0xb2: {  	s29 =	simm.s32 $0x9;
	_ =	strace $0x80000048  }
0xb3: {  	_ =	swait.ge [sflag:s29], $0x1  }
0xb4: {  	[sflag:s29] =	ssyncadd.s32 $0xFFFFFFFF  }
0xb5: {  	_ =	strace $0x90000048  }
0xb6: {  	_ =	sfence  }
0xb7: {  	s30 =	sld [smem:$0x0];
	_ =	sdelay $0x2  }
0xb8: {  	s31 =	sshll.u32 s1, $0xD;
	s1 =	sshrl.u32 s1, $0x2  }
0xb9: {  	s3 =	sand.u32 $0x4000, s31;
	s1 =	sadd.s32 s1, s30  }
0xba: {  	s0 =	sor.u32 s3, s0;
	s1 =	sshll.u32 s1, $0x11  }
0xbb: {  	s0 =	sor.u32 s1, s0  }
0xbc: {  	s0 =	sadd.s32 $0x8F2B, s0  }
0xbd: {  	[sflag:s0] =	ssyncadd.remote.s32 $0x1  }
0xbe: {  	_ =	sfence.sel $0xFFFF  }
0xbf: {  	[dreg:$0x0] =	wrdreg $0xFFFFFFFF;
	(pc) =	sbr.abs _section_cstart, $3  }
0xc0: {  	[dreg:$0x1] =	wrdreg $0xFFFFFFFF  }
0xc1: {  	_ =	task.clear_ibuf [dreg:s7], $0x2FFFF;
	_ =	strace $0x9FFFFFFF  }
0xc2: {  	(tm) =	ssettm $0x7FFFFFFF  }
0xc3: {  	_ =	shalt  }
tec
execute0_lowered:
.L_overlay_start_1:
0x0: {  	(tag) =	ssettag $0x1  }
0x1: {  	s3 =	rddreg [dreg:$0x0]  }
0x2: {  	s1 =	srdreg.scid;
	s0 =	stileid.u32  }
0x3: {  	s4 =	rddreg [dreg:$0x1];
	s5 =	sand.u32 $0x1, s1;
	s2 =	sshll.u32 s0, $0x1  }
0x4: {  	s1 =	rddreg [dreg:$0x2];
	s6 =	sor.u32 s5, s2  }
0x5: {  	s2 =	simm.s32 $0x0;
	s5 =	ssub.s32 $0x2, s5;
	s7 =	smul.u32 $0x500, s6  }
0x6: {  	[smem:$0x7FF] =	sst s2;
	s8 =	sshrl.u32 s5, $0x1;
	s6 =	smul.u32 $0x510, s6  }
0x7: {  	_ =	strace $0x80000047;
	s5 =	ssub.s32 s5, s8;
	s8 =	simm.s32 $0x0  }
0x8: {  	s4 =	sadd.s32 s7, s4;
	s3 =	sadd.s32 s3, s6;
	s5 =	smax.u32 s5, $0x1  }
0x9: {  	v0 =	vimm.f32 $0.0e+00;
	v1 =	vimm.f32 $1.000000000e+00;
	s6 =	simm.s32 $0x1;
	s7 =	simm.s32 $0x2880;
	s4 =	sadd.s32 $0x2E00, s4  }
.LBB2_1:
0xa: {  	[tilespmem:s2], [sflag:$0x1] =	stream.linear.gather [hbm4b:s3+s2], $0x2880, $0x38;
	[tilespmem:$0x5080] =	vst v63  }
0xb: {  	_ =	swait.ge [sflag:s6], $0x2880  }
0xc: {  	[sflag:s6] =	ssyncset.done $0x0  }
0xd: {  	s9 =	simm.s32 $0x0;
	[sflag:s6] =	ssyncadd.s32 $0xFFFFD780  }
.LBB2_2:
0xe: {  	p0 =	sne.s32 s9, $0x9FC0  }
.Ltmp0:
0xf: {  	_ = 	snop;
	(pc) =	sbr.rel @p0 .LBB2_2-.Ltmp0, $3  }
0x10: {  	_ =	sdelay $0x1  }
0x11: {  	s10 =	sshra.s32 s9, $0x2  }
0x12: {  	s9 =	sadd.s32 $0x40, s9;
	[tilespmem:s10+$0x2880] =	vst v0  }
0x13: {  	s9 =	simm.s32 $0x0  }
.LBB2_4:
0x14: {  	s10 =	sshra.s32 s9, $0x2  }
0x15: {  	v2 =	vld [tilespmem:s10+$0x0];
	_ =	sdelay $0x7  }
0x16: {  	[tilespmem:v2+s7+$0x0] =	vst.idx.add.f32.msk $0xffff, v1  }
0x17: {  	v2 =	vld [tilespmem:s10+$0x10];
	_ =	sdelay $0x7  }
0x18: {  	[tilespmem:v2+s7+$0x0] =	vst.idx.add.f32.msk $0xffff, v1  }
0x19: {  	v2 =	vld [tilespmem:s10+$0x20];
	_ =	sdelay $0x7  }
0x1a: {  	[tilespmem:v2+s7+$0x0] =	vst.idx.add.f32.msk $0xffff, v1  }
0x1b: {  	v2 =	vld [tilespmem:s10+$0x30];
	_ =	sdelay $0x7  }
0x1c: {  	[tilespmem:v2+s7+$0x0] =	vst.idx.add.f32.msk $0xffff, v1  }
0x1d: {  	v2 =	vld [tilespmem:s10+$0x40];
	_ =	sdelay $0x7  }
0x1e: {  	[tilespmem:v2+s7+$0x0] =	vst.idx.add.f32.msk $0xffff, v1  }
0x1f: {  	v2 =	vld [tilespmem:s10+$0x50];
	_ =	sdelay $0x7  }
0x20: {  	[tilespmem:v2+s7+$0x0] =	vst.idx.add.f32.msk $0xffff, v1  }
0x21: {  	v2 =	vld [tilespmem:s10+$0x60];
	_ =	sdelay $0x7  }
0x22: {  	[tilespmem:v2+s7+$0x0] =	vst.idx.add.f32.msk $0xffff, v1  }
0x23: {  	v2 =	vld [tilespmem:s10+$0x70];
	_ =	sdelay $0x2  }
0x24: {  	p0 =	sne.s32 s9, $0xA000  }
.Ltmp1:
0x25: {  	_ = 	snop;
	(pc) =	sbr.rel @p0 .LBB2_4-.Ltmp1, $2  }
0x26: {  	_ =	sdelay $0x2  }
0x27: {  	s9 =	sadd.s32 $0x200, s9;
	[tilespmem:v2+s7+$0x0] =	vst.idx.add.f32.msk $0xffff, v1  }
0x28: {  	s8 =	sadd.s32 $0x1, s8  }
0x29: {  	p0 =	sne.s32 s8, s5  }
.Ltmp2:
0x2a: {  	_ = 	snop;
	(pc) =	sbr.rel @p0 .LBB2_1-.Ltmp2, $4  }
0x2b: {  	[hbm4b:s4+s2] =	stream.linear.scatter [tilespmem:s7], [sflag:$0x1], $0x2800, $0x38;
	[tilespmem:$0x5080] =	vst v63  }
0x2c: {  	_ =	swait.ge [sflag:s6], $0x2800  }
0x2d: {  	[sflag:s6] =	ssyncset.done $0x0  }
0x2e: {  	[sflag:s6] =	ssyncadd.s32 $0xFFFFD800  }
0x2f: {  	_ =	sfence.sel $0x180000  }
0x30: {  	[bflag:$0x0] =	sbarrier.arrive $0xFFFF  }
0x31: {  	p0 =	sne.s32 s0, $0x0;
	_ =	strace $0x90000047  }
0x32: {  	s0 =	sadd.s32 @!p0 $0x100000, s1;
	[bflag:$0x2] =	sbarrier.arrive $0xFFFF  }
0x33: {  	[sflag:s0] =	ssyncadd.tile.s32 @!p0 $0x1;
	_ =	shalt  }
.Lfunc_end2:
_tile_overlayer_lowered:
.L_overlay_start_2:
0x34: {  	(tag) =	ssettag $0x2  }
0x35: {  	s0 =	rddreg [dreg:$0x0];
	s2 =	stileid.u32  }
0x36: {  	s1 =	rddreg [dreg:$0x1];
	p0 =	sne.s32 s2, $0x0  }
0x37: {  	s3 =	rddreg [dreg:$0x2];
	[bflag:$0x3] =	sbarrier.arrive $0xFFFF;
	s2 =	simm.s32 @!p0 $0x1C01  }
0x38: {  	[timem:s3], [sflag:s2] =	dma.local @!p0 [hbm:s0], s1  }
0x39: {  	s0 =	simm.s32 @!p0 $0x1  }
0x3a: {  	_ =	swait.ge @!p0 [sflag:s0], s1  }
0x3b: {  	s1 =	ssub.s32 @!p0 $0x0, s1;
	[sflag:s0] =	ssyncset.done @!p0 $0x0  }
0x3c: {  	[sflag:s0] =	ssyncadd.s32 @!p0 s1  }
0x3d: {  	[bflag:$0x3] =	sbarrier.arrive $0xFFFF  }
0x3e: {  	_ =	shalt  }

// kernel: kernel.17.cloned.1.call-start
scs
__scs_entry_jumppad:
0x0: {  	(pc) =	sbr.rel $0x88, $3  }
0x1: {  	(tag) =	ssettag $0x0;
	lr =	simm.s32 $0x1  }
0x2: {  	[smem:$0x3F95] =	sst lr;
	_ =	strace $0xD0000000  }
0x3: {  	_ = 	snop  }
0x4: {  	_ = 	snop  }
0x5: {  	_ = 	snop  }
0x6: {  	_ = 	snop  }
0x7: {  	_ = 	snop  }
__scs_overlays_trampoline_lowered:
0x8: {  	[smem:$0x3FA4] =	sst s0  }
0x9: {  	[smem:$0x3FA5] =	sst s1  }
0xa: {  	[smem:$0x3FA6] =	sst s2  }
0xb: {  	[smem:$0x3FA7] =	sst s3  }
0xc: {  	[smem:$0x3FA8] =	sst s4  }
0xd: {  	[smem:$0x3FA9] =	sst s5  }
0xe: {  	[smem:$0x3FAA] =	sst s6  }
0xf: {  	[smem:$0x3FAB] =	sst s7  }
0x10: {  	[smem:$0x3FAC] =	sst s8  }
0x11: {  	[smem:$0x3FAD] =	sst s9;
	s0 =	simm.s32 @!p0 $0x0  }
0x12: {  	s1 =	sld [smem:$0x3F93];
	s0 =	simm.s32 @p0 $0x1  }
0x13: {  	[smem:$0x3FAE] =	sst s0;
	s0 =	simm.s32 @!p1 $0x0  }
0x14: {  	s2 =	sld [smem:$0x3F92];
	s0 =	simm.s32 @p1 $0x1  }
0x15: {  	[smem:$0x3FAF] =	sst s0;
	s0 =	simm.s32 @!p2 $0x0  }
0x16: {  	s3 =	sld [smem:$0x3FDB];
	s0 =	simm.s32 @p2 $0x1  }
0x17: {  	s4 =	simm.s32 $0x1BF5;
	[smem:$0x3FB1] =	sst s0  }
0x18: {  	s0 =	sld [smem:$0x3F94];
	_ =	swait.ge [sflag:s4], $0x0  }
0x19: {  	s7 =	sld [smem:$0x3F95]  }
0x1a: {  	s8 =	sadd.s32 $0xFFFFE003, lr  }
0x1b: {  	s9 =	sadd.s32 $0xFFFFFEF7, lr;
	s5 =	simm.s32 $0xFFFFFFFF;
	p2 =	slt.u32 s8, $0xFFFFF086  }
0x1c: {  	p1 =	slt.u32 s9, $0xF7A;
	s5 =	simm.s32 @!p2 $0x0  }
0x1d: {  	s5 =	simm.s32 @p1 $0x1;
	p0 =	seq.s32 s7, s2  }
0x1e: {  	s7 =	smul.u32 @!p0 $0xF7A, s2;
	p2 =	seq.s32 @!p0 s5, $0x0  }
0x1f: {  	s9 =	smul.u32 $0xF7A, s1;
	s8 =	simm.s32 @!p0 $0x1BF5;
	p2 =	por !p2, p0  }
0x20: {  	[sflag:s8] =	ssyncset.s32 @!p0 $0xFFFFF086;
	s6 =	sadd.s32 @!p0 s3, s7;
	s7 =	simm.s32 @!p0 $0x108  }
0x21: {  	s3 =	sadd.s32 s3, s9;
	s6 =	sadd.s32 @!p0 $0x88, s6;
	s7 =	simm.s32 @p2 $0x1082  }
0x22: {  	[simem:s7], [sflag:s8] =	dma.local @!p0 [hbm:s6], $0xF7A  }
0x23: {  	s9 =	sor.u32 $0xD0000000, s2;
	s6 =	simm.s32 $0x108;
	_ =	swait.ge @!p0 [sflag:s8], $0x0  }
0x24: {  	s3 =	sadd.s32 $0x88, s3;
	s6 =	simm.s32 @!p1 $0x1082;
	[sflag:s4] =	ssyncset.s32 $0xFFFFF086  }
0x25: {  	[simem:s6], [sflag:s4] =	dma.local [hbm:s3], $0xF7A  }
0x26: {  	[smem:$0x3F95] =	sst s1;
	(tag) =	ssettag s2;
	_ =	strace s9  }
0x27: {  	s1 =	sld [smem:$0x3FA5]  }
0x28: {  	s2 =	sld [smem:$0x3FA6]  }
0x29: {  	s4 =	sld [smem:$0x3FA8]  }
0x2a: {  	p0 =	seq.s32 s5, $0x0;
	s5 =	sld [smem:$0x3FA9]  }
0x2b: {  	s6 =	sld [smem:$0x3FAA]  }
0x2c: {  	s7 =	sld [smem:$0x3FAB]  }
0x2d: {  	s3 =	simm.s32 $0x108;
	s8 =	sld [smem:$0x3FAC]  }
0x2e: {  	s3 =	simm.s32 @!p0 $0x1082;
	s9 =	sld [smem:$0x3FAD]  }
0x2f: {  	lr =	sadd.s32 s0, s3;
	s0 =	sld [smem:$0x3FA4]  }
0x30: {  	s3 =	sld [smem:$0x3FA7]  }
0x31: {  	[smem:$0x3FB0] =	sst s10  }
0x32: {  	s10 =	sld [smem:$0x3FAE];
	_ =	sdelay $0x3  }
0x33: {  	p0 =	seq.s32 s10, $0x1;
	s10 =	sld [smem:$0x3FB0];
	_ =	sdelay $0x3  }
0x34: {  	[smem:$0x3FB0] =	sst s10  }
0x35: {  	s10 =	sld [smem:$0x3FAF];
	_ =	sdelay $0x3  }
0x36: {  	p1 =	seq.s32 s10, $0x1;
	s10 =	sld [smem:$0x3FB0];
	_ =	sdelay $0x3  }
0x37: {  	[smem:$0x3FB0] =	sst s10  }
0x38: {  	s10 =	sld [smem:$0x3FB1]  }
0x39: {  	_ = 	snop;
	(pc) =	sbr.ind lr, $3  }
0x3a: {  	_ = 	snop  }
0x3b: {  	_ = 	snop  }
0x3c: {  	p2 =	seq.s32 s10, $0x1;
	s10 =	sld [smem:$0x3FB0]  }
0x3d: {  	_ =	shalt  }
0x3e: {  	_ =	shalt  }
0x3f: {  	_ =	shalt  }
0x40: {  	_ =	shalt  }
0x41: {  	_ =	shalt  }
0x42: {  	_ =	shalt  }
0x43: {  	_ =	shalt  }
0x44: {  	_ =	shalt  }
0x45: {  	_ =	shalt  }
0x46: {  	_ =	shalt  }
0x47: {  	_ =	shalt  }
0x48: {  	_ =	shalt  }
0x49: {  	_ =	shalt  }
0x4a: {  	_ =	shalt  }
0x4b: {  	_ =	shalt  }
0x4c: {  	_ =	shalt  }
0x4d: {  	_ =	shalt  }
0x4e: {  	_ =	shalt  }
0x4f: {  	_ =	shalt  }
0x50: {  	_ =	shalt  }
0x51: {  	_ =	shalt  }
0x52: {  	_ =	shalt  }
0x53: {  	_ =	shalt  }
0x54: {  	_ =	shalt  }
0x55: {  	_ =	shalt  }
0x56: {  	_ =	shalt  }
0x57: {  	_ =	shalt  }
0x58: {  	_ =	shalt  }
0x59: {  	_ =	shalt  }
0x5a: {  	_ =	shalt  }
0x5b: {  	_ =	shalt  }
0x5c: {  	_ =	shalt  }
0x5d: {  	_ =	shalt  }
0x5e: {  	_ =	shalt  }
0x5f: {  	_ =	shalt  }
0x60: {  	_ =	shalt  }
0x61: {  	_ =	shalt  }
0x62: {  	_ =	shalt  }
0x63: {  	_ =	shalt  }
0x64: {  	_ =	shalt  }
0x65: {  	_ =	shalt  }
0x66: {  	_ =	shalt  }
0x67: {  	_ =	shalt  }
0x68: {  	_ =	shalt  }
0x69: {  	_ =	shalt  }
0x6a: {  	_ =	shalt  }
0x6b: {  	_ =	shalt  }
0x6c: {  	_ =	shalt  }
0x6d: {  	_ =	shalt  }
0x6e: {  	_ =	shalt  }
0x6f: {  	_ =	shalt  }
0x70: {  	_ =	shalt  }
0x71: {  	_ =	shalt  }
0x72: {  	_ =	shalt  }
0x73: {  	_ =	shalt  }
0x74: {  	_ =	shalt  }
0x75: {  	_ =	shalt  }
0x76: {  	_ =	shalt  }
0x77: {  	_ =	shalt  }
0x78: {  	_ =	shalt  }
0x79: {  	_ =	shalt  }
0x7a: {  	_ =	shalt  }
0x7b: {  	_ =	shalt  }
0x7c: {  	_ =	shalt  }
0x7d: {  	_ =	shalt  }
0x7e: {  	_ =	shalt  }
0x7f: {  	_ =	shalt  }
0x80: {  	_ =	shalt  }
0x81: {  	_ =	shalt  }
0x82: {  	_ =	shalt  }
0x83: {  	_ =	shalt  }
0x84: {  	_ =	shalt  }
0x85: {  	_ =	shalt  }
0x86: {  	_ =	shalt  }
0x87: {  	_ =	shalt  }
.Lfunc_end0:
.L_simem_size_0:
called_computation.1_lowered:
.L_overlay_start_0:
0x88: {  	s2 =	sld [smem:$0x3FD9]  }
0x89: {  	s3 =	sld [smem:$0x3FFE];
	_ =	sdelay $0x1  }
0x8a: {  	s1 =	srdreg.scid  }
0x8b: {  	s0 =	sand.u32 $0x1, s1  }
0x8c: {  	s17 =	sshll.u32 s0, $0xA;
	s2 =	sadd.s32 s3, s2  }
0x8d: {  	s2 =	sadd.s32 s2, s17  }
0x8e: {  	[smem:$0x3FBC] =	sst s2  }
0x8f: {  	_ = 	snop  }
0x90: {  	s2 =	sld [smem:$0x3FD0];
	(tm) =	ssettm $0x1  }
0x91: {  	s18 =	sld [smem:$0x3FFB];
	_ =	sdelay $0x3  }
0x92: {  	_ =	strace s18  }
0x93: {  	s3 =	sld [smem:$0x3FFC];
	_ =	sdelay $0x3  }
0x94: {  	_ =	strace s3  }
0x95: {  	s3 =	sld [smem:$0x3FFD];
	_ =	sdelay $0x3  }
0x96: {  	_ =	strace s3  }
0x97: {  	_ =	strace $0x8FFFFFFF  }
0x98: {  	s19 =	sld [smem:$0x3FDB];
	_ =	sdelay $0x1  }
0x99: {  	s4 =	simm.s32 $_scs_section_size  }
0x9a: {  	s5 =	simm.s32 $_size__tile_overlayer_lowered;
	s6 =	simm.s32 $_tile_overlayer_lowered  }
0x9b: {  	s22 =	simm.s32 $0x1BFF;
	s21 =	sshll.u32 s6, $0x1;
	s3 =	sadd.s32 s4, s19  }
0x9c: {  	s7 =	simm.s32 $0x0;
	s20 =	sshll.u32 s5, $0x1;
	s5 =	sadd.s32 s21, s3  }
0x9d: {  	[timem:s7], [sflag:s22] =	dma.local [hbm:s5], s20  }
0x9e: {  	_ =	swait.ge [sflag:s22], s20  }
0x9f: {  	s4 =	ssub.s32 $0x0, s20;
	[sflag:s22] =	ssyncset.done $0x0  }
0xa0: {  	[sflag:s22] =	ssyncadd.s32 s4;
	_ =	sdelay $0x1  }
0xa1: {  	s23 =	simm.s32 $0x1B8B  }
0xa2: {  	_ =	swait.ge [sflag:s23], $0x1  }
0xa3: {  	[sflag:s23] =	ssyncset.done $0x0  }
0xa4: {  	s25 =	simm.s32 $0x1B8E;
	s24 =	sld [smem:$0x3FFE];
	[sflag:s23] =	ssyncadd.s32 $0xFFFFFFFF  }
0xa5: {  	s26 =	simm.s32 $execute0_lowered;
	[smem:$0x3FD2] =	sst s25  }
0xa6: {  	s5 =	sshll.u32 s26, $0x1;
	_ =	strace $0x80000049;
	[dreg:$0x1] =	wrdreg $0xFFFFFFFF  }
0xa7: {  	s28 =	simm.s32 $_size_execute0_lowered;
	s3 =	sadd.s32 s3, s5;
	[dreg:$0x0] =	wrdreg $0x0  }
0xa8: {  	s5 =	sshll.u32 s28, $0x1;
	[dreg:$0x2] =	wrdreg s3  }
0xa9: {  	[dreg:$0x3] =	wrdreg s5  }
0xaa: {  	[dreg:$0x4] =	wrdreg $0xC0  }
0xab: {  	_ =	task [dreg:s7], $0x5FFFF  }
0xac: {  	[dreg:$0x1] =	wrdreg $0xFFFFFFFF  }
0xad: {  	[dreg:$0x0] =	wrdreg $0x60  }
0xae: {  	[dreg:$0x2] =	wrdreg s24  }
0xaf: {  	[dreg:$0x3] =	wrdreg s2  }
0xb0: {  	[dreg:$0x4] =	wrdreg $0x122000  }
0xb1: {  	[dreg:$0x5] =	wrdreg $0x9  }
0xb2: {  	_ =	task.clear_ibuf [dreg:s7], $0x6FFFF;
	_ =	strace $0x90000049  }
0xb3: {  	s29 =	simm.s32 $0x9;
	_ =	strace $0x8000004B  }
0xb4: {  	_ =	swait.ge [sflag:s29], $0x1  }
0xb5: {  	[sflag:s29] =	ssyncadd.s32 $0xFFFFFFFF  }
0xb6: {  	_ =	strace $0x9000004B  }
0xb7: {  	_ =	sfence  }
0xb8: {  	s30 =	sld [smem:$0x0];
	_ =	sdelay $0x2  }
0xb9: {  	s31 =	sshll.u32 s1, $0xD;
	s1 =	sshrl.u32 s1, $0x2  }
0xba: {  	s3 =	sand.u32 $0x4000, s31;
	s1 =	sadd.s32 s1, s30  }
0xbb: {  	s0 =	sor.u32 s3, s0;
	s1 =	sshll.u32 s1, $0x11  }
0xbc: {  	s0 =	sor.u32 s1, s0  }
0xbd: {  	s0 =	sadd.s32 $0x8F2B, s0  }
0xbe: {  	[sflag:s0] =	ssyncadd.remote.s32 $0x1  }
0xbf: {  	_ =	sfence.sel $0xFFFF  }
0xc0: {  	[dreg:$0x0] =	wrdreg $0xFFFFFFFF;
	(pc) =	sbr.abs _section_cstart, $3  }
0xc1: {  	[dreg:$0x1] =	wrdreg $0xFFFFFFFF  }
0xc2: {  	_ =	task.clear_ibuf [dreg:s7], $0x2FFFF;
	_ =	strace $0x9FFFFFFF  }
0xc3: {  	(tm) =	ssettm $0x7FFFFFFF  }
tec
execute0_lowered:
.L_overlay_start_1:
0x0: {  	(tag) =	ssettag $0x1  }
0x1: {  	s0 =	rddreg [dreg:$0x0]  }
0x2: {  	s1 =	rddreg [dreg:$0x1];
	s3 =	srdreg.scid  }
0x3: {  	s2 =	rddreg [dreg:$0x2];
	s9 =	stileid.u32  }
0x4: {  	s14 =	simm.s32 $0x7;
	s16 =	simm.s32 $0x10200;
	s17 =	simm.s32 $0x80  }
0x5: {  	s18 =	simm.s32 $0xA200;
	s19 =	simm.s32 $0xC200;
	s21 =	simm.s32 $0xE200  }
0x6: {  	s22 =	simm.s32 $0x1;
	s28 =	simm.s32 $0x6;
	s6 =	smul.u32 $0xA000, s9  }
0x7: {  	s29 =	simm.s32 $0xA080;
	s30 =	simm.s32 $0xA100;
	s8 =	smul.u32 $0xA20, s9  }
0x8: {  	s4 =	sand.u32 $0x1, s3;
	s3 =	simm.s32 $0x0;
	s24 =	smul.u32 $0x28000, s9  }
0x9: {  	s31 =	simm.s32 $0xA180;
	s5 =	smul.u32 $0x13880, s4;
	[smem:$0x7FF] =	sst s3  }
0xa: {  	s7 =	smul.u32 $0xA0000, s4;
	s4 =	ssub.s32 $0x2, s4;
	_ =	strace $0x8000004A  }
0xb: {  	s25 =	sadd.s32 s8, s0;
	s26 =	sshrl.u32 s4, $0x1;
	s11 =	sadd.s32 s5, s0  }
0xc: {  	s23 =	sadd.s32 s6, s7;
	s7 =	sshrl.u32 s24, $0x2;
	s13 =	ssub.s32 s4, s26  }
0xd: {  	s4 =	sadd.s32 $0xCE00, s25;
	s6 =	sadd.s32 s6, s2;
	s24 =	simm.s32 $0x3  }
0xe: {  	s25 =	simm.s32 $0x4;
	s26 =	simm.s32 $0x5;
	s5 =	sshrl.u32 s23, $0x3  }
0xf: {  	s10 =	sadd.s32 s7, s2;
	s11 =	sadd.s32 $0x17000, s11;
	s13 =	smax.u32 s13, $0x1  }
0x10: {  	s23 =	simm.s32 $0x2;
	s0 =	sadd.s32 s5, s0;
	s5 =	sadd.s32 s1, s8  }
0x11: {  	s7 =	sadd.s32 $0x2000, s10;
	s8 =	sadd.s32 $0x4000, s10;
	s9 =	sadd.s32 $0x6000, s10  }
0x12: {  	v0 =	vimm.f32 $0.0e+00;
	s10 =	sadd.s32 $0x8000, s10;
	s12 =	sadd.s32 $0x3E200, s0;
	s0 =	simm.s32 $0x0  }
.LBB2_1:
0x13: {  	[tilespmem:s3], [sflag:$0x7] =	stream.linear.gather [hbm4b:s4+s3], $0x5100, $0x38;
	[tilespmem:$0x1C200] =	vst v63  }
0x14: {  	_ =	swait.ge [sflag:s14], $0x5100  }
0x15: {  	[sflag:s14] =	ssyncset.done $0x0  }
0x16: {  	s1 =	simm.s32 $0x5100;
	[sflag:s14] =	ssyncadd.s32 $0xFFFFAF00  }
0x17: {  	[tilespmem:s1], [sflag:$0x7] =	stream.linear.gather [hbm4b:s5+s3], $0x5100, $0x38;
	[tilespmem:$0x1C200] =	vst v63  }
0x18: {  	_ =	swait.ge [sflag:s14], $0x5100  }
0x19: {  	[sflag:s14] =	ssyncset.done $0x0  }
0x1a: {  	s15 =	simm.s32 $0x100;
	s1 =	simm.s32 $0x0;
	[sflag:s14] =	ssyncadd.s32 $0xFFFFAF00  }
.LBB2_2:
0x1b: {  	p0 =	sne.s32 s15, $0x7F00;
	[tilespmem:s1+$0x10230] =	vst v0;
	s20 =	smov.u32 s15;
	s15 =	sadd.s32 $0x100, s15  }
.Ltmp0:
0x1c: {  	[tilespmem:s1+$0x10220] =	vst v0;
	(pc) =	sbr.rel @p0 .LBB2_2-.Ltmp0, $3  }
0x1d: {  	[tilespmem:s1+$0x10200] =	vst v0  }
0x1e: {  	[tilespmem:s1+$0x10210] =	vst v0;
	_ =	sdelay $0x1  }
0x1f: {  	s1 =	sshra.s32 s20, $0x2  }
0x20: {  	[tilespmem:s1+$0x10230] =	vst v0  }
0x21: {  	[tilespmem:s1+$0x10220] =	vst v0  }
0x22: {  	[tilespmem:s1+$0x10200] =	vst v0  }
0x23: {  	[tilespmem:s1+$0x10210] =	vst v0  }
0x24: {  	[spmem:s6] =	stream.linear.scatter [tilespmem:s16], [sflag:$0x7], $0x2000, $0x38;
	[tilespmem:$0x1C200] =	vst v63  }
0x25: {  	_ =	swait.ge [sflag:s14], $0x2000  }
0x26: {  	[sflag:s14] =	ssyncset.done $0x0  }
0x27: {  	[sflag:s14] =	ssyncadd.s32 $0xFFFFE000  }
0x28: {  	[spmem:s7] =	stream.linear.scatter [tilespmem:s16], [sflag:$0x7], $0x2000, $0x38;
	[tilespmem:$0x1C200] =	vst v63  }
0x29: {  	_ =	swait.ge [sflag:s14], $0x2000  }
0x2a: {  	[sflag:s14] =	ssyncset.done $0x0  }
0x2b: {  	[sflag:s14] =	ssyncadd.s32 $0xFFFFE000  }
0x2c: {  	[spmem:s8] =	stream.linear.scatter [tilespmem:s16], [sflag:$0x7], $0x2000, $0x38;
	[tilespmem:$0x1C200] =	vst v63  }
0x2d: {  	_ =	swait.ge [sflag:s14], $0x2000  }
0x2e: {  	[sflag:s14] =	ssyncset.done $0x0  }
0x2f: {  	[sflag:s14] =	ssyncadd.s32 $0xFFFFE000  }
0x30: {  	[spmem:s9] =	stream.linear.scatter [tilespmem:s16], [sflag:$0x7], $0x2000, $0x38;
	[tilespmem:$0x1C200] =	vst v63  }
0x31: {  	_ =	swait.ge [sflag:s14], $0x2000  }
0x32: {  	[sflag:s14] =	ssyncset.done $0x0  }
0x33: {  	[sflag:s14] =	ssyncadd.s32 $0xFFFFE000  }
0x34: {  	[spmem:s10] =	stream.linear.scatter [tilespmem:s16], [sflag:$0x7], $0x2000, $0x38;
	[tilespmem:$0x1C200] =	vst v63  }
0x35: {  	_ =	swait.ge [sflag:s14], $0x2000  }
0x36: {  	[sflag:s14] =	ssyncset.done $0x0  }
0x37: {  	[sflag:s14] =	ssyncadd.s32 $0xFFFFE000  }
0x38: {  	s20 =	simm.s32 $0x0;
	[bflag:$0x0] =	sbarrier.arrive $0xFFFF  }
0x39: {  	[tilespmem:s18], [sflag:$0x1] =	stream.indirect.gather [hbm4b:s11+s17], $0x40, s20, s17, $0xb8;
	[tilespmem:$0x1C200] =	vst v63  }
0x3a: {  	_ = 	snop  }
0x3b: {  	[tilespmem:s19], [sflag:$0x2] =	stream.indirect.gather [hbm4b:s11+s17], $0x40, s17, s17, $0xb8;
	[tilespmem:$0x1C200] =	vst v63  }
0x3c: {  	s15 =	simm.s32 $0x100  }
0x3d: {  	[tilespmem:s21], [sflag:$0x3] =	stream.indirect.gather [hbm4b:s11+s17], $0x40, s15, s17, $0xb8;
	[tilespmem:$0x1C200] =	vst v63  }
0x3e: {  	_ =	swait.ge [sflag:s22], $0x2000  }
0x3f: {  	[sflag:s22] =	ssyncset.done $0x0  }
0x40: {  	s20 =	simm.s32 $0x5100;
	[sflag:s22] =	ssyncadd.s32 $0xFFFFE000  }
0x41: {  	[spmem:s2] =	stream.indirect.scatter.add.f32 [tilespmem:s18], [sflag:$0x4], $0x40, s20, s17, $0xb8;
	[tilespmem:$0x1C200] =	vst v63  }
0x42: {  	_ =	swait.ge [sflag:s23], $0x2000  }
0x43: {  	[sflag:s23] =	ssyncset.done $0x0  }
0x44: {  	s15 =	simm.s32 $0x5180;
	[sflag:s23] =	ssyncadd.s32 $0xFFFFE000  }
0x45: {  	[spmem:s2] =	stream.indirect.scatter.add.f32 [tilespmem:s19], [sflag:$0x5], $0x40, s15, s17, $0xb8;
	[tilespmem:$0x1C200] =	vst v63  }
0x46: {  	_ =	swait.ge [sflag:s24], $0x2000  }
0x47: {  	[sflag:s24] =	ssyncset.done $0x0  }
0x48: {  	s20 =	simm.s32 $0x5200;
	[sflag:s24] =	ssyncadd.s32 $0xFFFFE000  }
0x49: {  	[spmem:s2] =	stream.indirect.scatter.add.f32 [tilespmem:s21], [sflag:$0x6], $0x40, s20, s17, $0xb8;
	[tilespmem:$0x1C200] =	vst v63  }
0x4a: {  	_ =	swait.ge [sflag:s25], $0x2000  }
0x4b: {  	[sflag:s25] =	ssyncset.done $0x0  }
0x4c: {  	s15 =	simm.s32 $0x180;
	[sflag:s25] =	ssyncadd.s32 $0xFFFFE000  }
0x4d: {  	[tilespmem:s18], [sflag:$0x1] =	stream.indirect.gather [hbm4b:s11+s17], $0x40, s15, s17, $0xb8;
	[tilespmem:$0x1C200] =	vst v63  }
0x4e: {  	_ =	swait.ge [sflag:s26], $0x2000  }
0x4f: {  	[sflag:s26] =	ssyncset.done $0x0  }
0x50: {  	s20 =	simm.s32 $0x200;
	[sflag:s26] =	ssyncadd.s32 $0xFFFFE000  }
0x51: {  	[tilespmem:s19], [sflag:$0x2] =	stream.indirect.gather [hbm4b:s11+s17], $0x40, s20, s17, $0xb8;
	[tilespmem:$0x1C200] =	vst v63  }
0x52: {  	_ =	swait.ge [sflag:s28], $0x2000  }
0x53: {  	[sflag:s28] =	ssyncset.done $0x0  }
0x54: {  	s1 =	simm.s32 $0x600;
	s15 =	simm.s32 $0x280;
	[sflag:s28] =	ssyncadd.s32 $0xFFFFE000  }
.LBB2_4:
0x55: {  	[tilespmem:s21], [sflag:$0x3] =	stream.indirect.gather [hbm4b:s11+s17], $0x40, s15, s17, $0xb8;
	[tilespmem:$0x1C200] =	vst v63  }
0x56: {  	s15 =	smov.u32 s1  }
0x57: {  	p0 =	sne.s32 s1, $0x13800;
	s1 =	sadd.s32 $0x600, s1;
	_ =	swait.ge [sflag:s22], $0x2000  }
0x58: {  	s15 =	sshra.s32 s15, $0x2;
	[sflag:s22] =	ssyncset.done $0x0  }
0x59: {  	s20 =	sadd.s32 $0x5100, s15;
	[sflag:s22] =	ssyncadd.s32 $0xFFFFE000  }
0x5a: {  	[spmem:s2] =	stream.indirect.scatter.add.f32 [tilespmem:s18], [sflag:$0x4], $0x40, s20, s17, $0xb8;
	[tilespmem:$0x1C200] =	vst v63  }
0x5b: {  	_ =	swait.ge [sflag:s23], $0x2000  }
0x5c: {  	[sflag:s23] =	ssyncset.done $0x0  }
0x5d: {  	s20 =	sadd.s32 $0x5180, s15;
	[sflag:s23] =	ssyncadd.s32 $0xFFFFE000  }
0x5e: {  	[spmem:s2] =	stream.indirect.scatter.add.f32 [tilespmem:s19], [sflag:$0x5], $0x40, s20, s17, $0xb8;
	[tilespmem:$0x1C200] =	vst v63  }
0x5f: {  	_ =	swait.ge [sflag:s24], $0x2000  }
0x60: {  	[sflag:s24] =	ssyncset.done $0x0  }
0x61: {  	s20 =	sadd.s32 $0x5200, s15;
	[sflag:s24] =	ssyncadd.s32 $0xFFFFE000  }
0x62: {  	[spmem:s2] =	stream.indirect.scatter.add.f32 [tilespmem:s21], [sflag:$0x6], $0x40, s20, s17, $0xb8;
	[tilespmem:$0x1C200] =	vst v63  }
0x63: {  	_ =	swait.ge [sflag:s25], $0x2000  }
0x64: {  	[sflag:s25] =	ssyncset.done $0x0  }
0x65: {  	s20 =	sadd.s32 $0x180, s15;
	[sflag:s25] =	ssyncadd.s32 $0xFFFFE000  }
0x66: {  	[tilespmem:s18], [sflag:$0x1] =	stream.indirect.gather [hbm4b:s11+s17], $0x40, s20, s17, $0xb8;
	[tilespmem:$0x1C200] =	vst v63  }
0x67: {  	_ =	swait.ge [sflag:s26], $0x2000  }
0x68: {  	[sflag:s26] =	ssyncset.done $0x0  }
.Ltmp1:
0x69: {  	s20 =	sadd.s32 $0x200, s15;
	[sflag:s26] =	ssyncadd.s32 $0xFFFFE000;
	(pc) =	sbr.rel @p0 .LBB2_4-.Ltmp1, $4  }
0x6a: {  	[tilespmem:s19], [sflag:$0x2] =	stream.indirect.gather [hbm4b:s11+s17], $0x40, s20, s17, $0xb8;
	[tilespmem:$0x1C200] =	vst v63  }
0x6b: {  	_ =	swait.ge [sflag:s28], $0x2000  }
0x6c: {  	[sflag:s28] =	ssyncset.done $0x0  }
0x6d: {  	s15 =	sadd.s32 $0x280, s15;
	[sflag:s28] =	ssyncadd.s32 $0xFFFFE000  }
0x6e: {  	[tilespmem:s21], [sflag:$0x3] =	stream.indirect.gather [hbm4b:s11+s17], $0x40, s15, s17, $0xb8;
	[tilespmem:$0x1C200] =	vst v63  }
0x6f: {  	_ =	swait.ge [sflag:s22], $0x2000  }
0x70: {  	[sflag:s22] =	ssyncset.done $0x0  }
0x71: {  	[sflag:s22] =	ssyncadd.s32 $0xFFFFE000  }
0x72: {  	[spmem:s2] =	stream.indirect.scatter.add.f32 [tilespmem:s18], [sflag:$0x4], $0x40, s29, s17, $0xb8;
	[tilespmem:$0x1C200] =	vst v63  }
0x73: {  	_ =	swait.ge [sflag:s23], $0x2000  }
0x74: {  	[sflag:s23] =	ssyncset.done $0x0  }
0x75: {  	[sflag:s23] =	ssyncadd.s32 $0xFFFFE000  }
0x76: {  	[spmem:s2] =	stream.indirect.scatter.add.f32 [tilespmem:s19], [sflag:$0x5], $0x40, s30, s17, $0xb8;
	[tilespmem:$0x1C200] =	vst v63  }
0x77: {  	_ =	swait.ge [sflag:s24], $0x2000  }
0x78: {  	[sflag:s24] =	ssyncset.done $0x0  }
0x79: {  	[sflag:s24] =	ssyncadd.s32 $0xFFFFE000  }
0x7a: {  	[spmem:s2] =	stream.indirect.scatter.add.f32 [tilespmem:s21], [sflag:$0x6], $0x40, s31, s17, $0xb8;
	[tilespmem:$0x1C200] =	vst v63  }
0x7b: {  	_ =	swait.ge [sflag:s25], $0x2000  }
0x7c: {  	[sflag:s25] =	ssyncset.done $0x0  }
0x7d: {  	[sflag:s25] =	ssyncadd.s32 $0xFFFFE000  }
0x7e: {  	_ =	swait.ge [sflag:s26], $0x2000  }
0x7f: {  	[sflag:s26] =	ssyncset.done $0x0  }
0x80: {  	[sflag:s26] =	ssyncadd.s32 $0xFFFFE000  }
0x81: {  	s1 =	stileid.u32;
	_ =	swait.ge [sflag:s28], $0x2000  }
0x82: {  	s20 =	sshrl.u32 s6, $0x3;
	s0 =	sadd.s32 $0x1, s0;
	[sflag:s28] =	ssyncset.done $0x0  }
0x83: {  	s1 =	sshll.u32 s1, $0x6;
	p0 =	sne.s32 s0, s13;
	[sflag:s28] =	ssyncadd.s32 $0xFFFFE000  }
.Ltmp2:
0x84: {  	s1 =	sor.u32 $0x1C07, s1;
	[bflag:$0x0] =	sbarrier.arrive $0xFFFF;
	(pc) =	sbr.rel @p0 .LBB2_1-.Ltmp2, $4  }
0x85: {  	[hbm:s12], [sflag:s1] =	dma.local [spmem:s20], $0x1400  }
0x86: {  	_ =	swait.ge [sflag:s14], $0x1400  }
0x87: {  	[sflag:s14] =	ssyncset.done $0x0  }
0x88: {  	[sflag:s14] =	ssyncadd.s32 $0xFFFFEC00  }
0x89: {  	_ =	sfence.sel $0x180000  }
0x8a: {  	[bflag:$0x0] =	sbarrier.arrive $0xFFFF  }
0x8b: {  	_ =	strace $0x9000004A  }
0x8c: {  	s0 =	stileid.u32;
	[bflag:$0x2] =	sbarrier.arrive $0xFFFF  }
0x8d: {  	p0 =	sne.s32 s0, $0x0;
	s0 =	rddreg [dreg:$0x3]  }
0x8e: {  	s0 =	sadd.s32 @!p0 $0x100000, s0  }
0x8f: {  	[sflag:s0] =	ssyncadd.tile.s32 @!p0 $0x1;
	_ =	shalt  }
.Lfunc_end2:
_tile_overlayer_lowered:
.L_overlay_start_2:
0x90: {  	(tag) =	ssettag $0x2  }
0x91: {  	s0 =	rddreg [dreg:$0x0];
	s2 =	stileid.u32  }
0x92: {  	s1 =	rddreg [dreg:$0x1];
	p0 =	sne.s32 s2, $0x0  }
0x93: {  	s3 =	rddreg [dreg:$0x2];
	[bflag:$0x3] =	sbarrier.arrive $0xFFFF;
	s2 =	simm.s32 @!p0 $0x1C07  }
0x94: {  	[timem:s3], [sflag:s2] =	dma.local @!p0 [hbm:s0], s1  }
0x95: {  	s0 =	simm.s32 @!p0 $0x7  }
0x96: {  	_ =	swait.ge @!p0 [sflag:s0], s1  }
0x97: {  	s1 =	ssub.s32 @!p0 $0x0, s1;
	[sflag:s0] =	ssyncset.done @!p0 $0x0  }
0x98: {  	[sflag:s0] =	ssyncadd.s32 @!p0 s1  }
0x99: {  	[bflag:$0x3] =	sbarrier.arrive $0xFFFF  }
0x9a: {  	_ =	shalt  }

// kernel: kernel.20.cloned.1.call-start
scs
__scs_entry_jumppad:
0x0: {  	(pc) =	sbr.rel $0x88, $3  }
0x1: {  	(tag) =	ssettag $0x0;
	lr =	simm.s32 $0x1  }
0x2: {  	[smem:$0x3F95] =	sst lr;
	_ =	strace $0xD0000000  }
0x3: {  	_ = 	snop  }
0x4: {  	_ = 	snop  }
0x5: {  	_ = 	snop  }
0x6: {  	_ = 	snop  }
0x7: {  	_ = 	snop  }
__scs_overlays_trampoline_lowered:
0x8: {  	[smem:$0x3FA4] =	sst s0  }
0x9: {  	[smem:$0x3FA5] =	sst s1  }
0xa: {  	[smem:$0x3FA6] =	sst s2  }
0xb: {  	[smem:$0x3FA7] =	sst s3  }
0xc: {  	[smem:$0x3FA8] =	sst s4  }
0xd: {  	[smem:$0x3FA9] =	sst s5  }
0xe: {  	[smem:$0x3FAA] =	sst s6  }
0xf: {  	[smem:$0x3FAB] =	sst s7  }
0x10: {  	[smem:$0x3FAC] =	sst s8  }
0x11: {  	[smem:$0x3FAD] =	sst s9;
	s0 =	simm.s32 @!p0 $0x0  }
0x12: {  	s1 =	sld [smem:$0x3F93];
	s0 =	simm.s32 @p0 $0x1  }
0x13: {  	[smem:$0x3FAE] =	sst s0;
	s0 =	simm.s32 @!p1 $0x0  }
0x14: {  	s2 =	sld [smem:$0x3F92];
	s0 =	simm.s32 @p1 $0x1  }
0x15: {  	[smem:$0x3FAF] =	sst s0;
	s0 =	simm.s32 @!p2 $0x0  }
0x16: {  	s3 =	sld [smem:$0x3FDB];
	s0 =	simm.s32 @p2 $0x1  }
0x17: {  	s4 =	simm.s32 $0x1BF5;
	[smem:$0x3FB1] =	sst s0  }
0x18: {  	s0 =	sld [smem:$0x3F94];
	_ =	swait.ge [sflag:s4], $0x0  }
0x19: {  	s7 =	sld [smem:$0x3F95]  }
0x1a: {  	s8 =	sadd.s32 $0xFFFFE003, lr  }
0x1b: {  	s9 =	sadd.s32 $0xFFFFFEF7, lr;
	s5 =	simm.s32 $0xFFFFFFFF;
	p2 =	slt.u32 s8, $0xFFFFF086  }
0x1c: {  	p1 =	slt.u32 s9, $0xF7A;
	s5 =	simm.s32 @!p2 $0x0  }
0x1d: {  	s5 =	simm.s32 @p1 $0x1;
	p0 =	seq.s32 s7, s2  }
0x1e: {  	s7 =	smul.u32 @!p0 $0xF7A, s2;
	p2 =	seq.s32 @!p0 s5, $0x0  }
0x1f: {  	s9 =	smul.u32 $0xF7A, s1;
	s8 =	simm.s32 @!p0 $0x1BF5;
	p2 =	por !p2, p0  }
0x20: {  	[sflag:s8] =	ssyncset.s32 @!p0 $0xFFFFF086;
	s6 =	sadd.s32 @!p0 s3, s7;
	s7 =	simm.s32 @!p0 $0x108  }
0x21: {  	s3 =	sadd.s32 s3, s9;
	s6 =	sadd.s32 @!p0 $0x88, s6;
	s7 =	simm.s32 @p2 $0x1082  }
0x22: {  	[simem:s7], [sflag:s8] =	dma.local @!p0 [hbm:s6], $0xF7A  }
0x23: {  	s9 =	sor.u32 $0xD0000000, s2;
	s6 =	simm.s32 $0x108;
	_ =	swait.ge @!p0 [sflag:s8], $0x0  }
0x24: {  	s3 =	sadd.s32 $0x88, s3;
	s6 =	simm.s32 @!p1 $0x1082;
	[sflag:s4] =	ssyncset.s32 $0xFFFFF086  }
0x25: {  	[simem:s6], [sflag:s4] =	dma.local [hbm:s3], $0xF7A  }
0x26: {  	[smem:$0x3F95] =	sst s1;
	(tag) =	ssettag s2;
	_ =	strace s9  }
0x27: {  	s1 =	sld [smem:$0x3FA5]  }
0x28: {  	s2 =	sld [smem:$0x3FA6]  }
0x29: {  	s4 =	sld [smem:$0x3FA8]  }
0x2a: {  	p0 =	seq.s32 s5, $0x0;
	s5 =	sld [smem:$0x3FA9]  }
0x2b: {  	s6 =	sld [smem:$0x3FAA]  }
0x2c: {  	s7 =	sld [smem:$0x3FAB]  }
0x2d: {  	s3 =	simm.s32 $0x108;
	s8 =	sld [smem:$0x3FAC]  }
0x2e: {  	s3 =	simm.s32 @!p0 $0x1082;
	s9 =	sld [smem:$0x3FAD]  }
0x2f: {  	lr =	sadd.s32 s0, s3;
	s0 =	sld [smem:$0x3FA4]  }
0x30: {  	s3 =	sld [smem:$0x3FA7]  }
0x31: {  	[smem:$0x3FB0] =	sst s10  }
0x32: {  	s10 =	sld [smem:$0x3FAE];
	_ =	sdelay $0x3  }
0x33: {  	p0 =	seq.s32 s10, $0x1;
	s10 =	sld [smem:$0x3FB0];
	_ =	sdelay $0x3  }
0x34: {  	[smem:$0x3FB0] =	sst s10  }
0x35: {  	s10 =	sld [smem:$0x3FAF];
	_ =	sdelay $0x3  }
0x36: {  	p1 =	seq.s32 s10, $0x1;
	s10 =	sld [smem:$0x3FB0];
	_ =	sdelay $0x3  }
0x37: {  	[smem:$0x3FB0] =	sst s10  }
0x38: {  	s10 =	sld [smem:$0x3FB1]  }
0x39: {  	_ = 	snop;
	(pc) =	sbr.ind lr, $3  }
0x3a: {  	_ = 	snop  }
0x3b: {  	_ = 	snop  }
0x3c: {  	p2 =	seq.s32 s10, $0x1;
	s10 =	sld [smem:$0x3FB0]  }
0x3d: {  	_ =	shalt  }
0x3e: {  	_ =	shalt  }
0x3f: {  	_ =	shalt  }
0x40: {  	_ =	shalt  }
0x41: {  	_ =	shalt  }
0x42: {  	_ =	shalt  }
0x43: {  	_ =	shalt  }
0x44: {  	_ =	shalt  }
0x45: {  	_ =	shalt  }
0x46: {  	_ =	shalt  }
0x47: {  	_ =	shalt  }
0x48: {  	_ =	shalt  }
0x49: {  	_ =	shalt  }
0x4a: {  	_ =	shalt  }
0x4b: {  	_ =	shalt  }
0x4c: {  	_ =	shalt  }
0x4d: {  	_ =	shalt  }
0x4e: {  	_ =	shalt  }
0x4f: {  	_ =	shalt  }
0x50: {  	_ =	shalt  }
0x51: {  	_ =	shalt  }
0x52: {  	_ =	shalt  }
0x53: {  	_ =	shalt  }
0x54: {  	_ =	shalt  }
0x55: {  	_ =	shalt  }
0x56: {  	_ =	shalt  }
0x57: {  	_ =	shalt  }
0x58: {  	_ =	shalt  }
0x59: {  	_ =	shalt  }
0x5a: {  	_ =	shalt  }
0x5b: {  	_ =	shalt  }
0x5c: {  	_ =	shalt  }
0x5d: {  	_ =	shalt  }
0x5e: {  	_ =	shalt  }
0x5f: {  	_ =	shalt  }
0x60: {  	_ =	shalt  }
0x61: {  	_ =	shalt  }
0x62: {  	_ =	shalt  }
0x63: {  	_ =	shalt  }
0x64: {  	_ =	shalt  }
0x65: {  	_ =	shalt  }
0x66: {  	_ =	shalt  }
0x67: {  	_ =	shalt  }
0x68: {  	_ =	shalt  }
0x69: {  	_ =	shalt  }
0x6a: {  	_ =	shalt  }
0x6b: {  	_ =	shalt  }
0x6c: {  	_ =	shalt  }
0x6d: {  	_ =	shalt  }
0x6e: {  	_ =	shalt  }
0x6f: {  	_ =	shalt  }
0x70: {  	_ =	shalt  }
0x71: {  	_ =	shalt  }
0x72: {  	_ =	shalt  }
0x73: {  	_ =	shalt  }
0x74: {  	_ =	shalt  }
0x75: {  	_ =	shalt  }
0x76: {  	_ =	shalt  }
0x77: {  	_ =	shalt  }
0x78: {  	_ =	shalt  }
0x79: {  	_ =	shalt  }
0x7a: {  	_ =	shalt  }
0x7b: {  	_ =	shalt  }
0x7c: {  	_ =	shalt  }
0x7d: {  	_ =	shalt  }
0x7e: {  	_ =	shalt  }
0x7f: {  	_ =	shalt  }
0x80: {  	_ =	shalt  }
0x81: {  	_ =	shalt  }
0x82: {  	_ =	shalt  }
0x83: {  	_ =	shalt  }
0x84: {  	_ =	shalt  }
0x85: {  	_ =	shalt  }
0x86: {  	_ =	shalt  }
0x87: {  	_ =	shalt  }
.Lfunc_end0:
.L_simem_size_0:
called_computation.2_lowered:
.L_overlay_start_0:
0x88: {  	s2 =	sld [smem:$0x3FD9]  }
0x89: {  	s3 =	sld [smem:$0x3FFE];
	_ =	sdelay $0x1  }
0x8a: {  	s1 =	srdreg.scid  }
0x8b: {  	s0 =	sand.u32 $0x1, s1  }
0x8c: {  	s17 =	sshll.u32 s0, $0xA;
	s2 =	sadd.s32 s3, s2  }
0x8d: {  	s2 =	sadd.s32 s2, s17  }
0x8e: {  	[smem:$0x3FBC] =	sst s2  }
0x8f: {  	_ = 	snop  }
0x90: {  	s2 =	sld [smem:$0x3FD0];
	(tm) =	ssettm $0x1  }
0x91: {  	s18 =	sld [smem:$0x3FFB];
	_ =	sdelay $0x3  }
0x92: {  	_ =	strace s18  }
0x93: {  	s3 =	sld [smem:$0x3FFC];
	_ =	sdelay $0x3  }
0x94: {  	_ =	strace s3  }
0x95: {  	s3 =	sld [smem:$0x3FFD];
	_ =	sdelay $0x3  }
0x96: {  	_ =	strace s3  }
0x97: {  	_ =	strace $0x8FFFFFFF  }
0x98: {  	s19 =	sld [smem:$0x3FDB];
	_ =	sdelay $0x1  }
0x99: {  	s4 =	simm.s32 $_scs_section_size  }
0x9a: {  	s5 =	simm.s32 $_size__tile_overlayer_lowered;
	s6 =	simm.s32 $_tile_overlayer_lowered  }
0x9b: {  	s22 =	simm.s32 $0x1BFF;
	s21 =	sshll.u32 s6, $0x1;
	s3 =	sadd.s32 s4, s19  }
0x9c: {  	s7 =	simm.s32 $0x0;
	s20 =	sshll.u32 s5, $0x1;
	s5 =	sadd.s32 s21, s3  }
0x9d: {  	[timem:s7], [sflag:s22] =	dma.local [hbm:s5], s20  }
0x9e: {  	_ =	swait.ge [sflag:s22], s20  }
0x9f: {  	s4 =	ssub.s32 $0x0, s20;
	[sflag:s22] =	ssyncset.done $0x0  }
0xa0: {  	[sflag:s22] =	ssyncadd.s32 s4;
	_ =	sdelay $0x1  }
0xa1: {  	s23 =	simm.s32 $0x1B8B  }
0xa2: {  	_ =	swait.ge [sflag:s23], $0x1  }
0xa3: {  	[sflag:s23] =	ssyncset.done $0x0  }
0xa4: {  	s25 =	simm.s32 $0x1B8E;
	s24 =	sld [smem:$0x3FFE];
	[sflag:s23] =	ssyncadd.s32 $0xFFFFFFFF  }
0xa5: {  	s26 =	simm.s32 $execute0_lowered;
	[smem:$0x3FD2] =	sst s25  }
0xa6: {  	s5 =	sshll.u32 s26, $0x1;
	_ =	strace $0x8000004C;
	[dreg:$0x1] =	wrdreg $0xFFFFFFFF  }
0xa7: {  	s28 =	simm.s32 $_size_execute0_lowered;
	s3 =	sadd.s32 s3, s5;
	[dreg:$0x0] =	wrdreg $0x0  }
0xa8: {  	s5 =	sshll.u32 s28, $0x1;
	[dreg:$0x2] =	wrdreg s3  }
0xa9: {  	[dreg:$0x3] =	wrdreg s5  }
0xaa: {  	[dreg:$0x4] =	wrdreg $0xC0  }
0xab: {  	_ =	task [dreg:s7], $0x5FFFF  }
0xac: {  	[dreg:$0x1] =	wrdreg $0xFFFFFFFF  }
0xad: {  	[dreg:$0x0] =	wrdreg $0x60  }
0xae: {  	[dreg:$0x2] =	wrdreg s24  }
0xaf: {  	[dreg:$0x3] =	wrdreg s2  }
0xb0: {  	[dreg:$0x4] =	wrdreg $0x122000  }
0xb1: {  	[dreg:$0x5] =	wrdreg $0x9  }
0xb2: {  	_ =	task.clear_ibuf [dreg:s7], $0x6FFFF;
	_ =	strace $0x9000004C  }
0xb3: {  	s29 =	simm.s32 $0x9;
	_ =	strace $0x8000004E  }
0xb4: {  	_ =	swait.ge [sflag:s29], $0x1  }
0xb5: {  	[sflag:s29] =	ssyncadd.s32 $0xFFFFFFFF  }
0xb6: {  	_ =	strace $0x9000004E  }
0xb7: {  	_ =	sfence  }
0xb8: {  	s30 =	sld [smem:$0x0];
	_ =	sdelay $0x2  }
0xb9: {  	s31 =	sshll.u32 s1, $0xD;
	s1 =	sshrl.u32 s1, $0x2  }
0xba: {  	s3 =	sand.u32 $0x4000, s31;
	s1 =	sadd.s32 s1, s30  }
0xbb: {  	s0 =	sor.u32 s3, s0;
	s1 =	sshll.u32 s1, $0x11  }
0xbc: {  	s0 =	sor.u32 s1, s0  }
0xbd: {  	s0 =	sadd.s32 $0x8F2B, s0  }
0xbe: {  	[sflag:s0] =	ssyncadd.remote.s32 $0x1  }
0xbf: {  	_ =	sfence.sel $0xFFFF  }
0xc0: {  	[dreg:$0x0] =	wrdreg $0xFFFFFFFF;
	(pc) =	sbr.abs _section_cstart, $3  }
0xc1: {  	[dreg:$0x1] =	wrdreg $0xFFFFFFFF  }
0xc2: {  	_ =	task.clear_ibuf [dreg:s7], $0x2FFFF;
	_ =	strace $0x9FFFFFFF  }
0xc3: {  	(tm) =	ssettm $0x7FFFFFFF  }
tec
execute0_lowered:
.L_overlay_start_1:
0x0: {  	(tag) =	ssettag $0x1  }
0x1: {  	s0 =	rddreg [dreg:$0x0]  }
0x2: {  	s1 =	rddreg [dreg:$0x1];
	s3 =	srdreg.scid  }
0x3: {  	s2 =	rddreg [dreg:$0x2];
	s9 =	stileid.u32  }
0x4: {  	s14 =	simm.s32 $0x7;
	s16 =	simm.s32 $0x10200;
	s17 =	simm.s32 $0x80  }
0x5: {  	s18 =	simm.s32 $0xA200;
	s19 =	simm.s32 $0xC200;
	s21 =	simm.s32 $0xE200  }
0x6: {  	s22 =	simm.s32 $0x1;
	s28 =	simm.s32 $0x6;
	s6 =	smul.u32 $0xA000, s9  }
0x7: {  	s29 =	simm.s32 $0xA080;
	s30 =	simm.s32 $0xA100;
	s8 =	smul.u32 $0xA20, s9  }
0x8: {  	s4 =	sand.u32 $0x1, s3;
	s3 =	simm.s32 $0x0;
	s24 =	smul.u32 $0x28000, s9  }
0x9: {  	s31 =	simm.s32 $0xA180;
	s5 =	smul.u32 $0x13880, s4;
	[smem:$0x7FF] =	sst s3  }
0xa: {  	s7 =	smul.u32 $0xA0000, s4;
	s4 =	ssub.s32 $0x2, s4;
	_ =	strace $0x8000004D  }
0xb: {  	s25 =	sadd.s32 s8, s0;
	s26 =	sshrl.u32 s4, $0x1;
	s11 =	sadd.s32 s5, s0  }
0xc: {  	s23 =	sadd.s32 s6, s7;
	s7 =	sshrl.u32 s24, $0x2;
	s13 =	ssub.s32 s4, s26  }
0xd: {  	s4 =	sadd.s32 $0xCE00, s25;
	s6 =	sadd.s32 s6, s2;
	s24 =	simm.s32 $0x3  }
0xe: {  	s25 =	simm.s32 $0x4;
	s26 =	simm.s32 $0x5;
	s5 =	sshrl.u32 s23, $0x3  }
0xf: {  	s10 =	sadd.s32 s7, s2;
	s11 =	sadd.s32 $0x17000, s11;
	s13 =	smax.u32 s13, $0x1  }
0x10: {  	s23 =	simm.s32 $0x2;
	s0 =	sadd.s32 s5, s0;
	s5 =	sadd.s32 s1, s8  }
0x11: {  	s7 =	sadd.s32 $0x2000, s10;
	s8 =	sadd.s32 $0x4000, s10;
	s9 =	sadd.s32 $0x6000, s10  }
0x12: {  	v0 =	vimm.f32 $0.0e+00;
	s10 =	sadd.s32 $0x8000, s10;
	s12 =	sadd.s32 $0x3E200, s0;
	s0 =	simm.s32 $0x0  }
.LBB2_1:
0x13: {  	[tilespmem:s3], [sflag:$0x7] =	stream.linear.gather [hbm4b:s4+s3], $0x5100, $0x38;
	[tilespmem:$0x1C200] =	vst v63  }
0x14: {  	_ =	swait.ge [sflag:s14], $0x5100  }
0x15: {  	[sflag:s14] =	ssyncset.done $0x0  }
0x16: {  	s1 =	simm.s32 $0x5100;
	[sflag:s14] =	ssyncadd.s32 $0xFFFFAF00  }
0x17: {  	[tilespmem:s1], [sflag:$0x7] =	stream.linear.gather [hbm4b:s5+s3], $0x5100, $0x38;
	[tilespmem:$0x1C200] =	vst v63  }
0x18: {  	_ =	swait.ge [sflag:s14], $0x5100  }
0x19: {  	[sflag:s14] =	ssyncset.done $0x0  }
0x1a: {  	s15 =	simm.s32 $0x100;
	s1 =	simm.s32 $0x0;
	[sflag:s14] =	ssyncadd.s32 $0xFFFFAF00  }
.LBB2_2:
0x1b: {  	p0 =	sne.s32 s15, $0x7F00;
	[tilespmem:s1+$0x10230] =	vst v0;
	s20 =	smov.u32 s15;
	s15 =	sadd.s32 $0x100, s15  }
.Ltmp0:
0x1c: {  	[tilespmem:s1+$0x10220] =	vst v0;
	(pc) =	sbr.rel @p0 .LBB2_2-.Ltmp0, $3  }
0x1d: {  	[tilespmem:s1+$0x10200] =	vst v0  }
0x1e: {  	[tilespmem:s1+$0x10210] =	vst v0;
	_ =	sdelay $0x1  }
0x1f: {  	s1 =	sshra.s32 s20, $0x2  }
0x20: {  	[tilespmem:s1+$0x10230] =	vst v0  }
0x21: {  	[tilespmem:s1+$0x10220] =	vst v0  }
0x22: {  	[tilespmem:s1+$0x10200] =	vst v0  }
0x23: {  	[tilespmem:s1+$0x10210] =	vst v0  }
0x24: {  	[spmem:s6] =	stream.linear.scatter [tilespmem:s16], [sflag:$0x7], $0x2000, $0x38;
	[tilespmem:$0x1C200] =	vst v63  }
0x25: {  	_ =	swait.ge [sflag:s14], $0x2000  }
0x26: {  	[sflag:s14] =	ssyncset.done $0x0  }
0x27: {  	[sflag:s14] =	ssyncadd.s32 $0xFFFFE000  }
0x28: {  	[spmem:s7] =	stream.linear.scatter [tilespmem:s16], [sflag:$0x7], $0x2000, $0x38;
	[tilespmem:$0x1C200] =	vst v63  }
0x29: {  	_ =	swait.ge [sflag:s14], $0x2000  }
0x2a: {  	[sflag:s14] =	ssyncset.done $0x0  }
0x2b: {  	[sflag:s14] =	ssyncadd.s32 $0xFFFFE000  }
0x2c: {  	[spmem:s8] =	stream.linear.scatter [tilespmem:s16], [sflag:$0x7], $0x2000, $0x38;
	[tilespmem:$0x1C200] =	vst v63  }
0x2d: {  	_ =	swait.ge [sflag:s14], $0x2000  }
0x2e: {  	[sflag:s14] =	ssyncset.done $0x0  }
0x2f: {  	[sflag:s14] =	ssyncadd.s32 $0xFFFFE000  }
0x30: {  	[spmem:s9] =	stream.linear.scatter [tilespmem:s16], [sflag:$0x7], $0x2000, $0x38;
	[tilespmem:$0x1C200] =	vst v63  }
0x31: {  	_ =	swait.ge [sflag:s14], $0x2000  }
0x32: {  	[sflag:s14] =	ssyncset.done $0x0  }
0x33: {  	[sflag:s14] =	ssyncadd.s32 $0xFFFFE000  }
0x34: {  	[spmem:s10] =	stream.linear.scatter [tilespmem:s16], [sflag:$0x7], $0x2000, $0x38;
	[tilespmem:$0x1C200] =	vst v63  }
0x35: {  	_ =	swait.ge [sflag:s14], $0x2000  }
0x36: {  	[sflag:s14] =	ssyncset.done $0x0  }
0x37: {  	[sflag:s14] =	ssyncadd.s32 $0xFFFFE000  }
0x38: {  	s20 =	simm.s32 $0x0;
	[bflag:$0x0] =	sbarrier.arrive $0xFFFF  }
0x39: {  	[tilespmem:s18], [sflag:$0x1] =	stream.indirect.gather [hbm4b:s11+s17], $0x40, s20, s17, $0xb8;
	[tilespmem:$0x1C200] =	vst v63  }
0x3a: {  	_ = 	snop  }
0x3b: {  	[tilespmem:s19], [sflag:$0x2] =	stream.indirect.gather [hbm4b:s11+s17], $0x40, s17, s17, $0xb8;
	[tilespmem:$0x1C200] =	vst v63  }
0x3c: {  	s15 =	simm.s32 $0x100  }
0x3d: {  	[tilespmem:s21], [sflag:$0x3] =	stream.indirect.gather [hbm4b:s11+s17], $0x40, s15, s17, $0xb8;
	[tilespmem:$0x1C200] =	vst v63  }
0x3e: {  	_ =	swait.ge [sflag:s22], $0x2000  }
0x3f: {  	[sflag:s22] =	ssyncset.done $0x0  }
0x40: {  	s20 =	simm.s32 $0x5100;
	[sflag:s22] =	ssyncadd.s32 $0xFFFFE000  }
0x41: {  	[spmem:s2] =	stream.indirect.scatter.add.f32 [tilespmem:s18], [sflag:$0x4], $0x40, s20, s17, $0xb8;
	[tilespmem:$0x1C200] =	vst v63  }
0x42: {  	_ =	swait.ge [sflag:s23], $0x2000  }
0x43: {  	[sflag:s23] =	ssyncset.done $0x0  }
0x44: {  	s15 =	simm.s32 $0x5180;
	[sflag:s23] =	ssyncadd.s32 $0xFFFFE000  }
0x45: {  	[spmem:s2] =	stream.indirect.scatter.add.f32 [tilespmem:s19], [sflag:$0x5], $0x40, s15, s17, $0xb8;
	[tilespmem:$0x1C200] =	vst v63  }
0x46: {  	_ =	swait.ge [sflag:s24], $0x2000  }
0x47: {  	[sflag:s24] =	ssyncset.done $0x0  }
0x48: {  	s20 =	simm.s32 $0x5200;
	[sflag:s24] =	ssyncadd.s32 $0xFFFFE000  }
0x49: {  	[spmem:s2] =	stream.indirect.scatter.add.f32 [tilespmem:s21], [sflag:$0x6], $0x40, s20, s17, $0xb8;
	[tilespmem:$0x1C200] =	vst v63  }
0x4a: {  	_ =	swait.ge [sflag:s25], $0x2000  }
0x4b: {  	[sflag:s25] =	ssyncset.done $0x0  }
0x4c: {  	s15 =	simm.s32 $0x180;
	[sflag:s25] =	ssyncadd.s32 $0xFFFFE000  }
0x4d: {  	[tilespmem:s18], [sflag:$0x1] =	stream.indirect.gather [hbm4b:s11+s17], $0x40, s15, s17, $0xb8;
	[tilespmem:$0x1C200] =	vst v63  }
0x4e: {  	_ =	swait.ge [sflag:s26], $0x2000  }
0x4f: {  	[sflag:s26] =	ssyncset.done $0x0  }
0x50: {  	s20 =	simm.s32 $0x200;
	[sflag:s26] =	ssyncadd.s32 $0xFFFFE000  }
0x51: {  	[tilespmem:s19], [sflag:$0x2] =	stream.indirect.gather [hbm4b:s11+s17], $0x40, s20, s17, $0xb8;
	[tilespmem:$0x1C200] =	vst v63  }
0x52: {  	_ =	swait.ge [sflag:s28], $0x2000  }
0x53: {  	[sflag:s28] =	ssyncset.done $0x0  }
0x54: {  	s1 =	simm.s32 $0x600;
	s15 =	simm.s32 $0x280;
	[sflag:s28] =	ssyncadd.s32 $0xFFFFE000  }
.LBB2_4:
0x55: {  	[tilespmem:s21], [sflag:$0x3] =	stream.indirect.gather [hbm4b:s11+s17], $0x40, s15, s17, $0xb8;
	[tilespmem:$0x1C200] =	vst v63  }
0x56: {  	s15 =	smov.u32 s1  }
0x57: {  	p0 =	sne.s32 s1, $0x13800;
	s1 =	sadd.s32 $0x600, s1;
	_ =	swait.ge [sflag:s22], $0x2000  }
0x58: {  	s15 =	sshra.s32 s15, $0x2;
	[sflag:s22] =	ssyncset.done $0x0  }
0x59: {  	s20 =	sadd.s32 $0x5100, s15;
	[sflag:s22] =	ssyncadd.s32 $0xFFFFE000  }
0x5a: {  	[spmem:s2] =	stream.indirect.scatter.add.f32 [tilespmem:s18], [sflag:$0x4], $0x40, s20, s17, $0xb8;
	[tilespmem:$0x1C200] =	vst v63  }
0x5b: {  	_ =	swait.ge [sflag:s23], $0x2000  }
0x5c: {  	[sflag:s23] =	ssyncset.done $0x0  }
0x5d: {  	s20 =	sadd.s32 $0x5180, s15;
	[sflag:s23] =	ssyncadd.s32 $0xFFFFE000  }
0x5e: {  	[spmem:s2] =	stream.indirect.scatter.add.f32 [tilespmem:s19], [sflag:$0x5], $0x40, s20, s17, $0xb8;
	[tilespmem:$0x1C200] =	vst v63  }
0x5f: {  	_ =	swait.ge [sflag:s24], $0x2000  }
0x60: {  	[sflag:s24] =	ssyncset.done $0x0  }
0x61: {  	s20 =	sadd.s32 $0x5200, s15;
	[sflag:s24] =	ssyncadd.s32 $0xFFFFE000  }
0x62: {  	[spmem:s2] =	stream.indirect.scatter.add.f32 [tilespmem:s21], [sflag:$0x6], $0x40, s20, s17, $0xb8;
	[tilespmem:$0x1C200] =	vst v63  }
0x63: {  	_ =	swait.ge [sflag:s25], $0x2000  }
0x64: {  	[sflag:s25] =	ssyncset.done $0x0  }
0x65: {  	s20 =	sadd.s32 $0x180, s15;
	[sflag:s25] =	ssyncadd.s32 $0xFFFFE000  }
0x66: {  	[tilespmem:s18], [sflag:$0x1] =	stream.indirect.gather [hbm4b:s11+s17], $0x40, s20, s17, $0xb8;
	[tilespmem:$0x1C200] =	vst v63  }
0x67: {  	_ =	swait.ge [sflag:s26], $0x2000  }
0x68: {  	[sflag:s26] =	ssyncset.done $0x0  }
.Ltmp1:
0x69: {  	s20 =	sadd.s32 $0x200, s15;
	[sflag:s26] =	ssyncadd.s32 $0xFFFFE000;
	(pc) =	sbr.rel @p0 .LBB2_4-.Ltmp1, $4  }
0x6a: {  	[tilespmem:s19], [sflag:$0x2] =	stream.indirect.gather [hbm4b:s11+s17], $0x40, s20, s17, $0xb8;
	[tilespmem:$0x1C200] =	vst v63  }
0x6b: {  	_ =	swait.ge [sflag:s28], $0x2000  }
0x6c: {  	[sflag:s28] =	ssyncset.done $0x0  }
0x6d: {  	s15 =	sadd.s32 $0x280, s15;
	[sflag:s28] =	ssyncadd.s32 $0xFFFFE000  }
0x6e: {  	[tilespmem:s21], [sflag:$0x3] =	stream.indirect.gather [hbm4b:s11+s17], $0x40, s15, s17, $0xb8;
	[tilespmem:$0x1C200] =	vst v63  }
0x6f: {  	_ =	swait.ge [sflag:s22], $0x2000  }
0x70: {  	[sflag:s22] =	ssyncset.done $0x0  }
0x71: {  	[sflag:s22] =	ssyncadd.s32 $0xFFFFE000  }
0x72: {  	[spmem:s2] =	stream.indirect.scatter.add.f32 [tilespmem:s18], [sflag:$0x4], $0x40, s29, s17, $0xb8;
	[tilespmem:$0x1C200] =	vst v63  }
0x73: {  	_ =	swait.ge [sflag:s23], $0x2000  }
0x74: {  	[sflag:s23] =	ssyncset.done $0x0  }
0x75: {  	[sflag:s23] =	ssyncadd.s32 $0xFFFFE000  }
0x76: {  	[spmem:s2] =	stream.indirect.scatter.add.f32 [tilespmem:s19], [sflag:$0x5], $0x40, s30, s17, $0xb8;
	[tilespmem:$0x1C200] =	vst v63  }
0x77: {  	_ =	swait.ge [sflag:s24], $0x2000  }
0x78: {  	[sflag:s24] =	ssyncset.done $0x0  }
0x79: {  	[sflag:s24] =	ssyncadd.s32 $0xFFFFE000  }
0x7a: {  	[spmem:s2] =	stream.indirect.scatter.add.f32 [tilespmem:s21], [sflag:$0x6], $0x40, s31, s17, $0xb8;
	[tilespmem:$0x1C200] =	vst v63  }
0x7b: {  	_ =	swait.ge [sflag:s25], $0x2000  }
0x7c: {  	[sflag:s25] =	ssyncset.done $0x0  }
0x7d: {  	[sflag:s25] =	ssyncadd.s32 $0xFFFFE000  }
0x7e: {  	_ =	swait.ge [sflag:s26], $0x2000  }
0x7f: {  	[sflag:s26] =	ssyncset.done $0x0  }
0x80: {  	[sflag:s26] =	ssyncadd.s32 $0xFFFFE000  }
0x81: {  	s1 =	stileid.u32;
	_ =	swait.ge [sflag:s28], $0x2000  }
0x82: {  	s20 =	sshrl.u32 s6, $0x3;
	s0 =	sadd.s32 $0x1, s0;
	[sflag:s28] =	ssyncset.done $0x0  }
0x83: {  	s1 =	sshll.u32 s1, $0x6;
	p0 =	sne.s32 s0, s13;
	[sflag:s28] =	ssyncadd.s32 $0xFFFFE000  }
.Ltmp2:
0x84: {  	s1 =	sor.u32 $0x1C07, s1;
	[bflag:$0x0] =	sbarrier.arrive $0xFFFF;
	(pc) =	sbr.rel @p0 .LBB2_1-.Ltmp2, $4  }
0x85: {  	[hbm:s12], [sflag:s1] =	dma.local [spmem:s20], $0x1400  }
0x86: {  	_ =	swait.ge [sflag:s14], $0x1400  }
0x87: {  	[sflag:s14] =	ssyncset.done $0x0  }
0x88: {  	[sflag:s14] =	ssyncadd.s32 $0xFFFFEC00  }
0x89: {  	_ =	sfence.sel $0x180000  }
0x8a: {  	[bflag:$0x0] =	sbarrier.arrive $0xFFFF  }
0x8b: {  	_ =	strace $0x9000004D  }
0x8c: {  	s0 =	stileid.u32;
	[bflag:$0x2] =	sbarrier.arrive $0xFFFF  }
0x8d: {  	p0 =	sne.s32 s0, $0x0;
	s0 =	rddreg [dreg:$0x3]  }
0x8e: {  	s0 =	sadd.s32 @!p0 $0x100000, s0  }
0x8f: {  	[sflag:s0] =	ssyncadd.tile.s32 @!p0 $0x1;
	_ =	shalt  }
.Lfunc_end2:
_tile_overlayer_lowered:
.L_overlay_start_2:
0x90: {  	(tag) =	ssettag $0x2  }
0x91: {  	s0 =	rddreg [dreg:$0x0];
	s2 =	stileid.u32  }
0x92: {  	s1 =	rddreg [dreg:$0x1];
	p0 =	sne.s32 s2, $0x0  }
0x93: {  	s3 =	rddreg [dreg:$0x2];
	[bflag:$0x3] =	sbarrier.arrive $0xFFFF;
	s2 =	simm.s32 @!p0 $0x1C07  }
0x94: {  	[timem:s3], [sflag:s2] =	dma.local @!p0 [hbm:s0], s1  }
0x95: {  	s0 =	simm.s32 @!p0 $0x7  }
0x96: {  	_ =	swait.ge @!p0 [sflag:s0], s1  }
0x97: {  	s1 =	ssub.s32 @!p0 $0x0, s1;
	[sflag:s0] =	ssyncset.done @!p0 $0x0  }
0x98: {  	[sflag:s0] =	ssyncadd.s32 @!p0 s1  }
0x99: {  	[bflag:$0x3] =	sbarrier.arrive $0xFFFF  }
0x9a: {  	_ =	shalt  }

// kernel: kernel.23.cloned.1.call-start
scs
__scs_entry_jumppad:
0x0: {  	(pc) =	sbr.rel $0x88, $3  }
0x1: {  	(tag) =	ssettag $0x0;
	lr =	simm.s32 $0x1  }
0x2: {  	[smem:$0x3F95] =	sst lr;
	_ =	strace $0xD0000000  }
0x3: {  	_ = 	snop  }
0x4: {  	_ = 	snop  }
0x5: {  	_ = 	snop  }
0x6: {  	_ = 	snop  }
0x7: {  	_ = 	snop  }
__scs_overlays_trampoline_lowered:
0x8: {  	[smem:$0x3FA4] =	sst s0  }
0x9: {  	[smem:$0x3FA5] =	sst s1  }
0xa: {  	[smem:$0x3FA6] =	sst s2  }
0xb: {  	[smem:$0x3FA7] =	sst s3  }
0xc: {  	[smem:$0x3FA8] =	sst s4  }
0xd: {  	[smem:$0x3FA9] =	sst s5  }
0xe: {  	[smem:$0x3FAA] =	sst s6  }
0xf: {  	[smem:$0x3FAB] =	sst s7  }
0x10: {  	[smem:$0x3FAC] =	sst s8  }
0x11: {  	[smem:$0x3FAD] =	sst s9;
	s0 =	simm.s32 @!p0 $0x0  }
0x12: {  	s1 =	sld [smem:$0x3F93];
	s0 =	simm.s32 @p0 $0x1  }
0x13: {  	[smem:$0x3FAE] =	sst s0;
	s0 =	simm.s32 @!p1 $0x0  }
0x14: {  	s2 =	sld [smem:$0x3F92];
	s0 =	simm.s32 @p1 $0x1  }
0x15: {  	[smem:$0x3FAF] =	sst s0;
	s0 =	simm.s32 @!p2 $0x0  }
0x16: {  	s3 =	sld [smem:$0x3FDB];
	s0 =	simm.s32 @p2 $0x1  }
0x17: {  	s4 =	simm.s32 $0x1BF5;
	[smem:$0x3FB1] =	sst s0  }
0x18: {  	s0 =	sld [smem:$0x3F94];
	_ =	swait.ge [sflag:s4], $0x0  }
0x19: {  	s7 =	sld [smem:$0x3F95]  }
0x1a: {  	s8 =	sadd.s32 $0xFFFFE003, lr  }
0x1b: {  	s9 =	sadd.s32 $0xFFFFFEF7, lr;
	s5 =	simm.s32 $0xFFFFFFFF;
	p2 =	slt.u32 s8, $0xFFFFF086  }
0x1c: {  	p1 =	slt.u32 s9, $0xF7A;
	s5 =	simm.s32 @!p2 $0x0  }
0x1d: {  	s5 =	simm.s32 @p1 $0x1;
	p0 =	seq.s32 s7, s2  }
0x1e: {  	s7 =	smul.u32 @!p0 $0xF7A, s2;
	p2 =	seq.s32 @!p0 s5, $0x0  }
0x1f: {  	s9 =	smul.u32 $0xF7A, s1;
	s8 =	simm.s32 @!p0 $0x1BF5;
	p2 =	por !p2, p0  }
0x20: {  	[sflag:s8] =	ssyncset.s32 @!p0 $0xFFFFF086;
	s6 =	sadd.s32 @!p0 s3, s7;
	s7 =	simm.s32 @!p0 $0x108  }
0x21: {  	s3 =	sadd.s32 s3, s9;
	s6 =	sadd.s32 @!p0 $0x88, s6;
	s7 =	simm.s32 @p2 $0x1082  }
0x22: {  	[simem:s7], [sflag:s8] =	dma.local @!p0 [hbm:s6], $0xF7A  }
0x23: {  	s9 =	sor.u32 $0xD0000000, s2;
	s6 =	simm.s32 $0x108;
	_ =	swait.ge @!p0 [sflag:s8], $0x0  }
0x24: {  	s3 =	sadd.s32 $0x88, s3;
	s6 =	simm.s32 @!p1 $0x1082;
	[sflag:s4] =	ssyncset.s32 $0xFFFFF086  }
0x25: {  	[simem:s6], [sflag:s4] =	dma.local [hbm:s3], $0xF7A  }
0x26: {  	[smem:$0x3F95] =	sst s1;
	(tag) =	ssettag s2;
	_ =	strace s9  }
0x27: {  	s1 =	sld [smem:$0x3FA5]  }
0x28: {  	s2 =	sld [smem:$0x3FA6]  }
0x29: {  	s4 =	sld [smem:$0x3FA8]  }
0x2a: {  	p0 =	seq.s32 s5, $0x0;
	s5 =	sld [smem:$0x3FA9]  }
0x2b: {  	s6 =	sld [smem:$0x3FAA]  }
0x2c: {  	s7 =	sld [smem:$0x3FAB]  }
0x2d: {  	s3 =	simm.s32 $0x108;
	s8 =	sld [smem:$0x3FAC]  }
0x2e: {  	s3 =	simm.s32 @!p0 $0x1082;
	s9 =	sld [smem:$0x3FAD]  }
0x2f: {  	lr =	sadd.s32 s0, s3;
	s0 =	sld [smem:$0x3FA4]  }
0x30: {  	s3 =	sld [smem:$0x3FA7]  }
0x31: {  	[smem:$0x3FB0] =	sst s10  }
0x32: {  	s10 =	sld [smem:$0x3FAE];
	_ =	sdelay $0x3  }
0x33: {  	p0 =	seq.s32 s10, $0x1;
	s10 =	sld [smem:$0x3FB0];
	_ =	sdelay $0x3  }
0x34: {  	[smem:$0x3FB0] =	sst s10  }
0x35: {  	s10 =	sld [smem:$0x3FAF];
	_ =	sdelay $0x3  }
0x36: {  	p1 =	seq.s32 s10, $0x1;
	s10 =	sld [smem:$0x3FB0];
	_ =	sdelay $0x3  }
0x37: {  	[smem:$0x3FB0] =	sst s10  }
0x38: {  	s10 =	sld [smem:$0x3FB1]  }
0x39: {  	_ = 	snop;
	(pc) =	sbr.ind lr, $3  }
0x3a: {  	_ = 	snop  }
0x3b: {  	_ = 	snop  }
0x3c: {  	p2 =	seq.s32 s10, $0x1;
	s10 =	sld [smem:$0x3FB0]  }
0x3d: {  	_ =	shalt  }
0x3e: {  	_ =	shalt  }
0x3f: {  	_ =	shalt  }
0x40: {  	_ =	shalt  }
0x41: {  	_ =	shalt  }
0x42: {  	_ =	shalt  }
0x43: {  	_ =	shalt  }
0x44: {  	_ =	shalt  }
0x45: {  	_ =	shalt  }
0x46: {  	_ =	shalt  }
0x47: {  	_ =	shalt  }
0x48: {  	_ =	shalt  }
0x49: {  	_ =	shalt  }
0x4a: {  	_ =	shalt  }
0x4b: {  	_ =	shalt  }
0x4c: {  	_ =	shalt  }
0x4d: {  	_ =	shalt  }
0x4e: {  	_ =	shalt  }
0x4f: {  	_ =	shalt  }
0x50: {  	_ =	shalt  }
0x51: {  	_ =	shalt  }
0x52: {  	_ =	shalt  }
0x53: {  	_ =	shalt  }
0x54: {  	_ =	shalt  }
0x55: {  	_ =	shalt  }
0x56: {  	_ =	shalt  }
0x57: {  	_ =	shalt  }
0x58: {  	_ =	shalt  }
0x59: {  	_ =	shalt  }
0x5a: {  	_ =	shalt  }
0x5b: {  	_ =	shalt  }
0x5c: {  	_ =	shalt  }
0x5d: {  	_ =	shalt  }
0x5e: {  	_ =	shalt  }
0x5f: {  	_ =	shalt  }
0x60: {  	_ =	shalt  }
0x61: {  	_ =	shalt  }
0x62: {  	_ =	shalt  }
0x63: {  	_ =	shalt  }
0x64: {  	_ =	shalt  }
0x65: {  	_ =	shalt  }
0x66: {  	_ =	shalt  }
0x67: {  	_ =	shalt  }
0x68: {  	_ =	shalt  }
0x69: {  	_ =	shalt  }
0x6a: {  	_ =	shalt  }
0x6b: {  	_ =	shalt  }
0x6c: {  	_ =	shalt  }
0x6d: {  	_ =	shalt  }
0x6e: {  	_ =	shalt  }
0x6f: {  	_ =	shalt  }
0x70: {  	_ =	shalt  }
0x71: {  	_ =	shalt  }
0x72: {  	_ =	shalt  }
0x73: {  	_ =	shalt  }
0x74: {  	_ =	shalt  }
0x75: {  	_ =	shalt  }
0x76: {  	_ =	shalt  }
0x77: {  	_ =	shalt  }
0x78: {  	_ =	shalt  }
0x79: {  	_ =	shalt  }
0x7a: {  	_ =	shalt  }
0x7b: {  	_ =	shalt  }
0x7c: {  	_ =	shalt  }
0x7d: {  	_ =	shalt  }
0x7e: {  	_ =	shalt  }
0x7f: {  	_ =	shalt  }
0x80: {  	_ =	shalt  }
0x81: {  	_ =	shalt  }
0x82: {  	_ =	shalt  }
0x83: {  	_ =	shalt  }
0x84: {  	_ =	shalt  }
0x85: {  	_ =	shalt  }
0x86: {  	_ =	shalt  }
0x87: {  	_ =	shalt  }
.Lfunc_end0:
.L_simem_size_0:
called_computation.3_lowered:
.L_overlay_start_0:
0x88: {  	s2 =	sld [smem:$0x3FD9]  }
0x89: {  	s3 =	sld [smem:$0x3FFE];
	_ =	sdelay $0x1  }
0x8a: {  	s1 =	srdreg.scid  }
0x8b: {  	s0 =	sand.u32 $0x1, s1  }
0x8c: {  	s17 =	sshll.u32 s0, $0xA;
	s2 =	sadd.s32 s3, s2  }
0x8d: {  	s2 =	sadd.s32 s2, s17  }
0x8e: {  	[smem:$0x3FBC] =	sst s2  }
0x8f: {  	_ = 	snop  }
0x90: {  	s2 =	sld [smem:$0x3FD0];
	(tm) =	ssettm $0x1  }
0x91: {  	s18 =	sld [smem:$0x3FFB];
	_ =	sdelay $0x3  }
0x92: {  	_ =	strace s18  }
0x93: {  	s3 =	sld [smem:$0x3FFC];
	_ =	sdelay $0x3  }
0x94: {  	_ =	strace s3  }
0x95: {  	s3 =	sld [smem:$0x3FFD];
	_ =	sdelay $0x3  }
0x96: {  	_ =	strace s3  }
0x97: {  	_ =	strace $0x8FFFFFFF  }
0x98: {  	s19 =	sld [smem:$0x3FDB];
	_ =	sdelay $0x1  }
0x99: {  	s4 =	simm.s32 $_scs_section_size  }
0x9a: {  	s5 =	simm.s32 $_size__tile_overlayer_lowered;
	s6 =	simm.s32 $_tile_overlayer_lowered  }
0x9b: {  	s22 =	simm.s32 $0x1BFF;
	s21 =	sshll.u32 s6, $0x1;
	s3 =	sadd.s32 s4, s19  }
0x9c: {  	s7 =	simm.s32 $0x0;
	s20 =	sshll.u32 s5, $0x1;
	s5 =	sadd.s32 s21, s3  }
0x9d: {  	[timem:s7], [sflag:s22] =	dma.local [hbm:s5], s20  }
0x9e: {  	_ =	swait.ge [sflag:s22], s20  }
0x9f: {  	s4 =	ssub.s32 $0x0, s20;
	[sflag:s22] =	ssyncset.done $0x0  }
0xa0: {  	[sflag:s22] =	ssyncadd.s32 s4;
	_ =	sdelay $0x1  }
0xa1: {  	s23 =	simm.s32 $0x1B8B  }
0xa2: {  	_ =	swait.ge [sflag:s23], $0x1  }
0xa3: {  	[sflag:s23] =	ssyncset.done $0x0  }
0xa4: {  	s25 =	simm.s32 $0x1B8E;
	s24 =	sld [smem:$0x3FFE];
	[sflag:s23] =	ssyncadd.s32 $0xFFFFFFFF  }
0xa5: {  	s26 =	simm.s32 $execute0_lowered;
	[smem:$0x3FD2] =	sst s25  }
0xa6: {  	s5 =	sshll.u32 s26, $0x1;
	_ =	strace $0x8000004F;
	[dreg:$0x1] =	wrdreg $0xFFFFFFFF  }
0xa7: {  	s28 =	simm.s32 $_size_execute0_lowered;
	s3 =	sadd.s32 s3, s5;
	[dreg:$0x0] =	wrdreg $0x0  }
0xa8: {  	s5 =	sshll.u32 s28, $0x1;
	[dreg:$0x2] =	wrdreg s3  }
0xa9: {  	[dreg:$0x3] =	wrdreg s5  }
0xaa: {  	[dreg:$0x4] =	wrdreg $0xC0  }
0xab: {  	_ =	task [dreg:s7], $0x5FFFF  }
0xac: {  	[dreg:$0x1] =	wrdreg $0xFFFFFFFF  }
0xad: {  	[dreg:$0x0] =	wrdreg $0x60  }
0xae: {  	[dreg:$0x2] =	wrdreg s24  }
0xaf: {  	[dreg:$0x3] =	wrdreg s2  }
0xb0: {  	[dreg:$0x4] =	wrdreg $0x122000  }
0xb1: {  	[dreg:$0x5] =	wrdreg $0x9  }
0xb2: {  	_ =	task.clear_ibuf [dreg:s7], $0x6FFFF;
	_ =	strace $0x9000004F  }
0xb3: {  	s29 =	simm.s32 $0x9;
	_ =	strace $0x80000051  }
0xb4: {  	_ =	swait.ge [sflag:s29], $0x1  }
0xb5: {  	[sflag:s29] =	ssyncadd.s32 $0xFFFFFFFF  }
0xb6: {  	_ =	strace $0x90000051  }
0xb7: {  	_ =	sfence  }
0xb8: {  	s30 =	sld [smem:$0x0];
	_ =	sdelay $0x2  }
0xb9: {  	s31 =	sshll.u32 s1, $0xD;
	s1 =	sshrl.u32 s1, $0x2  }
0xba: {  	s3 =	sand.u32 $0x4000, s31;
	s1 =	sadd.s32 s1, s30  }
0xbb: {  	s0 =	sor.u32 s3, s0;
	s1 =	sshll.u32 s1, $0x11  }
0xbc: {  	s0 =	sor.u32 s1, s0  }
0xbd: {  	s0 =	sadd.s32 $0x8F2B, s0  }
0xbe: {  	[sflag:s0] =	ssyncadd.remote.s32 $0x1  }
0xbf: {  	_ =	sfence.sel $0xFFFF  }
0xc0: {  	[dreg:$0x0] =	wrdreg $0xFFFFFFFF;
	(pc) =	sbr.abs _section_cstart, $3  }
0xc1: {  	[dreg:$0x1] =	wrdreg $0xFFFFFFFF  }
0xc2: {  	_ =	task.clear_ibuf [dreg:s7], $0x2FFFF;
	_ =	strace $0x9FFFFFFF  }
0xc3: {  	(tm) =	ssettm $0x7FFFFFFF  }
tec
execute0_lowered:
.L_overlay_start_1:
0x0: {  	(tag) =	ssettag $0x1  }
0x1: {  	s0 =	rddreg [dreg:$0x0]  }
0x2: {  	s1 =	rddreg [dreg:$0x1];
	s3 =	srdreg.scid  }
0x3: {  	s2 =	rddreg [dreg:$0x2];
	s9 =	stileid.u32  }
0x4: {  	s14 =	simm.s32 $0x7;
	s16 =	simm.s32 $0x10200;
	s17 =	simm.s32 $0x80  }
0x5: {  	s18 =	simm.s32 $0xA200;
	s19 =	simm.s32 $0xC200;
	s21 =	simm.s32 $0xE200  }
0x6: {  	s22 =	simm.s32 $0x1;
	s28 =	simm.s32 $0x6;
	s6 =	smul.u32 $0xA000, s9  }
0x7: {  	s29 =	simm.s32 $0xA080;
	s30 =	simm.s32 $0xA100;
	s8 =	smul.u32 $0xA20, s9  }
0x8: {  	s4 =	sand.u32 $0x1, s3;
	s3 =	simm.s32 $0x0;
	s24 =	smul.u32 $0x28000, s9  }
0x9: {  	s31 =	simm.s32 $0xA180;
	s5 =	smul.u32 $0x13880, s4;
	[smem:$0x7FF] =	sst s3  }
0xa: {  	s7 =	smul.u32 $0xA0000, s4;
	s4 =	ssub.s32 $0x2, s4;
	_ =	strace $0x80000050  }
0xb: {  	s25 =	sadd.s32 s8, s0;
	s26 =	sshrl.u32 s4, $0x1;
	s11 =	sadd.s32 s5, s0  }
0xc: {  	s23 =	sadd.s32 s6, s7;
	s7 =	sshrl.u32 s24, $0x2;
	s13 =	ssub.s32 s4, s26  }
0xd: {  	s4 =	sadd.s32 $0xCE00, s25;
	s6 =	sadd.s32 s6, s2;
	s24 =	simm.s32 $0x3  }
0xe: {  	s25 =	simm.s32 $0x4;
	s26 =	simm.s32 $0x5;
	s5 =	sshrl.u32 s23, $0x3  }
0xf: {  	s10 =	sadd.s32 s7, s2;
	s11 =	sadd.s32 $0x17000, s11;
	s13 =	smax.u32 s13, $0x1  }
0x10: {  	s23 =	simm.s32 $0x2;
	s0 =	sadd.s32 s5, s0;
	s5 =	sadd.s32 s1, s8  }
0x11: {  	s7 =	sadd.s32 $0x2000, s10;
	s8 =	sadd.s32 $0x4000, s10;
	s9 =	sadd.s32 $0x6000, s10  }
0x12: {  	v0 =	vimm.f32 $0.0e+00;
	s10 =	sadd.s32 $0x8000, s10;
	s12 =	sadd.s32 $0x3E200, s0;
	s0 =	simm.s32 $0x0  }
.LBB2_1:
0x13: {  	[tilespmem:s3], [sflag:$0x7] =	stream.linear.gather [hbm4b:s4+s3], $0x5100, $0x38;
	[tilespmem:$0x1C200] =	vst v63  }
0x14: {  	_ =	swait.ge [sflag:s14], $0x5100  }
0x15: {  	[sflag:s14] =	ssyncset.done $0x0  }
0x16: {  	s1 =	simm.s32 $0x5100;
	[sflag:s14] =	ssyncadd.s32 $0xFFFFAF00  }
0x17: {  	[tilespmem:s1], [sflag:$0x7] =	stream.linear.gather [hbm4b:s5+s3], $0x5100, $0x38;
	[tilespmem:$0x1C200] =	vst v63  }
0x18: {  	_ =	swait.ge [sflag:s14], $0x5100  }
0x19: {  	[sflag:s14] =	ssyncset.done $0x0  }
0x1a: {  	s15 =	simm.s32 $0x100;
	s1 =	simm.s32 $0x0;
	[sflag:s14] =	ssyncadd.s32 $0xFFFFAF00  }
.LBB2_2:
0x1b: {  	p0 =	sne.s32 s15, $0x7F00;
	[tilespmem:s1+$0x10230] =	vst v0;
	s20 =	smov.u32 s15;
	s15 =	sadd.s32 $0x100, s15  }
.Ltmp0:
0x1c: {  	[tilespmem:s1+$0x10220] =	vst v0;
	(pc) =	sbr.rel @p0 .LBB2_2-.Ltmp0, $3  }
0x1d: {  	[tilespmem:s1+$0x10200] =	vst v0  }
0x1e: {  	[tilespmem:s1+$0x10210] =	vst v0;
	_ =	sdelay $0x1  }
0x1f: {  	s1 =	sshra.s32 s20, $0x2  }
0x20: {  	[tilespmem:s1+$0x10230] =	vst v0  }
0x21: {  	[tilespmem:s1+$0x10220] =	vst v0  }
0x22: {  	[tilespmem:s1+$0x10200] =	vst v0  }
0x23: {  	[tilespmem:s1+$0x10210] =	vst v0  }
0x24: {  	[spmem:s6] =	stream.linear.scatter [tilespmem:s16], [sflag:$0x7], $0x2000, $0x38;
	[tilespmem:$0x1C200] =	vst v63  }
0x25: {  	_ =	swait.ge [sflag:s14], $0x2000  }
0x26: {  	[sflag:s14] =	ssyncset.done $0x0  }
0x27: {  	[sflag:s14] =	ssyncadd.s32 $0xFFFFE000  }
0x28: {  	[spmem:s7] =	stream.linear.scatter [tilespmem:s16], [sflag:$0x7], $0x2000, $0x38;
	[tilespmem:$0x1C200] =	vst v63  }
0x29: {  	_ =	swait.ge [sflag:s14], $0x2000  }
0x2a: {  	[sflag:s14] =	ssyncset.done $0x0  }
0x2b: {  	[sflag:s14] =	ssyncadd.s32 $0xFFFFE000  }
0x2c: {  	[spmem:s8] =	stream.linear.scatter [tilespmem:s16], [sflag:$0x7], $0x2000, $0x38;
	[tilespmem:$0x1C200] =	vst v63  }
0x2d: {  	_ =	swait.ge [sflag:s14], $0x2000  }
0x2e: {  	[sflag:s14] =	ssyncset.done $0x0  }
0x2f: {  	[sflag:s14] =	ssyncadd.s32 $0xFFFFE000  }
0x30: {  	[spmem:s9] =	stream.linear.scatter [tilespmem:s16], [sflag:$0x7], $0x2000, $0x38;
	[tilespmem:$0x1C200] =	vst v63  }
0x31: {  	_ =	swait.ge [sflag:s14], $0x2000  }
0x32: {  	[sflag:s14] =	ssyncset.done $0x0  }
0x33: {  	[sflag:s14] =	ssyncadd.s32 $0xFFFFE000  }
0x34: {  	[spmem:s10] =	stream.linear.scatter [tilespmem:s16], [sflag:$0x7], $0x2000, $0x38;
	[tilespmem:$0x1C200] =	vst v63  }
0x35: {  	_ =	swait.ge [sflag:s14], $0x2000  }
0x36: {  	[sflag:s14] =	ssyncset.done $0x0  }
0x37: {  	[sflag:s14] =	ssyncadd.s32 $0xFFFFE000  }
0x38: {  	s20 =	simm.s32 $0x0;
	[bflag:$0x0] =	sbarrier.arrive $0xFFFF  }
0x39: {  	[tilespmem:s18], [sflag:$0x1] =	stream.indirect.gather [hbm4b:s11+s17], $0x40, s20, s17, $0xb8;
	[tilespmem:$0x1C200] =	vst v63  }
0x3a: {  	_ = 	snop  }
0x3b: {  	[tilespmem:s19], [sflag:$0x2] =	stream.indirect.gather [hbm4b:s11+s17], $0x40, s17, s17, $0xb8;
	[tilespmem:$0x1C200] =	vst v63  }
0x3c: {  	s15 =	simm.s32 $0x100  }
0x3d: {  	[tilespmem:s21], [sflag:$0x3] =	stream.indirect.gather [hbm4b:s11+s17], $0x40, s15, s17, $0xb8;
	[tilespmem:$0x1C200] =	vst v63  }
0x3e: {  	_ =	swait.ge [sflag:s22], $0x2000  }
0x3f: {  	[sflag:s22] =	ssyncset.done $0x0  }
0x40: {  	s20 =	simm.s32 $0x5100;
	[sflag:s22] =	ssyncadd.s32 $0xFFFFE000  }
0x41: {  	[spmem:s2] =	stream.indirect.scatter.add.f32 [tilespmem:s18], [sflag:$0x4], $0x40, s20, s17, $0xb8;
	[tilespmem:$0x1C200] =	vst v63  }
0x42: {  	_ =	swait.ge [sflag:s23], $0x2000  }
0x43: {  	[sflag:s23] =	ssyncset.done $0x0  }
0x44: {  	s15 =	simm.s32 $0x5180;
	[sflag:s23] =	ssyncadd.s32 $0xFFFFE000  }
0x45: {  	[spmem:s2] =	stream.indirect.scatter.add.f32 [tilespmem:s19], [sflag:$0x5], $0x40, s15, s17, $0xb8;
	[tilespmem:$0x1C200] =	vst v63  }
0x46: {  	_ =	swait.ge [sflag:s24], $0x2000  }
0x47: {  	[sflag:s24] =	ssyncset.done $0x0  }
0x48: {  	s20 =	simm.s32 $0x5200;
	[sflag:s24] =	ssyncadd.s32 $0xFFFFE000  }
0x49: {  	[spmem:s2] =	stream.indirect.scatter.add.f32 [tilespmem:s21], [sflag:$0x6], $0x40, s20, s17, $0xb8;
	[tilespmem:$0x1C200] =	vst v63  }
0x4a: {  	_ =	swait.ge [sflag:s25], $0x2000  }
0x4b: {  	[sflag:s25] =	ssyncset.done $0x0  }
0x4c: {  	s15 =	simm.s32 $0x180;
	[sflag:s25] =	ssyncadd.s32 $0xFFFFE000  }
0x4d: {  	[tilespmem:s18], [sflag:$0x1] =	stream.indirect.gather [hbm4b:s11+s17], $0x40, s15, s17, $0xb8;
	[tilespmem:$0x1C200] =	vst v63  }
0x4e: {  	_ =	swait.ge [sflag:s26], $0x2000  }
0x4f: {  	[sflag:s26] =	ssyncset.done $0x0  }
0x50: {  	s20 =	simm.s32 $0x200;
	[sflag:s26] =	ssyncadd.s32 $0xFFFFE000  }
0x51: {  	[tilespmem:s19], [sflag:$0x2] =	stream.indirect.gather [hbm4b:s11+s17], $0x40, s20, s17, $0xb8;
	[tilespmem:$0x1C200] =	vst v63  }
0x52: {  	_ =	swait.ge [sflag:s28], $0x2000  }
0x53: {  	[sflag:s28] =	ssyncset.done $0x0  }
0x54: {  	s1 =	simm.s32 $0x600;
	s15 =	simm.s32 $0x280;
	[sflag:s28] =	ssyncadd.s32 $0xFFFFE000  }
.LBB2_4:
0x55: {  	[tilespmem:s21], [sflag:$0x3] =	stream.indirect.gather [hbm4b:s11+s17], $0x40, s15, s17, $0xb8;
	[tilespmem:$0x1C200] =	vst v63  }
0x56: {  	s15 =	smov.u32 s1  }
0x57: {  	p0 =	sne.s32 s1, $0x13800;
	s1 =	sadd.s32 $0x600, s1;
	_ =	swait.ge [sflag:s22], $0x2000  }
0x58: {  	s15 =	sshra.s32 s15, $0x2;
	[sflag:s22] =	ssyncset.done $0x0  }
0x59: {  	s20 =	sadd.s32 $0x5100, s15;
	[sflag:s22] =	ssyncadd.s32 $0xFFFFE000  }
0x5a: {  	[spmem:s2] =	stream.indirect.scatter.add.f32 [tilespmem:s18], [sflag:$0x4], $0x40, s20, s17, $0xb8;
	[tilespmem:$0x1C200] =	vst v63  }
0x5b: {  	_ =	swait.ge [sflag:s23], $0x2000  }
0x5c: {  	[sflag:s23] =	ssyncset.done $0x0  }
0x5d: {  	s20 =	sadd.s32 $0x5180, s15;
	[sflag:s23] =	ssyncadd.s32 $0xFFFFE000  }
0x5e: {  	[spmem:s2] =	stream.indirect.scatter.add.f32 [tilespmem:s19], [sflag:$0x5], $0x40, s20, s17, $0xb8;
	[tilespmem:$0x1C200] =	vst v63  }
0x5f: {  	_ =	swait.ge [sflag:s24], $0x2000  }
0x60: {  	[sflag:s24] =	ssyncset.done $0x0  }
0x61: {  	s20 =	sadd.s32 $0x5200, s15;
	[sflag:s24] =	ssyncadd.s32 $0xFFFFE000  }
0x62: {  	[spmem:s2] =	stream.indirect.scatter.add.f32 [tilespmem:s21], [sflag:$0x6], $0x40, s20, s17, $0xb8;
	[tilespmem:$0x1C200] =	vst v63  }
0x63: {  	_ =	swait.ge [sflag:s25], $0x2000  }
0x64: {  	[sflag:s25] =	ssyncset.done $0x0  }
0x65: {  	s20 =	sadd.s32 $0x180, s15;
	[sflag:s25] =	ssyncadd.s32 $0xFFFFE000  }
0x66: {  	[tilespmem:s18], [sflag:$0x1] =	stream.indirect.gather [hbm4b:s11+s17], $0x40, s20, s17, $0xb8;
	[tilespmem:$0x1C200] =	vst v63  }
0x67: {  	_ =	swait.ge [sflag:s26], $0x2000  }
0x68: {  	[sflag:s26] =	ssyncset.done $0x0  }
.Ltmp1:
0x69: {  	s20 =	sadd.s32 $0x200, s15;
	[sflag:s26] =	ssyncadd.s32 $0xFFFFE000;
	(pc) =	sbr.rel @p0 .LBB2_4-.Ltmp1, $4  }
0x6a: {  	[tilespmem:s19], [sflag:$0x2] =	stream.indirect.gather [hbm4b:s11+s17], $0x40, s20, s17, $0xb8;
	[tilespmem:$0x1C200] =	vst v63  }
0x6b: {  	_ =	swait.ge [sflag:s28], $0x2000  }
0x6c: {  	[sflag:s28] =	ssyncset.done $0x0  }
0x6d: {  	s15 =	sadd.s32 $0x280, s15;
	[sflag:s28] =	ssyncadd.s32 $0xFFFFE000  }
0x6e: {  	[tilespmem:s21], [sflag:$0x3] =	stream.indirect.gather [hbm4b:s11+s17], $0x40, s15, s17, $0xb8;
	[tilespmem:$0x1C200] =	vst v63  }
0x6f: {  	_ =	swait.ge [sflag:s22], $0x2000  }
0x70: {  	[sflag:s22] =	ssyncset.done $0x0  }
0x71: {  	[sflag:s22] =	ssyncadd.s32 $0xFFFFE000  }
0x72: {  	[spmem:s2] =	stream.indirect.scatter.add.f32 [tilespmem:s18], [sflag:$0x4], $0x40, s29, s17, $0xb8;
	[tilespmem:$0x1C200] =	vst v63  }
0x73: {  	_ =	swait.ge [sflag:s23], $0x2000  }
0x74: {  	[sflag:s23] =	ssyncset.done $0x0  }
0x75: {  	[sflag:s23] =	ssyncadd.s32 $0xFFFFE000  }
0x76: {  	[spmem:s2] =	stream.indirect.scatter.add.f32 [tilespmem:s19], [sflag:$0x5], $0x40, s30, s17, $0xb8;
	[tilespmem:$0x1C200] =	vst v63  }
0x77: {  	_ =	swait.ge [sflag:s24], $0x2000  }
0x78: {  	[sflag:s24] =	ssyncset.done $0x0  }
0x79: {  	[sflag:s24] =	ssyncadd.s32 $0xFFFFE000  }
0x7a: {  	[spmem:s2] =	stream.indirect.scatter.add.f32 [tilespmem:s21], [sflag:$0x6], $0x40, s31, s17, $0xb8;
	[tilespmem:$0x1C200] =	vst v63  }
0x7b: {  	_ =	swait.ge [sflag:s25], $0x2000  }
0x7c: {  	[sflag:s25] =	ssyncset.done $0x0  }
0x7d: {  	[sflag:s25] =	ssyncadd.s32 $0xFFFFE000  }
0x7e: {  	_ =	swait.ge [sflag:s26], $0x2000  }
0x7f: {  	[sflag:s26] =	ssyncset.done $0x0  }
0x80: {  	[sflag:s26] =	ssyncadd.s32 $0xFFFFE000  }
0x81: {  	s1 =	stileid.u32;
	_ =	swait.ge [sflag:s28], $0x2000  }
0x82: {  	s20 =	sshrl.u32 s6, $0x3;
	s0 =	sadd.s32 $0x1, s0;
	[sflag:s28] =	ssyncset.done $0x0  }
0x83: {  	s1 =	sshll.u32 s1, $0x6;
	p0 =	sne.s32 s0, s13;
	[sflag:s28] =	ssyncadd.s32 $0xFFFFE000  }
.Ltmp2:
0x84: {  	s1 =	sor.u32 $0x1C07, s1;
	[bflag:$0x0] =	sbarrier.arrive $0xFFFF;
	(pc) =	sbr.rel @p0 .LBB2_1-.Ltmp2, $4  }
0x85: {  	[hbm:s12], [sflag:s1] =	dma.local [spmem:s20], $0x1400  }
0x86: {  	_ =	swait.ge [sflag:s14], $0x1400  }
0x87: {  	[sflag:s14] =	ssyncset.done $0x0  }
0x88: {  	[sflag:s14] =	ssyncadd.s32 $0xFFFFEC00  }
0x89: {  	_ =	sfence.sel $0x180000  }
0x8a: {  	[bflag:$0x0] =	sbarrier.arrive $0xFFFF  }
0x8b: {  	_ =	strace $0x90000050  }
0x8c: {  	s0 =	stileid.u32;
	[bflag:$0x2] =	sbarrier.arrive $0xFFFF  }
0x8d: {  	p0 =	sne.s32 s0, $0x0;
	s0 =	rddreg [dreg:$0x3]  }
0x8e: {  	s0 =	sadd.s32 @!p0 $0x100000, s0  }
0x8f: {  	[sflag:s0] =	ssyncadd.tile.s32 @!p0 $0x1;
	_ =	shalt  }
.Lfunc_end2:
_tile_overlayer_lowered:
.L_overlay_start_2:
0x90: {  	(tag) =	ssettag $0x2  }
0x91: {  	s0 =	rddreg [dreg:$0x0];
	s2 =	stileid.u32  }
0x92: {  	s1 =	rddreg [dreg:$0x1];
	p0 =	sne.s32 s2, $0x0  }
0x93: {  	s3 =	rddreg [dreg:$0x2];
	[bflag:$0x3] =	sbarrier.arrive $0xFFFF;
	s2 =	simm.s32 @!p0 $0x1C07  }
0x94: {  	[timem:s3], [sflag:s2] =	dma.local @!p0 [hbm:s0], s1  }
0x95: {  	s0 =	simm.s32 @!p0 $0x7  }
0x96: {  	_ =	swait.ge @!p0 [sflag:s0], s1  }
0x97: {  	s1 =	ssub.s32 @!p0 $0x0, s1;
	[sflag:s0] =	ssyncset.done @!p0 $0x0  }
0x98: {  	[sflag:s0] =	ssyncadd.s32 @!p0 s1  }
0x99: {  	[bflag:$0x3] =	sbarrier.arrive $0xFFFF  }
0x9a: {  	_ =	shalt  }

// kernel: kernel.26.cloned.1.call-start
scs
__scs_entry_jumppad:
0x0: {  	(pc) =	sbr.rel $0x88, $3  }
0x1: {  	(tag) =	ssettag $0x0;
	lr =	simm.s32 $0x1  }
0x2: {  	[smem:$0x3F95] =	sst lr;
	_ =	strace $0xD0000000  }
0x3: {  	_ = 	snop  }
0x4: {  	_ = 	snop  }
0x5: {  	_ = 	snop  }
0x6: {  	_ = 	snop  }
0x7: {  	_ = 	snop  }
__scs_overlays_trampoline_lowered:
0x8: {  	[smem:$0x3FA4] =	sst s0  }
0x9: {  	[smem:$0x3FA5] =	sst s1  }
0xa: {  	[smem:$0x3FA6] =	sst s2  }
0xb: {  	[smem:$0x3FA7] =	sst s3  }
0xc: {  	[smem:$0x3FA8] =	sst s4  }
0xd: {  	[smem:$0x3FA9] =	sst s5  }
0xe: {  	[smem:$0x3FAA] =	sst s6  }
0xf: {  	[smem:$0x3FAB] =	sst s7  }
0x10: {  	[smem:$0x3FAC] =	sst s8  }
0x11: {  	[smem:$0x3FAD] =	sst s9;
	s0 =	simm.s32 @!p0 $0x0  }
0x12: {  	s1 =	sld [smem:$0x3F93];
	s0 =	simm.s32 @p0 $0x1  }
0x13: {  	[smem:$0x3FAE] =	sst s0;
	s0 =	simm.s32 @!p1 $0x0  }
0x14: {  	s2 =	sld [smem:$0x3F92];
	s0 =	simm.s32 @p1 $0x1  }
0x15: {  	[smem:$0x3FAF] =	sst s0;
	s0 =	simm.s32 @!p2 $0x0  }
0x16: {  	s3 =	sld [smem:$0x3FDB];
	s0 =	simm.s32 @p2 $0x1  }
0x17: {  	s4 =	simm.s32 $0x1BF5;
	[smem:$0x3FB1] =	sst s0  }
0x18: {  	s0 =	sld [smem:$0x3F94];
	_ =	swait.ge [sflag:s4], $0x0  }
0x19: {  	s7 =	sld [smem:$0x3F95]  }
0x1a: {  	s8 =	sadd.s32 $0xFFFFE003, lr  }
0x1b: {  	s9 =	sadd.s32 $0xFFFFFEF7, lr;
	s5 =	simm.s32 $0xFFFFFFFF;
	p2 =	slt.u32 s8, $0xFFFFF086  }
0x1c: {  	p1 =	slt.u32 s9, $0xF7A;
	s5 =	simm.s32 @!p2 $0x0  }
0x1d: {  	s5 =	simm.s32 @p1 $0x1;
	p0 =	seq.s32 s7, s2  }
0x1e: {  	s7 =	smul.u32 @!p0 $0xF7A, s2;
	p2 =	seq.s32 @!p0 s5, $0x0  }
0x1f: {  	s9 =	smul.u32 $0xF7A, s1;
	s8 =	simm.s32 @!p0 $0x1BF5;
	p2 =	por !p2, p0  }
0x20: {  	[sflag:s8] =	ssyncset.s32 @!p0 $0xFFFFF086;
	s6 =	sadd.s32 @!p0 s3, s7;
	s7 =	simm.s32 @!p0 $0x108  }
0x21: {  	s3 =	sadd.s32 s3, s9;
	s6 =	sadd.s32 @!p0 $0x88, s6;
	s7 =	simm.s32 @p2 $0x1082  }
0x22: {  	[simem:s7], [sflag:s8] =	dma.local @!p0 [hbm:s6], $0xF7A  }
0x23: {  	s9 =	sor.u32 $0xD0000000, s2;
	s6 =	simm.s32 $0x108;
	_ =	swait.ge @!p0 [sflag:s8], $0x0  }
0x24: {  	s3 =	sadd.s32 $0x88, s3;
	s6 =	simm.s32 @!p1 $0x1082;
	[sflag:s4] =	ssyncset.s32 $0xFFFFF086  }
0x25: {  	[simem:s6], [sflag:s4] =	dma.local [hbm:s3], $0xF7A  }
0x26: {  	[smem:$0x3F95] =	sst s1;
	(tag) =	ssettag s2;
	_ =	strace s9  }
0x27: {  	s1 =	sld [smem:$0x3FA5]  }
0x28: {  	s2 =	sld [smem:$0x3FA6]  }
0x29: {  	s4 =	sld [smem:$0x3FA8]  }
0x2a: {  	p0 =	seq.s32 s5, $0x0;
	s5 =	sld [smem:$0x3FA9]  }
0x2b: {  	s6 =	sld [smem:$0x3FAA]  }
0x2c: {  	s7 =	sld [smem:$0x3FAB]  }
0x2d: {  	s3 =	simm.s32 $0x108;
	s8 =	sld [smem:$0x3FAC]  }
0x2e: {  	s3 =	simm.s32 @!p0 $0x1082;
	s9 =	sld [smem:$0x3FAD]  }
0x2f: {  	lr =	sadd.s32 s0, s3;
	s0 =	sld [smem:$0x3FA4]  }
0x30: {  	s3 =	sld [smem:$0x3FA7]  }
0x31: {  	[smem:$0x3FB0] =	sst s10  }
0x32: {  	s10 =	sld [smem:$0x3FAE];
	_ =	sdelay $0x3  }
0x33: {  	p0 =	seq.s32 s10, $0x1;
	s10 =	sld [smem:$0x3FB0];
	_ =	sdelay $0x3  }
0x34: {  	[smem:$0x3FB0] =	sst s10  }
0x35: {  	s10 =	sld [smem:$0x3FAF];
	_ =	sdelay $0x3  }
0x36: {  	p1 =	seq.s32 s10, $0x1;
	s10 =	sld [smem:$0x3FB0];
	_ =	sdelay $0x3  }
0x37: {  	[smem:$0x3FB0] =	sst s10  }
0x38: {  	s10 =	sld [smem:$0x3FB1]  }
0x39: {  	_ = 	snop;
	(pc) =	sbr.ind lr, $3  }
0x3a: {  	_ = 	snop  }
0x3b: {  	_ = 	snop  }
0x3c: {  	p2 =	seq.s32 s10, $0x1;
	s10 =	sld [smem:$0x3FB0]  }
0x3d: {  	_ =	shalt  }
0x3e: {  	_ =	shalt  }
0x3f: {  	_ =	shalt  }
0x40: {  	_ =	shalt  }
0x41: {  	_ =	shalt  }
0x42: {  	_ =	shalt  }
0x43: {  	_ =	shalt  }
0x44: {  	_ =	shalt  }
0x45: {  	_ =	shalt  }
0x46: {  	_ =	shalt  }
0x47: {  	_ =	shalt  }
0x48: {  	_ =	shalt  }
0x49: {  	_ =	shalt  }
0x4a: {  	_ =	shalt  }
0x4b: {  	_ =	shalt  }
0x4c: {  	_ =	shalt  }
0x4d: {  	_ =	shalt  }
0x4e: {  	_ =	shalt  }
0x4f: {  	_ =	shalt  }
0x50: {  	_ =	shalt  }
0x51: {  	_ =	shalt  }
0x52: {  	_ =	shalt  }
0x53: {  	_ =	shalt  }
0x54: {  	_ =	shalt  }
0x55: {  	_ =	shalt  }
0x56: {  	_ =	shalt  }
0x57: {  	_ =	shalt  }
0x58: {  	_ =	shalt  }
0x59: {  	_ =	shalt  }
0x5a: {  	_ =	shalt  }
0x5b: {  	_ =	shalt  }
0x5c: {  	_ =	shalt  }
0x5d: {  	_ =	shalt  }
0x5e: {  	_ =	shalt  }
0x5f: {  	_ =	shalt  }
0x60: {  	_ =	shalt  }
0x61: {  	_ =	shalt  }
0x62: {  	_ =	shalt  }
0x63: {  	_ =	shalt  }
0x64: {  	_ =	shalt  }
0x65: {  	_ =	shalt  }
0x66: {  	_ =	shalt  }
0x67: {  	_ =	shalt  }
0x68: {  	_ =	shalt  }
0x69: {  	_ =	shalt  }
0x6a: {  	_ =	shalt  }
0x6b: {  	_ =	shalt  }
0x6c: {  	_ =	shalt  }
0x6d: {  	_ =	shalt  }
0x6e: {  	_ =	shalt  }
0x6f: {  	_ =	shalt  }
0x70: {  	_ =	shalt  }
0x71: {  	_ =	shalt  }
0x72: {  	_ =	shalt  }
0x73: {  	_ =	shalt  }
0x74: {  	_ =	shalt  }
0x75: {  	_ =	shalt  }
0x76: {  	_ =	shalt  }
0x77: {  	_ =	shalt  }
0x78: {  	_ =	shalt  }
0x79: {  	_ =	shalt  }
0x7a: {  	_ =	shalt  }
0x7b: {  	_ =	shalt  }
0x7c: {  	_ =	shalt  }
0x7d: {  	_ =	shalt  }
0x7e: {  	_ =	shalt  }
0x7f: {  	_ =	shalt  }
0x80: {  	_ =	shalt  }
0x81: {  	_ =	shalt  }
0x82: {  	_ =	shalt  }
0x83: {  	_ =	shalt  }
0x84: {  	_ =	shalt  }
0x85: {  	_ =	shalt  }
0x86: {  	_ =	shalt  }
0x87: {  	_ =	shalt  }
.Lfunc_end0:
.L_simem_size_0:
called_computation.4_lowered:
.L_overlay_start_0:
0x88: {  	s2 =	sld [smem:$0x3FD9]  }
0x89: {  	s3 =	sld [smem:$0x3FFE];
	_ =	sdelay $0x1  }
0x8a: {  	s1 =	srdreg.scid  }
0x8b: {  	s0 =	sand.u32 $0x1, s1  }
0x8c: {  	s17 =	sshll.u32 s0, $0xA;
	s2 =	sadd.s32 s3, s2  }
0x8d: {  	s2 =	sadd.s32 s2, s17  }
0x8e: {  	[smem:$0x3FBC] =	sst s2  }
0x8f: {  	_ = 	snop  }
0x90: {  	s2 =	sld [smem:$0x3FD0];
	(tm) =	ssettm $0x1  }
0x91: {  	s18 =	sld [smem:$0x3FFB];
	_ =	sdelay $0x3  }
0x92: {  	_ =	strace s18  }
0x93: {  	s3 =	sld [smem:$0x3FFC];
	_ =	sdelay $0x3  }
0x94: {  	_ =	strace s3  }
0x95: {  	s3 =	sld [smem:$0x3FFD];
	_ =	sdelay $0x3  }
0x96: {  	_ =	strace s3  }
0x97: {  	_ =	strace $0x8FFFFFFF  }
0x98: {  	s19 =	sld [smem:$0x3FDB];
	_ =	sdelay $0x1  }
0x99: {  	s4 =	simm.s32 $_scs_section_size  }
0x9a: {  	s5 =	simm.s32 $_size__tile_overlayer_lowered;
	s6 =	simm.s32 $_tile_overlayer_lowered  }
0x9b: {  	s22 =	simm.s32 $0x1BFF;
	s21 =	sshll.u32 s6, $0x1;
	s3 =	sadd.s32 s4, s19  }
0x9c: {  	s7 =	simm.s32 $0x0;
	s20 =	sshll.u32 s5, $0x1;
	s5 =	sadd.s32 s21, s3  }
0x9d: {  	[timem:s7], [sflag:s22] =	dma.local [hbm:s5], s20  }
0x9e: {  	_ =	swait.ge [sflag:s22], s20  }
0x9f: {  	s4 =	ssub.s32 $0x0, s20;
	[sflag:s22] =	ssyncset.done $0x0  }
0xa0: {  	[sflag:s22] =	ssyncadd.s32 s4;
	_ =	sdelay $0x1  }
0xa1: {  	s23 =	simm.s32 $0x1B8B  }
0xa2: {  	_ =	swait.ge [sflag:s23], $0x1  }
0xa3: {  	[sflag:s23] =	ssyncset.done $0x0  }
0xa4: {  	s25 =	simm.s32 $0x1B8E;
	s24 =	sld [smem:$0x3FFE];
	[sflag:s23] =	ssyncadd.s32 $0xFFFFFFFF  }
0xa5: {  	s26 =	simm.s32 $execute0_lowered;
	[smem:$0x3FD2] =	sst s25  }
0xa6: {  	s5 =	sshll.u32 s26, $0x1;
	_ =	strace $0x80000052;
	[dreg:$0x1] =	wrdreg $0xFFFFFFFF  }
0xa7: {  	s28 =	simm.s32 $_size_execute0_lowered;
	s3 =	sadd.s32 s3, s5;
	[dreg:$0x0] =	wrdreg $0x0  }
0xa8: {  	s5 =	sshll.u32 s28, $0x1;
	[dreg:$0x2] =	wrdreg s3  }
0xa9: {  	[dreg:$0x3] =	wrdreg s5  }
0xaa: {  	[dreg:$0x4] =	wrdreg $0xC0  }
0xab: {  	_ =	task [dreg:s7], $0x5FFFF  }
0xac: {  	[dreg:$0x1] =	wrdreg $0xFFFFFFFF  }
0xad: {  	[dreg:$0x0] =	wrdreg $0x60  }
0xae: {  	[dreg:$0x2] =	wrdreg s24  }
0xaf: {  	[dreg:$0x3] =	wrdreg s2  }
0xb0: {  	[dreg:$0x4] =	wrdreg $0x122000  }
0xb1: {  	[dreg:$0x5] =	wrdreg $0x9  }
0xb2: {  	_ =	task.clear_ibuf [dreg:s7], $0x6FFFF;
	_ =	strace $0x90000052  }
0xb3: {  	s29 =	simm.s32 $0x9;
	_ =	strace $0x80000054  }
0xb4: {  	_ =	swait.ge [sflag:s29], $0x1  }
0xb5: {  	[sflag:s29] =	ssyncadd.s32 $0xFFFFFFFF  }
0xb6: {  	_ =	strace $0x90000054  }
0xb7: {  	_ =	sfence  }
0xb8: {  	s30 =	sld [smem:$0x0];
	_ =	sdelay $0x2  }
0xb9: {  	s31 =	sshll.u32 s1, $0xD;
	s1 =	sshrl.u32 s1, $0x2  }
0xba: {  	s3 =	sand.u32 $0x4000, s31;
	s1 =	sadd.s32 s1, s30  }
0xbb: {  	s0 =	sor.u32 s3, s0;
	s1 =	sshll.u32 s1, $0x11  }
0xbc: {  	s0 =	sor.u32 s1, s0  }
0xbd: {  	s0 =	sadd.s32 $0x8F2B, s0  }
0xbe: {  	[sflag:s0] =	ssyncadd.remote.s32 $0x1  }
0xbf: {  	_ =	sfence.sel $0xFFFF  }
0xc0: {  	[dreg:$0x0] =	wrdreg $0xFFFFFFFF;
	(pc) =	sbr.abs _section_cstart, $3  }
0xc1: {  	[dreg:$0x1] =	wrdreg $0xFFFFFFFF  }
0xc2: {  	_ =	task.clear_ibuf [dreg:s7], $0x2FFFF;
	_ =	strace $0x9FFFFFFF  }
0xc3: {  	(tm) =	ssettm $0x7FFFFFFF  }
tec
execute0_lowered:
.L_overlay_start_1:
0x0: {  	(tag) =	ssettag $0x1  }
0x1: {  	s0 =	rddreg [dreg:$0x0]  }
0x2: {  	s1 =	rddreg [dreg:$0x1];
	s3 =	srdreg.scid  }
0x3: {  	s2 =	rddreg [dreg:$0x2];
	s9 =	stileid.u32  }
0x4: {  	s14 =	simm.s32 $0x7;
	s16 =	simm.s32 $0x10200;
	s17 =	simm.s32 $0x80  }
0x5: {  	s18 =	simm.s32 $0xA200;
	s19 =	simm.s32 $0xC200;
	s21 =	simm.s32 $0xE200  }
0x6: {  	s22 =	simm.s32 $0x1;
	s28 =	simm.s32 $0x6;
	s6 =	smul.u32 $0xA000, s9  }
0x7: {  	s29 =	simm.s32 $0xA080;
	s30 =	simm.s32 $0xA100;
	s8 =	smul.u32 $0xA20, s9  }
0x8: {  	s4 =	sand.u32 $0x1, s3;
	s3 =	simm.s32 $0x0;
	s24 =	smul.u32 $0x28000, s9  }
0x9: {  	s31 =	simm.s32 $0xA180;
	s5 =	smul.u32 $0x13880, s4;
	[smem:$0x7FF] =	sst s3  }
0xa: {  	s7 =	smul.u32 $0xA0000, s4;
	s4 =	ssub.s32 $0x2, s4;
	_ =	strace $0x80000053  }
0xb: {  	s25 =	sadd.s32 s8, s0;
	s26 =	sshrl.u32 s4, $0x1;
	s11 =	sadd.s32 s5, s0  }
0xc: {  	s23 =	sadd.s32 s6, s7;
	s7 =	sshrl.u32 s24, $0x2;
	s13 =	ssub.s32 s4, s26  }
0xd: {  	s4 =	sadd.s32 $0xCE00, s25;
	s6 =	sadd.s32 s6, s2;
	s24 =	simm.s32 $0x3  }
0xe: {  	s25 =	simm.s32 $0x4;
	s26 =	simm.s32 $0x5;
	s5 =	sshrl.u32 s23, $0x3  }
0xf: {  	s10 =	sadd.s32 s7, s2;
	s11 =	sadd.s32 $0x17000, s11;
	s13 =	smax.u32 s13, $0x1  }
0x10: {  	s23 =	simm.s32 $0x2;
	s0 =	sadd.s32 s5, s0;
	s5 =	sadd.s32 s1, s8  }
0x11: {  	s7 =	sadd.s32 $0x2000, s10;
	s8 =	sadd.s32 $0x4000, s10;
	s9 =	sadd.s32 $0x6000, s10  }
0x12: {  	v0 =	vimm.f32 $0.0e+00;
	s10 =	sadd.s32 $0x8000, s10;
	s12 =	sadd.s32 $0x3E200, s0;
	s0 =	simm.s32 $0x0  }
.LBB2_1:
0x13: {  	[tilespmem:s3], [sflag:$0x7] =	stream.linear.gather [hbm4b:s4+s3], $0x5100, $0x38;
	[tilespmem:$0x1C200] =	vst v63  }
0x14: {  	_ =	swait.ge [sflag:s14], $0x5100  }
0x15: {  	[sflag:s14] =	ssyncset.done $0x0  }
0x16: {  	s1 =	simm.s32 $0x5100;
	[sflag:s14] =	ssyncadd.s32 $0xFFFFAF00  }
0x17: {  	[tilespmem:s1], [sflag:$0x7] =	stream.linear.gather [hbm4b:s5+s3], $0x5100, $0x38;
	[tilespmem:$0x1C200] =	vst v63  }
0x18: {  	_ =	swait.ge [sflag:s14], $0x5100  }
0x19: {  	[sflag:s14] =	ssyncset.done $0x0  }
0x1a: {  	s15 =	simm.s32 $0x100;
	s1 =	simm.s32 $0x0;
	[sflag:s14] =	ssyncadd.s32 $0xFFFFAF00  }
.LBB2_2:
0x1b: {  	p0 =	sne.s32 s15, $0x7F00;
	[tilespmem:s1+$0x10230] =	vst v0;
	s20 =	smov.u32 s15;
	s15 =	sadd.s32 $0x100, s15  }
.Ltmp0:
0x1c: {  	[tilespmem:s1+$0x10220] =	vst v0;
	(pc) =	sbr.rel @p0 .LBB2_2-.Ltmp0, $3  }
0x1d: {  	[tilespmem:s1+$0x10200] =	vst v0  }
0x1e: {  	[tilespmem:s1+$0x10210] =	vst v0;
	_ =	sdelay $0x1  }
0x1f: {  	s1 =	sshra.s32 s20, $0x2  }
0x20: {  	[tilespmem:s1+$0x10230] =	vst v0  }
0x21: {  	[tilespmem:s1+$0x10220] =	vst v0  }
0x22: {  	[tilespmem:s1+$0x10200] =	vst v0  }
0x23: {  	[tilespmem:s1+$0x10210] =	vst v0  }
0x24: {  	[spmem:s6] =	stream.linear.scatter [tilespmem:s16], [sflag:$0x7], $0x2000, $0x38;
	[tilespmem:$0x1C200] =	vst v63  }
0x25: {  	_ =	swait.ge [sflag:s14], $0x2000  }
0x26: {  	[sflag:s14] =	ssyncset.done $0x0  }
0x27: {  	[sflag:s14] =	ssyncadd.s32 $0xFFFFE000  }
0x28: {  	[spmem:s7] =	stream.linear.scatter [tilespmem:s16], [sflag:$0x7], $0x2000, $0x38;
	[tilespmem:$0x1C200] =	vst v63  }
0x29: {  	_ =	swait.ge [sflag:s14], $0x2000  }
0x2a: {  	[sflag:s14] =	ssyncset.done $0x0  }
0x2b: {  	[sflag:s14] =	ssyncadd.s32 $0xFFFFE000  }
0x2c: {  	[spmem:s8] =	stream.linear.scatter [tilespmem:s16], [sflag:$0x7], $0x2000, $0x38;
	[tilespmem:$0x1C200] =	vst v63  }
0x2d: {  	_ =	swait.ge [sflag:s14], $0x2000  }
0x2e: {  	[sflag:s14] =	ssyncset.done $0x0  }
0x2f: {  	[sflag:s14] =	ssyncadd.s32 $0xFFFFE000  }
0x30: {  	[spmem:s9] =	stream.linear.scatter [tilespmem:s16], [sflag:$0x7], $0x2000, $0x38;
	[tilespmem:$0x1C200] =	vst v63  }
0x31: {  	_ =	swait.ge [sflag:s14], $0x2000  }
0x32: {  	[sflag:s14] =	ssyncset.done $0x0  }
0x33: {  	[sflag:s14] =	ssyncadd.s32 $0xFFFFE000  }
0x34: {  	[spmem:s10] =	stream.linear.scatter [tilespmem:s16], [sflag:$0x7], $0x2000, $0x38;
	[tilespmem:$0x1C200] =	vst v63  }
0x35: {  	_ =	swait.ge [sflag:s14], $0x2000  }
0x36: {  	[sflag:s14] =	ssyncset.done $0x0  }
0x37: {  	[sflag:s14] =	ssyncadd.s32 $0xFFFFE000  }
0x38: {  	s20 =	simm.s32 $0x0;
	[bflag:$0x0] =	sbarrier.arrive $0xFFFF  }
0x39: {  	[tilespmem:s18], [sflag:$0x1] =	stream.indirect.gather [hbm4b:s11+s17], $0x40, s20, s17, $0xb8;
	[tilespmem:$0x1C200] =	vst v63  }
0x3a: {  	_ = 	snop  }
0x3b: {  	[tilespmem:s19], [sflag:$0x2] =	stream.indirect.gather [hbm4b:s11+s17], $0x40, s17, s17, $0xb8;
	[tilespmem:$0x1C200] =	vst v63  }
0x3c: {  	s15 =	simm.s32 $0x100  }
0x3d: {  	[tilespmem:s21], [sflag:$0x3] =	stream.indirect.gather [hbm4b:s11+s17], $0x40, s15, s17, $0xb8;
	[tilespmem:$0x1C200] =	vst v63  }
0x3e: {  	_ =	swait.ge [sflag:s22], $0x2000  }
0x3f: {  	[sflag:s22] =	ssyncset.done $0x0  }
0x40: {  	s20 =	simm.s32 $0x5100;
	[sflag:s22] =	ssyncadd.s32 $0xFFFFE000  }
0x41: {  	[spmem:s2] =	stream.indirect.scatter.add.f32 [tilespmem:s18], [sflag:$0x4], $0x40, s20, s17, $0xb8;
	[tilespmem:$0x1C200] =	vst v63  }
0x42: {  	_ =	swait.ge [sflag:s23], $0x2000  }
0x43: {  	[sflag:s23] =	ssyncset.done $0x0  }
0x44: {  	s15 =	simm.s32 $0x5180;
	[sflag:s23] =	ssyncadd.s32 $0xFFFFE000  }
0x45: {  	[spmem:s2] =	stream.indirect.scatter.add.f32 [tilespmem:s19], [sflag:$0x5], $0x40, s15, s17, $0xb8;
	[tilespmem:$0x1C200] =	vst v63  }
0x46: {  	_ =	swait.ge [sflag:s24], $0x2000  }
0x47: {  	[sflag:s24] =	ssyncset.done $0x0  }
0x48: {  	s20 =	simm.s32 $0x5200;
	[sflag:s24] =	ssyncadd.s32 $0xFFFFE000  }
0x49: {  	[spmem:s2] =	stream.indirect.scatter.add.f32 [tilespmem:s21], [sflag:$0x6], $0x40, s20, s17, $0xb8;
	[tilespmem:$0x1C200] =	vst v63  }
0x4a: {  	_ =	swait.ge [sflag:s25], $0x2000  }
0x4b: {  	[sflag:s25] =	ssyncset.done $0x0  }
0x4c: {  	s15 =	simm.s32 $0x180;
	[sflag:s25] =	ssyncadd.s32 $0xFFFFE000  }
0x4d: {  	[tilespmem:s18], [sflag:$0x1] =	stream.indirect.gather [hbm4b:s11+s17], $0x40, s15, s17, $0xb8;
	[tilespmem:$0x1C200] =	vst v63  }
0x4e: {  	_ =	swait.ge [sflag:s26], $0x2000  }
0x4f: {  	[sflag:s26] =	ssyncset.done $0x0  }
0x50: {  	s20 =	simm.s32 $0x200;
	[sflag:s26] =	ssyncadd.s32 $0xFFFFE000  }
0x51: {  	[tilespmem:s19], [sflag:$0x2] =	stream.indirect.gather [hbm4b:s11+s17], $0x40, s20, s17, $0xb8;
	[tilespmem:$0x1C200] =	vst v63  }
0x52: {  	_ =	swait.ge [sflag:s28], $0x2000  }
0x53: {  	[sflag:s28] =	ssyncset.done $0x0  }
0x54: {  	s1 =	simm.s32 $0x600;
	s15 =	simm.s32 $0x280;
	[sflag:s28] =	ssyncadd.s32 $0xFFFFE000  }
.LBB2_4:
0x55: {  	[tilespmem:s21], [sflag:$0x3] =	stream.indirect.gather [hbm4b:s11+s17], $0x40, s15, s17, $0xb8;
	[tilespmem:$0x1C200] =	vst v63  }
0x56: {  	s15 =	smov.u32 s1  }
0x57: {  	p0 =	sne.s32 s1, $0x13800;
	s1 =	sadd.s32 $0x600, s1;
	_ =	swait.ge [sflag:s22], $0x2000  }
0x58: {  	s15 =	sshra.s32 s15, $0x2;
	[sflag:s22] =	ssyncset.done $0x0  }
0x59: {  	s20 =	sadd.s32 $0x5100, s15;
	[sflag:s22] =	ssyncadd.s32 $0xFFFFE000  }
0x5a: {  	[spmem:s2] =	stream.indirect.scatter.add.f32 [tilespmem:s18], [sflag:$0x4], $0x40, s20, s17, $0xb8;
	[tilespmem:$0x1C200] =	vst v63  }
0x5b: {  	_ =	swait.ge [sflag:s23], $0x2000  }
0x5c: {  	[sflag:s23] =	ssyncset.done $0x0  }
0x5d: {  	s20 =	sadd.s32 $0x5180, s15;
	[sflag:s23] =	ssyncadd.s32 $0xFFFFE000  }
0x5e: {  	[spmem:s2] =	stream.indirect.scatter.add.f32 [tilespmem:s19], [sflag:$0x5], $0x40, s20, s17, $0xb8;
	[tilespmem:$0x1C200] =	vst v63  }
0x5f: {  	_ =	swait.ge [sflag:s24], $0x2000  }
0x60: {  	[sflag:s24] =	ssyncset.done $0x0  }
0x61: {  	s20 =	sadd.s32 $0x5200, s15;
	[sflag:s24] =	ssyncadd.s32 $0xFFFFE000  }
0x62: {  	[spmem:s2] =	stream.indirect.scatter.add.f32 [tilespmem:s21], [sflag:$0x6], $0x40, s20, s17, $0xb8;
	[tilespmem:$0x1C200] =	vst v63  }
0x63: {  	_ =	swait.ge [sflag:s25], $0x2000  }
0x64: {  	[sflag:s25] =	ssyncset.done $0x0  }
0x65: {  	s20 =	sadd.s32 $0x180, s15;
	[sflag:s25] =	ssyncadd.s32 $0xFFFFE000  }
0x66: {  	[tilespmem:s18], [sflag:$0x1] =	stream.indirect.gather [hbm4b:s11+s17], $0x40, s20, s17, $0xb8;
	[tilespmem:$0x1C200] =	vst v63  }
0x67: {  	_ =	swait.ge [sflag:s26], $0x2000  }
0x68: {  	[sflag:s26] =	ssyncset.done $0x0  }
.Ltmp1:
0x69: {  	s20 =	sadd.s32 $0x200, s15;
	[sflag:s26] =	ssyncadd.s32 $0xFFFFE000;
	(pc) =	sbr.rel @p0 .LBB2_4-.Ltmp1, $4  }
0x6a: {  	[tilespmem:s19], [sflag:$0x2] =	stream.indirect.gather [hbm4b:s11+s17], $0x40, s20, s17, $0xb8;
	[tilespmem:$0x1C200] =	vst v63  }
0x6b: {  	_ =	swait.ge [sflag:s28], $0x2000  }
0x6c: {  	[sflag:s28] =	ssyncset.done $0x0  }
0x6d: {  	s15 =	sadd.s32 $0x280, s15;
	[sflag:s28] =	ssyncadd.s32 $0xFFFFE000  }
0x6e: {  	[tilespmem:s21], [sflag:$0x3] =	stream.indirect.gather [hbm4b:s11+s17], $0x40, s15, s17, $0xb8;
	[tilespmem:$0x1C200] =	vst v63  }
0x6f: {  	_ =	swait.ge [sflag:s22], $0x2000  }
0x70: {  	[sflag:s22] =	ssyncset.done $0x0  }
0x71: {  	[sflag:s22] =	ssyncadd.s32 $0xFFFFE000  }
0x72: {  	[spmem:s2] =	stream.indirect.scatter.add.f32 [tilespmem:s18], [sflag:$0x4], $0x40, s29, s17, $0xb8;
	[tilespmem:$0x1C200] =	vst v63  }
0x73: {  	_ =	swait.ge [sflag:s23], $0x2000  }
0x74: {  	[sflag:s23] =	ssyncset.done $0x0  }
0x75: {  	[sflag:s23] =	ssyncadd.s32 $0xFFFFE000  }
0x76: {  	[spmem:s2] =	stream.indirect.scatter.add.f32 [tilespmem:s19], [sflag:$0x5], $0x40, s30, s17, $0xb8;
	[tilespmem:$0x1C200] =	vst v63  }
0x77: {  	_ =	swait.ge [sflag:s24], $0x2000  }
0x78: {  	[sflag:s24] =	ssyncset.done $0x0  }
0x79: {  	[sflag:s24] =	ssyncadd.s32 $0xFFFFE000  }
0x7a: {  	[spmem:s2] =	stream.indirect.scatter.add.f32 [tilespmem:s21], [sflag:$0x6], $0x40, s31, s17, $0xb8;
	[tilespmem:$0x1C200] =	vst v63  }
0x7b: {  	_ =	swait.ge [sflag:s25], $0x2000  }
0x7c: {  	[sflag:s25] =	ssyncset.done $0x0  }
0x7d: {  	[sflag:s25] =	ssyncadd.s32 $0xFFFFE000  }
0x7e: {  	_ =	swait.ge [sflag:s26], $0x2000  }
0x7f: {  	[sflag:s26] =	ssyncset.done $0x0  }
0x80: {  	[sflag:s26] =	ssyncadd.s32 $0xFFFFE000  }
0x81: {  	s1 =	stileid.u32;
	_ =	swait.ge [sflag:s28], $0x2000  }
0x82: {  	s20 =	sshrl.u32 s6, $0x3;
	s0 =	sadd.s32 $0x1, s0;
	[sflag:s28] =	ssyncset.done $0x0  }
0x83: {  	s1 =	sshll.u32 s1, $0x6;
	p0 =	sne.s32 s0, s13;
	[sflag:s28] =	ssyncadd.s32 $0xFFFFE000  }
.Ltmp2:
0x84: {  	s1 =	sor.u32 $0x1C07, s1;
	[bflag:$0x0] =	sbarrier.arrive $0xFFFF;
	(pc) =	sbr.rel @p0 .LBB2_1-.Ltmp2, $4  }
0x85: {  	[hbm:s12], [sflag:s1] =	dma.local [spmem:s20], $0x1400  }
0x86: {  	_ =	swait.ge [sflag:s14], $0x1400  }
0x87: {  	[sflag:s14] =	ssyncset.done $0x0  }
0x88: {  	[sflag:s14] =	ssyncadd.s32 $0xFFFFEC00  }
0x89: {  	_ =	sfence.sel $0x180000  }
0x8a: {  	[bflag:$0x0] =	sbarrier.arrive $0xFFFF  }
0x8b: {  	_ =	strace $0x90000053  }
0x8c: {  	s0 =	stileid.u32;
	[bflag:$0x2] =	sbarrier.arrive $0xFFFF  }
0x8d: {  	p0 =	sne.s32 s0, $0x0;
	s0 =	rddreg [dreg:$0x3]  }
0x8e: {  	s0 =	sadd.s32 @!p0 $0x100000, s0  }
0x8f: {  	[sflag:s0] =	ssyncadd.tile.s32 @!p0 $0x1;
	_ =	shalt  }
.Lfunc_end2:
_tile_overlayer_lowered:
.L_overlay_start_2:
0x90: {  	(tag) =	ssettag $0x2  }
0x91: {  	s0 =	rddreg [dreg:$0x0];
	s2 =	stileid.u32  }
0x92: {  	s1 =	rddreg [dreg:$0x1];
	p0 =	sne.s32 s2, $0x0  }
0x93: {  	s3 =	rddreg [dreg:$0x2];
	[bflag:$0x3] =	sbarrier.arrive $0xFFFF;
	s2 =	simm.s32 @!p0 $0x1C07  }
0x94: {  	[timem:s3], [sflag:s2] =	dma.local @!p0 [hbm:s0], s1  }
0x95: {  	s0 =	simm.s32 @!p0 $0x7  }
0x96: {  	_ =	swait.ge @!p0 [sflag:s0], s1  }
0x97: {  	s1 =	ssub.s32 @!p0 $0x0, s1;
	[sflag:s0] =	ssyncset.done @!p0 $0x0  }
0x98: {  	[sflag:s0] =	ssyncadd.s32 @!p0 s1  }
0x99: {  	[bflag:$0x3] =	sbarrier.arrive $0xFFFF  }
0x9a: {  	_ =	shalt  }

// kernel: kernel.29.cloned.1.call-start
scs
__scs_entry_jumppad:
0x0: {  	(pc) =	sbr.rel $0x88, $3  }
0x1: {  	(tag) =	ssettag $0x0;
	lr =	simm.s32 $0x1  }
0x2: {  	[smem:$0x3F95] =	sst lr;
	_ =	strace $0xD0000000  }
0x3: {  	_ = 	snop  }
0x4: {  	_ = 	snop  }
0x5: {  	_ = 	snop  }
0x6: {  	_ = 	snop  }
0x7: {  	_ = 	snop  }
__scs_overlays_trampoline_lowered:
0x8: {  	[smem:$0x3FA4] =	sst s0  }
0x9: {  	[smem:$0x3FA5] =	sst s1  }
0xa: {  	[smem:$0x3FA6] =	sst s2  }
0xb: {  	[smem:$0x3FA7] =	sst s3  }
0xc: {  	[smem:$0x3FA8] =	sst s4  }
0xd: {  	[smem:$0x3FA9] =	sst s5  }
0xe: {  	[smem:$0x3FAA] =	sst s6  }
0xf: {  	[smem:$0x3FAB] =	sst s7  }
0x10: {  	[smem:$0x3FAC] =	sst s8  }
0x11: {  	[smem:$0x3FAD] =	sst s9;
	s0 =	simm.s32 @!p0 $0x0  }
0x12: {  	s1 =	sld [smem:$0x3F93];
	s0 =	simm.s32 @p0 $0x1  }
0x13: {  	[smem:$0x3FAE] =	sst s0;
	s0 =	simm.s32 @!p1 $0x0  }
0x14: {  	s2 =	sld [smem:$0x3F92];
	s0 =	simm.s32 @p1 $0x1  }
0x15: {  	[smem:$0x3FAF] =	sst s0;
	s0 =	simm.s32 @!p2 $0x0  }
0x16: {  	s3 =	sld [smem:$0x3FDB];
	s0 =	simm.s32 @p2 $0x1  }
0x17: {  	s4 =	simm.s32 $0x1BF5;
	[smem:$0x3FB1] =	sst s0  }
0x18: {  	s0 =	sld [smem:$0x3F94];
	_ =	swait.ge [sflag:s4], $0x0  }
0x19: {  	s7 =	sld [smem:$0x3F95]  }
0x1a: {  	s8 =	sadd.s32 $0xFFFFE003, lr  }
0x1b: {  	s9 =	sadd.s32 $0xFFFFFEF7, lr;
	s5 =	simm.s32 $0xFFFFFFFF;
	p2 =	slt.u32 s8, $0xFFFFF086  }
0x1c: {  	p1 =	slt.u32 s9, $0xF7A;
	s5 =	simm.s32 @!p2 $0x0  }
0x1d: {  	s5 =	simm.s32 @p1 $0x1;
	p0 =	seq.s32 s7, s2  }
0x1e: {  	s7 =	smul.u32 @!p0 $0xF7A, s2;
	p2 =	seq.s32 @!p0 s5, $0x0  }
0x1f: {  	s9 =	smul.u32 $0xF7A, s1;
	s8 =	simm.s32 @!p0 $0x1BF5;
	p2 =	por !p2, p0  }
0x20: {  	[sflag:s8] =	ssyncset.s32 @!p0 $0xFFFFF086;
	s6 =	sadd.s32 @!p0 s3, s7;
	s7 =	simm.s32 @!p0 $0x108  }
0x21: {  	s3 =	sadd.s32 s3, s9;
	s6 =	sadd.s32 @!p0 $0x88, s6;
	s7 =	simm.s32 @p2 $0x1082  }
0x22: {  	[simem:s7], [sflag:s8] =	dma.local @!p0 [hbm:s6], $0xF7A  }
0x23: {  	s9 =	sor.u32 $0xD0000000, s2;
	s6 =	simm.s32 $0x108;
	_ =	swait.ge @!p0 [sflag:s8], $0x0  }
0x24: {  	s3 =	sadd.s32 $0x88, s3;
	s6 =	simm.s32 @!p1 $0x1082;
	[sflag:s4] =	ssyncset.s32 $0xFFFFF086  }
0x25: {  	[simem:s6], [sflag:s4] =	dma.local [hbm:s3], $0xF7A  }
0x26: {  	[smem:$0x3F95] =	sst s1;
	(tag) =	ssettag s2;
	_ =	strace s9  }
0x27: {  	s1 =	sld [smem:$0x3FA5]  }
0x28: {  	s2 =	sld [smem:$0x3FA6]  }
0x29: {  	s4 =	sld [smem:$0x3FA8]  }
0x2a: {  	p0 =	seq.s32 s5, $0x0;
	s5 =	sld [smem:$0x3FA9]  }
0x2b: {  	s6 =	sld [smem:$0x3FAA]  }
0x2c: {  	s7 =	sld [smem:$0x3FAB]  }
0x2d: {  	s3 =	simm.s32 $0x108;
	s8 =	sld [smem:$0x3FAC]  }
0x2e: {  	s3 =	simm.s32 @!p0 $0x1082;
	s9 =	sld [smem:$0x3FAD]  }
0x2f: {  	lr =	sadd.s32 s0, s3;
	s0 =	sld [smem:$0x3FA4]  }
0x30: {  	s3 =	sld [smem:$0x3FA7]  }
0x31: {  	[smem:$0x3FB0] =	sst s10  }
0x32: {  	s10 =	sld [smem:$0x3FAE];
	_ =	sdelay $0x3  }
0x33: {  	p0 =	seq.s32 s10, $0x1;
	s10 =	sld [smem:$0x3FB0];
	_ =	sdelay $0x3  }
0x34: {  	[smem:$0x3FB0] =	sst s10  }
0x35: {  	s10 =	sld [smem:$0x3FAF];
	_ =	sdelay $0x3  }
0x36: {  	p1 =	seq.s32 s10, $0x1;
	s10 =	sld [smem:$0x3FB0];
	_ =	sdelay $0x3  }
0x37: {  	[smem:$0x3FB0] =	sst s10  }
0x38: {  	s10 =	sld [smem:$0x3FB1]  }
0x39: {  	_ = 	snop;
	(pc) =	sbr.ind lr, $3  }
0x3a: {  	_ = 	snop  }
0x3b: {  	_ = 	snop  }
0x3c: {  	p2 =	seq.s32 s10, $0x1;
	s10 =	sld [smem:$0x3FB0]  }
0x3d: {  	_ =	shalt  }
0x3e: {  	_ =	shalt  }
0x3f: {  	_ =	shalt  }
0x40: {  	_ =	shalt  }
0x41: {  	_ =	shalt  }
0x42: {  	_ =	shalt  }
0x43: {  	_ =	shalt  }
0x44: {  	_ =	shalt  }
0x45: {  	_ =	shalt  }
0x46: {  	_ =	shalt  }
0x47: {  	_ =	shalt  }
0x48: {  	_ =	shalt  }
0x49: {  	_ =	shalt  }
0x4a: {  	_ =	shalt  }
0x4b: {  	_ =	shalt  }
0x4c: {  	_ =	shalt  }
0x4d: {  	_ =	shalt  }
0x4e: {  	_ =	shalt  }
0x4f: {  	_ =	shalt  }
0x50: {  	_ =	shalt  }
0x51: {  	_ =	shalt  }
0x52: {  	_ =	shalt  }
0x53: {  	_ =	shalt  }
0x54: {  	_ =	shalt  }
0x55: {  	_ =	shalt  }
0x56: {  	_ =	shalt  }
0x57: {  	_ =	shalt  }
0x58: {  	_ =	shalt  }
0x59: {  	_ =	shalt  }
0x5a: {  	_ =	shalt  }
0x5b: {  	_ =	shalt  }
0x5c: {  	_ =	shalt  }
0x5d: {  	_ =	shalt  }
0x5e: {  	_ =	shalt  }
0x5f: {  	_ =	shalt  }
0x60: {  	_ =	shalt  }
0x61: {  	_ =	shalt  }
0x62: {  	_ =	shalt  }
0x63: {  	_ =	shalt  }
0x64: {  	_ =	shalt  }
0x65: {  	_ =	shalt  }
0x66: {  	_ =	shalt  }
0x67: {  	_ =	shalt  }
0x68: {  	_ =	shalt  }
0x69: {  	_ =	shalt  }
0x6a: {  	_ =	shalt  }
0x6b: {  	_ =	shalt  }
0x6c: {  	_ =	shalt  }
0x6d: {  	_ =	shalt  }
0x6e: {  	_ =	shalt  }
0x6f: {  	_ =	shalt  }
0x70: {  	_ =	shalt  }
0x71: {  	_ =	shalt  }
0x72: {  	_ =	shalt  }
0x73: {  	_ =	shalt  }
0x74: {  	_ =	shalt  }
0x75: {  	_ =	shalt  }
0x76: {  	_ =	shalt  }
0x77: {  	_ =	shalt  }
0x78: {  	_ =	shalt  }
0x79: {  	_ =	shalt  }
0x7a: {  	_ =	shalt  }
0x7b: {  	_ =	shalt  }
0x7c: {  	_ =	shalt  }
0x7d: {  	_ =	shalt  }
0x7e: {  	_ =	shalt  }
0x7f: {  	_ =	shalt  }
0x80: {  	_ =	shalt  }
0x81: {  	_ =	shalt  }
0x82: {  	_ =	shalt  }
0x83: {  	_ =	shalt  }
0x84: {  	_ =	shalt  }
0x85: {  	_ =	shalt  }
0x86: {  	_ =	shalt  }
0x87: {  	_ =	shalt  }
.Lfunc_end0:
.L_simem_size_0:
called_computation.5_lowered:
.L_overlay_start_0:
0x88: {  	s2 =	sld [smem:$0x3FD9]  }
0x89: {  	s3 =	sld [smem:$0x3FFE];
	_ =	sdelay $0x1  }
0x8a: {  	s1 =	srdreg.scid  }
0x8b: {  	s0 =	sand.u32 $0x1, s1  }
0x8c: {  	s17 =	sshll.u32 s0, $0xA;
	s2 =	sadd.s32 s3, s2  }
0x8d: {  	s2 =	sadd.s32 s2, s17  }
0x8e: {  	[smem:$0x3FBC] =	sst s2  }
0x8f: {  	_ = 	snop  }
0x90: {  	s2 =	sld [smem:$0x3FD0];
	(tm) =	ssettm $0x1  }
0x91: {  	s18 =	sld [smem:$0x3FFB];
	_ =	sdelay $0x3  }
0x92: {  	_ =	strace s18  }
0x93: {  	s3 =	sld [smem:$0x3FFC];
	_ =	sdelay $0x3  }
0x94: {  	_ =	strace s3  }
0x95: {  	s3 =	sld [smem:$0x3FFD];
	_ =	sdelay $0x3  }
0x96: {  	_ =	strace s3  }
0x97: {  	_ =	strace $0x8FFFFFFF  }
0x98: {  	s19 =	sld [smem:$0x3FDB];
	_ =	sdelay $0x1  }
0x99: {  	s4 =	simm.s32 $_scs_section_size  }
0x9a: {  	s5 =	simm.s32 $_size__tile_overlayer_lowered;
	s6 =	simm.s32 $_tile_overlayer_lowered  }
0x9b: {  	s22 =	simm.s32 $0x1BFF;
	s21 =	sshll.u32 s6, $0x1;
	s3 =	sadd.s32 s4, s19  }
0x9c: {  	s7 =	simm.s32 $0x0;
	s20 =	sshll.u32 s5, $0x1;
	s5 =	sadd.s32 s21, s3  }
0x9d: {  	[timem:s7], [sflag:s22] =	dma.local [hbm:s5], s20  }
0x9e: {  	_ =	swait.ge [sflag:s22], s20  }
0x9f: {  	s4 =	ssub.s32 $0x0, s20;
	[sflag:s22] =	ssyncset.done $0x0  }
0xa0: {  	[sflag:s22] =	ssyncadd.s32 s4;
	_ =	sdelay $0x1  }
0xa1: {  	s23 =	simm.s32 $0x1B8B  }
0xa2: {  	_ =	swait.ge [sflag:s23], $0x1  }
0xa3: {  	[sflag:s23] =	ssyncset.done $0x0  }
0xa4: {  	s25 =	simm.s32 $0x1B8E;
	s24 =	sld [smem:$0x3FFE];
	[sflag:s23] =	ssyncadd.s32 $0xFFFFFFFF  }
0xa5: {  	s26 =	simm.s32 $execute0_lowered;
	[smem:$0x3FD2] =	sst s25  }
0xa6: {  	s5 =	sshll.u32 s26, $0x1;
	_ =	strace $0x80000055;
	[dreg:$0x1] =	wrdreg $0xFFFFFFFF  }
0xa7: {  	s28 =	simm.s32 $_size_execute0_lowered;
	s3 =	sadd.s32 s3, s5;
	[dreg:$0x0] =	wrdreg $0x0  }
0xa8: {  	s5 =	sshll.u32 s28, $0x1;
	[dreg:$0x2] =	wrdreg s3  }
0xa9: {  	[dreg:$0x3] =	wrdreg s5  }
0xaa: {  	[dreg:$0x4] =	wrdreg $0xC0  }
0xab: {  	_ =	task [dreg:s7], $0x5FFFF  }
0xac: {  	[dreg:$0x1] =	wrdreg $0xFFFFFFFF  }
0xad: {  	[dreg:$0x0] =	wrdreg $0x60  }
0xae: {  	[dreg:$0x2] =	wrdreg s24  }
0xaf: {  	[dreg:$0x3] =	wrdreg s2  }
0xb0: {  	[dreg:$0x4] =	wrdreg $0x122000  }
0xb1: {  	[dreg:$0x5] =	wrdreg $0x9  }
0xb2: {  	_ =	task.clear_ibuf [dreg:s7], $0x6FFFF;
	_ =	strace $0x90000055  }
0xb3: {  	s29 =	simm.s32 $0x9;
	_ =	strace $0x80000057  }
0xb4: {  	_ =	swait.ge [sflag:s29], $0x1  }
0xb5: {  	[sflag:s29] =	ssyncadd.s32 $0xFFFFFFFF  }
0xb6: {  	_ =	strace $0x90000057  }
0xb7: {  	_ =	sfence  }
0xb8: {  	s30 =	sld [smem:$0x0];
	_ =	sdelay $0x2  }
0xb9: {  	s31 =	sshll.u32 s1, $0xD;
	s1 =	sshrl.u32 s1, $0x2  }
0xba: {  	s3 =	sand.u32 $0x4000, s31;
	s1 =	sadd.s32 s1, s30  }
0xbb: {  	s0 =	sor.u32 s3, s0;
	s1 =	sshll.u32 s1, $0x11  }
0xbc: {  	s0 =	sor.u32 s1, s0  }
0xbd: {  	s0 =	sadd.s32 $0x8F2B, s0  }
0xbe: {  	[sflag:s0] =	ssyncadd.remote.s32 $0x1  }
0xbf: {  	_ =	sfence.sel $0xFFFF  }
0xc0: {  	[dreg:$0x0] =	wrdreg $0xFFFFFFFF;
	(pc) =	sbr.abs _section_cstart, $3  }
0xc1: {  	[dreg:$0x1] =	wrdreg $0xFFFFFFFF  }
0xc2: {  	_ =	task.clear_ibuf [dreg:s7], $0x2FFFF;
	_ =	strace $0x9FFFFFFF  }
0xc3: {  	(tm) =	ssettm $0x7FFFFFFF  }
tec
execute0_lowered:
.L_overlay_start_1:
0x0: {  	(tag) =	ssettag $0x1  }
0x1: {  	s0 =	rddreg [dreg:$0x0]  }
0x2: {  	s1 =	rddreg [dreg:$0x1];
	s3 =	srdreg.scid  }
0x3: {  	s2 =	rddreg [dreg:$0x2];
	s9 =	stileid.u32  }
0x4: {  	s14 =	simm.s32 $0x7;
	s16 =	simm.s32 $0x10200;
	s17 =	simm.s32 $0x80  }
0x5: {  	s18 =	simm.s32 $0xA200;
	s19 =	simm.s32 $0xC200;
	s21 =	simm.s32 $0xE200  }
0x6: {  	s22 =	simm.s32 $0x1;
	s28 =	simm.s32 $0x6;
	s6 =	smul.u32 $0xA000, s9  }
0x7: {  	s29 =	simm.s32 $0xA080;
	s30 =	simm.s32 $0xA100;
	s8 =	smul.u32 $0xA20, s9  }
0x8: {  	s4 =	sand.u32 $0x1, s3;
	s3 =	simm.s32 $0x0;
	s24 =	smul.u32 $0x28000, s9  }
0x9: {  	s31 =	simm.s32 $0xA180;
	s5 =	smul.u32 $0x13880, s4;
	[smem:$0x7FF] =	sst s3  }
0xa: {  	s7 =	smul.u32 $0xA0000, s4;
	s4 =	ssub.s32 $0x2, s4;
	_ =	strace $0x80000056  }
0xb: {  	s25 =	sadd.s32 s8, s0;
	s26 =	sshrl.u32 s4, $0x1;
	s11 =	sadd.s32 s5, s0  }
0xc: {  	s23 =	sadd.s32 s6, s7;
	s7 =	sshrl.u32 s24, $0x2;
	s13 =	ssub.s32 s4, s26  }
0xd: {  	s4 =	sadd.s32 $0xCE00, s25;
	s6 =	sadd.s32 s6, s2;
	s24 =	simm.s32 $0x3  }
0xe: {  	s25 =	simm.s32 $0x4;
	s26 =	simm.s32 $0x5;
	s5 =	sshrl.u32 s23, $0x3  }
0xf: {  	s10 =	sadd.s32 s7, s2;
	s11 =	sadd.s32 $0x17000, s11;
	s13 =	smax.u32 s13, $0x1  }
0x10: {  	s23 =	simm.s32 $0x2;
	s0 =	sadd.s32 s5, s0;
	s5 =	sadd.s32 s1, s8  }
0x11: {  	s7 =	sadd.s32 $0x2000, s10;
	s8 =	sadd.s32 $0x4000, s10;
	s9 =	sadd.s32 $0x6000, s10  }
0x12: {  	v0 =	vimm.f32 $0.0e+00;
	s10 =	sadd.s32 $0x8000, s10;
	s12 =	sadd.s32 $0x3E200, s0;
	s0 =	simm.s32 $0x0  }
.LBB2_1:
0x13: {  	[tilespmem:s3], [sflag:$0x7] =	stream.linear.gather [hbm4b:s4+s3], $0x5100, $0x38;
	[tilespmem:$0x1C200] =	vst v63  }
0x14: {  	_ =	swait.ge [sflag:s14], $0x5100  }
0x15: {  	[sflag:s14] =	ssyncset.done $0x0  }
0x16: {  	s1 =	simm.s32 $0x5100;
	[sflag:s14] =	ssyncadd.s32 $0xFFFFAF00  }
0x17: {  	[tilespmem:s1], [sflag:$0x7] =	stream.linear.gather [hbm4b:s5+s3], $0x5100, $0x38;
	[tilespmem:$0x1C200] =	vst v63  }
0x18: {  	_ =	swait.ge [sflag:s14], $0x5100  }
0x19: {  	[sflag:s14] =	ssyncset.done $0x0  }
0x1a: {  	s15 =	simm.s32 $0x100;
	s1 =	simm.s32 $0x0;
	[sflag:s14] =	ssyncadd.s32 $0xFFFFAF00  }
.LBB2_2:
0x1b: {  	p0 =	sne.s32 s15, $0x7F00;
	[tilespmem:s1+$0x10230] =	vst v0;
	s20 =	smov.u32 s15;
	s15 =	sadd.s32 $0x100, s15  }
.Ltmp0:
0x1c: {  	[tilespmem:s1+$0x10220] =	vst v0;
	(pc) =	sbr.rel @p0 .LBB2_2-.Ltmp0, $3  }
0x1d: {  	[tilespmem:s1+$0x10200] =	vst v0  }
0x1e: {  	[tilespmem:s1+$0x10210] =	vst v0;
	_ =	sdelay $0x1  }
0x1f: {  	s1 =	sshra.s32 s20, $0x2  }
0x20: {  	[tilespmem:s1+$0x10230] =	vst v0  }
0x21: {  	[tilespmem:s1+$0x10220] =	vst v0  }
0x22: {  	[tilespmem:s1+$0x10200] =	vst v0  }
0x23: {  	[tilespmem:s1+$0x10210] =	vst v0  }
0x24: {  	[spmem:s6] =	stream.linear.scatter [tilespmem:s16], [sflag:$0x7], $0x2000, $0x38;
	[tilespmem:$0x1C200] =	vst v63  }
0x25: {  	_ =	swait.ge [sflag:s14], $0x2000  }
0x26: {  	[sflag:s14] =	ssyncset.done $0x0  }
0x27: {  	[sflag:s14] =	ssyncadd.s32 $0xFFFFE000  }
0x28: {  	[spmem:s7] =	stream.linear.scatter [tilespmem:s16], [sflag:$0x7], $0x2000, $0x38;
	[tilespmem:$0x1C200] =	vst v63  }
0x29: {  	_ =	swait.ge [sflag:s14], $0x2000  }
0x2a: {  	[sflag:s14] =	ssyncset.done $0x0  }
0x2b: {  	[sflag:s14] =	ssyncadd.s32 $0xFFFFE000  }
0x2c: {  	[spmem:s8] =	stream.linear.scatter [tilespmem:s16], [sflag:$0x7], $0x2000, $0x38;
	[tilespmem:$0x1C200] =	vst v63  }
0x2d: {  	_ =	swait.ge [sflag:s14], $0x2000  }
0x2e: {  	[sflag:s14] =	ssyncset.done $0x0  }
0x2f: {  	[sflag:s14] =	ssyncadd.s32 $0xFFFFE000  }
0x30: {  	[spmem:s9] =	stream.linear.scatter [tilespmem:s16], [sflag:$0x7], $0x2000, $0x38;
	[tilespmem:$0x1C200] =	vst v63  }
0x31: {  	_ =	swait.ge [sflag:s14], $0x2000  }
0x32: {  	[sflag:s14] =	ssyncset.done $0x0  }
0x33: {  	[sflag:s14] =	ssyncadd.s32 $0xFFFFE000  }
0x34: {  	[spmem:s10] =	stream.linear.scatter [tilespmem:s16], [sflag:$0x7], $0x2000, $0x38;
	[tilespmem:$0x1C200] =	vst v63  }
0x35: {  	_ =	swait.ge [sflag:s14], $0x2000  }
0x36: {  	[sflag:s14] =	ssyncset.done $0x0  }
0x37: {  	[sflag:s14] =	ssyncadd.s32 $0xFFFFE000  }
0x38: {  	s20 =	simm.s32 $0x0;
	[bflag:$0x0] =	sbarrier.arrive $0xFFFF  }
0x39: {  	[tilespmem:s18], [sflag:$0x1] =	stream.indirect.gather [hbm4b:s11+s17], $0x40, s20, s17, $0xb8;
	[tilespmem:$0x1C200] =	vst v63  }
0x3a: {  	_ = 	snop  }
0x3b: {  	[tilespmem:s19], [sflag:$0x2] =	stream.indirect.gather [hbm4b:s11+s17], $0x40, s17, s17, $0xb8;
	[tilespmem:$0x1C200] =	vst v63  }
0x3c: {  	s15 =	simm.s32 $0x100  }
0x3d: {  	[tilespmem:s21], [sflag:$0x3] =	stream.indirect.gather [hbm4b:s11+s17], $0x40, s15, s17, $0xb8;
	[tilespmem:$0x1C200] =	vst v63  }
0x3e: {  	_ =	swait.ge [sflag:s22], $0x2000  }
0x3f: {  	[sflag:s22] =	ssyncset.done $0x0  }
0x40: {  	s20 =	simm.s32 $0x5100;
	[sflag:s22] =	ssyncadd.s32 $0xFFFFE000  }
0x41: {  	[spmem:s2] =	stream.indirect.scatter.add.f32 [tilespmem:s18], [sflag:$0x4], $0x40, s20, s17, $0xb8;
	[tilespmem:$0x1C200] =	vst v63  }
0x42: {  	_ =	swait.ge [sflag:s23], $0x2000  }
0x43: {  	[sflag:s23] =	ssyncset.done $0x0  }
0x44: {  	s15 =	simm.s32 $0x5180;
	[sflag:s23] =	ssyncadd.s32 $0xFFFFE000  }
0x45: {  	[spmem:s2] =	stream.indirect.scatter.add.f32 [tilespmem:s19], [sflag:$0x5], $0x40, s15, s17, $0xb8;
	[tilespmem:$0x1C200] =	vst v63  }
0x46: {  	_ =	swait.ge [sflag:s24], $0x2000  }
0x47: {  	[sflag:s24] =	ssyncset.done $0x0  }
0x48: {  	s20 =	simm.s32 $0x5200;
	[sflag:s24] =	ssyncadd.s32 $0xFFFFE000  }
0x49: {  	[spmem:s2] =	stream.indirect.scatter.add.f32 [tilespmem:s21], [sflag:$0x6], $0x40, s20, s17, $0xb8;
	[tilespmem:$0x1C200] =	vst v63  }
0x4a: {  	_ =	swait.ge [sflag:s25], $0x2000  }
0x4b: {  	[sflag:s25] =	ssyncset.done $0x0  }
0x4c: {  	s15 =	simm.s32 $0x180;
	[sflag:s25] =	ssyncadd.s32 $0xFFFFE000  }
0x4d: {  	[tilespmem:s18], [sflag:$0x1] =	stream.indirect.gather [hbm4b:s11+s17], $0x40, s15, s17, $0xb8;
	[tilespmem:$0x1C200] =	vst v63  }
0x4e: {  	_ =	swait.ge [sflag:s26], $0x2000  }
0x4f: {  	[sflag:s26] =	ssyncset.done $0x0  }
0x50: {  	s20 =	simm.s32 $0x200;
	[sflag:s26] =	ssyncadd.s32 $0xFFFFE000  }
0x51: {  	[tilespmem:s19], [sflag:$0x2] =	stream.indirect.gather [hbm4b:s11+s17], $0x40, s20, s17, $0xb8;
	[tilespmem:$0x1C200] =	vst v63  }
0x52: {  	_ =	swait.ge [sflag:s28], $0x2000  }
0x53: {  	[sflag:s28] =	ssyncset.done $0x0  }
0x54: {  	s1 =	simm.s32 $0x600;
	s15 =	simm.s32 $0x280;
	[sflag:s28] =	ssyncadd.s32 $0xFFFFE000  }
.LBB2_4:
0x55: {  	[tilespmem:s21], [sflag:$0x3] =	stream.indirect.gather [hbm4b:s11+s17], $0x40, s15, s17, $0xb8;
	[tilespmem:$0x1C200] =	vst v63  }
0x56: {  	s15 =	smov.u32 s1  }
0x57: {  	p0 =	sne.s32 s1, $0x13800;
	s1 =	sadd.s32 $0x600, s1;
	_ =	swait.ge [sflag:s22], $0x2000  }
0x58: {  	s15 =	sshra.s32 s15, $0x2;
	[sflag:s22] =	ssyncset.done $0x0  }
0x59: {  	s20 =	sadd.s32 $0x5100, s15;
	[sflag:s22] =	ssyncadd.s32 $0xFFFFE000  }
0x5a: {  	[spmem:s2] =	stream.indirect.scatter.add.f32 [tilespmem:s18], [sflag:$0x4], $0x40, s20, s17, $0xb8;
	[tilespmem:$0x1C200] =	vst v63  }
0x5b: {  	_ =	swait.ge [sflag:s23], $0x2000  }
0x5c: {  	[sflag:s23] =	ssyncset.done $0x0  }
0x5d: {  	s20 =	sadd.s32 $0x5180, s15;
	[sflag:s23] =	ssyncadd.s32 $0xFFFFE000  }
0x5e: {  	[spmem:s2] =	stream.indirect.scatter.add.f32 [tilespmem:s19], [sflag:$0x5], $0x40, s20, s17, $0xb8;
	[tilespmem:$0x1C200] =	vst v63  }
0x5f: {  	_ =	swait.ge [sflag:s24], $0x2000  }
0x60: {  	[sflag:s24] =	ssyncset.done $0x0  }
0x61: {  	s20 =	sadd.s32 $0x5200, s15;
	[sflag:s24] =	ssyncadd.s32 $0xFFFFE000  }
0x62: {  	[spmem:s2] =	stream.indirect.scatter.add.f32 [tilespmem:s21], [sflag:$0x6], $0x40, s20, s17, $0xb8;
	[tilespmem:$0x1C200] =	vst v63  }
0x63: {  	_ =	swait.ge [sflag:s25], $0x2000  }
0x64: {  	[sflag:s25] =	ssyncset.done $0x0  }
0x65: {  	s20 =	sadd.s32 $0x180, s15;
	[sflag:s25] =	ssyncadd.s32 $0xFFFFE000  }
0x66: {  	[tilespmem:s18], [sflag:$0x1] =	stream.indirect.gather [hbm4b:s11+s17], $0x40, s20, s17, $0xb8;
	[tilespmem:$0x1C200] =	vst v63  }
0x67: {  	_ =	swait.ge [sflag:s26], $0x2000  }
0x68: {  	[sflag:s26] =	ssyncset.done $0x0  }
.Ltmp1:
0x69: {  	s20 =	sadd.s32 $0x200, s15;
	[sflag:s26] =	ssyncadd.s32 $0xFFFFE000;
	(pc) =	sbr.rel @p0 .LBB2_4-.Ltmp1, $4  }
0x6a: {  	[tilespmem:s19], [sflag:$0x2] =	stream.indirect.gather [hbm4b:s11+s17], $0x40, s20, s17, $0xb8;
	[tilespmem:$0x1C200] =	vst v63  }
0x6b: {  	_ =	swait.ge [sflag:s28], $0x2000  }
0x6c: {  	[sflag:s28] =	ssyncset.done $0x0  }
0x6d: {  	s15 =	sadd.s32 $0x280, s15;
	[sflag:s28] =	ssyncadd.s32 $0xFFFFE000  }
0x6e: {  	[tilespmem:s21], [sflag:$0x3] =	stream.indirect.gather [hbm4b:s11+s17], $0x40, s15, s17, $0xb8;
	[tilespmem:$0x1C200] =	vst v63  }
0x6f: {  	_ =	swait.ge [sflag:s22], $0x2000  }
0x70: {  	[sflag:s22] =	ssyncset.done $0x0  }
0x71: {  	[sflag:s22] =	ssyncadd.s32 $0xFFFFE000  }
0x72: {  	[spmem:s2] =	stream.indirect.scatter.add.f32 [tilespmem:s18], [sflag:$0x4], $0x40, s29, s17, $0xb8;
	[tilespmem:$0x1C200] =	vst v63  }
0x73: {  	_ =	swait.ge [sflag:s23], $0x2000  }
0x74: {  	[sflag:s23] =	ssyncset.done $0x0  }
0x75: {  	[sflag:s23] =	ssyncadd.s32 $0xFFFFE000  }
0x76: {  	[spmem:s2] =	stream.indirect.scatter.add.f32 [tilespmem:s19], [sflag:$0x5], $0x40, s30, s17, $0xb8;
	[tilespmem:$0x1C200] =	vst v63  }
0x77: {  	_ =	swait.ge [sflag:s24], $0x2000  }
0x78: {  	[sflag:s24] =	ssyncset.done $0x0  }
0x79: {  	[sflag:s24] =	ssyncadd.s32 $0xFFFFE000  }
0x7a: {  	[spmem:s2] =	stream.indirect.scatter.add.f32 [tilespmem:s21], [sflag:$0x6], $0x40, s31, s17, $0xb8;
	[tilespmem:$0x1C200] =	vst v63  }
0x7b: {  	_ =	swait.ge [sflag:s25], $0x2000  }
0x7c: {  	[sflag:s25] =	ssyncset.done $0x0  }
0x7d: {  	[sflag:s25] =	ssyncadd.s32 $0xFFFFE000  }
0x7e: {  	_ =	swait.ge [sflag:s26], $0x2000  }
0x7f: {  	[sflag:s26] =	ssyncset.done $0x0  }
0x80: {  	[sflag:s26] =	ssyncadd.s32 $0xFFFFE000  }
0x81: {  	s1 =	stileid.u32;
	_ =	swait.ge [sflag:s28], $0x2000  }
0x82: {  	s20 =	sshrl.u32 s6, $0x3;
	s0 =	sadd.s32 $0x1, s0;
	[sflag:s28] =	ssyncset.done $0x0  }
0x83: {  	s1 =	sshll.u32 s1, $0x6;
	p0 =	sne.s32 s0, s13;
	[sflag:s28] =	ssyncadd.s32 $0xFFFFE000  }
.Ltmp2:
0x84: {  	s1 =	sor.u32 $0x1C07, s1;
	[bflag:$0x0] =	sbarrier.arrive $0xFFFF;
	(pc) =	sbr.rel @p0 .LBB2_1-.Ltmp2, $4  }
0x85: {  	[hbm:s12], [sflag:s1] =	dma.local [spmem:s20], $0x1400  }
0x86: {  	_ =	swait.ge [sflag:s14], $0x1400  }
0x87: {  	[sflag:s14] =	ssyncset.done $0x0  }
0x88: {  	[sflag:s14] =	ssyncadd.s32 $0xFFFFEC00  }
0x89: {  	_ =	sfence.sel $0x180000  }
0x8a: {  	[bflag:$0x0] =	sbarrier.arrive $0xFFFF  }
0x8b: {  	_ =	strace $0x90000056  }
0x8c: {  	s0 =	stileid.u32;
	[bflag:$0x2] =	sbarrier.arrive $0xFFFF  }
0x8d: {  	p0 =	sne.s32 s0, $0x0;
	s0 =	rddreg [dreg:$0x3]  }
0x8e: {  	s0 =	sadd.s32 @!p0 $0x100000, s0  }
0x8f: {  	[sflag:s0] =	ssyncadd.tile.s32 @!p0 $0x1;
	_ =	shalt  }
.Lfunc_end2:
_tile_overlayer_lowered:
.L_overlay_start_2:
0x90: {  	(tag) =	ssettag $0x2  }
0x91: {  	s0 =	rddreg [dreg:$0x0];
	s2 =	stileid.u32  }
0x92: {  	s1 =	rddreg [dreg:$0x1];
	p0 =	sne.s32 s2, $0x0  }
0x93: {  	s3 =	rddreg [dreg:$0x2];
	[bflag:$0x3] =	sbarrier.arrive $0xFFFF;
	s2 =	simm.s32 @!p0 $0x1C07  }
0x94: {  	[timem:s3], [sflag:s2] =	dma.local @!p0 [hbm:s0], s1  }
0x95: {  	s0 =	simm.s32 @!p0 $0x7  }
0x96: {  	_ =	swait.ge @!p0 [sflag:s0], s1  }
0x97: {  	s1 =	ssub.s32 @!p0 $0x0, s1;
	[sflag:s0] =	ssyncset.done @!p0 $0x0  }
0x98: {  	[sflag:s0] =	ssyncadd.s32 @!p0 s1  }
0x99: {  	[bflag:$0x3] =	sbarrier.arrive $0xFFFF  }
0x9a: {  	_ =	shalt  }

</sc_bundles>
